<compile_context>
chip_gen: v7x
topology: tpu7x:2x2x1
jax: 0.10.2.dev20260603
libtpu: 0.0.44.dev20260713+nightly
codegen_flags: <defaults>
</compile_context>

<pallas_src>
import functools

import jax
import jax.numpy as jnp
from jax import lax
from jax.experimental import pallas as pl
from jax.experimental.pallas import tpu as pltpu
from jax.experimental.pallas import tpu_sc as plsc

N = 10000
E = 160000
F32 = jnp.float32

BN = 2000
EB = 2000
GB = 200
EPW = E // 32
HN = N // 2
RW = 256
PW = 384
SB = 200



def _prep_body(x2_ref, zf_ref, stp_ref, ttp_ref, w1se_ref, w1te_ref,
               srec_ref, drec_ref):
    z = zf_ref[...]
    io = lax.broadcasted_iota(jnp.int32, (BN, 96), 1).astype(F32)
    oh = (io == z).astype(F32)
    seh = (oh @ stp_ref[...]) @ w1se_ref[...]
    teh = (oh @ ttp_ref[...]) @ w1te_ref[...]
    xb = x2_ref[...]
    pad = jnp.zeros((BN, RW - 208), F32)
    srec_ref[...] = jnp.concatenate([xb, seh, pad], axis=1)
    drec_ref[...] = jnp.concatenate([xb, teh, pad], axis=1)


def _prep(x2, zf, stp, ttp, w1se, w1te):
    return pl.pallas_call(
        _prep_body,
        grid=(N // BN,),
        in_specs=[
            pl.BlockSpec((BN, 144), lambda i: (i, 0)),
            pl.BlockSpec((BN, 1), lambda i: (i, 0)),
            pl.BlockSpec((96, 64), lambda i: (0, 0)),
            pl.BlockSpec((96, 64), lambda i: (0, 0)),
            pl.BlockSpec((64, 64), lambda i: (0, 0)),
            pl.BlockSpec((64, 64), lambda i: (0, 0)),
        ],
        out_specs=[pl.BlockSpec((BN, RW), lambda i: (i, 0))] * 2,
        out_shape=[jax.ShapeDtypeStruct((N, RW), F32)] * 2,
    )(x2, zf, stp, ttp, w1se, w1te)



def _sc_gather_body(srec, drec, src_i, dst_i, sg, dg,
                    sidx, didx, sbuf, dbuf, gsem, wsem1, wsem2):
    wid = lax.axis_index("s") * 2 + lax.axis_index("c")
    base0 = wid * EPW

    pltpu.sync_copy(src_i.at[pl.ds(base0, GB)], sidx)
    pltpu.sync_copy(dst_i.at[pl.ds(base0, GB)], didx)
    pltpu.async_copy(srec.at[sidx], sbuf, gsem).wait()
    pltpu.async_copy(drec.at[didx], dbuf, gsem).wait()
    pltpu.async_copy(sbuf, sg.at[pl.ds(base0, GB)], wsem1)
    pltpu.async_copy(dbuf, dg.at[pl.ds(base0, GB)], wsem2)

    def body(i, carry):
        base = base0 + (i + 1) * GB
        pltpu.make_async_copy(sbuf, sg.at[pl.ds(base, GB)], wsem1).wait()
        pltpu.sync_copy(src_i.at[pl.ds(base, GB)], sidx)
        pltpu.async_copy(srec.at[sidx], sbuf, gsem).wait()
        pltpu.async_copy(sbuf, sg.at[pl.ds(base, GB)], wsem1)
        pltpu.make_async_copy(dbuf, dg.at[pl.ds(base, GB)], wsem2).wait()
        pltpu.sync_copy(dst_i.at[pl.ds(base, GB)], didx)
        pltpu.async_copy(drec.at[didx], dbuf, gsem).wait()
        pltpu.async_copy(dbuf, dg.at[pl.ds(base, GB)], wsem2)
        return carry

    lax.fori_loop(0, EPW // GB - 1, body, 0)
    pltpu.make_async_copy(sbuf, sg.at[pl.ds(base0, GB)], wsem1).wait()
    pltpu.make_async_copy(dbuf, dg.at[pl.ds(base0, GB)], wsem2).wait()


@functools.lru_cache(maxsize=None)
def _sc_gather_kernel():
    mesh = plsc.VectorSubcoreMesh(core_axis_name="c", subcore_axis_name="s")
    return pl.kernel(
        _sc_gather_body,
        out_type=[jax.ShapeDtypeStruct((E, RW), F32),
                  jax.ShapeDtypeStruct((E, RW), F32)],
        mesh=mesh,
        scratch_types=[
            pltpu.VMEM((GB,), jnp.int32),
            pltpu.VMEM((GB,), jnp.int32),
            pltpu.VMEM((GB, RW), F32),
            pltpu.VMEM((GB, RW), F32),
            pltpu.SemaphoreType.DMA,
            pltpu.SemaphoreType.DMA,
            pltpu.SemaphoreType.DMA,
        ],
    )



def _edge_body(sg_ref, dg_ref, ed_ref, w1ed_ref, b1_ref, w2r_ref, b2_ref,
               w3e_ref, b3e_ref, w1a_ref, w1b_ref, r9_ref, grep_ref, bd2_ref,
               lng_ref, lnb_ref, adot_ref, rex_ref, wa_ref, wb_ref):
    s = sg_ref[...]
    d = dg_ref[...]
    ed = ed_ref[...]
    h1 = jax.nn.silu(ed @ w1ed_ref[...] + s[:, 144:208] + d[:, 144:208]
                     + b1_ref[...])
    h2 = jax.nn.silu(h1 @ w2r_ref[...] + b2_ref[...])
    radx = h2 @ w3e_ref[...] + b3e_ref[...]
    rep = radx @ r9_ref[...]
    xs = s[:, 0:144] * rep
    xd = d[:, 0:144] * rep
    he = xs @ w1a_ref[...] + xd @ w1b_ref[...]
    h0 = he[:, 0:32]
    a64 = he[:, 288:352]
    gat = he[:, 352:384]
    mult = jnp.concatenate(
        [jax.nn.sigmoid(h0), jax.nn.sigmoid(gat) @ grep_ref[...]], axis=1)
    hid2 = he[:, 0:288] * mult
    vals = hid2 @ bd2_ref[...]
    lng = lng_ref[...]
    lnb = lnb_ref[...]
    als = []
    for h in range(4):
        ah = a64[:, h * 16:(h + 1) * 16]
        mu = jnp.mean(ah, axis=1, keepdims=True)
        va = jnp.mean((ah - mu) ** 2, axis=1, keepdims=True)
        an = (ah - mu) * lax.rsqrt(va + 1e-5) * lng + lnb
        sl = 0.2 * an + 0.8 * an * jax.nn.sigmoid(an)
        als.append(jnp.sum(sl * adot_ref[h:h + 1, :], axis=1, keepdims=True))
    ex4 = jnp.exp(jnp.concatenate(als, axis=1))
    ex8 = jnp.concatenate([ex4, jnp.zeros((EB, 4), F32)], axis=1)
    w = vals * (ex8 @ rex_ref[...])
    wa_ref[...] = w[:, 0:256]
    wb_ref[...] = jnp.concatenate([w[:, 256:288], ex4, jnp.zeros((EB, 92), F32)],
                                  axis=1)


def _edge_compute(sg, dg, ed, w1ed, b1r, rad_w2, b2r, w3e, b3e, w1a, w1b,
                  r9, grep, bd2, lng, lnb, adot8, rex8):
    full = lambda shape: pl.BlockSpec(shape, lambda i: tuple(0 for _ in shape))
    return pl.pallas_call(
        _edge_body,
        grid=(E // EB,),
        in_specs=[
            pl.BlockSpec((EB, RW), lambda i: (i, 0)),
            pl.BlockSpec((EB, RW), lambda i: (i, 0)),
            pl.BlockSpec((EB, 64), lambda i: (i, 0)),
            full((64, 64)), full((1, 64)), full((64, 64)), full((1, 64)),
            full((64, 16)), full((1, 16)), full((144, 384)), full((144, 384)),
            full((16, 144)), full((32, 256)), full((288, 288)),
            full((1, 16)), full((1, 16)), full((8, 16)), full((8, 288)),
        ],
        out_specs=[pl.BlockSpec((EB, 256), lambda i: (i, 0)),
                   pl.BlockSpec((EB, 128), lambda i: (i, 0))],
        out_shape=[jax.ShapeDtypeStruct((E, 256), F32),
                   jax.ShapeDtypeStruct((E, 128), F32)],
    )(sg, dg, ed, w1ed, b1r, rad_w2, b2r, w3e, b3e, w1a, w1b, r9, grep, bd2,
      lng, lnb, adot8, rex8)



NR = 312
SCN = 1600
FL = 128


@functools.lru_cache(maxsize=None)
def _sc_scatter_kernel(width):

    def body_fn(w_hbm, dst_i, zrows, out_hbm, acc, wbuf, dvm, idl, dl, sem,
                sem2):
        c = lax.axis_index("c")
        s = lax.axis_index("s")
        wid = s * 2 + c
        last = wid == 31
        lo = wid * NR
        size = jnp.where(last, NR + 16, NR).astype(jnp.uint32)
        pltpu.sync_copy(zrows, acc)
        for q in range((FL + 160) // 16):
            idl[pl.ds(q * 16, 16)] = jnp.zeros((16,), jnp.int32)

        def flush(n):
            h1 = pltpu.async_copy(w_hbm.at[idl.at[pl.ds(0, FL)]], wbuf, sem)
            h2 = pltpu.async_copy(dst_i.at[idl.at[pl.ds(0, FL)]],
                                  dl.at[pl.ds(0, FL)], sem2)
            h1.wait()
            h2.wait()

            def inner(r, carry):
                dr = dl[pl.ds(r, 16)][0] - lo
                for cc in range(width // 16):
                    plsc.addupdate(acc.at[dr, pl.ds(cc * 16, 16)],
                                   wbuf[r, pl.ds(cc * 16, 16)])
                return carry

            lax.fori_loop(0, n, inner, 0)

        def blk(j, cnt):
            e0 = j * SCN
            pltpu.sync_copy(dst_i.at[pl.ds(e0, SCN)], dvm.at[pl.ds(0, SCN)])

            def group4(g, cnt):
                base = e0 + g * 64
                for u in range(4):
                    dv = dvm[pl.ds(g * 64 + u * 16, 16)]
                    m = (dv - lo).astype(jnp.uint32) < size
                    ids = (base + u * 16
                           + lax.broadcasted_iota(jnp.int32, (16,), 0))
                    plsc.store_compressed(idl.at[pl.ds(cnt, 16)], ids, mask=m)
                    cnt = cnt + plsc.all_reduce_population_count(m)[0]

                @pl.when(cnt >= FL)
                def _():
                    flush(FL)
                    for u in range(4):
                        idl[pl.ds(u * 16, 16)] = idl[pl.ds(FL + u * 16, 16)]

                return jnp.where(cnt >= FL, cnt - FL, cnt)

            return lax.fori_loop(0, SCN // 64, group4, cnt)

        cnt = lax.fori_loop(0, E // SCN, blk, 0)
        flush(cnt)

        @pl.when(jnp.logical_not(last))
        def _():
            pltpu.sync_copy(acc.at[pl.ds(0, NR)], out_hbm.at[pl.ds(lo, NR)])

        @pl.when(last)
        def _():
            pltpu.sync_copy(acc.at[pl.ds(0, NR + 16)],
                            out_hbm.at[pl.ds(lo, NR + 16)])

    mesh = plsc.VectorSubcoreMesh(core_axis_name="c", subcore_axis_name="s")
    return pl.kernel(
        body_fn,
        out_type=jax.ShapeDtypeStruct((N, width), F32),
        mesh=mesh,
        compiler_params=pltpu.CompilerParams(needs_layout_passes=False),
        scratch_types=[
            pltpu.VMEM((NR + 16, width), F32),
            pltpu.VMEM((FL, width), F32),
            pltpu.VMEM((SCN + 16,), jnp.int32),
            pltpu.VMEM((FL + 160,), jnp.int32),
            pltpu.VMEM((FL + 160,), jnp.int32),
            pltpu.SemaphoreType.DMA,
            pltpu.SemaphoreType.DMA,
        ],
    )



def _final_body(numa_ref, numb_ref, pbd_ref, rex_ref, bias_ref, out_ref):
    blka = numa_ref[...]
    blkb = numb_ref[...]
    wsum = jnp.concatenate([blka, blkb[:, 0:32]], axis=1)
    den = blkb[:, 32:36]
    inv = 1.0 / (den + 1e-16)
    inv8 = jnp.concatenate([inv, jnp.zeros((BN, 4), F32)], axis=1)
    nod = wsum * (inv8 @ rex_ref[...])
    out_ref[...] = nod @ pbd_ref[...] + bias_ref[...]


def _final(numa, numb, pbd, rex8, bias):
    return pl.pallas_call(
        _final_body,
        grid=(N // BN,),
        in_specs=[
            pl.BlockSpec((BN, 256), lambda i: (i, 0)),
            pl.BlockSpec((BN, 128), lambda i: (i, 0)),
            pl.BlockSpec((288, 144), lambda i: (0, 0)),
            pl.BlockSpec((8, 288), lambda i: (0, 0)),
            pl.BlockSpec((1, 144), lambda i: (0, 0)),
        ],
        out_specs=pl.BlockSpec((BN, 144), lambda i: (i, 0)),
        out_shape=jax.ShapeDtypeStruct((N, 144), F32),
    )(numa, numb, pbd, rex8, bias)



def kernel(x, atomic_numbers, edge_distance, edge_index, src_table, tgt_table,
           rad_w1, rad_b1, rad_w2, rad_b2, rad_w3, rad_b3,
           W1, W1_m0, ln_g, ln_b, alpha_dot, W2, proj_w, proj_b):
    x2 = x.reshape(N, 144)
    zf = atomic_numbers.astype(F32).reshape(N, 1)
    stp = jnp.zeros((96, 64), F32).at[:90].set(src_table)
    ttp = jnp.zeros((96, 64), F32).at[:90].set(tgt_table)
    w1ed = rad_w1[0:64]
    w1se = rad_w1[64:128]
    w1te = rad_w1[128:192]

    eye9 = jnp.eye(9, dtype=F32)
    w1a = jnp.concatenate([
        jnp.einsum('cio,cd->cido', W1[:, :16, :], eye9).reshape(144, 288),
        jnp.zeros((144, 96), F32).at[0:16].set(W1_m0[0:16]),
    ], axis=1)
    w1b = jnp.concatenate([
        jnp.einsum('cio,cd->cido', W1[:, 16:, :], eye9).reshape(144, 288),
        jnp.zeros((144, 96), F32).at[0:16].set(W1_m0[16:32]),
    ], axis=1)
    bd2 = jnp.einsum('cio,cd->cido', W2, eye9).reshape(288, 288)
    pbd = jnp.einsum('io,cd->cido', proj_w, eye9).reshape(288, 144)

    expand = jnp.array([0, 1, 1, 1, 2, 2, 2, 2, 2], jnp.int32)
    w3e = jnp.zeros((64, 16), F32).at[:, :9].set(rad_w3[:, expand])
    b3e = jnp.zeros((1, 16), F32).at[0, :9].set(rad_b3[expand])
    r9 = jnp.zeros((16, 144), F32).at[:9].set(
        jnp.kron(eye9, jnp.ones((1, 16), F32)))
    grep = jnp.kron(jnp.ones((1, 8), F32), jnp.eye(32, dtype=F32))
    rex8 = jnp.zeros((8, 288), F32).at[:4].set(
        jnp.tile(jnp.kron(jnp.eye(4, dtype=F32), jnp.ones((1, 8), F32)),
                 (1, 9)))
    adot8 = jnp.zeros((8, 16), F32).at[:4].set(alpha_dot)
    lng = ln_g.reshape(1, 16)
    lnb = ln_b.reshape(1, 16)
    b1r = rad_b1.reshape(1, 64)
    b2r = rad_b2.reshape(1, 64)
    bias = jnp.zeros((1, 144), F32).at[0, 0:16].set(proj_b)

    srec, drec = _prep(x2, zf, stp, ttp, w1se, w1te)
    src_i = edge_index[0]
    dst_i = edge_index[1]
    sg, dg = _sc_gather_kernel()(srec, drec, src_i, dst_i)
    wa, wb = _edge_compute(sg, dg, edge_distance, w1ed, b1r, rad_w2, b2r, w3e,
                           b3e, w1a, w1b, r9, grep, bd2, lng, lnb, adot8, rex8)
    numa = _sc_scatter_kernel(256)(wa, dst_i, jnp.zeros((NR + 16, 256), F32))
    numb = _sc_scatter_kernel(128)(wb, dst_i, jnp.zeros((NR + 16, 128), F32))
    out2 = _final(numa, numb, pbd, rex8, bias)
    return out2.reshape(N, 9, 16)

# --- scband reference (transcript-rebuilt; emitter-appended) ---
"""Pipeline reference for scband-so2-equivariant-graph-attention-18588618457697 (READ-ONLY COPY).

The authoritative reference and input builder live on the scoring server;
editing this copy changes nothing except your own understanding.
"""

import jax, jax.numpy as jnp
import numpy as np

N = 10000      # nodes
E = 160000     # edges
C = 16         # sphere_channels
NC = 9         # (lmax+1)^2 for lmax=2
H = 32         # hidden_channels
NH = 4         # num_heads
AC = 16        # attn_alpha_channels
VC = 8         # attn_value_channels
OUT = 16       # output_channels
EC = 64        # edge_distance channels
EMB = 64       # atom edge embedding dim (edge_channels_list[-1])
MAXZ = 90      # max_num_elements
EXPAND = jnp.asarray([0, 1, 1, 1, 2, 2, 2, 2, 2])  # coefficient -> l index for lmax=2


def setup_inputs(seed: int = 0) -> dict:
    key = jax.random.key(seed)
    ks = jax.random.split(key, 16)
    inp = {}
    inp['x'] = jax.random.normal(ks[0], (N, NC, C), dtype=jnp.float32)
    inp['atomic_numbers'] = jax.random.randint(ks[1], (N,), 0, MAXZ)
    inp['edge_distance'] = jax.random.uniform(ks[2], (E, EC), dtype=jnp.float32)
    inp['edge_index'] = jax.random.randint(ks[3], (2, E), 0, N)
    # learned parameters
    inp['src_table'] = jax.random.uniform(ks[4], (MAXZ, EMB), minval=-0.001, maxval=0.001, dtype=jnp.float32)
    inp['tgt_table'] = jax.random.uniform(ks[5], (MAXZ, EMB), minval=-0.001, maxval=0.001, dtype=jnp.float32)
    din = EC + 2 * EMB
    inp['rad_w1'] = jax.random.normal(ks[6], (din, 64), dtype=jnp.float32) / np.sqrt(din)
    inp['rad_b1'] = jnp.zeros((64,), jnp.float32)
    inp['rad_w2'] = jax.random.normal(ks[7], (64, 64), dtype=jnp.float32) / 8.0
    inp['rad_b2'] = jnp.zeros((64,), jnp.float32)
    inp['rad_w3'] = jax.random.normal(ks[8], (64, 3), dtype=jnp.float32) / 8.0
    inp['rad_b3'] = jnp.zeros((3,), jnp.float32)
    inp['W1'] = jax.random.normal(ks[9], (NC, 2 * C, H), dtype=jnp.float32) / np.sqrt(2 * C)
    inp['W1_m0'] = jax.random.normal(ks[10], (2 * C, NH * AC + H), dtype=jnp.float32) / np.sqrt(2 * C)
    inp['ln_g'] = jnp.ones((AC,), jnp.float32)
    inp['ln_b'] = jnp.zeros((AC,), jnp.float32)
    std = 1.0 / np.sqrt(AC)
    inp['alpha_dot'] = jax.random.uniform(ks[11], (NH, AC), minval=-std, maxval=std, dtype=jnp.float32)
    inp['W2'] = jax.random.normal(ks[12], (NC, H, NH * VC), dtype=jnp.float32) / np.sqrt(H)
    inp['proj_w'] = jax.random.normal(ks[13], (NH * VC, OUT), dtype=jnp.float32) / np.sqrt(NH * VC)
    inp['proj_b'] = jnp.zeros((OUT,), jnp.float32)
    return inp


def reference(x, atomic_numbers, edge_distance, edge_index, src_table, tgt_table,
              rad_w1, rad_b1, rad_w2, rad_b2, rad_w3, rad_b3,
              W1, W1_m0, ln_g, ln_b, alpha_dot, W2, proj_w, proj_b):
    src = edge_index[0]
    dst = edge_index[1]
    # atom-edge embeddings (gather)
    se = jnp.take(src_table, jnp.take(atomic_numbers, src, axis=0), axis=0)
    te = jnp.take(tgt_table, jnp.take(atomic_numbers, dst, axis=0), axis=0)
    x_edge = jnp.concatenate([edge_distance, se, te], axis=1)  # [E, EC+2*EMB]
    # expand node SO3 embeddings to edges (gather)
    msg = jnp.concatenate([jnp.take(x, src, axis=0), jnp.take(x, dst, axis=0)], axis=2)  # [E, NC, 2C]
    # radial function (per-edge MLP -> per-l scaling)
    h = jax.nn.silu(x_edge @ rad_w1 + rad_b1)
    h = jax.nn.silu(h @ rad_w2 + rad_b2)
    rad = h @ rad_w3 + rad_b3  # [E, lmax+1]
    msg = msg * rad[:, EXPAND][:, :, None]
    # SO2 conv 1 (per-coefficient linear) with extra m=0 output channels
    hid = jnp.einsum('eci,cio->eco', msg, W1)  # [E, NC, H]
    x0_extra = msg[:, 0, :] @ W1_m0            # [E, NH*AC + H]
    # separable S2 activation: silu on scalar part, sigmoid gating on l>0
    gating = x0_extra[:, NH * AC:]
    scalar = jax.nn.silu(hid[:, 0:1, :])
    rest = hid[:, 1:, :] * jax.nn.sigmoid(gating)[:, None, :]
    hid = jnp.concatenate([scalar, rest], axis=1)
    # SO2 conv 2 (internal weights)
    vals = jnp.einsum('eci,cio->eco', hid, W2)  # [E, NC, NH*VC]
    # alpha path
    a = x0_extra[:, :NH * AC].reshape(E, NH, AC)
    mu = a.mean(axis=-1, keepdims=True)
    var = ((a - mu) ** 2).mean(axis=-1, keepdims=True)
    a = (a - mu) / jnp.sqrt(var + 1e-5) * ln_g + ln_b
    a = 0.2 * a + 0.8 * a * jax.nn.sigmoid(a)  # SmoothLeakyReLU
    alpha = jnp.einsum('ehk,hk->eh', a, alpha_dot)  # [E, NH]
    # segment softmax over edges grouped by dst node
    seg_max = jax.ops.segment_max(alpha, dst, num_segments=N)
    seg_max = jnp.where(jnp.isfinite(seg_max), seg_max, 0.0)
    ex = jnp.exp(alpha - jnp.take(seg_max, dst, axis=0))
    denom = jax.ops.segment_sum(ex, dst, num_segments=N)
    attn_w = ex / (jnp.take(denom, dst, axis=0) + 1e-16)
    attn = vals.reshape(E, NC, NH, VC) * attn_w[:, None, :, None]
    attn = attn.reshape(E, NC, NH * VC)
    # reduce edges -> nodes (scatter-add)
    node_out = jax.ops.segment_sum(attn, dst, num_segments=N)  # [N, NC, NH*VC]
    # final SO3 linear projection (bias only on l=0 coefficient)
    out = jnp.einsum('nci,io->nco', node_out, proj_w)
    out = out.at[:, 0, :].add(proj_b)
    return out

if __name__ == "__main__":
    import jax
    _d = setup_inputs()
    print(jax.jit(kernel)(*tuple(_d.values())))

</pallas_src>

<mosaic_0001>
#map = affine_map<(d0, d1) -> (0, 0)>
#map1 = affine_map<(d0, d1) -> (0)>
module attributes {stable_mosaic.version = 14 : i64} {
  func.func @_sc_gather_body(%arg0: i32, %arg1: i32, %arg2: memref<10000x256xf32, #tpu.memory_space<hbm>>, %arg3: memref<10000x256xf32, #tpu.memory_space<hbm>>, %arg4: memref<160000xi32, #tpu.memory_space<hbm>>, %arg5: memref<160000xi32, #tpu.memory_space<hbm>>, %arg6: memref<160000x256xf32, #tpu.memory_space<hbm>>, %arg7: memref<160000x256xf32, #tpu.memory_space<hbm>>, %arg8: memref<200xi32, #tpu.memory_space<vmem>>, %arg9: memref<200xi32, #tpu.memory_space<vmem>>, %arg10: memref<200x256xf32, #tpu.memory_space<vmem>>, %arg11: memref<200x256xf32, #tpu.memory_space<vmem>>, %arg12: memref<!tpu.dma_semaphore, #tpu.memory_space<semaphore_mem>>, %arg13: memref<!tpu.dma_semaphore, #tpu.memory_space<semaphore_mem>>, %arg14: memref<!tpu.dma_semaphore, #tpu.memory_space<semaphore_mem>>) attributes {dimension_semantics = [#tpu.dimension_semantics<core_parallel>, #tpu.dimension_semantics<subcore_parallel>], iteration_bounds = array<i64: 2, 16>, scalar_prefetch = 0 : i64, scratch_operands = 7 : i64, tpu.core_type = #tpu.core_type<sc_vector_subcore>, window_params = [{transform_indices = #map}, {transform_indices = #map}, {transform_indices = #map1}, {transform_indices = #map1}, {transform_indices = #map}, {transform_indices = #map}]} {
    %mul3A = arith.constant 2 : i32
    %mul3A_0 = arith.muli %arg1, %mul3A : i32
    %add3A = arith.addi %mul3A_0, %arg0 : i32
    %mul3A_1 = arith.constant 5000 : i32
    %mul3A_2 = arith.muli %add3A, %mul3A_1 : i32
    "tpu.region"() ({
      %run_scoped3A = tpu.sem_alloc : memref<!tpu.dma_semaphore, #tpu.memory_space<semaphore_mem>>
      %dma_start3A_34 = tpu.memref_slice %arg4[%mul3A_2] : memref<160000xi32, #tpu.memory_space<hbm>> -> memref<200xi32, #tpu.memory_space<hbm>>
      %dma_start3A_35 = tpu.memref_slice %arg4[%mul3A_2] : memref<160000xi32, #tpu.memory_space<hbm>> -> memref<200xi32, #tpu.memory_space<hbm>>
      tpu.enqueue_dma source(%dma_start3A_35 : memref<200xi32, #tpu.memory_space<hbm>>) target(%arg8 : memref<200xi32, #tpu.memory_space<vmem>>) target_semaphore(%run_scoped3A : memref<!tpu.dma_semaphore, #tpu.memory_space<semaphore_mem>>)
      %dma_wait3A_36 = tpu.memref_slice %arg4[%mul3A_2] : memref<160000xi32, #tpu.memory_space<hbm>> -> memref<200xi32, #tpu.memory_space<hbm>>
      %dma_wait3A_37 = tpu.memref_slice %arg4[%mul3A_2] : memref<160000xi32, #tpu.memory_space<hbm>> -> memref<200xi32, #tpu.memory_space<hbm>>
      tpu.wait_dma2 semaphore(%run_scoped3A : memref<!tpu.dma_semaphore, #tpu.memory_space<semaphore_mem>>) src(%dma_wait3A_37 : memref<200xi32, #tpu.memory_space<hbm>>) dst(%arg8 : memref<200xi32, #tpu.memory_space<vmem>>)
      tpu.yield
    }) : () -> ()
    "tpu.region"() ({
      %run_scoped3A = tpu.sem_alloc : memref<!tpu.dma_semaphore, #tpu.memory_space<semaphore_mem>>
      %dma_start3A_34 = tpu.memref_slice %arg5[%mul3A_2] : memref<160000xi32, #tpu.memory_space<hbm>> -> memref<200xi32, #tpu.memory_space<hbm>>
      %dma_start3A_35 = tpu.memref_slice %arg5[%mul3A_2] : memref<160000xi32, #tpu.memory_space<hbm>> -> memref<200xi32, #tpu.memory_space<hbm>>
      tpu.enqueue_dma source(%dma_start3A_35 : memref<200xi32, #tpu.memory_space<hbm>>) target(%arg9 : memref<200xi32, #tpu.memory_space<vmem>>) target_semaphore(%run_scoped3A : memref<!tpu.dma_semaphore, #tpu.memory_space<semaphore_mem>>)
      %dma_wait3A_36 = tpu.memref_slice %arg5[%mul3A_2] : memref<160000xi32, #tpu.memory_space<hbm>> -> memref<200xi32, #tpu.memory_space<hbm>>
      %dma_wait3A_37 = tpu.memref_slice %arg5[%mul3A_2] : memref<160000xi32, #tpu.memory_space<hbm>> -> memref<200xi32, #tpu.memory_space<hbm>>
      tpu.wait_dma2 semaphore(%run_scoped3A : memref<!tpu.dma_semaphore, #tpu.memory_space<semaphore_mem>>) src(%dma_wait3A_37 : memref<200xi32, #tpu.memory_space<hbm>>) dst(%arg9 : memref<200xi32, #tpu.memory_space<vmem>>)
      tpu.yield
    }) : () -> ()
    %dma_start3A = arith.constant 0 : i32
    %dma_start3A_3 = arith.constant 0 : i32
    %dma_start3A_4 = tpu.memref_slice %arg2[%dma_start3A, %dma_start3A_3] : memref<10000x256xf32, #tpu.memory_space<hbm>> -> memref<10000x256xf32, #tpu.memory_space<hbm>>
    tpu.enqueue_indirect_dma source(%dma_start3A_4 : memref<10000x256xf32, #tpu.memory_space<hbm>>) target(%arg10 : memref<200x256xf32, #tpu.memory_space<vmem>>) offsets(%arg8 : memref<200xi32, #tpu.memory_space<vmem>>) semaphore(%arg12 : memref<!tpu.dma_semaphore, #tpu.memory_space<semaphore_mem>>)
    %dma_wait3A = arith.constant 0 : i32
    %dma_wait3A_5 = arith.constant 0 : i32
    %dma_wait3A_6 = tpu.memref_slice %arg2[%dma_wait3A, %dma_wait3A_5] : memref<10000x256xf32, #tpu.memory_space<hbm>> -> memref<10000x256xf32, #tpu.memory_space<hbm>>
    tpu.wait_indirect_dma semaphore(%arg12 : memref<!tpu.dma_semaphore, #tpu.memory_space<semaphore_mem>>) src(%dma_wait3A_6 : memref<10000x256xf32, #tpu.memory_space<hbm>>) dst(%arg10 : memref<200x256xf32, #tpu.memory_space<vmem>>)
    %dma_start3A_7 = arith.constant 0 : i32
    %dma_start3A_8 = arith.constant 0 : i32
    %dma_start3A_9 = tpu.memref_slice %arg3[%dma_start3A_7, %dma_start3A_8] : memref<10000x256xf32, #tpu.memory_space<hbm>> -> memref<10000x256xf32, #tpu.memory_space<hbm>>
    tpu.enqueue_indirect_dma source(%dma_start3A_9 : memref<10000x256xf32, #tpu.memory_space<hbm>>) target(%arg11 : memref<200x256xf32, #tpu.memory_space<vmem>>) offsets(%arg9 : memref<200xi32, #tpu.memory_space<vmem>>) semaphore(%arg12 : memref<!tpu.dma_semaphore, #tpu.memory_space<semaphore_mem>>)
    %dma_wait3A_10 = arith.constant 0 : i32
    %dma_wait3A_11 = arith.constant 0 : i32
    %dma_wait3A_12 = tpu.memref_slice %arg3[%dma_wait3A_10, %dma_wait3A_11] : memref<10000x256xf32, #tpu.memory_space<hbm>> -> memref<10000x256xf32, #tpu.memory_space<hbm>>
    tpu.wait_indirect_dma semaphore(%arg12 : memref<!tpu.dma_semaphore, #tpu.memory_space<semaphore_mem>>) src(%dma_wait3A_12 : memref<10000x256xf32, #tpu.memory_space<hbm>>) dst(%arg11 : memref<200x256xf32, #tpu.memory_space<vmem>>)
    %dma_start3A_13 = arith.constant 0 : i32
    %dma_start3A_14 = tpu.memref_slice %arg6[%mul3A_2, %dma_start3A_13] : memref<160000x256xf32, #tpu.memory_space<hbm>> -> memref<200x256xf32, #tpu.memory_space<hbm>>
    %dma_start3A_15 = arith.constant 0 : i32
    %dma_start3A_16 = tpu.memref_slice %arg6[%mul3A_2, %dma_start3A_15] : memref<160000x256xf32, #tpu.memory_space<hbm>> -> memref<200x256xf32, #tpu.memory_space<hbm>>
    tpu.enqueue_dma source(%arg10 : memref<200x256xf32, #tpu.memory_space<vmem>>) target(%dma_start3A_16 : memref<200x256xf32, #tpu.memory_space<hbm>>) target_semaphore(%arg13 : memref<!tpu.dma_semaphore, #tpu.memory_space<semaphore_mem>>)
    %dma_start3A_17 = arith.constant 0 : i32
    %dma_start3A_18 = tpu.memref_slice %arg7[%mul3A_2, %dma_start3A_17] : memref<160000x256xf32, #tpu.memory_space<hbm>> -> memref<200x256xf32, #tpu.memory_space<hbm>>
    %dma_start3A_19 = arith.constant 0 : i32
    %dma_start3A_20 = tpu.memref_slice %arg7[%mul3A_2, %dma_start3A_19] : memref<160000x256xf32, #tpu.memory_space<hbm>> -> memref<200x256xf32, #tpu.memory_space<hbm>>
    tpu.enqueue_dma source(%arg11 : memref<200x256xf32, #tpu.memory_space<vmem>>) target(%dma_start3A_20 : memref<200x256xf32, #tpu.memory_space<hbm>>) target_semaphore(%arg14 : memref<!tpu.dma_semaphore, #tpu.memory_space<semaphore_mem>>)
    %scan3A = arith.constant 0 : i32
    %scan3A_21 = arith.constant 0 : i32
    %scan3A_22 = arith.constant 24 : i32
    %scan3A_23 = arith.addi %scan3A_21, %scan3A_22 : i32
    %scan3A_24 = arith.constant 1 : i32
    scf.for %scan3A_34 = %scan3A_21 to %scan3A_23 step %scan3A_24  : i32 {
      %add3A_35 = arith.constant 1 : i32
      %add3A_36 = arith.addi %scan3A_34, %add3A_35 : i32
      %mul3A_37 = arith.constant 200 : i32
      %mul3A_38 = arith.muli %add3A_36, %mul3A_37 : i32
      %add3A_39 = arith.addi %mul3A_2, %mul3A_38 : i32
      %dma_wait3A_40 = arith.constant 0 : i32
      %dma_wait3A_41 = tpu.memref_slice %arg6[%add3A_39, %dma_wait3A_40] : memref<160000x256xf32, #tpu.memory_space<hbm>> -> memref<200x256xf32, #tpu.memory_space<hbm>>
      %dma_wait3A_42 = arith.constant 0 : i32
      %dma_wait3A_43 = tpu.memref_slice %arg6[%add3A_39, %dma_wait3A_42] : memref<160000x256xf32, #tpu.memory_space<hbm>> -> memref<200x256xf32, #tpu.memory_space<hbm>>
      tpu.wait_dma2 semaphore(%arg13 : memref<!tpu.dma_semaphore, #tpu.memory_space<semaphore_mem>>) src(%arg10 : memref<200x256xf32, #tpu.memory_space<vmem>>) dst(%dma_wait3A_43 : memref<200x256xf32, #tpu.memory_space<hbm>>)
      "tpu.region"() ({
        %run_scoped3A = tpu.sem_alloc : memref<!tpu.dma_semaphore, #tpu.memory_space<semaphore_mem>>
        %dma_start3A_68 = tpu.memref_slice %arg4[%add3A_39] : memref<160000xi32, #tpu.memory_space<hbm>> -> memref<200xi32, #tpu.memory_space<hbm>>
        %dma_start3A_69 = tpu.memref_slice %arg4[%add3A_39] : memref<160000xi32, #tpu.memory_space<hbm>> -> memref<200xi32, #tpu.memory_space<hbm>>
        tpu.enqueue_dma source(%dma_start3A_69 : memref<200xi32, #tpu.memory_space<hbm>>) target(%arg8 : memref<200xi32, #tpu.memory_space<vmem>>) target_semaphore(%run_scoped3A : memref<!tpu.dma_semaphore, #tpu.memory_space<semaphore_mem>>)
        %dma_wait3A_70 = tpu.memref_slice %arg4[%add3A_39] : memref<160000xi32, #tpu.memory_space<hbm>> -> memref<200xi32, #tpu.memory_space<hbm>>
        %dma_wait3A_71 = tpu.memref_slice %arg4[%add3A_39] : memref<160000xi32, #tpu.memory_space<hbm>> -> memref<200xi32, #tpu.memory_space<hbm>>
        tpu.wait_dma2 semaphore(%run_scoped3A : memref<!tpu.dma_semaphore, #tpu.memory_space<semaphore_mem>>) src(%dma_wait3A_71 : memref<200xi32, #tpu.memory_space<hbm>>) dst(%arg8 : memref<200xi32, #tpu.memory_space<vmem>>)
        tpu.yield
      }) : () -> ()
      %dma_start3A_44 = arith.constant 0 : i32
      %dma_start3A_45 = arith.constant 0 : i32
      %dma_start3A_46 = tpu.memref_slice %arg2[%dma_start3A_44, %dma_start3A_45] : memref<10000x256xf32, #tpu.memory_space<hbm>> -> memref<10000x256xf32, #tpu.memory_space<hbm>>
      tpu.enqueue_indirect_dma source(%dma_start3A_46 : memref<10000x256xf32, #tpu.memory_space<hbm>>) target(%arg10 : memref<200x256xf32, #tpu.memory_space<vmem>>) offsets(%arg8 : memref<200xi32, #tpu.memory_space<vmem>>) semaphore(%arg12 : memref<!tpu.dma_semaphore, #tpu.memory_space<semaphore_mem>>)
      %dma_wait3A_47 = arith.constant 0 : i32
      %dma_wait3A_48 = arith.constant 0 : i32
      %dma_wait3A_49 = tpu.memref_slice %arg2[%dma_wait3A_47, %dma_wait3A_48] : memref<10000x256xf32, #tpu.memory_space<hbm>> -> memref<10000x256xf32, #tpu.memory_space<hbm>>
      tpu.wait_indirect_dma semaphore(%arg12 : memref<!tpu.dma_semaphore, #tpu.memory_space<semaphore_mem>>) src(%dma_wait3A_49 : memref<10000x256xf32, #tpu.memory_space<hbm>>) dst(%arg10 : memref<200x256xf32, #tpu.memory_space<vmem>>)
      %dma_start3A_50 = arith.constant 0 : i32
      %dma_start3A_51 = tpu.memref_slice %arg6[%add3A_39, %dma_start3A_50] : memref<160000x256xf32, #tpu.memory_space<hbm>> -> memref<200x256xf32, #tpu.memory_space<hbm>>
      %dma_start3A_52 = arith.constant 0 : i32
      %dma_start3A_53 = tpu.memref_slice %arg6[%add3A_39, %dma_start3A_52] : memref<160000x256xf32, #tpu.memory_space<hbm>> -> memref<200x256xf32, #tpu.memory_space<hbm>>
      tpu.enqueue_dma source(%arg10 : memref<200x256xf32, #tpu.memory_space<vmem>>) target(%dma_start3A_53 : memref<200x256xf32, #tpu.memory_space<hbm>>) target_semaphore(%arg13 : memref<!tpu.dma_semaphore, #tpu.memory_space<semaphore_mem>>)
      %dma_wait3A_54 = arith.constant 0 : i32
      %dma_wait3A_55 = tpu.memref_slice %arg7[%add3A_39, %dma_wait3A_54] : memref<160000x256xf32, #tpu.memory_space<hbm>> -> memref<200x256xf32, #tpu.memory_space<hbm>>
      %dma_wait3A_56 = arith.constant 0 : i32
      %dma_wait3A_57 = tpu.memref_slice %arg7[%add3A_39, %dma_wait3A_56] : memref<160000x256xf32, #tpu.memory_space<hbm>> -> memref<200x256xf32, #tpu.memory_space<hbm>>
      tpu.wait_dma2 semaphore(%arg14 : memref<!tpu.dma_semaphore, #tpu.memory_space<semaphore_mem>>) src(%arg11 : memref<200x256xf32, #tpu.memory_space<vmem>>) dst(%dma_wait3A_57 : memref<200x256xf32, #tpu.memory_space<hbm>>)
      "tpu.region"() ({
        %run_scoped3A = tpu.sem_alloc : memref<!tpu.dma_semaphore, #tpu.memory_space<semaphore_mem>>
        %dma_start3A_68 = tpu.memref_slice %arg5[%add3A_39] : memref<160000xi32, #tpu.memory_space<hbm>> -> memref<200xi32, #tpu.memory_space<hbm>>
        %dma_start3A_69 = tpu.memref_slice %arg5[%add3A_39] : memref<160000xi32, #tpu.memory_space<hbm>> -> memref<200xi32, #tpu.memory_space<hbm>>
        tpu.enqueue_dma source(%dma_start3A_69 : memref<200xi32, #tpu.memory_space<hbm>>) target(%arg9 : memref<200xi32, #tpu.memory_space<vmem>>) target_semaphore(%run_scoped3A : memref<!tpu.dma_semaphore, #tpu.memory_space<semaphore_mem>>)
        %dma_wait3A_70 = tpu.memref_slice %arg5[%add3A_39] : memref<160000xi32, #tpu.memory_space<hbm>> -> memref<200xi32, #tpu.memory_space<hbm>>
        %dma_wait3A_71 = tpu.memref_slice %arg5[%add3A_39] : memref<160000xi32, #tpu.memory_space<hbm>> -> memref<200xi32, #tpu.memory_space<hbm>>
        tpu.wait_dma2 semaphore(%run_scoped3A : memref<!tpu.dma_semaphore, #tpu.memory_space<semaphore_mem>>) src(%dma_wait3A_71 : memref<200xi32, #tpu.memory_space<hbm>>) dst(%arg9 : memref<200xi32, #tpu.memory_space<vmem>>)
        tpu.yield
      }) : () -> ()
      %dma_start3A_58 = arith.constant 0 : i32
      %dma_start3A_59 = arith.constant 0 : i32
      %dma_start3A_60 = tpu.memref_slice %arg3[%dma_start3A_58, %dma_start3A_59] : memref<10000x256xf32, #tpu.memory_space<hbm>> -> memref<10000x256xf32, #tpu.memory_space<hbm>>
      tpu.enqueue_indirect_dma source(%dma_start3A_60 : memref<10000x256xf32, #tpu.memory_space<hbm>>) target(%arg11 : memref<200x256xf32, #tpu.memory_space<vmem>>) offsets(%arg9 : memref<200xi32, #tpu.memory_space<vmem>>) semaphore(%arg12 : memref<!tpu.dma_semaphore, #tpu.memory_space<semaphore_mem>>)
      %dma_wait3A_61 = arith.constant 0 : i32
      %dma_wait3A_62 = arith.constant 0 : i32
      %dma_wait3A_63 = tpu.memref_slice %arg3[%dma_wait3A_61, %dma_wait3A_62] : memref<10000x256xf32, #tpu.memory_space<hbm>> -> memref<10000x256xf32, #tpu.memory_space<hbm>>
      tpu.wait_indirect_dma semaphore(%arg12 : memref<!tpu.dma_semaphore, #tpu.memory_space<semaphore_mem>>) src(%dma_wait3A_63 : memref<10000x256xf32, #tpu.memory_space<hbm>>) dst(%arg11 : memref<200x256xf32, #tpu.memory_space<vmem>>)
      %dma_start3A_64 = arith.constant 0 : i32
      %dma_start3A_65 = tpu.memref_slice %arg7[%add3A_39, %dma_start3A_64] : memref<160000x256xf32, #tpu.memory_space<hbm>> -> memref<200x256xf32, #tpu.memory_space<hbm>>
      %dma_start3A_66 = arith.constant 0 : i32
      %dma_start3A_67 = tpu.memref_slice %arg7[%add3A_39, %dma_start3A_66] : memref<160000x256xf32, #tpu.memory_space<hbm>> -> memref<200x256xf32, #tpu.memory_space<hbm>>
      tpu.enqueue_dma source(%arg11 : memref<200x256xf32, #tpu.memory_space<vmem>>) target(%dma_start3A_67 : memref<200x256xf32, #tpu.memory_space<hbm>>) target_semaphore(%arg14 : memref<!tpu.dma_semaphore, #tpu.memory_space<semaphore_mem>>)
    }
    %scan3A_25 = arith.constant 24 : i32
    %dma_wait3A_26 = arith.constant 0 : i32
    %dma_wait3A_27 = tpu.memref_slice %arg6[%mul3A_2, %dma_wait3A_26] : memref<160000x256xf32, #tpu.memory_space<hbm>> -> memref<200x256xf32, #tpu.memory_space<hbm>>
    %dma_wait3A_28 = arith.constant 0 : i32
    %dma_wait3A_29 = tpu.memref_slice %arg6[%mul3A_2, %dma_wait3A_28] : memref<160000x256xf32, #tpu.memory_space<hbm>> -> memref<200x256xf32, #tpu.memory_space<hbm>>
    tpu.wait_dma2 semaphore(%arg13 : memref<!tpu.dma_semaphore, #tpu.memory_space<semaphore_mem>>) src(%arg10 : memref<200x256xf32, #tpu.memory_space<vmem>>) dst(%dma_wait3A_29 : memref<200x256xf32, #tpu.memory_space<hbm>>)
    %dma_wait3A_30 = arith.constant 0 : i32
    %dma_wait3A_31 = tpu.memref_slice %arg7[%mul3A_2, %dma_wait3A_30] : memref<160000x256xf32, #tpu.memory_space<hbm>> -> memref<200x256xf32, #tpu.memory_space<hbm>>
    %dma_wait3A_32 = arith.constant 0 : i32
    %dma_wait3A_33 = tpu.memref_slice %arg7[%mul3A_2, %dma_wait3A_32] : memref<160000x256xf32, #tpu.memory_space<hbm>> -> memref<200x256xf32, #tpu.memory_space<hbm>>
    tpu.wait_dma2 semaphore(%arg14 : memref<!tpu.dma_semaphore, #tpu.memory_space<semaphore_mem>>) src(%arg11 : memref<200x256xf32, #tpu.memory_space<vmem>>) dst(%dma_wait3A_33 : memref<200x256xf32, #tpu.memory_space<hbm>>)
    return
  }
}

#map = affine_map<(d0, d1) -> (0, 0)>
#map1 = affine_map<(d0, d1) -> (0)>
module attributes {stable_mosaic.version = 14 : i64} {
  func.func @body_fn(%arg0: i32, %arg1: i32, %arg2: memref<160000x256xf32, #tpu.memory_space<hbm>>, %arg3: memref<160000xi32, #tpu.memory_space<hbm>>, %arg4: memref<328x256xf32, #tpu.memory_space<hbm>>, %arg5: memref<10000x256xf32, #tpu.memory_space<hbm>>, %arg6: memref<328x256xf32, #tpu.memory_space<vmem>>, %arg7: memref<128x256xf32, #tpu.memory_space<vmem>>, %arg8: memref<1616xi32, #tpu.memory_space<vmem>>, %arg9: memref<288xi32, #tpu.memory_space<vmem>>, %arg10: memref<288xi32, #tpu.memory_space<vmem>>, %arg11: memref<!tpu.dma_semaphore, #tpu.memory_space<semaphore_mem>>, %arg12: memref<!tpu.dma_semaphore, #tpu.memory_space<semaphore_mem>>) attributes {dimension_semantics = [#tpu.dimension_semantics<core_parallel>, #tpu.dimension_semantics<subcore_parallel>], iteration_bounds = array<i64: 2, 16>, scalar_prefetch = 0 : i64, scratch_operands = 7 : i64, tpu.core_type = #tpu.core_type<sc_vector_subcore>, window_params = [{transform_indices = #map}, {transform_indices = #map1}, {transform_indices = #map}, {transform_indices = #map}]} {
    %mul3A = arith.constant 2 : i32
    %mul3A_0 = arith.muli %arg1, %mul3A : i32
    %add3A = arith.addi %mul3A_0, %arg0 : i32
    %eq3A = arith.constant 31 : i32
    %eq3A_1 = arith.cmpi eq, %add3A, %eq3A : i32
    %mul3A_2 = arith.constant 312 : i32
    %mul3A_3 = arith.muli %add3A, %mul3A_2 : i32
    %jit3A = arith.constant 328 : i32
    %jit3A_4 = arith.constant 312 : i32
    %select_n3A = arith.select %eq3A_1, %jit3A, %jit3A_4 : i32
    "tpu.region"() ({
      %run_scoped3A = tpu.sem_alloc : memref<!tpu.dma_semaphore, #tpu.memory_space<semaphore_mem>>
      tpu.enqueue_dma source(%arg4 : memref<328x256xf32, #tpu.memory_space<hbm>>) target(%arg6 : memref<328x256xf32, #tpu.memory_space<vmem>>) target_semaphore(%run_scoped3A : memref<!tpu.dma_semaphore, #tpu.memory_space<semaphore_mem>>)
      tpu.wait_dma2 semaphore(%run_scoped3A : memref<!tpu.dma_semaphore, #tpu.memory_space<semaphore_mem>>) src(%arg4 : memref<328x256xf32, #tpu.memory_space<hbm>>) dst(%arg6 : memref<328x256xf32, #tpu.memory_space<vmem>>)
      tpu.yield
    }) : () -> ()
    %broadcast_in_dim3A = arith.constant 0 : i32
    %broadcast_in_dim3A_5 = vector.broadcast %broadcast_in_dim3A : i32 to vector<16xi32>
    %swap3A = arith.constant 0 : index
    %swap3A_6 = tpu.vector_load %arg9[%swap3A] {strides = array<i32>} : memref<288xi32, #tpu.memory_space<vmem>>, vector<16xi32>,
    tpu.vector_store %arg9[%swap3A], %broadcast_in_dim3A_5 {strides = array<i32>} : memref<288xi32, #tpu.memory_space<vmem>>, vector<16xi32>,
    %broadcast_in_dim3A_7 = arith.constant 0 : i32
    %broadcast_in_dim3A_8 = vector.broadcast %broadcast_in_dim3A_7 : i32 to vector<16xi32>
    %swap3A_9 = arith.constant 16 : index
    %swap3A_10 = tpu.vector_load %arg9[%swap3A_9] {strides = array<i32>} : memref<288xi32, #tpu.memory_space<vmem>>, vector<16xi32>,
    tpu.vector_store %arg9[%swap3A_9], %broadcast_in_dim3A_8 {strides = array<i32>} : memref<288xi32, #tpu.memory_space<vmem>>, vector<16xi32>,
    %broadcast_in_dim3A_11 = arith.constant 0 : i32
    %broadcast_in_dim3A_12 = vector.broadcast %broadcast_in_dim3A_11 : i32 to vector<16xi32>
    %swap3A_13 = arith.constant 32 : index
    %swap3A_14 = tpu.vector_load %arg9[%swap3A_13] {strides = array<i32>} : memref<288xi32, #tpu.memory_space<vmem>>, vector<16xi32>,
    tpu.vector_store %arg9[%swap3A_13], %broadcast_in_dim3A_12 {strides = array<i32>} : memref<288xi32, #tpu.memory_space<vmem>>, vector<16xi32>,
    %broadcast_in_dim3A_15 = arith.constant 0 : i32
    %broadcast_in_dim3A_16 = vector.broadcast %broadcast_in_dim3A_15 : i32 to vector<16xi32>
    %swap3A_17 = arith.constant 48 : index
    %swap3A_18 = tpu.vector_load %arg9[%swap3A_17] {strides = array<i32>} : memref<288xi32, #tpu.memory_space<vmem>>, vector<16xi32>,
    tpu.vector_store %arg9[%swap3A_17], %broadcast_in_dim3A_16 {strides = array<i32>} : memref<288xi32, #tpu.memory_space<vmem>>, vector<16xi32>,
    %broadcast_in_dim3A_19 = arith.constant 0 : i32
    %broadcast_in_dim3A_20 = vector.broadcast %broadcast_in_dim3A_19 : i32 to vector<16xi32>
    %swap3A_21 = arith.constant 64 : index
    %swap3A_22 = tpu.vector_load %arg9[%swap3A_21] {strides = array<i32>} : memref<288xi32, #tpu.memory_space<vmem>>, vector<16xi32>,
    tpu.vector_store %arg9[%swap3A_21], %broadcast_in_dim3A_20 {strides = array<i32>} : memref<288xi32, #tpu.memory_space<vmem>>, vector<16xi32>,
    %broadcast_in_dim3A_23 = arith.constant 0 : i32
    %broadcast_in_dim3A_24 = vector.broadcast %broadcast_in_dim3A_23 : i32 to vector<16xi32>
    %swap3A_25 = arith.constant 80 : index
    %swap3A_26 = tpu.vector_load %arg9[%swap3A_25] {strides = array<i32>} : memref<288xi32, #tpu.memory_space<vmem>>, vector<16xi32>,
    tpu.vector_store %arg9[%swap3A_25], %broadcast_in_dim3A_24 {strides = array<i32>} : memref<288xi32, #tpu.memory_space<vmem>>, vector<16xi32>,
    %broadcast_in_dim3A_27 = arith.constant 0 : i32
    %broadcast_in_dim3A_28 = vector.broadcast %broadcast_in_dim3A_27 : i32 to vector<16xi32>
    %swap3A_29 = arith.constant 96 : index
    %swap3A_30 = tpu.vector_load %arg9[%swap3A_29] {strides = array<i32>} : memref<288xi32, #tpu.memory_space<vmem>>, vector<16xi32>,
    tpu.vector_store %arg9[%swap3A_29], %broadcast_in_dim3A_28 {strides = array<i32>} : memref<288xi32, #tpu.memory_space<vmem>>, vector<16xi32>,
    %broadcast_in_dim3A_31 = arith.constant 0 : i32
    %broadcast_in_dim3A_32 = vector.broadcast %broadcast_in_dim3A_31 : i32 to vector<16xi32>
    %swap3A_33 = arith.constant 112 : index
    %swap3A_34 = tpu.vector_load %arg9[%swap3A_33] {strides = array<i32>} : memref<288xi32, #tpu.memory_space<vmem>>, vector<16xi32>,
    tpu.vector_store %arg9[%swap3A_33], %broadcast_in_dim3A_32 {strides = array<i32>} : memref<288xi32, #tpu.memory_space<vmem>>, vector<16xi32>,
    %broadcast_in_dim3A_35 = arith.constant 0 : i32
    %broadcast_in_dim3A_36 = vector.broadcast %broadcast_in_dim3A_35 : i32 to vector<16xi32>
    %swap3A_37 = arith.constant 128 : index
    %swap3A_38 = tpu.vector_load %arg9[%swap3A_37] {strides = array<i32>} : memref<288xi32, #tpu.memory_space<vmem>>, vector<16xi32>,
    tpu.vector_store %arg9[%swap3A_37], %broadcast_in_dim3A_36 {strides = array<i32>} : memref<288xi32, #tpu.memory_space<vmem>>, vector<16xi32>,
    %broadcast_in_dim3A_39 = arith.constant 0 : i32
    %broadcast_in_dim3A_40 = vector.broadcast %broadcast_in_dim3A_39 : i32 to vector<16xi32>
    %swap3A_41 = arith.constant 144 : index
    %swap3A_42 = tpu.vector_load %arg9[%swap3A_41] {strides = array<i32>} : memref<288xi32, #tpu.memory_space<vmem>>, vector<16xi32>,
    tpu.vector_store %arg9[%swap3A_41], %broadcast_in_dim3A_40 {strides = array<i32>} : memref<288xi32, #tpu.memory_space<vmem>>, vector<16xi32>,
    %broadcast_in_dim3A_43 = arith.constant 0 : i32
    %broadcast_in_dim3A_44 = vector.broadcast %broadcast_in_dim3A_43 : i32 to vector<16xi32>
    %swap3A_45 = arith.constant 160 : index
    %swap3A_46 = tpu.vector_load %arg9[%swap3A_45] {strides = array<i32>} : memref<288xi32, #tpu.memory_space<vmem>>, vector<16xi32>,
    tpu.vector_store %arg9[%swap3A_45], %broadcast_in_dim3A_44 {strides = array<i32>} : memref<288xi32, #tpu.memory_space<vmem>>, vector<16xi32>,
    %broadcast_in_dim3A_47 = arith.constant 0 : i32
    %broadcast_in_dim3A_48 = vector.broadcast %broadcast_in_dim3A_47 : i32 to vector<16xi32>
    %swap3A_49 = arith.constant 176 : index
    %swap3A_50 = tpu.vector_load %arg9[%swap3A_49] {strides = array<i32>} : memref<288xi32, #tpu.memory_space<vmem>>, vector<16xi32>,
    tpu.vector_store %arg9[%swap3A_49], %broadcast_in_dim3A_48 {strides = array<i32>} : memref<288xi32, #tpu.memory_space<vmem>>, vector<16xi32>,
    %broadcast_in_dim3A_51 = arith.constant 0 : i32
    %broadcast_in_dim3A_52 = vector.broadcast %broadcast_in_dim3A_51 : i32 to vector<16xi32>
    %swap3A_53 = arith.constant 192 : index
    %swap3A_54 = tpu.vector_load %arg9[%swap3A_53] {strides = array<i32>} : memref<288xi32, #tpu.memory_space<vmem>>, vector<16xi32>,
    tpu.vector_store %arg9[%swap3A_53], %broadcast_in_dim3A_52 {strides = array<i32>} : memref<288xi32, #tpu.memory_space<vmem>>, vector<16xi32>,
    %broadcast_in_dim3A_55 = arith.constant 0 : i32
    %broadcast_in_dim3A_56 = vector.broadcast %broadcast_in_dim3A_55 : i32 to vector<16xi32>
    %swap3A_57 = arith.constant 208 : index
    %swap3A_58 = tpu.vector_load %arg9[%swap3A_57] {strides = array<i32>} : memref<288xi32, #tpu.memory_space<vmem>>, vector<16xi32>,
    tpu.vector_store %arg9[%swap3A_57], %broadcast_in_dim3A_56 {strides = array<i32>} : memref<288xi32, #tpu.memory_space<vmem>>, vector<16xi32>,
    %broadcast_in_dim3A_59 = arith.constant 0 : i32
    %broadcast_in_dim3A_60 = vector.broadcast %broadcast_in_dim3A_59 : i32 to vector<16xi32>
    %swap3A_61 = arith.constant 224 : index
    %swap3A_62 = tpu.vector_load %arg9[%swap3A_61] {strides = array<i32>} : memref<288xi32, #tpu.memory_space<vmem>>, vector<16xi32>,
    tpu.vector_store %arg9[%swap3A_61], %broadcast_in_dim3A_60 {strides = array<i32>} : memref<288xi32, #tpu.memory_space<vmem>>, vector<16xi32>,
    %broadcast_in_dim3A_63 = arith.constant 0 : i32
    %broadcast_in_dim3A_64 = vector.broadcast %broadcast_in_dim3A_63 : i32 to vector<16xi32>
    %swap3A_65 = arith.constant 240 : index
    %swap3A_66 = tpu.vector_load %arg9[%swap3A_65] {strides = array<i32>} : memref<288xi32, #tpu.memory_space<vmem>>, vector<16xi32>,
    tpu.vector_store %arg9[%swap3A_65], %broadcast_in_dim3A_64 {strides = array<i32>} : memref<288xi32, #tpu.memory_space<vmem>>, vector<16xi32>,
    %broadcast_in_dim3A_67 = arith.constant 0 : i32
    %broadcast_in_dim3A_68 = vector.broadcast %broadcast_in_dim3A_67 : i32 to vector<16xi32>
    %swap3A_69 = arith.constant 256 : index
    %swap3A_70 = tpu.vector_load %arg9[%swap3A_69] {strides = array<i32>} : memref<288xi32, #tpu.memory_space<vmem>>, vector<16xi32>,
    tpu.vector_store %arg9[%swap3A_69], %broadcast_in_dim3A_68 {strides = array<i32>} : memref<288xi32, #tpu.memory_space<vmem>>, vector<16xi32>,
    %broadcast_in_dim3A_71 = arith.constant 0 : i32
    %broadcast_in_dim3A_72 = vector.broadcast %broadcast_in_dim3A_71 : i32 to vector<16xi32>
    %swap3A_73 = arith.constant 272 : index
    %swap3A_74 = tpu.vector_load %arg9[%swap3A_73] {strides = array<i32>} : memref<288xi32, #tpu.memory_space<vmem>>, vector<16xi32>,
    tpu.vector_store %arg9[%swap3A_73], %broadcast_in_dim3A_72 {strides = array<i32>} : memref<288xi32, #tpu.memory_space<vmem>>, vector<16xi32>,
    %scan3A = arith.constant 0 : i32
    %scan3A_75 = arith.constant 0 : i32
    %scan3A_76 = arith.constant 100 : i32
    %scan3A_77 = arith.addi %scan3A_75, %scan3A_76 : i32
    %scan3A_78 = arith.constant 1 : i32
    %scan3A_79 = scf.for %scan3A_115 = %scan3A_75 to %scan3A_77 step %scan3A_78 iter_args(%scan3A_116 = %scan3A) -> (i32)  : i32 {
      %mul3A_117 = arith.constant 1600 : i32
      %mul3A_118 = arith.muli %scan3A_115, %mul3A_117 : i32
      "tpu.region"() ({
        %run_scoped3A = tpu.sem_alloc : memref<!tpu.dma_semaphore, #tpu.memory_space<semaphore_mem>>
        %dma_start3A_125 = arith.constant 0 : i32
        %dma_start3A_126 = tpu.memref_slice %arg8[%dma_start3A_125] : memref<1616xi32, #tpu.memory_space<vmem>> -> memref<1600xi32, #tpu.memory_space<vmem>>
        %dma_start3A_127 = tpu.memref_slice %arg3[%mul3A_118] : memref<160000xi32, #tpu.memory_space<hbm>> -> memref<1600xi32, #tpu.memory_space<hbm>>
        %dma_start3A_128 = arith.constant 0 : i32
        %dma_start3A_129 = tpu.memref_slice %arg8[%dma_start3A_128] : memref<1616xi32, #tpu.memory_space<vmem>> -> memref<1600xi32, #tpu.memory_space<vmem>>
        %dma_start3A_130 = tpu.memref_slice %arg3[%mul3A_118] : memref<160000xi32, #tpu.memory_space<hbm>> -> memref<1600xi32, #tpu.memory_space<hbm>>
        tpu.enqueue_dma source(%dma_start3A_130 : memref<1600xi32, #tpu.memory_space<hbm>>) target(%dma_start3A_129 : memref<1600xi32, #tpu.memory_space<vmem>>) target_semaphore(%run_scoped3A : memref<!tpu.dma_semaphore, #tpu.memory_space<semaphore_mem>>)
        %dma_wait3A_131 = arith.constant 0 : i32
        %dma_wait3A_132 = tpu.memref_slice %arg8[%dma_wait3A_131] : memref<1616xi32, #tpu.memory_space<vmem>> -> memref<1600xi32, #tpu.memory_space<vmem>>
        %dma_wait3A_133 = tpu.memref_slice %arg3[%mul3A_118] : memref<160000xi32, #tpu.memory_space<hbm>> -> memref<1600xi32, #tpu.memory_space<hbm>>
        %dma_wait3A_134 = arith.constant 0 : i32
        %dma_wait3A_135 = tpu.memref_slice %arg8[%dma_wait3A_134] : memref<1616xi32, #tpu.memory_space<vmem>> -> memref<1600xi32, #tpu.memory_space<vmem>>
        %dma_wait3A_136 = tpu.memref_slice %arg3[%mul3A_118] : memref<160000xi32, #tpu.memory_space<hbm>> -> memref<1600xi32, #tpu.memory_space<hbm>>
        tpu.wait_dma2 semaphore(%run_scoped3A : memref<!tpu.dma_semaphore, #tpu.memory_space<semaphore_mem>>) src(%dma_wait3A_136 : memref<1600xi32, #tpu.memory_space<hbm>>) dst(%dma_wait3A_135 : memref<1600xi32, #tpu.memory_space<vmem>>)
        tpu.yield
      }) : () -> ()
      %scan3A_119 = arith.constant 0 : i32
      %scan3A_120 = arith.constant 25 : i32
      %scan3A_121 = arith.addi %scan3A_119, %scan3A_120 : i32
      %scan3A_122 = arith.constant 1 : i32
      %scan3A_123 = scf.for %scan3A_125 = %scan3A_119 to %scan3A_121 step %scan3A_122 iter_args(%scan3A_126 = %scan3A_116) -> (i32)  : i32 {
        %mul3A_127 = arith.constant 64 : i32
        %mul3A_128 = arith.muli %scan3A_125, %mul3A_127 : i32
        %add3A_129 = arith.addi %mul3A_118, %mul3A_128 : i32
        %mul3A_130 = arith.constant 64 : i32
        %mul3A_131 = arith.muli %scan3A_125, %mul3A_130 : i32
        %add3A_132 = arith.constant 0 : i32
        %add3A_133 = arith.addi %mul3A_131, %add3A_132 : i32
        %get3A = arith.index_cast %add3A_133 : i32 to index
        %get3A_134 = tpu.vector_load %arg8[%get3A] {strides = array<i32>} : memref<1616xi32, #tpu.memory_space<vmem>>, vector<16xi32>,
        %sub3A = vector.broadcast %mul3A_3 : i32 to vector<16xi32>
        %sub3A_135 = arith.subi %get3A_134, %sub3A : vector<16xi32>
        %lt3A = vector.broadcast %select_n3A : i32 to vector<16xi32>
        %lt3A_136 = arith.cmpi ult, %sub3A_135, %lt3A : vector<16xi32>
        %add3A_137 = arith.constant 0 : i32
        %add3A_138 = arith.addi %add3A_129, %add3A_137 : i32
        %iota3A = tpu.iota {dimensions = array<i32: 0>} : vector<16xi32>
        %add3A_139 = vector.broadcast %add3A_138 : i32 to vector<16xi32>
        %add3A_140 = arith.addi %add3A_139, %iota3A : vector<16xi32>
        %swap3A_141 = arith.index_cast %scan3A_126 : i32 to index
        %swap3A_142 = tpu.vector_load %arg9[%swap3A_141] masked %lt3A_136 {strides = array<i32>} : memref<288xi32, #tpu.memory_space<vmem>>, vector<16xi32>, vector<16xi1>
        tpu.vector_store %arg9[%swap3A_141], %add3A_140 masked %lt3A_136 {strides = array<i32>} : memref<288xi32, #tpu.memory_space<vmem>>, vector<16xi32>, vector<16xi1>
        %all_reduce_population_count3A = tpu.all_reduce %lt3A_136 {dim = 0 : i64, kind = #tpu.reduction_kind<sum>} : vector<16xi1> -> vector<16xi32>
        %slice3A = vector.extract_strided_slice %all_reduce_population_count3A {offsets = [0], sizes = [1], strides = [1]} : vector<16xi32> to vector<1xi32>
        %squeeze3A = vector.extract %slice3A[0] : i32 from vector<1xi32>
        %add3A_143 = arith.addi %scan3A_126, %squeeze3A : i32
        %mul3A_144 = arith.constant 64 : i32
        %mul3A_145 = arith.muli %scan3A_125, %mul3A_144 : i32
        %add3A_146 = arith.constant 16 : i32
        %add3A_147 = arith.addi %mul3A_145, %add3A_146 : i32
        %get3A_148 = arith.index_cast %add3A_147 : i32 to index
        %get3A_149 = tpu.vector_load %arg8[%get3A_148] {strides = array<i32>} : memref<1616xi32, #tpu.memory_space<vmem>>, vector<16xi32>,
        %sub3A_150 = vector.broadcast %mul3A_3 : i32 to vector<16xi32>
        %sub3A_151 = arith.subi %get3A_149, %sub3A_150 : vector<16xi32>
        %lt3A_152 = vector.broadcast %select_n3A : i32 to vector<16xi32>
        %lt3A_153 = arith.cmpi ult, %sub3A_151, %lt3A_152 : vector<16xi32>
        %add3A_154 = arith.constant 16 : i32
        %add3A_155 = arith.addi %add3A_129, %add3A_154 : i32
        %iota3A_156 = tpu.iota {dimensions = array<i32: 0>} : vector<16xi32>
        %add3A_157 = vector.broadcast %add3A_155 : i32 to vector<16xi32>
        %add3A_158 = arith.addi %add3A_157, %iota3A_156 : vector<16xi32>
        %swap3A_159 = arith.index_cast %add3A_143 : i32 to index
        %swap3A_160 = tpu.vector_load %arg9[%swap3A_159] masked %lt3A_153 {strides = array<i32>} : memref<288xi32, #tpu.memory_space<vmem>>, vector<16xi32>, vector<16xi1>
        tpu.vector_store %arg9[%swap3A_159], %add3A_158 masked %lt3A_153 {strides = array<i32>} : memref<288xi32, #tpu.memory_space<vmem>>, vector<16xi32>, vector<16xi1>
        %all_reduce_population_count3A_161 = tpu.all_reduce %lt3A_153 {dim = 0 : i64, kind = #tpu.reduction_kind<sum>} : vector<16xi1> -> vector<16xi32>
        %slice3A_162 = vector.extract_strided_slice %all_reduce_population_count3A_161 {offsets = [0], sizes = [1], strides = [1]} : vector<16xi32> to vector<1xi32>
        %squeeze3A_163 = vector.extract %slice3A_162[0] : i32 from vector<1xi32>
        %add3A_164 = arith.addi %add3A_143, %squeeze3A_163 : i32
        %mul3A_165 = arith.constant 64 : i32
        %mul3A_166 = arith.muli %scan3A_125, %mul3A_165 : i32
        %add3A_167 = arith.constant 32 : i32
        %add3A_168 = arith.addi %mul3A_166, %add3A_167 : i32
        %get3A_169 = arith.index_cast %add3A_168 : i32 to index
        %get3A_170 = tpu.vector_load %arg8[%get3A_169] {strides = array<i32>} : memref<1616xi32, #tpu.memory_space<vmem>>, vector<16xi32>,
        %sub3A_171 = vector.broadcast %mul3A_3 : i32 to vector<16xi32>
        %sub3A_172 = arith.subi %get3A_170, %sub3A_171 : vector<16xi32>
        %lt3A_173 = vector.broadcast %select_n3A : i32 to vector<16xi32>
        %lt3A_174 = arith.cmpi ult, %sub3A_172, %lt3A_173 : vector<16xi32>
        %add3A_175 = arith.constant 32 : i32
        %add3A_176 = arith.addi %add3A_129, %add3A_175 : i32
        %iota3A_177 = tpu.iota {dimensions = array<i32: 0>} : vector<16xi32>
        %add3A_178 = vector.broadcast %add3A_176 : i32 to vector<16xi32>
        %add3A_179 = arith.addi %add3A_178, %iota3A_177 : vector<16xi32>
        %swap3A_180 = arith.index_cast %add3A_164 : i32 to index
        %swap3A_181 = tpu.vector_load %arg9[%swap3A_180] masked %lt3A_174 {strides = array<i32>} : memref<288xi32, #tpu.memory_space<vmem>>, vector<16xi32>, vector<16xi1>
        tpu.vector_store %arg9[%swap3A_180], %add3A_179 masked %lt3A_174 {strides = array<i32>} : memref<288xi32, #tpu.memory_space<vmem>>, vector<16xi32>, vector<16xi1>
        %all_reduce_population_count3A_182 = tpu.all_reduce %lt3A_174 {dim = 0 : i64, kind = #tpu.reduction_kind<sum>} : vector<16xi1> -> vector<16xi32>
        %slice3A_183 = vector.extract_strided_slice %all_reduce_population_count3A_182 {offsets = [0], sizes = [1], strides = [1]} : vector<16xi32> to vector<1xi32>
        %squeeze3A_184 = vector.extract %slice3A_183[0] : i32 from vector<1xi32>
        %add3A_185 = arith.addi %add3A_164, %squeeze3A_184 : i32
        %mul3A_186 = arith.constant 64 : i32
        %mul3A_187 = arith.muli %scan3A_125, %mul3A_186 : i32
        %add3A_188 = arith.constant 48 : i32
        %add3A_189 = arith.addi %mul3A_187, %add3A_188 : i32
        %get3A_190 = arith.index_cast %add3A_189 : i32 to index
        %get3A_191 = tpu.vector_load %arg8[%get3A_190] {strides = array<i32>} : memref<1616xi32, #tpu.memory_space<vmem>>, vector<16xi32>,
        %sub3A_192 = vector.broadcast %mul3A_3 : i32 to vector<16xi32>
        %sub3A_193 = arith.subi %get3A_191, %sub3A_192 : vector<16xi32>
        %lt3A_194 = vector.broadcast %select_n3A : i32 to vector<16xi32>
        %lt3A_195 = arith.cmpi ult, %sub3A_193, %lt3A_194 : vector<16xi32>
        %add3A_196 = arith.constant 48 : i32
        %add3A_197 = arith.addi %add3A_129, %add3A_196 : i32
        %iota3A_198 = tpu.iota {dimensions = array<i32: 0>} : vector<16xi32>
        %add3A_199 = vector.broadcast %add3A_197 : i32 to vector<16xi32>
        %add3A_200 = arith.addi %add3A_199, %iota3A_198 : vector<16xi32>
        %swap3A_201 = arith.index_cast %add3A_185 : i32 to index
        %swap3A_202 = tpu.vector_load %arg9[%swap3A_201] masked %lt3A_195 {strides = array<i32>} : memref<288xi32, #tpu.memory_space<vmem>>, vector<16xi32>, vector<16xi1>
        tpu.vector_store %arg9[%swap3A_201], %add3A_200 masked %lt3A_195 {strides = array<i32>} : memref<288xi32, #tpu.memory_space<vmem>>, vector<16xi32>, vector<16xi1>
        %all_reduce_population_count3A_203 = tpu.all_reduce %lt3A_195 {dim = 0 : i64, kind = #tpu.reduction_kind<sum>} : vector<16xi1> -> vector<16xi32>
        %slice3A_204 = vector.extract_strided_slice %all_reduce_population_count3A_203 {offsets = [0], sizes = [1], strides = [1]} : vector<16xi32> to vector<1xi32>
        %squeeze3A_205 = vector.extract %slice3A_204[0] : i32 from vector<1xi32>
        %add3A_206 = arith.addi %add3A_185, %squeeze3A_205 : i32
        %ge3A = arith.constant 128 : i32
        %ge3A_207 = arith.cmpi sge, %add3A_206, %ge3A : i32
        %convert_element_type3A_208 = arith.extui %ge3A_207 : i1 to i32
        %cond3A_209 = arith.constant 0 : i32
        %cond3A_210 = arith.cmpi ne, %convert_element_type3A_208, %cond3A_209 : i32
        scf.if %cond3A_210 {
          %dma_start3A_216 = arith.constant 0 : i32
          %dma_start3A_217 = tpu.memref_slice %arg9[%dma_start3A_216] : memref<288xi32, #tpu.memory_space<vmem>> -> memref<128xi32, #tpu.memory_space<vmem>>
          %dma_start3A_218 = arith.constant 0 : i32
          %dma_start3A_219 = arith.constant 0 : i32
          %dma_start3A_220 = tpu.memref_slice %arg2[%dma_start3A_218, %dma_start3A_219] : memref<160000x256xf32, #tpu.memory_space<hbm>> -> memref<160000x256xf32, #tpu.memory_space<hbm>>
          tpu.enqueue_indirect_dma source(%dma_start3A_220 : memref<160000x256xf32, #tpu.memory_space<hbm>>) target(%arg7 : memref<128x256xf32, #tpu.memory_space<vmem>>) offsets(%dma_start3A_217 : memref<128xi32, #tpu.memory_space<vmem>>) semaphore(%arg11 : memref<!tpu.dma_semaphore, #tpu.memory_space<semaphore_mem>>)
          %dma_start3A_221 = arith.constant 0 : i32
          %dma_start3A_222 = tpu.memref_slice %arg10[%dma_start3A_221] : memref<288xi32, #tpu.memory_space<vmem>> -> memref<128xi32, #tpu.memory_space<vmem>>
          %dma_start3A_223 = arith.constant 0 : i32
          %dma_start3A_224 = tpu.memref_slice %arg9[%dma_start3A_223] : memref<288xi32, #tpu.memory_space<vmem>> -> memref<128xi32, #tpu.memory_space<vmem>>
          %dma_start3A_225 = arith.constant 0 : i32
          %dma_start3A_226 = tpu.memref_slice %arg3[%dma_start3A_225] : memref<160000xi32, #tpu.memory_space<hbm>> -> memref<160000xi32, #tpu.memory_space<hbm>>
          tpu.enqueue_indirect_dma source(%dma_start3A_226 : memref<160000xi32, #tpu.memory_space<hbm>>) target(%dma_start3A_222 : memref<128xi32, #tpu.memory_space<vmem>>) offsets(%dma_start3A_224 : memref<128xi32, #tpu.memory_space<vmem>>) semaphore(%arg12 : memref<!tpu.dma_semaphore, #tpu.memory_space<semaphore_mem>>)
          %dma_wait3A_227 = arith.constant 0 : i32
          %dma_wait3A_228 = tpu.memref_slice %arg9[%dma_wait3A_227] : memref<288xi32, #tpu.memory_space<vmem>> -> memref<128xi32, #tpu.memory_space<vmem>>
          %dma_wait3A_229 = arith.constant 0 : i32
          %dma_wait3A_230 = arith.constant 0 : i32
          %dma_wait3A_231 = tpu.memref_slice %arg2[%dma_wait3A_229, %dma_wait3A_230] : memref<160000x256xf32, #tpu.memory_space<hbm>> -> memref<160000x256xf32, #tpu.memory_space<hbm>>
          tpu.wait_indirect_dma semaphore(%arg11 : memref<!tpu.dma_semaphore, #tpu.memory_space<semaphore_mem>>) src(%dma_wait3A_231 : memref<160000x256xf32, #tpu.memory_space<hbm>>) dst(%arg7 : memref<128x256xf32, #tpu.memory_space<vmem>>)
          %dma_wait3A_232 = arith.constant 0 : i32
          %dma_wait3A_233 = tpu.memref_slice %arg10[%dma_wait3A_232] : memref<288xi32, #tpu.memory_space<vmem>> -> memref<128xi32, #tpu.memory_space<vmem>>
          %dma_wait3A_234 = arith.constant 0 : i32
          %dma_wait3A_235 = tpu.memref_slice %arg9[%dma_wait3A_234] : memref<288xi32, #tpu.memory_space<vmem>> -> memref<128xi32, #tpu.memory_space<vmem>>
          %dma_wait3A_236 = arith.constant 0 : i32
          %dma_wait3A_237 = tpu.memref_slice %arg3[%dma_wait3A_236] : memref<160000xi32, #tpu.memory_space<hbm>> -> memref<160000xi32, #tpu.memory_space<hbm>>
          tpu.wait_indirect_dma semaphore(%arg12 : memref<!tpu.dma_semaphore, #tpu.memory_space<semaphore_mem>>) src(%dma_wait3A_237 : memref<160000xi32, #tpu.memory_space<hbm>>) dst(%dma_wait3A_233 : memref<128xi32, #tpu.memory_space<vmem>>)
          %scan3A_238 = arith.constant 0 : i32
          %scan3A_239 = arith.constant 0 : i32
          %scan3A_240 = arith.constant 128 : i32
          %scan3A_241 = arith.addi %scan3A_239, %scan3A_240 : i32
          %scan3A_242 = arith.constant 1 : i32
          scf.for %scan3A_260 = %scan3A_239 to %scan3A_241 step %scan3A_242  : i32 {
            %get3A_261 = arith.index_cast %scan3A_260 : i32 to index
            %get3A_262 = tpu.vector_load %arg10[%get3A_261] {strides = array<i32>} : memref<288xi32, #tpu.memory_space<vmem>>, vector<16xi32>,
            %slice3A_263 = vector.extract_strided_slice %get3A_262 {offsets = [0], sizes = [1], strides = [1]} : vector<16xi32> to vector<1xi32>
            %squeeze3A_264 = vector.extract %slice3A_263[0] : i32 from vector<1xi32>
            %sub3A_265 = arith.subi %squeeze3A_264, %mul3A_3 : i32
            %get3A_266 = arith.index_cast %scan3A_260 : i32 to index
            %get3A_267 = arith.constant 0 : index
            %get3A_268 = tpu.vector_load %arg7[%get3A_266, %get3A_267] {strides = array<i32>} : memref<128x256xf32, #tpu.memory_space<vmem>>, vector<16xf32>,
            %swap3A_269 = arith.index_cast %sub3A_265 : i32 to index
            %swap3A_270 = arith.constant 0 : index
            %swap3A_271 = tpu.vector_load %arg6[%swap3A_269, %swap3A_270] {strides = array<i32>} : memref<328x256xf32, #tpu.memory_space<vmem>>, vector<16xf32>,
            tpu.vector_store %arg6[%swap3A_269, %swap3A_270], %get3A_268 {add = true, strides = array<i32>} : memref<328x256xf32, #tpu.memory_space<vmem>>, vector<16xf32>,
            %get3A_272 = arith.index_cast %scan3A_260 : i32 to index
            %get3A_273 = arith.constant 16 : index
            %get3A_274 = tpu.vector_load %arg7[%get3A_272, %get3A_273] {strides = array<i32>} : memref<128x256xf32, #tpu.memory_space<vmem>>, vector<16xf32>,
            %swap3A_275 = arith.index_cast %sub3A_265 : i32 to index
            %swap3A_276 = arith.constant 16 : index
            %swap3A_277 = tpu.vector_load %arg6[%swap3A_275, %swap3A_276] {strides = array<i32>} : memref<328x256xf32, #tpu.memory_space<vmem>>, vector<16xf32>,
            tpu.vector_store %arg6[%swap3A_275, %swap3A_276], %get3A_274 {add = true, strides = array<i32>} : memref<328x256xf32, #tpu.memory_space<vmem>>, vector<16xf32>,
            %get3A_278 = arith.index_cast %scan3A_260 : i32 to index
            %get3A_279 = arith.constant 32 : index
            %get3A_280 = tpu.vector_load %arg7[%get3A_278, %get3A_279] {strides = array<i32>} : memref<128x256xf32, #tpu.memory_space<vmem>>, vector<16xf32>,
            %swap3A_281 = arith.index_cast %sub3A_265 : i32 to index
            %swap3A_282 = arith.constant 32 : index
            %swap3A_283 = tpu.vector_load %arg6[%swap3A_281, %swap3A_282] {strides = array<i32>} : memref<328x256xf32, #tpu.memory_space<vmem>>, vector<16xf32>,
            tpu.vector_store %arg6[%swap3A_281, %swap3A_282], %get3A_280 {add = true, strides = array<i32>} : memref<328x256xf32, #tpu.memory_space<vmem>>, vector<16xf32>,
            %get3A_284 = arith.index_cast %scan3A_260 : i32 to index
            %get3A_285 = arith.constant 48 : index
            %get3A_286 = tpu.vector_load %arg7[%get3A_284, %get3A_285] {strides = array<i32>} : memref<128x256xf32, #tpu.memory_space<vmem>>, vector<16xf32>,
            %swap3A_287 = arith.index_cast %sub3A_265 : i32 to index
            %swap3A_288 = arith.constant 48 : index
            %swap3A_289 = tpu.vector_load %arg6[%swap3A_287, %swap3A_288] {strides = array<i32>} : memref<328x256xf32, #tpu.memory_space<vmem>>, vector<16xf32>,
            tpu.vector_store %arg6[%swap3A_287, %swap3A_288], %get3A_286 {add = true, strides = array<i32>} : memref<328x256xf32, #tpu.memory_space<vmem>>, vector<16xf32>,
            %get3A_290 = arith.index_cast %scan3A_260 : i32 to index
            %get3A_291 = arith.constant 64 : index
            %get3A_292 = tpu.vector_load %arg7[%get3A_290, %get3A_291] {strides = array<i32>} : memref<128x256xf32, #tpu.memory_space<vmem>>, vector<16xf32>,
            %swap3A_293 = arith.index_cast %sub3A_265 : i32 to index
            %swap3A_294 = arith.constant 64 : index
            %swap3A_295 = tpu.vector_load %arg6[%swap3A_293, %swap3A_294] {strides = array<i32>} : memref<328x256xf32, #tpu.memory_space<vmem>>, vector<16xf32>,
            tpu.vector_store %arg6[%swap3A_293, %swap3A_294], %get3A_292 {add = true, strides = array<i32>} : memref<328x256xf32, #tpu.memory_space<vmem>>, vector<16xf32>,
            %get3A_296 = arith.index_cast %scan3A_260 : i32 to index
            %get3A_297 = arith.constant 80 : index
            %get3A_298 = tpu.vector_load %arg7[%get3A_296, %get3A_297] {strides = array<i32>} : memref<128x256xf32, #tpu.memory_space<vmem>>, vector<16xf32>,
            %swap3A_299 = arith.index_cast %sub3A_265 : i32 to index
            %swap3A_300 = arith.constant 80 : index
            %swap3A_301 = tpu.vector_load %arg6[%swap3A_299, %swap3A_300] {strides = array<i32>} : memref<328x256xf32, #tpu.memory_space<vmem>>, vector<16xf32>,
            tpu.vector_store %arg6[%swap3A_299, %swap3A_300], %get3A_298 {add = true, strides = array<i32>} : memref<328x256xf32, #tpu.memory_space<vmem>>, vector<16xf32>,
            %get3A_302 = arith.index_cast %scan3A_260 : i32 to index
            %get3A_303 = arith.constant 96 : index
            %get3A_304 = tpu.vector_load %arg7[%get3A_302, %get3A_303] {strides = array<i32>} : memref<128x256xf32, #tpu.memory_space<vmem>>, vector<16xf32>,
            %swap3A_305 = arith.index_cast %sub3A_265 : i32 to index
            %swap3A_306 = arith.constant 96 : index
            %swap3A_307 = tpu.vector_load %arg6[%swap3A_305, %swap3A_306] {strides = array<i32>} : memref<328x256xf32, #tpu.memory_space<vmem>>, vector<16xf32>,
            tpu.vector_store %arg6[%swap3A_305, %swap3A_306], %get3A_304 {add = true, strides = array<i32>} : memref<328x256xf32, #tpu.memory_space<vmem>>, vector<16xf32>,
            %get3A_308 = arith.index_cast %scan3A_260 : i32 to index
            %get3A_309 = arith.constant 112 : index
            %get3A_310 = tpu.vector_load %arg7[%get3A_308, %get3A_309] {strides = array<i32>} : memref<128x256xf32, #tpu.memory_space<vmem>>, vector<16xf32>,
            %swap3A_311 = arith.index_cast %sub3A_265 : i32 to index
            %swap3A_312 = arith.constant 112 : index
            %swap3A_313 = tpu.vector_load %arg6[%swap3A_311, %swap3A_312] {strides = array<i32>} : memref<328x256xf32, #tpu.memory_space<vmem>>, vector<16xf32>,
            tpu.vector_store %arg6[%swap3A_311, %swap3A_312], %get3A_310 {add = true, strides = array<i32>} : memref<328x256xf32, #tpu.memory_space<vmem>>, vector<16xf32>,
            %get3A_314 = arith.index_cast %scan3A_260 : i32 to index
            %get3A_315 = arith.constant 128 : index
            %get3A_316 = tpu.vector_load %arg7[%get3A_314, %get3A_315] {strides = array<i32>} : memref<128x256xf32, #tpu.memory_space<vmem>>, vector<16xf32>,
            %swap3A_317 = arith.index_cast %sub3A_265 : i32 to index
            %swap3A_318 = arith.constant 128 : index
            %swap3A_319 = tpu.vector_load %arg6[%swap3A_317, %swap3A_318] {strides = array<i32>} : memref<328x256xf32, #tpu.memory_space<vmem>>, vector<16xf32>,
            tpu.vector_store %arg6[%swap3A_317, %swap3A_318], %get3A_316 {add = true, strides = array<i32>} : memref<328x256xf32, #tpu.memory_space<vmem>>, vector<16xf32>,
            %get3A_320 = arith.index_cast %scan3A_260 : i32 to index
            %get3A_321 = arith.constant 144 : index
            %get3A_322 = tpu.vector_load %arg7[%get3A_320, %get3A_321] {strides = array<i32>} : memref<128x256xf32, #tpu.memory_space<vmem>>, vector<16xf32>,
            %swap3A_323 = arith.index_cast %sub3A_265 : i32 to index
            %swap3A_324 = arith.constant 144 : index
            %swap3A_325 = tpu.vector_load %arg6[%swap3A_323, %swap3A_324] {strides = array<i32>} : memref<328x256xf32, #tpu.memory_space<vmem>>, vector<16xf32>,
            tpu.vector_store %arg6[%swap3A_323, %swap3A_324], %get3A_322 {add = true, strides = array<i32>} : memref<328x256xf32, #tpu.memory_space<vmem>>, vector<16xf32>,
            %get3A_326 = arith.index_cast %scan3A_260 : i32 to index
            %get3A_327 = arith.constant 160 : index
            %get3A_328 = tpu.vector_load %arg7[%get3A_326, %get3A_327] {strides = array<i32>} : memref<128x256xf32, #tpu.memory_space<vmem>>, vector<16xf32>,
            %swap3A_329 = arith.index_cast %sub3A_265 : i32 to index
            %swap3A_330 = arith.constant 160 : index
            %swap3A_331 = tpu.vector_load %arg6[%swap3A_329, %swap3A_330] {strides = array<i32>} : memref<328x256xf32, #tpu.memory_space<vmem>>, vector<16xf32>,
            tpu.vector_store %arg6[%swap3A_329, %swap3A_330], %get3A_328 {add = true, strides = array<i32>} : memref<328x256xf32, #tpu.memory_space<vmem>>, vector<16xf32>,
            %get3A_332 = arith.index_cast %scan3A_260 : i32 to index
            %get3A_333 = arith.constant 176 : index
            %get3A_334 = tpu.vector_load %arg7[%get3A_332, %get3A_333] {strides = array<i32>} : memref<128x256xf32, #tpu.memory_space<vmem>>, vector<16xf32>,
            %swap3A_335 = arith.index_cast %sub3A_265 : i32 to index
            %swap3A_336 = arith.constant 176 : index
            %swap3A_337 = tpu.vector_load %arg6[%swap3A_335, %swap3A_336] {strides = array<i32>} : memref<328x256xf32, #tpu.memory_space<vmem>>, vector<16xf32>,
            tpu.vector_store %arg6[%swap3A_335, %swap3A_336], %get3A_334 {add = true, strides = array<i32>} : memref<328x256xf32, #tpu.memory_space<vmem>>, vector<16xf32>,
            %get3A_338 = arith.index_cast %scan3A_260 : i32 to index
            %get3A_339 = arith.constant 192 : index
            %get3A_340 = tpu.vector_load %arg7[%get3A_338, %get3A_339] {strides = array<i32>} : memref<128x256xf32, #tpu.memory_space<vmem>>, vector<16xf32>,
            %swap3A_341 = arith.index_cast %sub3A_265 : i32 to index
            %swap3A_342 = arith.constant 192 : index
            %swap3A_343 = tpu.vector_load %arg6[%swap3A_341, %swap3A_342] {strides = array<i32>} : memref<328x256xf32, #tpu.memory_space<vmem>>, vector<16xf32>,
            tpu.vector_store %arg6[%swap3A_341, %swap3A_342], %get3A_340 {add = true, strides = array<i32>} : memref<328x256xf32, #tpu.memory_space<vmem>>, vector<16xf32>,
            %get3A_344 = arith.index_cast %scan3A_260 : i32 to index
            %get3A_345 = arith.constant 208 : index
            %get3A_346 = tpu.vector_load %arg7[%get3A_344, %get3A_345] {strides = array<i32>} : memref<128x256xf32, #tpu.memory_space<vmem>>, vector<16xf32>,
            %swap3A_347 = arith.index_cast %sub3A_265 : i32 to index
            %swap3A_348 = arith.constant 208 : index
            %swap3A_349 = tpu.vector_load %arg6[%swap3A_347, %swap3A_348] {strides = array<i32>} : memref<328x256xf32, #tpu.memory_space<vmem>>, vector<16xf32>,
            tpu.vector_store %arg6[%swap3A_347, %swap3A_348], %get3A_346 {add = true, strides = array<i32>} : memref<328x256xf32, #tpu.memory_space<vmem>>, vector<16xf32>,
            %get3A_350 = arith.index_cast %scan3A_260 : i32 to index
            %get3A_351 = arith.constant 224 : index
            %get3A_352 = tpu.vector_load %arg7[%get3A_350, %get3A_351] {strides = array<i32>} : memref<128x256xf32, #tpu.memory_space<vmem>>, vector<16xf32>,
            %swap3A_353 = arith.index_cast %sub3A_265 : i32 to index
            %swap3A_354 = arith.constant 224 : index
            %swap3A_355 = tpu.vector_load %arg6[%swap3A_353, %swap3A_354] {strides = array<i32>} : memref<328x256xf32, #tpu.memory_space<vmem>>, vector<16xf32>,
            tpu.vector_store %arg6[%swap3A_353, %swap3A_354], %get3A_352 {add = true, strides = array<i32>} : memref<328x256xf32, #tpu.memory_space<vmem>>, vector<16xf32>,
            %get3A_356 = arith.index_cast %scan3A_260 : i32 to index
            %get3A_357 = arith.constant 240 : index
            %get3A_358 = tpu.vector_load %arg7[%get3A_356, %get3A_357] {strides = array<i32>} : memref<128x256xf32, #tpu.memory_space<vmem>>, vector<16xf32>,
            %swap3A_359 = arith.index_cast %sub3A_265 : i32 to index
            %swap3A_360 = arith.constant 240 : index
            %swap3A_361 = tpu.vector_load %arg6[%swap3A_359, %swap3A_360] {strides = array<i32>} : memref<328x256xf32, #tpu.memory_space<vmem>>, vector<16xf32>,
            tpu.vector_store %arg6[%swap3A_359, %swap3A_360], %get3A_358 {add = true, strides = array<i32>} : memref<328x256xf32, #tpu.memory_space<vmem>>, vector<16xf32>,
          }
          %scan3A_243 = arith.constant 128 : i32
          %get3A_244 = arith.constant 128 : index
          %get3A_245 = tpu.vector_load %arg9[%get3A_244] {strides = array<i32>} : memref<288xi32, #tpu.memory_space<vmem>>, vector<16xi32>,
          %swap3A_246 = arith.constant 0 : index
          %swap3A_247 = tpu.vector_load %arg9[%swap3A_246] {strides = array<i32>} : memref<288xi32, #tpu.memory_space<vmem>>, vector<16xi32>,
          tpu.vector_store %arg9[%swap3A_246], %get3A_245 {strides = array<i32>} : memref<288xi32, #tpu.memory_space<vmem>>, vector<16xi32>,
          %get3A_248 = arith.constant 144 : index
          %get3A_249 = tpu.vector_load %arg9[%get3A_248] {strides = array<i32>} : memref<288xi32, #tpu.memory_space<vmem>>, vector<16xi32>,
          %swap3A_250 = arith.constant 16 : index
          %swap3A_251 = tpu.vector_load %arg9[%swap3A_250] {strides = array<i32>} : memref<288xi32, #tpu.memory_space<vmem>>, vector<16xi32>,
          tpu.vector_store %arg9[%swap3A_250], %get3A_249 {strides = array<i32>} : memref<288xi32, #tpu.memory_space<vmem>>, vector<16xi32>,
          %get3A_252 = arith.constant 160 : index
          %get3A_253 = tpu.vector_load %arg9[%get3A_252] {strides = array<i32>} : memref<288xi32, #tpu.memory_space<vmem>>, vector<16xi32>,
          %swap3A_254 = arith.constant 32 : index
          %swap3A_255 = tpu.vector_load %arg9[%swap3A_254] {strides = array<i32>} : memref<288xi32, #tpu.memory_space<vmem>>, vector<16xi32>,
          tpu.vector_store %arg9[%swap3A_254], %get3A_253 {strides = array<i32>} : memref<288xi32, #tpu.memory_space<vmem>>, vector<16xi32>,
          %get3A_256 = arith.constant 176 : index
          %get3A_257 = tpu.vector_load %arg9[%get3A_256] {strides = array<i32>} : memref<288xi32, #tpu.memory_space<vmem>>, vector<16xi32>,
          %swap3A_258 = arith.constant 48 : index
          %swap3A_259 = tpu.vector_load %arg9[%swap3A_258] {strides = array<i32>} : memref<288xi32, #tpu.memory_space<vmem>>, vector<16xi32>,
          tpu.vector_store %arg9[%swap3A_258], %get3A_257 {strides = array<i32>} : memref<288xi32, #tpu.memory_space<vmem>>, vector<16xi32>,
        } else {
        }
        %ge3A_211 = arith.constant 128 : i32
        %ge3A_212 = arith.cmpi sge, %add3A_206, %ge3A_211 : i32
        %sub3A_213 = arith.constant 128 : i32
        %sub3A_214 = arith.subi %add3A_206, %sub3A_213 : i32
        %select_n3A_215 = arith.select %ge3A_212, %sub3A_214, %add3A_206 : i32
        scf.yield %select_n3A_215 : i32
      }
      %scan3A_124 = arith.constant 25 : i32
      scf.yield %scan3A_123 : i32
    }
    %scan3A_80 = arith.constant 100 : i32
    %dma_start3A = arith.constant 0 : i32
    %dma_start3A_81 = tpu.memref_slice %arg9[%dma_start3A] : memref<288xi32, #tpu.memory_space<vmem>> -> memref<128xi32, #tpu.memory_space<vmem>>
    %dma_start3A_82 = arith.constant 0 : i32
    %dma_start3A_83 = arith.constant 0 : i32
    %dma_start3A_84 = tpu.memref_slice %arg2[%dma_start3A_82, %dma_start3A_83] : memref<160000x256xf32, #tpu.memory_space<hbm>> -> memref<160000x256xf32, #tpu.memory_space<hbm>>
    tpu.enqueue_indirect_dma source(%dma_start3A_84 : memref<160000x256xf32, #tpu.memory_space<hbm>>) target(%arg7 : memref<128x256xf32, #tpu.memory_space<vmem>>) offsets(%dma_start3A_81 : memref<128xi32, #tpu.memory_space<vmem>>) semaphore(%arg11 : memref<!tpu.dma_semaphore, #tpu.memory_space<semaphore_mem>>)
    %dma_start3A_85 = arith.constant 0 : i32
    %dma_start3A_86 = tpu.memref_slice %arg10[%dma_start3A_85] : memref<288xi32, #tpu.memory_space<vmem>> -> memref<128xi32, #tpu.memory_space<vmem>>
    %dma_start3A_87 = arith.constant 0 : i32
    %dma_start3A_88 = tpu.memref_slice %arg9[%dma_start3A_87] : memref<288xi32, #tpu.memory_space<vmem>> -> memref<128xi32, #tpu.memory_space<vmem>>
    %dma_start3A_89 = arith.constant 0 : i32
    %dma_start3A_90 = tpu.memref_slice %arg3[%dma_start3A_89] : memref<160000xi32, #tpu.memory_space<hbm>> -> memref<160000xi32, #tpu.memory_space<hbm>>
    tpu.enqueue_indirect_dma source(%dma_start3A_90 : memref<160000xi32, #tpu.memory_space<hbm>>) target(%dma_start3A_86 : memref<128xi32, #tpu.memory_space<vmem>>) offsets(%dma_start3A_88 : memref<128xi32, #tpu.memory_space<vmem>>) semaphore(%arg12 : memref<!tpu.dma_semaphore, #tpu.memory_space<semaphore_mem>>)
    %dma_wait3A = arith.constant 0 : i32
    %dma_wait3A_91 = tpu.memref_slice %arg9[%dma_wait3A] : memref<288xi32, #tpu.memory_space<vmem>> -> memref<128xi32, #tpu.memory_space<vmem>>
    %dma_wait3A_92 = arith.constant 0 : i32
    %dma_wait3A_93 = arith.constant 0 : i32
    %dma_wait3A_94 = tpu.memref_slice %arg2[%dma_wait3A_92, %dma_wait3A_93] : memref<160000x256xf32, #tpu.memory_space<hbm>> -> memref<160000x256xf32, #tpu.memory_space<hbm>>
    tpu.wait_indirect_dma semaphore(%arg11 : memref<!tpu.dma_semaphore, #tpu.memory_space<semaphore_mem>>) src(%dma_wait3A_94 : memref<160000x256xf32, #tpu.memory_space<hbm>>) dst(%arg7 : memref<128x256xf32, #tpu.memory_space<vmem>>)
    %dma_wait3A_95 = arith.constant 0 : i32
    %dma_wait3A_96 = tpu.memref_slice %arg10[%dma_wait3A_95] : memref<288xi32, #tpu.memory_space<vmem>> -> memref<128xi32, #tpu.memory_space<vmem>>
    %dma_wait3A_97 = arith.constant 0 : i32
    %dma_wait3A_98 = tpu.memref_slice %arg9[%dma_wait3A_97] : memref<288xi32, #tpu.memory_space<vmem>> -> memref<128xi32, #tpu.memory_space<vmem>>
    %dma_wait3A_99 = arith.constant 0 : i32
    %dma_wait3A_100 = tpu.memref_slice %arg3[%dma_wait3A_99] : memref<160000xi32, #tpu.memory_space<hbm>> -> memref<160000xi32, #tpu.memory_space<hbm>>
    tpu.wait_indirect_dma semaphore(%arg12 : memref<!tpu.dma_semaphore, #tpu.memory_space<semaphore_mem>>) src(%dma_wait3A_100 : memref<160000xi32, #tpu.memory_space<hbm>>) dst(%dma_wait3A_96 : memref<128xi32, #tpu.memory_space<vmem>>)
    %while3A = arith.constant 0 : i32
    %while3A_101 = arith.constant 0 : i32
    %while3A_102 = arith.subi %scan3A_79, %while3A_101 : i32
    %while3A_103 = arith.addi %while3A_101, %while3A_102 : i32
    %while3A_104 = arith.constant 1 : i32
    %while3A_105 = arith.divsi %while3A_102, %while3A_104 : i32
    %while3A_106 = arith.muli %while3A_105, %while3A_104 : i32
    %while3A_107 = arith.addi %while3A_101, %while3A_106 : i32
    %while3A_108 = arith.constant 1 : i32
    scf.for %while3A_115 = %while3A_101 to %while3A_107 step %while3A_108  : i32 {
      %get3A = arith.index_cast %while3A_115 : i32 to index
      %get3A_116 = tpu.vector_load %arg10[%get3A] {strides = array<i32>} : memref<288xi32, #tpu.memory_space<vmem>>, vector<16xi32>,
      %slice3A = vector.extract_strided_slice %get3A_116 {offsets = [0], sizes = [1], strides = [1]} : vector<16xi32> to vector<1xi32>
      %squeeze3A = vector.extract %slice3A[0] : i32 from vector<1xi32>
      %sub3A = arith.subi %squeeze3A, %mul3A_3 : i32
      %get3A_117 = arith.index_cast %while3A_115 : i32 to index
      %get3A_118 = arith.constant 0 : index
      %get3A_119 = tpu.vector_load %arg7[%get3A_117, %get3A_118] {strides = array<i32>} : memref<128x256xf32, #tpu.memory_space<vmem>>, vector<16xf32>,
      %swap3A_120 = arith.index_cast %sub3A : i32 to index
      %swap3A_121 = arith.constant 0 : index
      %swap3A_122 = tpu.vector_load %arg6[%swap3A_120, %swap3A_121] {strides = array<i32>} : memref<328x256xf32, #tpu.memory_space<vmem>>, vector<16xf32>,
      tpu.vector_store %arg6[%swap3A_120, %swap3A_121], %get3A_119 {add = true, strides = array<i32>} : memref<328x256xf32, #tpu.memory_space<vmem>>, vector<16xf32>,
      %get3A_123 = arith.index_cast %while3A_115 : i32 to index
      %get3A_124 = arith.constant 16 : index
      %get3A_125 = tpu.vector_load %arg7[%get3A_123, %get3A_124] {strides = array<i32>} : memref<128x256xf32, #tpu.memory_space<vmem>>, vector<16xf32>,
      %swap3A_126 = arith.index_cast %sub3A : i32 to index
      %swap3A_127 = arith.constant 16 : index
      %swap3A_128 = tpu.vector_load %arg6[%swap3A_126, %swap3A_127] {strides = array<i32>} : memref<328x256xf32, #tpu.memory_space<vmem>>, vector<16xf32>,
      tpu.vector_store %arg6[%swap3A_126, %swap3A_127], %get3A_125 {add = true, strides = array<i32>} : memref<328x256xf32, #tpu.memory_space<vmem>>, vector<16xf32>,
      %get3A_129 = arith.index_cast %while3A_115 : i32 to index
      %get3A_130 = arith.constant 32 : index
      %get3A_131 = tpu.vector_load %arg7[%get3A_129, %get3A_130] {strides = array<i32>} : memref<128x256xf32, #tpu.memory_space<vmem>>, vector<16xf32>,
      %swap3A_132 = arith.index_cast %sub3A : i32 to index
      %swap3A_133 = arith.constant 32 : index
      %swap3A_134 = tpu.vector_load %arg6[%swap3A_132, %swap3A_133] {strides = array<i32>} : memref<328x256xf32, #tpu.memory_space<vmem>>, vector<16xf32>,
      tpu.vector_store %arg6[%swap3A_132, %swap3A_133], %get3A_131 {add = true, strides = array<i32>} : memref<328x256xf32, #tpu.memory_space<vmem>>, vector<16xf32>,
      %get3A_135 = arith.index_cast %while3A_115 : i32 to index
      %get3A_136 = arith.constant 48 : index
      %get3A_137 = tpu.vector_load %arg7[%get3A_135, %get3A_136] {strides = array<i32>} : memref<128x256xf32, #tpu.memory_space<vmem>>, vector<16xf32>,
      %swap3A_138 = arith.index_cast %sub3A : i32 to index
      %swap3A_139 = arith.constant 48 : index
      %swap3A_140 = tpu.vector_load %arg6[%swap3A_138, %swap3A_139] {strides = array<i32>} : memref<328x256xf32, #tpu.memory_space<vmem>>, vector<16xf32>,
      tpu.vector_store %arg6[%swap3A_138, %swap3A_139], %get3A_137 {add = true, strides = array<i32>} : memref<328x256xf32, #tpu.memory_space<vmem>>, vector<16xf32>,
      %get3A_141 = arith.index_cast %while3A_115 : i32 to index
      %get3A_142 = arith.constant 64 : index
      %get3A_143 = tpu.vector_load %arg7[%get3A_141, %get3A_142] {strides = array<i32>} : memref<128x256xf32, #tpu.memory_space<vmem>>, vector<16xf32>,
      %swap3A_144 = arith.index_cast %sub3A : i32 to index
      %swap3A_145 = arith.constant 64 : index
      %swap3A_146 = tpu.vector_load %arg6[%swap3A_144, %swap3A_145] {strides = array<i32>} : memref<328x256xf32, #tpu.memory_space<vmem>>, vector<16xf32>,
      tpu.vector_store %arg6[%swap3A_144, %swap3A_145], %get3A_143 {add = true, strides = array<i32>} : memref<328x256xf32, #tpu.memory_space<vmem>>, vector<16xf32>,
      %get3A_147 = arith.index_cast %while3A_115 : i32 to index
      %get3A_148 = arith.constant 80 : index
      %get3A_149 = tpu.vector_load %arg7[%get3A_147, %get3A_148] {strides = array<i32>} : memref<128x256xf32, #tpu.memory_space<vmem>>, vector<16xf32>,
      %swap3A_150 = arith.index_cast %sub3A : i32 to index
      %swap3A_151 = arith.constant 80 : index
      %swap3A_152 = tpu.vector_load %arg6[%swap3A_150, %swap3A_151] {strides = array<i32>} : memref<328x256xf32, #tpu.memory_space<vmem>>, vector<16xf32>,
      tpu.vector_store %arg6[%swap3A_150, %swap3A_151], %get3A_149 {add = true, strides = array<i32>} : memref<328x256xf32, #tpu.memory_space<vmem>>, vector<16xf32>,
      %get3A_153 = arith.index_cast %while3A_115 : i32 to index
      %get3A_154 = arith.constant 96 : index
      %get3A_155 = tpu.vector_load %arg7[%get3A_153, %get3A_154] {strides = array<i32>} : memref<128x256xf32, #tpu.memory_space<vmem>>, vector<16xf32>,
      %swap3A_156 = arith.index_cast %sub3A : i32 to index
      %swap3A_157 = arith.constant 96 : index
      %swap3A_158 = tpu.vector_load %arg6[%swap3A_156, %swap3A_157] {strides = array<i32>} : memref<328x256xf32, #tpu.memory_space<vmem>>, vector<16xf32>,
      tpu.vector_store %arg6[%swap3A_156, %swap3A_157], %get3A_155 {add = true, strides = array<i32>} : memref<328x256xf32, #tpu.memory_space<vmem>>, vector<16xf32>,
      %get3A_159 = arith.index_cast %while3A_115 : i32 to index
      %get3A_160 = arith.constant 112 : index
      %get3A_161 = tpu.vector_load %arg7[%get3A_159, %get3A_160] {strides = array<i32>} : memref<128x256xf32, #tpu.memory_space<vmem>>, vector<16xf32>,
      %swap3A_162 = arith.index_cast %sub3A : i32 to index
      %swap3A_163 = arith.constant 112 : index
      %swap3A_164 = tpu.vector_load %arg6[%swap3A_162, %swap3A_163] {strides = array<i32>} : memref<328x256xf32, #tpu.memory_space<vmem>>, vector<16xf32>,
      tpu.vector_store %arg6[%swap3A_162, %swap3A_163], %get3A_161 {add = true, strides = array<i32>} : memref<328x256xf32, #tpu.memory_space<vmem>>, vector<16xf32>,
      %get3A_165 = arith.index_cast %while3A_115 : i32 to index
      %get3A_166 = arith.constant 128 : index
      %get3A_167 = tpu.vector_load %arg7[%get3A_165, %get3A_166] {strides = array<i32>} : memref<128x256xf32, #tpu.memory_space<vmem>>, vector<16xf32>,
      %swap3A_168 = arith.index_cast %sub3A : i32 to index
      %swap3A_169 = arith.constant 128 : index
      %swap3A_170 = tpu.vector_load %arg6[%swap3A_168, %swap3A_169] {strides = array<i32>} : memref<328x256xf32, #tpu.memory_space<vmem>>, vector<16xf32>,
      tpu.vector_store %arg6[%swap3A_168, %swap3A_169], %get3A_167 {add = true, strides = array<i32>} : memref<328x256xf32, #tpu.memory_space<vmem>>, vector<16xf32>,
      %get3A_171 = arith.index_cast %while3A_115 : i32 to index
      %get3A_172 = arith.constant 144 : index
      %get3A_173 = tpu.vector_load %arg7[%get3A_171, %get3A_172] {strides = array<i32>} : memref<128x256xf32, #tpu.memory_space<vmem>>, vector<16xf32>,
      %swap3A_174 = arith.index_cast %sub3A : i32 to index
      %swap3A_175 = arith.constant 144 : index
      %swap3A_176 = tpu.vector_load %arg6[%swap3A_174, %swap3A_175] {strides = array<i32>} : memref<328x256xf32, #tpu.memory_space<vmem>>, vector<16xf32>,
      tpu.vector_store %arg6[%swap3A_174, %swap3A_175], %get3A_173 {add = true, strides = array<i32>} : memref<328x256xf32, #tpu.memory_space<vmem>>, vector<16xf32>,
      %get3A_177 = arith.index_cast %while3A_115 : i32 to index
      %get3A_178 = arith.constant 160 : index
      %get3A_179 = tpu.vector_load %arg7[%get3A_177, %get3A_178] {strides = array<i32>} : memref<128x256xf32, #tpu.memory_space<vmem>>, vector<16xf32>,
      %swap3A_180 = arith.index_cast %sub3A : i32 to index
      %swap3A_181 = arith.constant 160 : index
      %swap3A_182 = tpu.vector_load %arg6[%swap3A_180, %swap3A_181] {strides = array<i32>} : memref<328x256xf32, #tpu.memory_space<vmem>>, vector<16xf32>,
      tpu.vector_store %arg6[%swap3A_180, %swap3A_181], %get3A_179 {add = true, strides = array<i32>} : memref<328x256xf32, #tpu.memory_space<vmem>>, vector<16xf32>,
      %get3A_183 = arith.index_cast %while3A_115 : i32 to index
      %get3A_184 = arith.constant 176 : index
      %get3A_185 = tpu.vector_load %arg7[%get3A_183, %get3A_184] {strides = array<i32>} : memref<128x256xf32, #tpu.memory_space<vmem>>, vector<16xf32>,
      %swap3A_186 = arith.index_cast %sub3A : i32 to index
      %swap3A_187 = arith.constant 176 : index
      %swap3A_188 = tpu.vector_load %arg6[%swap3A_186, %swap3A_187] {strides = array<i32>} : memref<328x256xf32, #tpu.memory_space<vmem>>, vector<16xf32>,
      tpu.vector_store %arg6[%swap3A_186, %swap3A_187], %get3A_185 {add = true, strides = array<i32>} : memref<328x256xf32, #tpu.memory_space<vmem>>, vector<16xf32>,
      %get3A_189 = arith.index_cast %while3A_115 : i32 to index
      %get3A_190 = arith.constant 192 : index
      %get3A_191 = tpu.vector_load %arg7[%get3A_189, %get3A_190] {strides = array<i32>} : memref<128x256xf32, #tpu.memory_space<vmem>>, vector<16xf32>,
      %swap3A_192 = arith.index_cast %sub3A : i32 to index
      %swap3A_193 = arith.constant 192 : index
      %swap3A_194 = tpu.vector_load %arg6[%swap3A_192, %swap3A_193] {strides = array<i32>} : memref<328x256xf32, #tpu.memory_space<vmem>>, vector<16xf32>,
      tpu.vector_store %arg6[%swap3A_192, %swap3A_193], %get3A_191 {add = true, strides = array<i32>} : memref<328x256xf32, #tpu.memory_space<vmem>>, vector<16xf32>,
      %get3A_195 = arith.index_cast %while3A_115 : i32 to index
      %get3A_196 = arith.constant 208 : index
      %get3A_197 = tpu.vector_load %arg7[%get3A_195, %get3A_196] {strides = array<i32>} : memref<128x256xf32, #tpu.memory_space<vmem>>, vector<16xf32>,
      %swap3A_198 = arith.index_cast %sub3A : i32 to index
      %swap3A_199 = arith.constant 208 : index
      %swap3A_200 = tpu.vector_load %arg6[%swap3A_198, %swap3A_199] {strides = array<i32>} : memref<328x256xf32, #tpu.memory_space<vmem>>, vector<16xf32>,
      tpu.vector_store %arg6[%swap3A_198, %swap3A_199], %get3A_197 {add = true, strides = array<i32>} : memref<328x256xf32, #tpu.memory_space<vmem>>, vector<16xf32>,
      %get3A_201 = arith.index_cast %while3A_115 : i32 to index
      %get3A_202 = arith.constant 224 : index
      %get3A_203 = tpu.vector_load %arg7[%get3A_201, %get3A_202] {strides = array<i32>} : memref<128x256xf32, #tpu.memory_space<vmem>>, vector<16xf32>,
      %swap3A_204 = arith.index_cast %sub3A : i32 to index
      %swap3A_205 = arith.constant 224 : index
      %swap3A_206 = tpu.vector_load %arg6[%swap3A_204, %swap3A_205] {strides = array<i32>} : memref<328x256xf32, #tpu.memory_space<vmem>>, vector<16xf32>,
      tpu.vector_store %arg6[%swap3A_204, %swap3A_205], %get3A_203 {add = true, strides = array<i32>} : memref<328x256xf32, #tpu.memory_space<vmem>>, vector<16xf32>,
      %get3A_207 = arith.index_cast %while3A_115 : i32 to index
      %get3A_208 = arith.constant 240 : index
      %get3A_209 = tpu.vector_load %arg7[%get3A_207, %get3A_208] {strides = array<i32>} : memref<128x256xf32, #tpu.memory_space<vmem>>, vector<16xf32>,
      %swap3A_210 = arith.index_cast %sub3A : i32 to index
      %swap3A_211 = arith.constant 240 : index
      %swap3A_212 = tpu.vector_load %arg6[%swap3A_210, %swap3A_211] {strides = array<i32>} : memref<328x256xf32, #tpu.memory_space<vmem>>, vector<16xf32>,
      tpu.vector_store %arg6[%swap3A_210, %swap3A_211], %get3A_209 {add = true, strides = array<i32>} : memref<328x256xf32, #tpu.memory_space<vmem>>, vector<16xf32>,
    }
    %while3A_109 = arith.constant 1 : i32
    scf.for %while3A_115 = %while3A_107 to %while3A_103 step %while3A_109  : i32 {
      %get3A = arith.index_cast %while3A_115 : i32 to index
      %get3A_116 = tpu.vector_load %arg10[%get3A] {strides = array<i32>} : memref<288xi32, #tpu.memory_space<vmem>>, vector<16xi32>,
      %slice3A = vector.extract_strided_slice %get3A_116 {offsets = [0], sizes = [1], strides = [1]} : vector<16xi32> to vector<1xi32>
      %squeeze3A = vector.extract %slice3A[0] : i32 from vector<1xi32>
      %sub3A = arith.subi %squeeze3A, %mul3A_3 : i32
      %get3A_117 = arith.index_cast %while3A_115 : i32 to index
      %get3A_118 = arith.constant 0 : index
      %get3A_119 = tpu.vector_load %arg7[%get3A_117, %get3A_118] {strides = array<i32>} : memref<128x256xf32, #tpu.memory_space<vmem>>, vector<16xf32>,
      %swap3A_120 = arith.index_cast %sub3A : i32 to index
      %swap3A_121 = arith.constant 0 : index
      %swap3A_122 = tpu.vector_load %arg6[%swap3A_120, %swap3A_121] {strides = array<i32>} : memref<328x256xf32, #tpu.memory_space<vmem>>, vector<16xf32>,
      tpu.vector_store %arg6[%swap3A_120, %swap3A_121], %get3A_119 {add = true, strides = array<i32>} : memref<328x256xf32, #tpu.memory_space<vmem>>, vector<16xf32>,
      %get3A_123 = arith.index_cast %while3A_115 : i32 to index
      %get3A_124 = arith.constant 16 : index
      %get3A_125 = tpu.vector_load %arg7[%get3A_123, %get3A_124] {strides = array<i32>} : memref<128x256xf32, #tpu.memory_space<vmem>>, vector<16xf32>,
      %swap3A_126 = arith.index_cast %sub3A : i32 to index
      %swap3A_127 = arith.constant 16 : index
      %swap3A_128 = tpu.vector_load %arg6[%swap3A_126, %swap3A_127] {strides = array<i32>} : memref<328x256xf32, #tpu.memory_space<vmem>>, vector<16xf32>,
      tpu.vector_store %arg6[%swap3A_126, %swap3A_127], %get3A_125 {add = true, strides = array<i32>} : memref<328x256xf32, #tpu.memory_space<vmem>>, vector<16xf32>,
      %get3A_129 = arith.index_cast %while3A_115 : i32 to index
      %get3A_130 = arith.constant 32 : index
      %get3A_131 = tpu.vector_load %arg7[%get3A_129, %get3A_130] {strides = array<i32>} : memref<128x256xf32, #tpu.memory_space<vmem>>, vector<16xf32>,
      %swap3A_132 = arith.index_cast %sub3A : i32 to index
      %swap3A_133 = arith.constant 32 : index
      %swap3A_134 = tpu.vector_load %arg6[%swap3A_132, %swap3A_133] {strides = array<i32>} : memref<328x256xf32, #tpu.memory_space<vmem>>, vector<16xf32>,
      tpu.vector_store %arg6[%swap3A_132, %swap3A_133], %get3A_131 {add = true, strides = array<i32>} : memref<328x256xf32, #tpu.memory_space<vmem>>, vector<16xf32>,
      %get3A_135 = arith.index_cast %while3A_115 : i32 to index
      %get3A_136 = arith.constant 48 : index
      %get3A_137 = tpu.vector_load %arg7[%get3A_135, %get3A_136] {strides = array<i32>} : memref<128x256xf32, #tpu.memory_space<vmem>>, vector<16xf32>,
      %swap3A_138 = arith.index_cast %sub3A : i32 to index
      %swap3A_139 = arith.constant 48 : index
      %swap3A_140 = tpu.vector_load %arg6[%swap3A_138, %swap3A_139] {strides = array<i32>} : memref<328x256xf32, #tpu.memory_space<vmem>>, vector<16xf32>,
      tpu.vector_store %arg6[%swap3A_138, %swap3A_139], %get3A_137 {add = true, strides = array<i32>} : memref<328x256xf32, #tpu.memory_space<vmem>>, vector<16xf32>,
      %get3A_141 = arith.index_cast %while3A_115 : i32 to index
      %get3A_142 = arith.constant 64 : index
      %get3A_143 = tpu.vector_load %arg7[%get3A_141, %get3A_142] {strides = array<i32>} : memref<128x256xf32, #tpu.memory_space<vmem>>, vector<16xf32>,
      %swap3A_144 = arith.index_cast %sub3A : i32 to index
      %swap3A_145 = arith.constant 64 : index
      %swap3A_146 = tpu.vector_load %arg6[%swap3A_144, %swap3A_145] {strides = array<i32>} : memref<328x256xf32, #tpu.memory_space<vmem>>, vector<16xf32>,
      tpu.vector_store %arg6[%swap3A_144, %swap3A_145], %get3A_143 {add = true, strides = array<i32>} : memref<328x256xf32, #tpu.memory_space<vmem>>, vector<16xf32>,
      %get3A_147 = arith.index_cast %while3A_115 : i32 to index
      %get3A_148 = arith.constant 80 : index
      %get3A_149 = tpu.vector_load %arg7[%get3A_147, %get3A_148] {strides = array<i32>} : memref<128x256xf32, #tpu.memory_space<vmem>>, vector<16xf32>,
      %swap3A_150 = arith.index_cast %sub3A : i32 to index
      %swap3A_151 = arith.constant 80 : index
      %swap3A_152 = tpu.vector_load %arg6[%swap3A_150, %swap3A_151] {strides = array<i32>} : memref<328x256xf32, #tpu.memory_space<vmem>>, vector<16xf32>,
      tpu.vector_store %arg6[%swap3A_150, %swap3A_151], %get3A_149 {add = true, strides = array<i32>} : memref<328x256xf32, #tpu.memory_space<vmem>>, vector<16xf32>,
      %get3A_153 = arith.index_cast %while3A_115 : i32 to index
      %get3A_154 = arith.constant 96 : index
      %get3A_155 = tpu.vector_load %arg7[%get3A_153, %get3A_154] {strides = array<i32>} : memref<128x256xf32, #tpu.memory_space<vmem>>, vector<16xf32>,
      %swap3A_156 = arith.index_cast %sub3A : i32 to index
      %swap3A_157 = arith.constant 96 : index
      %swap3A_158 = tpu.vector_load %arg6[%swap3A_156, %swap3A_157] {strides = array<i32>} : memref<328x256xf32, #tpu.memory_space<vmem>>, vector<16xf32>,
      tpu.vector_store %arg6[%swap3A_156, %swap3A_157], %get3A_155 {add = true, strides = array<i32>} : memref<328x256xf32, #tpu.memory_space<vmem>>, vector<16xf32>,
      %get3A_159 = arith.index_cast %while3A_115 : i32 to index
      %get3A_160 = arith.constant 112 : index
      %get3A_161 = tpu.vector_load %arg7[%get3A_159, %get3A_160] {strides = array<i32>} : memref<128x256xf32, #tpu.memory_space<vmem>>, vector<16xf32>,
      %swap3A_162 = arith.index_cast %sub3A : i32 to index
      %swap3A_163 = arith.constant 112 : index
      %swap3A_164 = tpu.vector_load %arg6[%swap3A_162, %swap3A_163] {strides = array<i32>} : memref<328x256xf32, #tpu.memory_space<vmem>>, vector<16xf32>,
      tpu.vector_store %arg6[%swap3A_162, %swap3A_163], %get3A_161 {add = true, strides = array<i32>} : memref<328x256xf32, #tpu.memory_space<vmem>>, vector<16xf32>,
      %get3A_165 = arith.index_cast %while3A_115 : i32 to index
      %get3A_166 = arith.constant 128 : index
      %get3A_167 = tpu.vector_load %arg7[%get3A_165, %get3A_166] {strides = array<i32>} : memref<128x256xf32, #tpu.memory_space<vmem>>, vector<16xf32>,
      %swap3A_168 = arith.index_cast %sub3A : i32 to index
      %swap3A_169 = arith.constant 128 : index
      %swap3A_170 = tpu.vector_load %arg6[%swap3A_168, %swap3A_169] {strides = array<i32>} : memref<328x256xf32, #tpu.memory_space<vmem>>, vector<16xf32>,
      tpu.vector_store %arg6[%swap3A_168, %swap3A_169], %get3A_167 {add = true, strides = array<i32>} : memref<328x256xf32, #tpu.memory_space<vmem>>, vector<16xf32>,
      %get3A_171 = arith.index_cast %while3A_115 : i32 to index
      %get3A_172 = arith.constant 144 : index
      %get3A_173 = tpu.vector_load %arg7[%get3A_171, %get3A_172] {strides = array<i32>} : memref<128x256xf32, #tpu.memory_space<vmem>>, vector<16xf32>,
      %swap3A_174 = arith.index_cast %sub3A : i32 to index
      %swap3A_175 = arith.constant 144 : index
      %swap3A_176 = tpu.vector_load %arg6[%swap3A_174, %swap3A_175] {strides = array<i32>} : memref<328x256xf32, #tpu.memory_space<vmem>>, vector<16xf32>,
      tpu.vector_store %arg6[%swap3A_174, %swap3A_175], %get3A_173 {add = true, strides = array<i32>} : memref<328x256xf32, #tpu.memory_space<vmem>>, vector<16xf32>,
      %get3A_177 = arith.index_cast %while3A_115 : i32 to index
      %get3A_178 = arith.constant 160 : index
      %get3A_179 = tpu.vector_load %arg7[%get3A_177, %get3A_178] {strides = array<i32>} : memref<128x256xf32, #tpu.memory_space<vmem>>, vector<16xf32>,
      %swap3A_180 = arith.index_cast %sub3A : i32 to index
      %swap3A_181 = arith.constant 160 : index
      %swap3A_182 = tpu.vector_load %arg6[%swap3A_180, %swap3A_181] {strides = array<i32>} : memref<328x256xf32, #tpu.memory_space<vmem>>, vector<16xf32>,
      tpu.vector_store %arg6[%swap3A_180, %swap3A_181], %get3A_179 {add = true, strides = array<i32>} : memref<328x256xf32, #tpu.memory_space<vmem>>, vector<16xf32>,
      %get3A_183 = arith.index_cast %while3A_115 : i32 to index
      %get3A_184 = arith.constant 176 : index
      %get3A_185 = tpu.vector_load %arg7[%get3A_183, %get3A_184] {strides = array<i32>} : memref<128x256xf32, #tpu.memory_space<vmem>>, vector<16xf32>,
      %swap3A_186 = arith.index_cast %sub3A : i32 to index
      %swap3A_187 = arith.constant 176 : index
      %swap3A_188 = tpu.vector_load %arg6[%swap3A_186, %swap3A_187] {strides = array<i32>} : memref<328x256xf32, #tpu.memory_space<vmem>>, vector<16xf32>,
      tpu.vector_store %arg6[%swap3A_186, %swap3A_187], %get3A_185 {add = true, strides = array<i32>} : memref<328x256xf32, #tpu.memory_space<vmem>>, vector<16xf32>,
      %get3A_189 = arith.index_cast %while3A_115 : i32 to index
      %get3A_190 = arith.constant 192 : index
      %get3A_191 = tpu.vector_load %arg7[%get3A_189, %get3A_190] {strides = array<i32>} : memref<128x256xf32, #tpu.memory_space<vmem>>, vector<16xf32>,
      %swap3A_192 = arith.index_cast %sub3A : i32 to index
      %swap3A_193 = arith.constant 192 : index
      %swap3A_194 = tpu.vector_load %arg6[%swap3A_192, %swap3A_193] {strides = array<i32>} : memref<328x256xf32, #tpu.memory_space<vmem>>, vector<16xf32>,
      tpu.vector_store %arg6[%swap3A_192, %swap3A_193], %get3A_191 {add = true, strides = array<i32>} : memref<328x256xf32, #tpu.memory_space<vmem>>, vector<16xf32>,
      %get3A_195 = arith.index_cast %while3A_115 : i32 to index
      %get3A_196 = arith.constant 208 : index
      %get3A_197 = tpu.vector_load %arg7[%get3A_195, %get3A_196] {strides = array<i32>} : memref<128x256xf32, #tpu.memory_space<vmem>>, vector<16xf32>,
      %swap3A_198 = arith.index_cast %sub3A : i32 to index
      %swap3A_199 = arith.constant 208 : index
      %swap3A_200 = tpu.vector_load %arg6[%swap3A_198, %swap3A_199] {strides = array<i32>} : memref<328x256xf32, #tpu.memory_space<vmem>>, vector<16xf32>,
      tpu.vector_store %arg6[%swap3A_198, %swap3A_199], %get3A_197 {add = true, strides = array<i32>} : memref<328x256xf32, #tpu.memory_space<vmem>>, vector<16xf32>,
      %get3A_201 = arith.index_cast %while3A_115 : i32 to index
      %get3A_202 = arith.constant 224 : index
      %get3A_203 = tpu.vector_load %arg7[%get3A_201, %get3A_202] {strides = array<i32>} : memref<128x256xf32, #tpu.memory_space<vmem>>, vector<16xf32>,
      %swap3A_204 = arith.index_cast %sub3A : i32 to index
      %swap3A_205 = arith.constant 224 : index
      %swap3A_206 = tpu.vector_load %arg6[%swap3A_204, %swap3A_205] {strides = array<i32>} : memref<328x256xf32, #tpu.memory_space<vmem>>, vector<16xf32>,
      tpu.vector_store %arg6[%swap3A_204, %swap3A_205], %get3A_203 {add = true, strides = array<i32>} : memref<328x256xf32, #tpu.memory_space<vmem>>, vector<16xf32>,
      %get3A_207 = arith.index_cast %while3A_115 : i32 to index
      %get3A_208 = arith.constant 240 : index
      %get3A_209 = tpu.vector_load %arg7[%get3A_207, %get3A_208] {strides = array<i32>} : memref<128x256xf32, #tpu.memory_space<vmem>>, vector<16xf32>,
      %swap3A_210 = arith.index_cast %sub3A : i32 to index
      %swap3A_211 = arith.constant 240 : index
      %swap3A_212 = tpu.vector_load %arg6[%swap3A_210, %swap3A_211] {strides = array<i32>} : memref<328x256xf32, #tpu.memory_space<vmem>>, vector<16xf32>,
      tpu.vector_store %arg6[%swap3A_210, %swap3A_211], %get3A_209 {add = true, strides = array<i32>} : memref<328x256xf32, #tpu.memory_space<vmem>>, vector<16xf32>,
    }
    %not3A = arith.constant true
    %not3A_110 = arith.xori %eq3A_1, %not3A : i1
    %convert_element_type3A = arith.extui %not3A_110 : i1 to i32
    %cond3A = arith.constant 0 : i32
    %cond3A_111 = arith.cmpi ne, %convert_element_type3A, %cond3A : i32
    scf.if %cond3A_111 {
      "tpu.region"() ({
        %run_scoped3A = tpu.sem_alloc : memref<!tpu.dma_semaphore, #tpu.memory_space<semaphore_mem>>
        %dma_start3A_115 = arith.constant 0 : i32
        %dma_start3A_116 = arith.constant 0 : i32
        %dma_start3A_117 = tpu.memref_slice %arg6[%dma_start3A_115, %dma_start3A_116] : memref<328x256xf32, #tpu.memory_space<vmem>> -> memref<312x256xf32, #tpu.memory_space<vmem>>
        %dma_start3A_118 = arith.constant 0 : i32
        %dma_start3A_119 = tpu.memref_slice %arg5[%mul3A_3, %dma_start3A_118] : memref<10000x256xf32, #tpu.memory_space<hbm>> -> memref<312x256xf32, #tpu.memory_space<hbm>>
        %dma_start3A_120 = arith.constant 0 : i32
        %dma_start3A_121 = tpu.memref_slice %arg5[%mul3A_3, %dma_start3A_120] : memref<10000x256xf32, #tpu.memory_space<hbm>> -> memref<312x256xf32, #tpu.memory_space<hbm>>
        %dma_start3A_122 = arith.constant 0 : i32
        %dma_start3A_123 = arith.constant 0 : i32
        %dma_start3A_124 = tpu.memref_slice %arg6[%dma_start3A_122, %dma_start3A_123] : memref<328x256xf32, #tpu.memory_space<vmem>> -> memref<312x256xf32, #tpu.memory_space<vmem>>
        tpu.enqueue_dma source(%dma_start3A_124 : memref<312x256xf32, #tpu.memory_space<vmem>>) target(%dma_start3A_121 : memref<312x256xf32, #tpu.memory_space<hbm>>) target_semaphore(%run_scoped3A : memref<!tpu.dma_semaphore, #tpu.memory_space<semaphore_mem>>)
        %dma_wait3A_125 = arith.constant 0 : i32
        %dma_wait3A_126 = arith.constant 0 : i32
        %dma_wait3A_127 = tpu.memref_slice %arg6[%dma_wait3A_125, %dma_wait3A_126] : memref<328x256xf32, #tpu.memory_space<vmem>> -> memref<312x256xf32, #tpu.memory_space<vmem>>
        %dma_wait3A_128 = arith.constant 0 : i32
        %dma_wait3A_129 = tpu.memref_slice %arg5[%mul3A_3, %dma_wait3A_128] : memref<10000x256xf32, #tpu.memory_space<hbm>> -> memref<312x256xf32, #tpu.memory_space<hbm>>
        %dma_wait3A_130 = arith.constant 0 : i32
        %dma_wait3A_131 = tpu.memref_slice %arg5[%mul3A_3, %dma_wait3A_130] : memref<10000x256xf32, #tpu.memory_space<hbm>> -> memref<312x256xf32, #tpu.memory_space<hbm>>
        %dma_wait3A_132 = arith.constant 0 : i32
        %dma_wait3A_133 = arith.constant 0 : i32
        %dma_wait3A_134 = tpu.memref_slice %arg6[%dma_wait3A_132, %dma_wait3A_133] : memref<328x256xf32, #tpu.memory_space<vmem>> -> memref<312x256xf32, #tpu.memory_space<vmem>>
        tpu.wait_dma2 semaphore(%run_scoped3A : memref<!tpu.dma_semaphore, #tpu.memory_space<semaphore_mem>>) src(%dma_wait3A_134 : memref<312x256xf32, #tpu.memory_space<vmem>>) dst(%dma_wait3A_131 : memref<312x256xf32, #tpu.memory_space<hbm>>)
        tpu.yield
      }) : () -> ()
    } else {
    }
    %convert_element_type3A_112 = arith.extui %eq3A_1 : i1 to i32
    %cond3A_113 = arith.constant 0 : i32
    %cond3A_114 = arith.cmpi ne, %convert_element_type3A_112, %cond3A_113 : i32
    scf.if %cond3A_114 {
      "tpu.region"() ({
        %run_scoped3A = tpu.sem_alloc : memref<!tpu.dma_semaphore, #tpu.memory_space<semaphore_mem>>
        %dma_start3A_115 = arith.constant 0 : i32
        %dma_start3A_116 = arith.constant 0 : i32
        %dma_start3A_117 = tpu.memref_slice %arg6[%dma_start3A_115, %dma_start3A_116] : memref<328x256xf32, #tpu.memory_space<vmem>> -> memref<328x256xf32, #tpu.memory_space<vmem>>
        %dma_start3A_118 = arith.constant 0 : i32
        %dma_start3A_119 = tpu.memref_slice %arg5[%mul3A_3, %dma_start3A_118] : memref<10000x256xf32, #tpu.memory_space<hbm>> -> memref<328x256xf32, #tpu.memory_space<hbm>>
        %dma_start3A_120 = arith.constant 0 : i32
        %dma_start3A_121 = tpu.memref_slice %arg5[%mul3A_3, %dma_start3A_120] : memref<10000x256xf32, #tpu.memory_space<hbm>> -> memref<328x256xf32, #tpu.memory_space<hbm>>
        %dma_start3A_122 = arith.constant 0 : i32
        %dma_start3A_123 = arith.constant 0 : i32
        %dma_start3A_124 = tpu.memref_slice %arg6[%dma_start3A_122, %dma_start3A_123] : memref<328x256xf32, #tpu.memory_space<vmem>> -> memref<328x256xf32, #tpu.memory_space<vmem>>
        tpu.enqueue_dma source(%dma_start3A_124 : memref<328x256xf32, #tpu.memory_space<vmem>>) target(%dma_start3A_121 : memref<328x256xf32, #tpu.memory_space<hbm>>) target_semaphore(%run_scoped3A : memref<!tpu.dma_semaphore, #tpu.memory_space<semaphore_mem>>)
        %dma_wait3A_125 = arith.constant 0 : i32
        %dma_wait3A_126 = arith.constant 0 : i32
        %dma_wait3A_127 = tpu.memref_slice %arg6[%dma_wait3A_125, %dma_wait3A_126] : memref<328x256xf32, #tpu.memory_space<vmem>> -> memref<328x256xf32, #tpu.memory_space<vmem>>
        %dma_wait3A_128 = arith.constant 0 : i32
        %dma_wait3A_129 = tpu.memref_slice %arg5[%mul3A_3, %dma_wait3A_128] : memref<10000x256xf32, #tpu.memory_space<hbm>> -> memref<328x256xf32, #tpu.memory_space<hbm>>
        %dma_wait3A_130 = arith.constant 0 : i32
        %dma_wait3A_131 = tpu.memref_slice %arg5[%mul3A_3, %dma_wait3A_130] : memref<10000x256xf32, #tpu.memory_space<hbm>> -> memref<328x256xf32, #tpu.memory_space<hbm>>
        %dma_wait3A_132 = arith.constant 0 : i32
        %dma_wait3A_133 = arith.constant 0 : i32
        %dma_wait3A_134 = tpu.memref_slice %arg6[%dma_wait3A_132, %dma_wait3A_133] : memref<328x256xf32, #tpu.memory_space<vmem>> -> memref<328x256xf32, #tpu.memory_space<vmem>>
        tpu.wait_dma2 semaphore(%run_scoped3A : memref<!tpu.dma_semaphore, #tpu.memory_space<semaphore_mem>>) src(%dma_wait3A_134 : memref<328x256xf32, #tpu.memory_space<vmem>>) dst(%dma_wait3A_131 : memref<328x256xf32, #tpu.memory_space<hbm>>)
        tpu.yield
      }) : () -> ()
    } else {
    }
    return
  }
}

#map = affine_map<(d0, d1) -> (0, 0)>
#map1 = affine_map<(d0, d1) -> (0)>
module attributes {stable_mosaic.version = 14 : i64} {
  func.func @body_fn(%arg0: i32, %arg1: i32, %arg2: memref<160000x128xf32, #tpu.memory_space<hbm>>, %arg3: memref<160000xi32, #tpu.memory_space<hbm>>, %arg4: memref<328x128xf32, #tpu.memory_space<hbm>>, %arg5: memref<10000x128xf32, #tpu.memory_space<hbm>>, %arg6: memref<328x128xf32, #tpu.memory_space<vmem>>, %arg7: memref<128x128xf32, #tpu.memory_space<vmem>>, %arg8: memref<1616xi32, #tpu.memory_space<vmem>>, %arg9: memref<288xi32, #tpu.memory_space<vmem>>, %arg10: memref<288xi32, #tpu.memory_space<vmem>>, %arg11: memref<!tpu.dma_semaphore, #tpu.memory_space<semaphore_mem>>, %arg12: memref<!tpu.dma_semaphore, #tpu.memory_space<semaphore_mem>>) attributes {dimension_semantics = [#tpu.dimension_semantics<core_parallel>, #tpu.dimension_semantics<subcore_parallel>], iteration_bounds = array<i64: 2, 16>, scalar_prefetch = 0 : i64, scratch_operands = 7 : i64, tpu.core_type = #tpu.core_type<sc_vector_subcore>, window_params = [{transform_indices = #map}, {transform_indices = #map1}, {transform_indices = #map}, {transform_indices = #map}]} {
    %mul3A = arith.constant 2 : i32
    %mul3A_0 = arith.muli %arg1, %mul3A : i32
    %add3A = arith.addi %mul3A_0, %arg0 : i32
    %eq3A = arith.constant 31 : i32
    %eq3A_1 = arith.cmpi eq, %add3A, %eq3A : i32
    %mul3A_2 = arith.constant 312 : i32
    %mul3A_3 = arith.muli %add3A, %mul3A_2 : i32
    %jit3A = arith.constant 328 : i32
    %jit3A_4 = arith.constant 312 : i32
    %select_n3A = arith.select %eq3A_1, %jit3A, %jit3A_4 : i32
    "tpu.region"() ({
      %run_scoped3A = tpu.sem_alloc : memref<!tpu.dma_semaphore, #tpu.memory_space<semaphore_mem>>
      tpu.enqueue_dma source(%arg4 : memref<328x128xf32, #tpu.memory_space<hbm>>) target(%arg6 : memref<328x128xf32, #tpu.memory_space<vmem>>) target_semaphore(%run_scoped3A : memref<!tpu.dma_semaphore, #tpu.memory_space<semaphore_mem>>)
      tpu.wait_dma2 semaphore(%run_scoped3A : memref<!tpu.dma_semaphore, #tpu.memory_space<semaphore_mem>>) src(%arg4 : memref<328x128xf32, #tpu.memory_space<hbm>>) dst(%arg6 : memref<328x128xf32, #tpu.memory_space<vmem>>)
      tpu.yield
    }) : () -> ()
    %broadcast_in_dim3A = arith.constant 0 : i32
    %broadcast_in_dim3A_5 = vector.broadcast %broadcast_in_dim3A : i32 to vector<16xi32>
    %swap3A = arith.constant 0 : index
    %swap3A_6 = tpu.vector_load %arg9[%swap3A] {strides = array<i32>} : memref<288xi32, #tpu.memory_space<vmem>>, vector<16xi32>,
    tpu.vector_store %arg9[%swap3A], %broadcast_in_dim3A_5 {strides = array<i32>} : memref<288xi32, #tpu.memory_space<vmem>>, vector<16xi32>,
    %broadcast_in_dim3A_7 = arith.constant 0 : i32
    %broadcast_in_dim3A_8 = vector.broadcast %broadcast_in_dim3A_7 : i32 to vector<16xi32>
    %swap3A_9 = arith.constant 16 : index
    %swap3A_10 = tpu.vector_load %arg9[%swap3A_9] {strides = array<i32>} : memref<288xi32, #tpu.memory_space<vmem>>, vector<16xi32>,
    tpu.vector_store %arg9[%swap3A_9], %broadcast_in_dim3A_8 {strides = array<i32>} : memref<288xi32, #tpu.memory_space<vmem>>, vector<16xi32>,
    %broadcast_in_dim3A_11 = arith.constant 0 : i32
    %broadcast_in_dim3A_12 = vector.broadcast %broadcast_in_dim3A_11 : i32 to vector<16xi32>
    %swap3A_13 = arith.constant 32 : index
    %swap3A_14 = tpu.vector_load %arg9[%swap3A_13] {strides = array<i32>} : memref<288xi32, #tpu.memory_space<vmem>>, vector<16xi32>,
    tpu.vector_store %arg9[%swap3A_13], %broadcast_in_dim3A_12 {strides = array<i32>} : memref<288xi32, #tpu.memory_space<vmem>>, vector<16xi32>,
    %broadcast_in_dim3A_15 = arith.constant 0 : i32
    %broadcast_in_dim3A_16 = vector.broadcast %broadcast_in_dim3A_15 : i32 to vector<16xi32>
    %swap3A_17 = arith.constant 48 : index
    %swap3A_18 = tpu.vector_load %arg9[%swap3A_17] {strides = array<i32>} : memref<288xi32, #tpu.memory_space<vmem>>, vector<16xi32>,
    tpu.vector_store %arg9[%swap3A_17], %broadcast_in_dim3A_16 {strides = array<i32>} : memref<288xi32, #tpu.memory_space<vmem>>, vector<16xi32>,
    %broadcast_in_dim3A_19 = arith.constant 0 : i32
    %broadcast_in_dim3A_20 = vector.broadcast %broadcast_in_dim3A_19 : i32 to vector<16xi32>
    %swap3A_21 = arith.constant 64 : index
    %swap3A_22 = tpu.vector_load %arg9[%swap3A_21] {strides = array<i32>} : memref<288xi32, #tpu.memory_space<vmem>>, vector<16xi32>,
    tpu.vector_store %arg9[%swap3A_21], %broadcast_in_dim3A_20 {strides = array<i32>} : memref<288xi32, #tpu.memory_space<vmem>>, vector<16xi32>,
    %broadcast_in_dim3A_23 = arith.constant 0 : i32
    %broadcast_in_dim3A_24 = vector.broadcast %broadcast_in_dim3A_23 : i32 to vector<16xi32>
    %swap3A_25 = arith.constant 80 : index
    %swap3A_26 = tpu.vector_load %arg9[%swap3A_25] {strides = array<i32>} : memref<288xi32, #tpu.memory_space<vmem>>, vector<16xi32>,
    tpu.vector_store %arg9[%swap3A_25], %broadcast_in_dim3A_24 {strides = array<i32>} : memref<288xi32, #tpu.memory_space<vmem>>, vector<16xi32>,
    %broadcast_in_dim3A_27 = arith.constant 0 : i32
    %broadcast_in_dim3A_28 = vector.broadcast %broadcast_in_dim3A_27 : i32 to vector<16xi32>
    %swap3A_29 = arith.constant 96 : index
    %swap3A_30 = tpu.vector_load %arg9[%swap3A_29] {strides = array<i32>} : memref<288xi32, #tpu.memory_space<vmem>>, vector<16xi32>,
    tpu.vector_store %arg9[%swap3A_29], %broadcast_in_dim3A_28 {strides = array<i32>} : memref<288xi32, #tpu.memory_space<vmem>>, vector<16xi32>,
    %broadcast_in_dim3A_31 = arith.constant 0 : i32
    %broadcast_in_dim3A_32 = vector.broadcast %broadcast_in_dim3A_31 : i32 to vector<16xi32>
    %swap3A_33 = arith.constant 112 : index
    %swap3A_34 = tpu.vector_load %arg9[%swap3A_33] {strides = array<i32>} : memref<288xi32, #tpu.memory_space<vmem>>, vector<16xi32>,
    tpu.vector_store %arg9[%swap3A_33], %broadcast_in_dim3A_32 {strides = array<i32>} : memref<288xi32, #tpu.memory_space<vmem>>, vector<16xi32>,
    %broadcast_in_dim3A_35 = arith.constant 0 : i32
    %broadcast_in_dim3A_36 = vector.broadcast %broadcast_in_dim3A_35 : i32 to vector<16xi32>
    %swap3A_37 = arith.constant 128 : index
    %swap3A_38 = tpu.vector_load %arg9[%swap3A_37] {strides = array<i32>} : memref<288xi32, #tpu.memory_space<vmem>>, vector<16xi32>,
    tpu.vector_store %arg9[%swap3A_37], %broadcast_in_dim3A_36 {strides = array<i32>} : memref<288xi32, #tpu.memory_space<vmem>>, vector<16xi32>,
    %broadcast_in_dim3A_39 = arith.constant 0 : i32
    %broadcast_in_dim3A_40 = vector.broadcast %broadcast_in_dim3A_39 : i32 to vector<16xi32>
    %swap3A_41 = arith.constant 144 : index
    %swap3A_42 = tpu.vector_load %arg9[%swap3A_41] {strides = array<i32>} : memref<288xi32, #tpu.memory_space<vmem>>, vector<16xi32>,
    tpu.vector_store %arg9[%swap3A_41], %broadcast_in_dim3A_40 {strides = array<i32>} : memref<288xi32, #tpu.memory_space<vmem>>, vector<16xi32>,
    %broadcast_in_dim3A_43 = arith.constant 0 : i32
    %broadcast_in_dim3A_44 = vector.broadcast %broadcast_in_dim3A_43 : i32 to vector<16xi32>
    %swap3A_45 = arith.constant 160 : index
    %swap3A_46 = tpu.vector_load %arg9[%swap3A_45] {strides = array<i32>} : memref<288xi32, #tpu.memory_space<vmem>>, vector<16xi32>,
    tpu.vector_store %arg9[%swap3A_45], %broadcast_in_dim3A_44 {strides = array<i32>} : memref<288xi32, #tpu.memory_space<vmem>>, vector<16xi32>,
    %broadcast_in_dim3A_47 = arith.constant 0 : i32
    %broadcast_in_dim3A_48 = vector.broadcast %broadcast_in_dim3A_47 : i32 to vector<16xi32>
    %swap3A_49 = arith.constant 176 : index
    %swap3A_50 = tpu.vector_load %arg9[%swap3A_49] {strides = array<i32>} : memref<288xi32, #tpu.memory_space<vmem>>, vector<16xi32>,
    tpu.vector_store %arg9[%swap3A_49], %broadcast_in_dim3A_48 {strides = array<i32>} : memref<288xi32, #tpu.memory_space<vmem>>, vector<16xi32>,
    %broadcast_in_dim3A_51 = arith.constant 0 : i32
    %broadcast_in_dim3A_52 = vector.broadcast %broadcast_in_dim3A_51 : i32 to vector<16xi32>
    %swap3A_53 = arith.constant 192 : index
    %swap3A_54 = tpu.vector_load %arg9[%swap3A_53] {strides = array<i32>} : memref<288xi32, #tpu.memory_space<vmem>>, vector<16xi32>,
    tpu.vector_store %arg9[%swap3A_53], %broadcast_in_dim3A_52 {strides = array<i32>} : memref<288xi32, #tpu.memory_space<vmem>>, vector<16xi32>,
    %broadcast_in_dim3A_55 = arith.constant 0 : i32
    %broadcast_in_dim3A_56 = vector.broadcast %broadcast_in_dim3A_55 : i32 to vector<16xi32>
    %swap3A_57 = arith.constant 208 : index
    %swap3A_58 = tpu.vector_load %arg9[%swap3A_57] {strides = array<i32>} : memref<288xi32, #tpu.memory_space<vmem>>, vector<16xi32>,
    tpu.vector_store %arg9[%swap3A_57], %broadcast_in_dim3A_56 {strides = array<i32>} : memref<288xi32, #tpu.memory_space<vmem>>, vector<16xi32>,
    %broadcast_in_dim3A_59 = arith.constant 0 : i32
    %broadcast_in_dim3A_60 = vector.broadcast %broadcast_in_dim3A_59 : i32 to vector<16xi32>
    %swap3A_61 = arith.constant 224 : index
    %swap3A_62 = tpu.vector_load %arg9[%swap3A_61] {strides = array<i32>} : memref<288xi32, #tpu.memory_space<vmem>>, vector<16xi32>,
    tpu.vector_store %arg9[%swap3A_61], %broadcast_in_dim3A_60 {strides = array<i32>} : memref<288xi32, #tpu.memory_space<vmem>>, vector<16xi32>,
    %broadcast_in_dim3A_63 = arith.constant 0 : i32
    %broadcast_in_dim3A_64 = vector.broadcast %broadcast_in_dim3A_63 : i32 to vector<16xi32>
    %swap3A_65 = arith.constant 240 : index
    %swap3A_66 = tpu.vector_load %arg9[%swap3A_65] {strides = array<i32>} : memref<288xi32, #tpu.memory_space<vmem>>, vector<16xi32>,
    tpu.vector_store %arg9[%swap3A_65], %broadcast_in_dim3A_64 {strides = array<i32>} : memref<288xi32, #tpu.memory_space<vmem>>, vector<16xi32>,
    %broadcast_in_dim3A_67 = arith.constant 0 : i32
    %broadcast_in_dim3A_68 = vector.broadcast %broadcast_in_dim3A_67 : i32 to vector<16xi32>
    %swap3A_69 = arith.constant 256 : index
    %swap3A_70 = tpu.vector_load %arg9[%swap3A_69] {strides = array<i32>} : memref<288xi32, #tpu.memory_space<vmem>>, vector<16xi32>,
    tpu.vector_store %arg9[%swap3A_69], %broadcast_in_dim3A_68 {strides = array<i32>} : memref<288xi32, #tpu.memory_space<vmem>>, vector<16xi32>,
    %broadcast_in_dim3A_71 = arith.constant 0 : i32
    %broadcast_in_dim3A_72 = vector.broadcast %broadcast_in_dim3A_71 : i32 to vector<16xi32>
    %swap3A_73 = arith.constant 272 : index
    %swap3A_74 = tpu.vector_load %arg9[%swap3A_73] {strides = array<i32>} : memref<288xi32, #tpu.memory_space<vmem>>, vector<16xi32>,
    tpu.vector_store %arg9[%swap3A_73], %broadcast_in_dim3A_72 {strides = array<i32>} : memref<288xi32, #tpu.memory_space<vmem>>, vector<16xi32>,
    %scan3A = arith.constant 0 : i32
    %scan3A_75 = arith.constant 0 : i32
    %scan3A_76 = arith.constant 100 : i32
    %scan3A_77 = arith.addi %scan3A_75, %scan3A_76 : i32
    %scan3A_78 = arith.constant 1 : i32
    %scan3A_79 = scf.for %scan3A_115 = %scan3A_75 to %scan3A_77 step %scan3A_78 iter_args(%scan3A_116 = %scan3A) -> (i32)  : i32 {
      %mul3A_117 = arith.constant 1600 : i32
      %mul3A_118 = arith.muli %scan3A_115, %mul3A_117 : i32
      "tpu.region"() ({
        %run_scoped3A = tpu.sem_alloc : memref<!tpu.dma_semaphore, #tpu.memory_space<semaphore_mem>>
        %dma_start3A_125 = arith.constant 0 : i32
        %dma_start3A_126 = tpu.memref_slice %arg8[%dma_start3A_125] : memref<1616xi32, #tpu.memory_space<vmem>> -> memref<1600xi32, #tpu.memory_space<vmem>>
        %dma_start3A_127 = tpu.memref_slice %arg3[%mul3A_118] : memref<160000xi32, #tpu.memory_space<hbm>> -> memref<1600xi32, #tpu.memory_space<hbm>>
        %dma_start3A_128 = arith.constant 0 : i32
        %dma_start3A_129 = tpu.memref_slice %arg8[%dma_start3A_128] : memref<1616xi32, #tpu.memory_space<vmem>> -> memref<1600xi32, #tpu.memory_space<vmem>>
        %dma_start3A_130 = tpu.memref_slice %arg3[%mul3A_118] : memref<160000xi32, #tpu.memory_space<hbm>> -> memref<1600xi32, #tpu.memory_space<hbm>>
        tpu.enqueue_dma source(%dma_start3A_130 : memref<1600xi32, #tpu.memory_space<hbm>>) target(%dma_start3A_129 : memref<1600xi32, #tpu.memory_space<vmem>>) target_semaphore(%run_scoped3A : memref<!tpu.dma_semaphore, #tpu.memory_space<semaphore_mem>>)
        %dma_wait3A_131 = arith.constant 0 : i32
        %dma_wait3A_132 = tpu.memref_slice %arg8[%dma_wait3A_131] : memref<1616xi32, #tpu.memory_space<vmem>> -> memref<1600xi32, #tpu.memory_space<vmem>>
        %dma_wait3A_133 = tpu.memref_slice %arg3[%mul3A_118] : memref<160000xi32, #tpu.memory_space<hbm>> -> memref<1600xi32, #tpu.memory_space<hbm>>
        %dma_wait3A_134 = arith.constant 0 : i32
        %dma_wait3A_135 = tpu.memref_slice %arg8[%dma_wait3A_134] : memref<1616xi32, #tpu.memory_space<vmem>> -> memref<1600xi32, #tpu.memory_space<vmem>>
        %dma_wait3A_136 = tpu.memref_slice %arg3[%mul3A_118] : memref<160000xi32, #tpu.memory_space<hbm>> -> memref<1600xi32, #tpu.memory_space<hbm>>
        tpu.wait_dma2 semaphore(%run_scoped3A : memref<!tpu.dma_semaphore, #tpu.memory_space<semaphore_mem>>) src(%dma_wait3A_136 : memref<1600xi32, #tpu.memory_space<hbm>>) dst(%dma_wait3A_135 : memref<1600xi32, #tpu.memory_space<vmem>>)
        tpu.yield
      }) : () -> ()
      %scan3A_119 = arith.constant 0 : i32
      %scan3A_120 = arith.constant 25 : i32
      %scan3A_121 = arith.addi %scan3A_119, %scan3A_120 : i32
      %scan3A_122 = arith.constant 1 : i32
      %scan3A_123 = scf.for %scan3A_125 = %scan3A_119 to %scan3A_121 step %scan3A_122 iter_args(%scan3A_126 = %scan3A_116) -> (i32)  : i32 {
        %mul3A_127 = arith.constant 64 : i32
        %mul3A_128 = arith.muli %scan3A_125, %mul3A_127 : i32
        %add3A_129 = arith.addi %mul3A_118, %mul3A_128 : i32
        %mul3A_130 = arith.constant 64 : i32
        %mul3A_131 = arith.muli %scan3A_125, %mul3A_130 : i32
        %add3A_132 = arith.constant 0 : i32
        %add3A_133 = arith.addi %mul3A_131, %add3A_132 : i32
        %get3A = arith.index_cast %add3A_133 : i32 to index
        %get3A_134 = tpu.vector_load %arg8[%get3A] {strides = array<i32>} : memref<1616xi32, #tpu.memory_space<vmem>>, vector<16xi32>,
        %sub3A = vector.broadcast %mul3A_3 : i32 to vector<16xi32>
        %sub3A_135 = arith.subi %get3A_134, %sub3A : vector<16xi32>
        %lt3A = vector.broadcast %select_n3A : i32 to vector<16xi32>
        %lt3A_136 = arith.cmpi ult, %sub3A_135, %lt3A : vector<16xi32>
        %add3A_137 = arith.constant 0 : i32
        %add3A_138 = arith.addi %add3A_129, %add3A_137 : i32
        %iota3A = tpu.iota {dimensions = array<i32: 0>} : vector<16xi32>
        %add3A_139 = vector.broadcast %add3A_138 : i32 to vector<16xi32>
        %add3A_140 = arith.addi %add3A_139, %iota3A : vector<16xi32>
        %swap3A_141 = arith.index_cast %scan3A_126 : i32 to index
        %swap3A_142 = tpu.vector_load %arg9[%swap3A_141] masked %lt3A_136 {strides = array<i32>} : memref<288xi32, #tpu.memory_space<vmem>>, vector<16xi32>, vector<16xi1>
        tpu.vector_store %arg9[%swap3A_141], %add3A_140 masked %lt3A_136 {strides = array<i32>} : memref<288xi32, #tpu.memory_space<vmem>>, vector<16xi32>, vector<16xi1>
        %all_reduce_population_count3A = tpu.all_reduce %lt3A_136 {dim = 0 : i64, kind = #tpu.reduction_kind<sum>} : vector<16xi1> -> vector<16xi32>
        %slice3A = vector.extract_strided_slice %all_reduce_population_count3A {offsets = [0], sizes = [1], strides = [1]} : vector<16xi32> to vector<1xi32>
        %squeeze3A = vector.extract %slice3A[0] : i32 from vector<1xi32>
        %add3A_143 = arith.addi %scan3A_126, %squeeze3A : i32
        %mul3A_144 = arith.constant 64 : i32
        %mul3A_145 = arith.muli %scan3A_125, %mul3A_144 : i32
        %add3A_146 = arith.constant 16 : i32
        %add3A_147 = arith.addi %mul3A_145, %add3A_146 : i32
        %get3A_148 = arith.index_cast %add3A_147 : i32 to index
        %get3A_149 = tpu.vector_load %arg8[%get3A_148] {strides = array<i32>} : memref<1616xi32, #tpu.memory_space<vmem>>, vector<16xi32>,
        %sub3A_150 = vector.broadcast %mul3A_3 : i32 to vector<16xi32>
        %sub3A_151 = arith.subi %get3A_149, %sub3A_150 : vector<16xi32>
        %lt3A_152 = vector.broadcast %select_n3A : i32 to vector<16xi32>
        %lt3A_153 = arith.cmpi ult, %sub3A_151, %lt3A_152 : vector<16xi32>
        %add3A_154 = arith.constant 16 : i32
        %add3A_155 = arith.addi %add3A_129, %add3A_154 : i32
        %iota3A_156 = tpu.iota {dimensions = array<i32: 0>} : vector<16xi32>
        %add3A_157 = vector.broadcast %add3A_155 : i32 to vector<16xi32>
        %add3A_158 = arith.addi %add3A_157, %iota3A_156 : vector<16xi32>
        %swap3A_159 = arith.index_cast %add3A_143 : i32 to index
        %swap3A_160 = tpu.vector_load %arg9[%swap3A_159] masked %lt3A_153 {strides = array<i32>} : memref<288xi32, #tpu.memory_space<vmem>>, vector<16xi32>, vector<16xi1>
        tpu.vector_store %arg9[%swap3A_159], %add3A_158 masked %lt3A_153 {strides = array<i32>} : memref<288xi32, #tpu.memory_space<vmem>>, vector<16xi32>, vector<16xi1>
        %all_reduce_population_count3A_161 = tpu.all_reduce %lt3A_153 {dim = 0 : i64, kind = #tpu.reduction_kind<sum>} : vector<16xi1> -> vector<16xi32>
        %slice3A_162 = vector.extract_strided_slice %all_reduce_population_count3A_161 {offsets = [0], sizes = [1], strides = [1]} : vector<16xi32> to vector<1xi32>
        %squeeze3A_163 = vector.extract %slice3A_162[0] : i32 from vector<1xi32>
        %add3A_164 = arith.addi %add3A_143, %squeeze3A_163 : i32
        %mul3A_165 = arith.constant 64 : i32
        %mul3A_166 = arith.muli %scan3A_125, %mul3A_165 : i32
        %add3A_167 = arith.constant 32 : i32
        %add3A_168 = arith.addi %mul3A_166, %add3A_167 : i32
        %get3A_169 = arith.index_cast %add3A_168 : i32 to index
        %get3A_170 = tpu.vector_load %arg8[%get3A_169] {strides = array<i32>} : memref<1616xi32, #tpu.memory_space<vmem>>, vector<16xi32>,
        %sub3A_171 = vector.broadcast %mul3A_3 : i32 to vector<16xi32>
        %sub3A_172 = arith.subi %get3A_170, %sub3A_171 : vector<16xi32>
        %lt3A_173 = vector.broadcast %select_n3A : i32 to vector<16xi32>
        %lt3A_174 = arith.cmpi ult, %sub3A_172, %lt3A_173 : vector<16xi32>
        %add3A_175 = arith.constant 32 : i32
        %add3A_176 = arith.addi %add3A_129, %add3A_175 : i32
        %iota3A_177 = tpu.iota {dimensions = array<i32: 0>} : vector<16xi32>
        %add3A_178 = vector.broadcast %add3A_176 : i32 to vector<16xi32>
        %add3A_179 = arith.addi %add3A_178, %iota3A_177 : vector<16xi32>
        %swap3A_180 = arith.index_cast %add3A_164 : i32 to index
        %swap3A_181 = tpu.vector_load %arg9[%swap3A_180] masked %lt3A_174 {strides = array<i32>} : memref<288xi32, #tpu.memory_space<vmem>>, vector<16xi32>, vector<16xi1>
        tpu.vector_store %arg9[%swap3A_180], %add3A_179 masked %lt3A_174 {strides = array<i32>} : memref<288xi32, #tpu.memory_space<vmem>>, vector<16xi32>, vector<16xi1>
        %all_reduce_population_count3A_182 = tpu.all_reduce %lt3A_174 {dim = 0 : i64, kind = #tpu.reduction_kind<sum>} : vector<16xi1> -> vector<16xi32>
        %slice3A_183 = vector.extract_strided_slice %all_reduce_population_count3A_182 {offsets = [0], sizes = [1], strides = [1]} : vector<16xi32> to vector<1xi32>
        %squeeze3A_184 = vector.extract %slice3A_183[0] : i32 from vector<1xi32>
        %add3A_185 = arith.addi %add3A_164, %squeeze3A_184 : i32
        %mul3A_186 = arith.constant 64 : i32
        %mul3A_187 = arith.muli %scan3A_125, %mul3A_186 : i32
        %add3A_188 = arith.constant 48 : i32
        %add3A_189 = arith.addi %mul3A_187, %add3A_188 : i32
        %get3A_190 = arith.index_cast %add3A_189 : i32 to index
        %get3A_191 = tpu.vector_load %arg8[%get3A_190] {strides = array<i32>} : memref<1616xi32, #tpu.memory_space<vmem>>, vector<16xi32>,
        %sub3A_192 = vector.broadcast %mul3A_3 : i32 to vector<16xi32>
        %sub3A_193 = arith.subi %get3A_191, %sub3A_192 : vector<16xi32>
        %lt3A_194 = vector.broadcast %select_n3A : i32 to vector<16xi32>
        %lt3A_195 = arith.cmpi ult, %sub3A_193, %lt3A_194 : vector<16xi32>
        %add3A_196 = arith.constant 48 : i32
        %add3A_197 = arith.addi %add3A_129, %add3A_196 : i32
        %iota3A_198 = tpu.iota {dimensions = array<i32: 0>} : vector<16xi32>
        %add3A_199 = vector.broadcast %add3A_197 : i32 to vector<16xi32>
        %add3A_200 = arith.addi %add3A_199, %iota3A_198 : vector<16xi32>
        %swap3A_201 = arith.index_cast %add3A_185 : i32 to index
        %swap3A_202 = tpu.vector_load %arg9[%swap3A_201] masked %lt3A_195 {strides = array<i32>} : memref<288xi32, #tpu.memory_space<vmem>>, vector<16xi32>, vector<16xi1>
        tpu.vector_store %arg9[%swap3A_201], %add3A_200 masked %lt3A_195 {strides = array<i32>} : memref<288xi32, #tpu.memory_space<vmem>>, vector<16xi32>, vector<16xi1>
        %all_reduce_population_count3A_203 = tpu.all_reduce %lt3A_195 {dim = 0 : i64, kind = #tpu.reduction_kind<sum>} : vector<16xi1> -> vector<16xi32>
        %slice3A_204 = vector.extract_strided_slice %all_reduce_population_count3A_203 {offsets = [0], sizes = [1], strides = [1]} : vector<16xi32> to vector<1xi32>
        %squeeze3A_205 = vector.extract %slice3A_204[0] : i32 from vector<1xi32>
        %add3A_206 = arith.addi %add3A_185, %squeeze3A_205 : i32
        %ge3A = arith.constant 128 : i32
        %ge3A_207 = arith.cmpi sge, %add3A_206, %ge3A : i32
        %convert_element_type3A_208 = arith.extui %ge3A_207 : i1 to i32
        %cond3A_209 = arith.constant 0 : i32
        %cond3A_210 = arith.cmpi ne, %convert_element_type3A_208, %cond3A_209 : i32
        scf.if %cond3A_210 {
          %dma_start3A_216 = arith.constant 0 : i32
          %dma_start3A_217 = tpu.memref_slice %arg9[%dma_start3A_216] : memref<288xi32, #tpu.memory_space<vmem>> -> memref<128xi32, #tpu.memory_space<vmem>>
          %dma_start3A_218 = arith.constant 0 : i32
          %dma_start3A_219 = arith.constant 0 : i32
          %dma_start3A_220 = tpu.memref_slice %arg2[%dma_start3A_218, %dma_start3A_219] : memref<160000x128xf32, #tpu.memory_space<hbm>> -> memref<160000x128xf32, #tpu.memory_space<hbm>>
          tpu.enqueue_indirect_dma source(%dma_start3A_220 : memref<160000x128xf32, #tpu.memory_space<hbm>>) target(%arg7 : memref<128x128xf32, #tpu.memory_space<vmem>>) offsets(%dma_start3A_217 : memref<128xi32, #tpu.memory_space<vmem>>) semaphore(%arg11 : memref<!tpu.dma_semaphore, #tpu.memory_space<semaphore_mem>>)
          %dma_start3A_221 = arith.constant 0 : i32
          %dma_start3A_222 = tpu.memref_slice %arg10[%dma_start3A_221] : memref<288xi32, #tpu.memory_space<vmem>> -> memref<128xi32, #tpu.memory_space<vmem>>
          %dma_start3A_223 = arith.constant 0 : i32
          %dma_start3A_224 = tpu.memref_slice %arg9[%dma_start3A_223] : memref<288xi32, #tpu.memory_space<vmem>> -> memref<128xi32, #tpu.memory_space<vmem>>
          %dma_start3A_225 = arith.constant 0 : i32
          %dma_start3A_226 = tpu.memref_slice %arg3[%dma_start3A_225] : memref<160000xi32, #tpu.memory_space<hbm>> -> memref<160000xi32, #tpu.memory_space<hbm>>
          tpu.enqueue_indirect_dma source(%dma_start3A_226 : memref<160000xi32, #tpu.memory_space<hbm>>) target(%dma_start3A_222 : memref<128xi32, #tpu.memory_space<vmem>>) offsets(%dma_start3A_224 : memref<128xi32, #tpu.memory_space<vmem>>) semaphore(%arg12 : memref<!tpu.dma_semaphore, #tpu.memory_space<semaphore_mem>>)
          %dma_wait3A_227 = arith.constant 0 : i32
          %dma_wait3A_228 = tpu.memref_slice %arg9[%dma_wait3A_227] : memref<288xi32, #tpu.memory_space<vmem>> -> memref<128xi32, #tpu.memory_space<vmem>>
          %dma_wait3A_229 = arith.constant 0 : i32
          %dma_wait3A_230 = arith.constant 0 : i32
          %dma_wait3A_231 = tpu.memref_slice %arg2[%dma_wait3A_229, %dma_wait3A_230] : memref<160000x128xf32, #tpu.memory_space<hbm>> -> memref<160000x128xf32, #tpu.memory_space<hbm>>
          tpu.wait_indirect_dma semaphore(%arg11 : memref<!tpu.dma_semaphore, #tpu.memory_space<semaphore_mem>>) src(%dma_wait3A_231 : memref<160000x128xf32, #tpu.memory_space<hbm>>) dst(%arg7 : memref<128x128xf32, #tpu.memory_space<vmem>>)
          %dma_wait3A_232 = arith.constant 0 : i32
          %dma_wait3A_233 = tpu.memref_slice %arg10[%dma_wait3A_232] : memref<288xi32, #tpu.memory_space<vmem>> -> memref<128xi32, #tpu.memory_space<vmem>>
          %dma_wait3A_234 = arith.constant 0 : i32
          %dma_wait3A_235 = tpu.memref_slice %arg9[%dma_wait3A_234] : memref<288xi32, #tpu.memory_space<vmem>> -> memref<128xi32, #tpu.memory_space<vmem>>
          %dma_wait3A_236 = arith.constant 0 : i32
          %dma_wait3A_237 = tpu.memref_slice %arg3[%dma_wait3A_236] : memref<160000xi32, #tpu.memory_space<hbm>> -> memref<160000xi32, #tpu.memory_space<hbm>>
          tpu.wait_indirect_dma semaphore(%arg12 : memref<!tpu.dma_semaphore, #tpu.memory_space<semaphore_mem>>) src(%dma_wait3A_237 : memref<160000xi32, #tpu.memory_space<hbm>>) dst(%dma_wait3A_233 : memref<128xi32, #tpu.memory_space<vmem>>)
          %scan3A_238 = arith.constant 0 : i32
          %scan3A_239 = arith.constant 0 : i32
          %scan3A_240 = arith.constant 128 : i32
          %scan3A_241 = arith.addi %scan3A_239, %scan3A_240 : i32
          %scan3A_242 = arith.constant 1 : i32
          scf.for %scan3A_260 = %scan3A_239 to %scan3A_241 step %scan3A_242  : i32 {
            %get3A_261 = arith.index_cast %scan3A_260 : i32 to index
            %get3A_262 = tpu.vector_load %arg10[%get3A_261] {strides = array<i32>} : memref<288xi32, #tpu.memory_space<vmem>>, vector<16xi32>,
            %slice3A_263 = vector.extract_strided_slice %get3A_262 {offsets = [0], sizes = [1], strides = [1]} : vector<16xi32> to vector<1xi32>
            %squeeze3A_264 = vector.extract %slice3A_263[0] : i32 from vector<1xi32>
            %sub3A_265 = arith.subi %squeeze3A_264, %mul3A_3 : i32
            %get3A_266 = arith.index_cast %scan3A_260 : i32 to index
            %get3A_267 = arith.constant 0 : index
            %get3A_268 = tpu.vector_load %arg7[%get3A_266, %get3A_267] {strides = array<i32>} : memref<128x128xf32, #tpu.memory_space<vmem>>, vector<16xf32>,
            %swap3A_269 = arith.index_cast %sub3A_265 : i32 to index
            %swap3A_270 = arith.constant 0 : index
            %swap3A_271 = tpu.vector_load %arg6[%swap3A_269, %swap3A_270] {strides = array<i32>} : memref<328x128xf32, #tpu.memory_space<vmem>>, vector<16xf32>,
            tpu.vector_store %arg6[%swap3A_269, %swap3A_270], %get3A_268 {add = true, strides = array<i32>} : memref<328x128xf32, #tpu.memory_space<vmem>>, vector<16xf32>,
            %get3A_272 = arith.index_cast %scan3A_260 : i32 to index
            %get3A_273 = arith.constant 16 : index
            %get3A_274 = tpu.vector_load %arg7[%get3A_272, %get3A_273] {strides = array<i32>} : memref<128x128xf32, #tpu.memory_space<vmem>>, vector<16xf32>,
            %swap3A_275 = arith.index_cast %sub3A_265 : i32 to index
            %swap3A_276 = arith.constant 16 : index
            %swap3A_277 = tpu.vector_load %arg6[%swap3A_275, %swap3A_276] {strides = array<i32>} : memref<328x128xf32, #tpu.memory_space<vmem>>, vector<16xf32>,
            tpu.vector_store %arg6[%swap3A_275, %swap3A_276], %get3A_274 {add = true, strides = array<i32>} : memref<328x128xf32, #tpu.memory_space<vmem>>, vector<16xf32>,
            %get3A_278 = arith.index_cast %scan3A_260 : i32 to index
            %get3A_279 = arith.constant 32 : index
            %get3A_280 = tpu.vector_load %arg7[%get3A_278, %get3A_279] {strides = array<i32>} : memref<128x128xf32, #tpu.memory_space<vmem>>, vector<16xf32>,
            %swap3A_281 = arith.index_cast %sub3A_265 : i32 to index
            %swap3A_282 = arith.constant 32 : index
            %swap3A_283 = tpu.vector_load %arg6[%swap3A_281, %swap3A_282] {strides = array<i32>} : memref<328x128xf32, #tpu.memory_space<vmem>>, vector<16xf32>,
            tpu.vector_store %arg6[%swap3A_281, %swap3A_282], %get3A_280 {add = true, strides = array<i32>} : memref<328x128xf32, #tpu.memory_space<vmem>>, vector<16xf32>,
            %get3A_284 = arith.index_cast %scan3A_260 : i32 to index
            %get3A_285 = arith.constant 48 : index
            %get3A_286 = tpu.vector_load %arg7[%get3A_284, %get3A_285] {strides = array<i32>} : memref<128x128xf32, #tpu.memory_space<vmem>>, vector<16xf32>,
            %swap3A_287 = arith.index_cast %sub3A_265 : i32 to index
            %swap3A_288 = arith.constant 48 : index
            %swap3A_289 = tpu.vector_load %arg6[%swap3A_287, %swap3A_288] {strides = array<i32>} : memref<328x128xf32, #tpu.memory_space<vmem>>, vector<16xf32>,
            tpu.vector_store %arg6[%swap3A_287, %swap3A_288], %get3A_286 {add = true, strides = array<i32>} : memref<328x128xf32, #tpu.memory_space<vmem>>, vector<16xf32>,
            %get3A_290 = arith.index_cast %scan3A_260 : i32 to index
            %get3A_291 = arith.constant 64 : index
            %get3A_292 = tpu.vector_load %arg7[%get3A_290, %get3A_291] {strides = array<i32>} : memref<128x128xf32, #tpu.memory_space<vmem>>, vector<16xf32>,
            %swap3A_293 = arith.index_cast %sub3A_265 : i32 to index
            %swap3A_294 = arith.constant 64 : index
            %swap3A_295 = tpu.vector_load %arg6[%swap3A_293, %swap3A_294] {strides = array<i32>} : memref<328x128xf32, #tpu.memory_space<vmem>>, vector<16xf32>,
            tpu.vector_store %arg6[%swap3A_293, %swap3A_294], %get3A_292 {add = true, strides = array<i32>} : memref<328x128xf32, #tpu.memory_space<vmem>>, vector<16xf32>,
            %get3A_296 = arith.index_cast %scan3A_260 : i32 to index
            %get3A_297 = arith.constant 80 : index
            %get3A_298 = tpu.vector_load %arg7[%get3A_296, %get3A_297] {strides = array<i32>} : memref<128x128xf32, #tpu.memory_space<vmem>>, vector<16xf32>,
            %swap3A_299 = arith.index_cast %sub3A_265 : i32 to index
            %swap3A_300 = arith.constant 80 : index
            %swap3A_301 = tpu.vector_load %arg6[%swap3A_299, %swap3A_300] {strides = array<i32>} : memref<328x128xf32, #tpu.memory_space<vmem>>, vector<16xf32>,
            tpu.vector_store %arg6[%swap3A_299, %swap3A_300], %get3A_298 {add = true, strides = array<i32>} : memref<328x128xf32, #tpu.memory_space<vmem>>, vector<16xf32>,
            %get3A_302 = arith.index_cast %scan3A_260 : i32 to index
            %get3A_303 = arith.constant 96 : index
            %get3A_304 = tpu.vector_load %arg7[%get3A_302, %get3A_303] {strides = array<i32>} : memref<128x128xf32, #tpu.memory_space<vmem>>, vector<16xf32>,
            %swap3A_305 = arith.index_cast %sub3A_265 : i32 to index
            %swap3A_306 = arith.constant 96 : index
            %swap3A_307 = tpu.vector_load %arg6[%swap3A_305, %swap3A_306] {strides = array<i32>} : memref<328x128xf32, #tpu.memory_space<vmem>>, vector<16xf32>,
            tpu.vector_store %arg6[%swap3A_305, %swap3A_306], %get3A_304 {add = true, strides = array<i32>} : memref<328x128xf32, #tpu.memory_space<vmem>>, vector<16xf32>,
            %get3A_308 = arith.index_cast %scan3A_260 : i32 to index
            %get3A_309 = arith.constant 112 : index
            %get3A_310 = tpu.vector_load %arg7[%get3A_308, %get3A_309] {strides = array<i32>} : memref<128x128xf32, #tpu.memory_space<vmem>>, vector<16xf32>,
            %swap3A_311 = arith.index_cast %sub3A_265 : i32 to index
            %swap3A_312 = arith.constant 112 : index
            %swap3A_313 = tpu.vector_load %arg6[%swap3A_311, %swap3A_312] {strides = array<i32>} : memref<328x128xf32, #tpu.memory_space<vmem>>, vector<16xf32>,
            tpu.vector_store %arg6[%swap3A_311, %swap3A_312], %get3A_310 {add = true, strides = array<i32>} : memref<328x128xf32, #tpu.memory_space<vmem>>, vector<16xf32>,
          }
          %scan3A_243 = arith.constant 128 : i32
          %get3A_244 = arith.constant 128 : index
          %get3A_245 = tpu.vector_load %arg9[%get3A_244] {strides = array<i32>} : memref<288xi32, #tpu.memory_space<vmem>>, vector<16xi32>,
          %swap3A_246 = arith.constant 0 : index
          %swap3A_247 = tpu.vector_load %arg9[%swap3A_246] {strides = array<i32>} : memref<288xi32, #tpu.memory_space<vmem>>, vector<16xi32>,
          tpu.vector_store %arg9[%swap3A_246], %get3A_245 {strides = array<i32>} : memref<288xi32, #tpu.memory_space<vmem>>, vector<16xi32>,
          %get3A_248 = arith.constant 144 : index
          %get3A_249 = tpu.vector_load %arg9[%get3A_248] {strides = array<i32>} : memref<288xi32, #tpu.memory_space<vmem>>, vector<16xi32>,
          %swap3A_250 = arith.constant 16 : index
          %swap3A_251 = tpu.vector_load %arg9[%swap3A_250] {strides = array<i32>} : memref<288xi32, #tpu.memory_space<vmem>>, vector<16xi32>,
          tpu.vector_store %arg9[%swap3A_250], %get3A_249 {strides = array<i32>} : memref<288xi32, #tpu.memory_space<vmem>>, vector<16xi32>,
          %get3A_252 = arith.constant 160 : index
          %get3A_253 = tpu.vector_load %arg9[%get3A_252] {strides = array<i32>} : memref<288xi32, #tpu.memory_space<vmem>>, vector<16xi32>,
          %swap3A_254 = arith.constant 32 : index
          %swap3A_255 = tpu.vector_load %arg9[%swap3A_254] {strides = array<i32>} : memref<288xi32, #tpu.memory_space<vmem>>, vector<16xi32>,
          tpu.vector_store %arg9[%swap3A_254], %get3A_253 {strides = array<i32>} : memref<288xi32, #tpu.memory_space<vmem>>, vector<16xi32>,
          %get3A_256 = arith.constant 176 : index
          %get3A_257 = tpu.vector_load %arg9[%get3A_256] {strides = array<i32>} : memref<288xi32, #tpu.memory_space<vmem>>, vector<16xi32>,
          %swap3A_258 = arith.constant 48 : index
          %swap3A_259 = tpu.vector_load %arg9[%swap3A_258] {strides = array<i32>} : memref<288xi32, #tpu.memory_space<vmem>>, vector<16xi32>,
          tpu.vector_store %arg9[%swap3A_258], %get3A_257 {strides = array<i32>} : memref<288xi32, #tpu.memory_space<vmem>>, vector<16xi32>,
        } else {
        }
        %ge3A_211 = arith.constant 128 : i32
        %ge3A_212 = arith.cmpi sge, %add3A_206, %ge3A_211 : i32
        %sub3A_213 = arith.constant 128 : i32
        %sub3A_214 = arith.subi %add3A_206, %sub3A_213 : i32
        %select_n3A_215 = arith.select %ge3A_212, %sub3A_214, %add3A_206 : i32
        scf.yield %select_n3A_215 : i32
      }
      %scan3A_124 = arith.constant 25 : i32
      scf.yield %scan3A_123 : i32
    }
    %scan3A_80 = arith.constant 100 : i32
    %dma_start3A = arith.constant 0 : i32
    %dma_start3A_81 = tpu.memref_slice %arg9[%dma_start3A] : memref<288xi32, #tpu.memory_space<vmem>> -> memref<128xi32, #tpu.memory_space<vmem>>
    %dma_start3A_82 = arith.constant 0 : i32
    %dma_start3A_83 = arith.constant 0 : i32
    %dma_start3A_84 = tpu.memref_slice %arg2[%dma_start3A_82, %dma_start3A_83] : memref<160000x128xf32, #tpu.memory_space<hbm>> -> memref<160000x128xf32, #tpu.memory_space<hbm>>
    tpu.enqueue_indirect_dma source(%dma_start3A_84 : memref<160000x128xf32, #tpu.memory_space<hbm>>) target(%arg7 : memref<128x128xf32, #tpu.memory_space<vmem>>) offsets(%dma_start3A_81 : memref<128xi32, #tpu.memory_space<vmem>>) semaphore(%arg11 : memref<!tpu.dma_semaphore, #tpu.memory_space<semaphore_mem>>)
    %dma_start3A_85 = arith.constant 0 : i32
    %dma_start3A_86 = tpu.memref_slice %arg10[%dma_start3A_85] : memref<288xi32, #tpu.memory_space<vmem>> -> memref<128xi32, #tpu.memory_space<vmem>>
    %dma_start3A_87 = arith.constant 0 : i32
    %dma_start3A_88 = tpu.memref_slice %arg9[%dma_start3A_87] : memref<288xi32, #tpu.memory_space<vmem>> -> memref<128xi32, #tpu.memory_space<vmem>>
    %dma_start3A_89 = arith.constant 0 : i32
    %dma_start3A_90 = tpu.memref_slice %arg3[%dma_start3A_89] : memref<160000xi32, #tpu.memory_space<hbm>> -> memref<160000xi32, #tpu.memory_space<hbm>>
    tpu.enqueue_indirect_dma source(%dma_start3A_90 : memref<160000xi32, #tpu.memory_space<hbm>>) target(%dma_start3A_86 : memref<128xi32, #tpu.memory_space<vmem>>) offsets(%dma_start3A_88 : memref<128xi32, #tpu.memory_space<vmem>>) semaphore(%arg12 : memref<!tpu.dma_semaphore, #tpu.memory_space<semaphore_mem>>)
    %dma_wait3A = arith.constant 0 : i32
    %dma_wait3A_91 = tpu.memref_slice %arg9[%dma_wait3A] : memref<288xi32, #tpu.memory_space<vmem>> -> memref<128xi32, #tpu.memory_space<vmem>>
    %dma_wait3A_92 = arith.constant 0 : i32
    %dma_wait3A_93 = arith.constant 0 : i32
    %dma_wait3A_94 = tpu.memref_slice %arg2[%dma_wait3A_92, %dma_wait3A_93] : memref<160000x128xf32, #tpu.memory_space<hbm>> -> memref<160000x128xf32, #tpu.memory_space<hbm>>
    tpu.wait_indirect_dma semaphore(%arg11 : memref<!tpu.dma_semaphore, #tpu.memory_space<semaphore_mem>>) src(%dma_wait3A_94 : memref<160000x128xf32, #tpu.memory_space<hbm>>) dst(%arg7 : memref<128x128xf32, #tpu.memory_space<vmem>>)
    %dma_wait3A_95 = arith.constant 0 : i32
    %dma_wait3A_96 = tpu.memref_slice %arg10[%dma_wait3A_95] : memref<288xi32, #tpu.memory_space<vmem>> -> memref<128xi32, #tpu.memory_space<vmem>>
    %dma_wait3A_97 = arith.constant 0 : i32
    %dma_wait3A_98 = tpu.memref_slice %arg9[%dma_wait3A_97] : memref<288xi32, #tpu.memory_space<vmem>> -> memref<128xi32, #tpu.memory_space<vmem>>
    %dma_wait3A_99 = arith.constant 0 : i32
    %dma_wait3A_100 = tpu.memref_slice %arg3[%dma_wait3A_99] : memref<160000xi32, #tpu.memory_space<hbm>> -> memref<160000xi32, #tpu.memory_space<hbm>>
    tpu.wait_indirect_dma semaphore(%arg12 : memref<!tpu.dma_semaphore, #tpu.memory_space<semaphore_mem>>) src(%dma_wait3A_100 : memref<160000xi32, #tpu.memory_space<hbm>>) dst(%dma_wait3A_96 : memref<128xi32, #tpu.memory_space<vmem>>)
    %while3A = arith.constant 0 : i32
    %while3A_101 = arith.constant 0 : i32
    %while3A_102 = arith.subi %scan3A_79, %while3A_101 : i32
    %while3A_103 = arith.addi %while3A_101, %while3A_102 : i32
    %while3A_104 = arith.constant 1 : i32
    %while3A_105 = arith.divsi %while3A_102, %while3A_104 : i32
    %while3A_106 = arith.muli %while3A_105, %while3A_104 : i32
    %while3A_107 = arith.addi %while3A_101, %while3A_106 : i32
    %while3A_108 = arith.constant 1 : i32
    scf.for %while3A_115 = %while3A_101 to %while3A_107 step %while3A_108  : i32 {
      %get3A = arith.index_cast %while3A_115 : i32 to index
      %get3A_116 = tpu.vector_load %arg10[%get3A] {strides = array<i32>} : memref<288xi32, #tpu.memory_space<vmem>>, vector<16xi32>,
      %slice3A = vector.extract_strided_slice %get3A_116 {offsets = [0], sizes = [1], strides = [1]} : vector<16xi32> to vector<1xi32>
      %squeeze3A = vector.extract %slice3A[0] : i32 from vector<1xi32>
      %sub3A = arith.subi %squeeze3A, %mul3A_3 : i32
      %get3A_117 = arith.index_cast %while3A_115 : i32 to index
      %get3A_118 = arith.constant 0 : index
      %get3A_119 = tpu.vector_load %arg7[%get3A_117, %get3A_118] {strides = array<i32>} : memref<128x128xf32, #tpu.memory_space<vmem>>, vector<16xf32>,
      %swap3A_120 = arith.index_cast %sub3A : i32 to index
      %swap3A_121 = arith.constant 0 : index
      %swap3A_122 = tpu.vector_load %arg6[%swap3A_120, %swap3A_121] {strides = array<i32>} : memref<328x128xf32, #tpu.memory_space<vmem>>, vector<16xf32>,
      tpu.vector_store %arg6[%swap3A_120, %swap3A_121], %get3A_119 {add = true, strides = array<i32>} : memref<328x128xf32, #tpu.memory_space<vmem>>, vector<16xf32>,
      %get3A_123 = arith.index_cast %while3A_115 : i32 to index
      %get3A_124 = arith.constant 16 : index
      %get3A_125 = tpu.vector_load %arg7[%get3A_123, %get3A_124] {strides = array<i32>} : memref<128x128xf32, #tpu.memory_space<vmem>>, vector<16xf32>,
      %swap3A_126 = arith.index_cast %sub3A : i32 to index
      %swap3A_127 = arith.constant 16 : index
      %swap3A_128 = tpu.vector_load %arg6[%swap3A_126, %swap3A_127] {strides = array<i32>} : memref<328x128xf32, #tpu.memory_space<vmem>>, vector<16xf32>,
      tpu.vector_store %arg6[%swap3A_126, %swap3A_127], %get3A_125 {add = true, strides = array<i32>} : memref<328x128xf32, #tpu.memory_space<vmem>>, vector<16xf32>,
      %get3A_129 = arith.index_cast %while3A_115 : i32 to index
      %get3A_130 = arith.constant 32 : index
      %get3A_131 = tpu.vector_load %arg7[%get3A_129, %get3A_130] {strides = array<i32>} : memref<128x128xf32, #tpu.memory_space<vmem>>, vector<16xf32>,
      %swap3A_132 = arith.index_cast %sub3A : i32 to index
      %swap3A_133 = arith.constant 32 : index
      %swap3A_134 = tpu.vector_load %arg6[%swap3A_132, %swap3A_133] {strides = array<i32>} : memref<328x128xf32, #tpu.memory_space<vmem>>, vector<16xf32>,
      tpu.vector_store %arg6[%swap3A_132, %swap3A_133], %get3A_131 {add = true, strides = array<i32>} : memref<328x128xf32, #tpu.memory_space<vmem>>, vector<16xf32>,
      %get3A_135 = arith.index_cast %while3A_115 : i32 to index
      %get3A_136 = arith.constant 48 : index
      %get3A_137 = tpu.vector_load %arg7[%get3A_135, %get3A_136] {strides = array<i32>} : memref<128x128xf32, #tpu.memory_space<vmem>>, vector<16xf32>,
      %swap3A_138 = arith.index_cast %sub3A : i32 to index
      %swap3A_139 = arith.constant 48 : index
      %swap3A_140 = tpu.vector_load %arg6[%swap3A_138, %swap3A_139] {strides = array<i32>} : memref<328x128xf32, #tpu.memory_space<vmem>>, vector<16xf32>,
      tpu.vector_store %arg6[%swap3A_138, %swap3A_139], %get3A_137 {add = true, strides = array<i32>} : memref<328x128xf32, #tpu.memory_space<vmem>>, vector<16xf32>,
      %get3A_141 = arith.index_cast %while3A_115 : i32 to index
      %get3A_142 = arith.constant 64 : index
      %get3A_143 = tpu.vector_load %arg7[%get3A_141, %get3A_142] {strides = array<i32>} : memref<128x128xf32, #tpu.memory_space<vmem>>, vector<16xf32>,
      %swap3A_144 = arith.index_cast %sub3A : i32 to index
      %swap3A_145 = arith.constant 64 : index
      %swap3A_146 = tpu.vector_load %arg6[%swap3A_144, %swap3A_145] {strides = array<i32>} : memref<328x128xf32, #tpu.memory_space<vmem>>, vector<16xf32>,
      tpu.vector_store %arg6[%swap3A_144, %swap3A_145], %get3A_143 {add = true, strides = array<i32>} : memref<328x128xf32, #tpu.memory_space<vmem>>, vector<16xf32>,
      %get3A_147 = arith.index_cast %while3A_115 : i32 to index
      %get3A_148 = arith.constant 80 : index
      %get3A_149 = tpu.vector_load %arg7[%get3A_147, %get3A_148] {strides = array<i32>} : memref<128x128xf32, #tpu.memory_space<vmem>>, vector<16xf32>,
      %swap3A_150 = arith.index_cast %sub3A : i32 to index
      %swap3A_151 = arith.constant 80 : index
      %swap3A_152 = tpu.vector_load %arg6[%swap3A_150, %swap3A_151] {strides = array<i32>} : memref<328x128xf32, #tpu.memory_space<vmem>>, vector<16xf32>,
      tpu.vector_store %arg6[%swap3A_150, %swap3A_151], %get3A_149 {add = true, strides = array<i32>} : memref<328x128xf32, #tpu.memory_space<vmem>>, vector<16xf32>,
      %get3A_153 = arith.index_cast %while3A_115 : i32 to index
      %get3A_154 = arith.constant 96 : index
      %get3A_155 = tpu.vector_load %arg7[%get3A_153, %get3A_154] {strides = array<i32>} : memref<128x128xf32, #tpu.memory_space<vmem>>, vector<16xf32>,
      %swap3A_156 = arith.index_cast %sub3A : i32 to index
      %swap3A_157 = arith.constant 96 : index
      %swap3A_158 = tpu.vector_load %arg6[%swap3A_156, %swap3A_157] {strides = array<i32>} : memref<328x128xf32, #tpu.memory_space<vmem>>, vector<16xf32>,
      tpu.vector_store %arg6[%swap3A_156, %swap3A_157], %get3A_155 {add = true, strides = array<i32>} : memref<328x128xf32, #tpu.memory_space<vmem>>, vector<16xf32>,
      %get3A_159 = arith.index_cast %while3A_115 : i32 to index
      %get3A_160 = arith.constant 112 : index
      %get3A_161 = tpu.vector_load %arg7[%get3A_159, %get3A_160] {strides = array<i32>} : memref<128x128xf32, #tpu.memory_space<vmem>>, vector<16xf32>,
      %swap3A_162 = arith.index_cast %sub3A : i32 to index
      %swap3A_163 = arith.constant 112 : index
      %swap3A_164 = tpu.vector_load %arg6[%swap3A_162, %swap3A_163] {strides = array<i32>} : memref<328x128xf32, #tpu.memory_space<vmem>>, vector<16xf32>,
      tpu.vector_store %arg6[%swap3A_162, %swap3A_163], %get3A_161 {add = true, strides = array<i32>} : memref<328x128xf32, #tpu.memory_space<vmem>>, vector<16xf32>,
    }
    %while3A_109 = arith.constant 1 : i32
    scf.for %while3A_115 = %while3A_107 to %while3A_103 step %while3A_109  : i32 {
      %get3A = arith.index_cast %while3A_115 : i32 to index
      %get3A_116 = tpu.vector_load %arg10[%get3A] {strides = array<i32>} : memref<288xi32, #tpu.memory_space<vmem>>, vector<16xi32>,
      %slice3A = vector.extract_strided_slice %get3A_116 {offsets = [0], sizes = [1], strides = [1]} : vector<16xi32> to vector<1xi32>
      %squeeze3A = vector.extract %slice3A[0] : i32 from vector<1xi32>
      %sub3A = arith.subi %squeeze3A, %mul3A_3 : i32
      %get3A_117 = arith.index_cast %while3A_115 : i32 to index
      %get3A_118 = arith.constant 0 : index
      %get3A_119 = tpu.vector_load %arg7[%get3A_117, %get3A_118] {strides = array<i32>} : memref<128x128xf32, #tpu.memory_space<vmem>>, vector<16xf32>,
      %swap3A_120 = arith.index_cast %sub3A : i32 to index
      %swap3A_121 = arith.constant 0 : index
      %swap3A_122 = tpu.vector_load %arg6[%swap3A_120, %swap3A_121] {strides = array<i32>} : memref<328x128xf32, #tpu.memory_space<vmem>>, vector<16xf32>,
      tpu.vector_store %arg6[%swap3A_120, %swap3A_121], %get3A_119 {add = true, strides = array<i32>} : memref<328x128xf32, #tpu.memory_space<vmem>>, vector<16xf32>,
      %get3A_123 = arith.index_cast %while3A_115 : i32 to index
      %get3A_124 = arith.constant 16 : index
      %get3A_125 = tpu.vector_load %arg7[%get3A_123, %get3A_124] {strides = array<i32>} : memref<128x128xf32, #tpu.memory_space<vmem>>, vector<16xf32>,
      %swap3A_126 = arith.index_cast %sub3A : i32 to index
      %swap3A_127 = arith.constant 16 : index
      %swap3A_128 = tpu.vector_load %arg6[%swap3A_126, %swap3A_127] {strides = array<i32>} : memref<328x128xf32, #tpu.memory_space<vmem>>, vector<16xf32>,
      tpu.vector_store %arg6[%swap3A_126, %swap3A_127], %get3A_125 {add = true, strides = array<i32>} : memref<328x128xf32, #tpu.memory_space<vmem>>, vector<16xf32>,
      %get3A_129 = arith.index_cast %while3A_115 : i32 to index
      %get3A_130 = arith.constant 32 : index
      %get3A_131 = tpu.vector_load %arg7[%get3A_129, %get3A_130] {strides = array<i32>} : memref<128x128xf32, #tpu.memory_space<vmem>>, vector<16xf32>,
      %swap3A_132 = arith.index_cast %sub3A : i32 to index
      %swap3A_133 = arith.constant 32 : index
      %swap3A_134 = tpu.vector_load %arg6[%swap3A_132, %swap3A_133] {strides = array<i32>} : memref<328x128xf32, #tpu.memory_space<vmem>>, vector<16xf32>,
      tpu.vector_store %arg6[%swap3A_132, %swap3A_133], %get3A_131 {add = true, strides = array<i32>} : memref<328x128xf32, #tpu.memory_space<vmem>>, vector<16xf32>,
      %get3A_135 = arith.index_cast %while3A_115 : i32 to index
      %get3A_136 = arith.constant 48 : index
      %get3A_137 = tpu.vector_load %arg7[%get3A_135, %get3A_136] {strides = array<i32>} : memref<128x128xf32, #tpu.memory_space<vmem>>, vector<16xf32>,
      %swap3A_138 = arith.index_cast %sub3A : i32 to index
      %swap3A_139 = arith.constant 48 : index
      %swap3A_140 = tpu.vector_load %arg6[%swap3A_138, %swap3A_139] {strides = array<i32>} : memref<328x128xf32, #tpu.memory_space<vmem>>, vector<16xf32>,
      tpu.vector_store %arg6[%swap3A_138, %swap3A_139], %get3A_137 {add = true, strides = array<i32>} : memref<328x128xf32, #tpu.memory_space<vmem>>, vector<16xf32>,
      %get3A_141 = arith.index_cast %while3A_115 : i32 to index
      %get3A_142 = arith.constant 64 : index
      %get3A_143 = tpu.vector_load %arg7[%get3A_141, %get3A_142] {strides = array<i32>} : memref<128x128xf32, #tpu.memory_space<vmem>>, vector<16xf32>,
      %swap3A_144 = arith.index_cast %sub3A : i32 to index
      %swap3A_145 = arith.constant 64 : index
      %swap3A_146 = tpu.vector_load %arg6[%swap3A_144, %swap3A_145] {strides = array<i32>} : memref<328x128xf32, #tpu.memory_space<vmem>>, vector<16xf32>,
      tpu.vector_store %arg6[%swap3A_144, %swap3A_145], %get3A_143 {add = true, strides = array<i32>} : memref<328x128xf32, #tpu.memory_space<vmem>>, vector<16xf32>,
      %get3A_147 = arith.index_cast %while3A_115 : i32 to index
      %get3A_148 = arith.constant 80 : index
      %get3A_149 = tpu.vector_load %arg7[%get3A_147, %get3A_148] {strides = array<i32>} : memref<128x128xf32, #tpu.memory_space<vmem>>, vector<16xf32>,
      %swap3A_150 = arith.index_cast %sub3A : i32 to index
      %swap3A_151 = arith.constant 80 : index
      %swap3A_152 = tpu.vector_load %arg6[%swap3A_150, %swap3A_151] {strides = array<i32>} : memref<328x128xf32, #tpu.memory_space<vmem>>, vector<16xf32>,
      tpu.vector_store %arg6[%swap3A_150, %swap3A_151], %get3A_149 {add = true, strides = array<i32>} : memref<328x128xf32, #tpu.memory_space<vmem>>, vector<16xf32>,
      %get3A_153 = arith.index_cast %while3A_115 : i32 to index
      %get3A_154 = arith.constant 96 : index
      %get3A_155 = tpu.vector_load %arg7[%get3A_153, %get3A_154] {strides = array<i32>} : memref<128x128xf32, #tpu.memory_space<vmem>>, vector<16xf32>,
      %swap3A_156 = arith.index_cast %sub3A : i32 to index
      %swap3A_157 = arith.constant 96 : index
      %swap3A_158 = tpu.vector_load %arg6[%swap3A_156, %swap3A_157] {strides = array<i32>} : memref<328x128xf32, #tpu.memory_space<vmem>>, vector<16xf32>,
      tpu.vector_store %arg6[%swap3A_156, %swap3A_157], %get3A_155 {add = true, strides = array<i32>} : memref<328x128xf32, #tpu.memory_space<vmem>>, vector<16xf32>,
      %get3A_159 = arith.index_cast %while3A_115 : i32 to index
      %get3A_160 = arith.constant 112 : index
      %get3A_161 = tpu.vector_load %arg7[%get3A_159, %get3A_160] {strides = array<i32>} : memref<128x128xf32, #tpu.memory_space<vmem>>, vector<16xf32>,
      %swap3A_162 = arith.index_cast %sub3A : i32 to index
      %swap3A_163 = arith.constant 112 : index
      %swap3A_164 = tpu.vector_load %arg6[%swap3A_162, %swap3A_163] {strides = array<i32>} : memref<328x128xf32, #tpu.memory_space<vmem>>, vector<16xf32>,
      tpu.vector_store %arg6[%swap3A_162, %swap3A_163], %get3A_161 {add = true, strides = array<i32>} : memref<328x128xf32, #tpu.memory_space<vmem>>, vector<16xf32>,
    }
    %not3A = arith.constant true
    %not3A_110 = arith.xori %eq3A_1, %not3A : i1
    %convert_element_type3A = arith.extui %not3A_110 : i1 to i32
    %cond3A = arith.constant 0 : i32
    %cond3A_111 = arith.cmpi ne, %convert_element_type3A, %cond3A : i32
    scf.if %cond3A_111 {
      "tpu.region"() ({
        %run_scoped3A = tpu.sem_alloc : memref<!tpu.dma_semaphore, #tpu.memory_space<semaphore_mem>>
        %dma_start3A_115 = arith.constant 0 : i32
        %dma_start3A_116 = arith.constant 0 : i32
        %dma_start3A_117 = tpu.memref_slice %arg6[%dma_start3A_115, %dma_start3A_116] : memref<328x128xf32, #tpu.memory_space<vmem>> -> memref<312x128xf32, #tpu.memory_space<vmem>>
        %dma_start3A_118 = arith.constant 0 : i32
        %dma_start3A_119 = tpu.memref_slice %arg5[%mul3A_3, %dma_start3A_118] : memref<10000x128xf32, #tpu.memory_space<hbm>> -> memref<312x128xf32, #tpu.memory_space<hbm>>
        %dma_start3A_120 = arith.constant 0 : i32
        %dma_start3A_121 = tpu.memref_slice %arg5[%mul3A_3, %dma_start3A_120] : memref<10000x128xf32, #tpu.memory_space<hbm>> -> memref<312x128xf32, #tpu.memory_space<hbm>>
        %dma_start3A_122 = arith.constant 0 : i32
        %dma_start3A_123 = arith.constant 0 : i32
        %dma_start3A_124 = tpu.memref_slice %arg6[%dma_start3A_122, %dma_start3A_123] : memref<328x128xf32, #tpu.memory_space<vmem>> -> memref<312x128xf32, #tpu.memory_space<vmem>>
        tpu.enqueue_dma source(%dma_start3A_124 : memref<312x128xf32, #tpu.memory_space<vmem>>) target(%dma_start3A_121 : memref<312x128xf32, #tpu.memory_space<hbm>>) target_semaphore(%run_scoped3A : memref<!tpu.dma_semaphore, #tpu.memory_space<semaphore_mem>>)
        %dma_wait3A_125 = arith.constant 0 : i32
        %dma_wait3A_126 = arith.constant 0 : i32
        %dma_wait3A_127 = tpu.memref_slice %arg6[%dma_wait3A_125, %dma_wait3A_126] : memref<328x128xf32, #tpu.memory_space<vmem>> -> memref<312x128xf32, #tpu.memory_space<vmem>>
        %dma_wait3A_128 = arith.constant 0 : i32
        %dma_wait3A_129 = tpu.memref_slice %arg5[%mul3A_3, %dma_wait3A_128] : memref<10000x128xf32, #tpu.memory_space<hbm>> -> memref<312x128xf32, #tpu.memory_space<hbm>>
        %dma_wait3A_130 = arith.constant 0 : i32
        %dma_wait3A_131 = tpu.memref_slice %arg5[%mul3A_3, %dma_wait3A_130] : memref<10000x128xf32, #tpu.memory_space<hbm>> -> memref<312x128xf32, #tpu.memory_space<hbm>>
        %dma_wait3A_132 = arith.constant 0 : i32
        %dma_wait3A_133 = arith.constant 0 : i32
        %dma_wait3A_134 = tpu.memref_slice %arg6[%dma_wait3A_132, %dma_wait3A_133] : memref<328x128xf32, #tpu.memory_space<vmem>> -> memref<312x128xf32, #tpu.memory_space<vmem>>
        tpu.wait_dma2 semaphore(%run_scoped3A : memref<!tpu.dma_semaphore, #tpu.memory_space<semaphore_mem>>) src(%dma_wait3A_134 : memref<312x128xf32, #tpu.memory_space<vmem>>) dst(%dma_wait3A_131 : memref<312x128xf32, #tpu.memory_space<hbm>>)
        tpu.yield
      }) : () -> ()
    } else {
    }
    %convert_element_type3A_112 = arith.extui %eq3A_1 : i1 to i32
    %cond3A_113 = arith.constant 0 : i32
    %cond3A_114 = arith.cmpi ne, %convert_element_type3A_112, %cond3A_113 : i32
    scf.if %cond3A_114 {
      "tpu.region"() ({
        %run_scoped3A = tpu.sem_alloc : memref<!tpu.dma_semaphore, #tpu.memory_space<semaphore_mem>>
        %dma_start3A_115 = arith.constant 0 : i32
        %dma_start3A_116 = arith.constant 0 : i32
        %dma_start3A_117 = tpu.memref_slice %arg6[%dma_start3A_115, %dma_start3A_116] : memref<328x128xf32, #tpu.memory_space<vmem>> -> memref<328x128xf32, #tpu.memory_space<vmem>>
        %dma_start3A_118 = arith.constant 0 : i32
        %dma_start3A_119 = tpu.memref_slice %arg5[%mul3A_3, %dma_start3A_118] : memref<10000x128xf32, #tpu.memory_space<hbm>> -> memref<328x128xf32, #tpu.memory_space<hbm>>
        %dma_start3A_120 = arith.constant 0 : i32
        %dma_start3A_121 = tpu.memref_slice %arg5[%mul3A_3, %dma_start3A_120] : memref<10000x128xf32, #tpu.memory_space<hbm>> -> memref<328x128xf32, #tpu.memory_space<hbm>>
        %dma_start3A_122 = arith.constant 0 : i32
        %dma_start3A_123 = arith.constant 0 : i32
        %dma_start3A_124 = tpu.memref_slice %arg6[%dma_start3A_122, %dma_start3A_123] : memref<328x128xf32, #tpu.memory_space<vmem>> -> memref<328x128xf32, #tpu.memory_space<vmem>>
        tpu.enqueue_dma source(%dma_start3A_124 : memref<328x128xf32, #tpu.memory_space<vmem>>) target(%dma_start3A_121 : memref<328x128xf32, #tpu.memory_space<hbm>>) target_semaphore(%run_scoped3A : memref<!tpu.dma_semaphore, #tpu.memory_space<semaphore_mem>>)
        %dma_wait3A_125 = arith.constant 0 : i32
        %dma_wait3A_126 = arith.constant 0 : i32
        %dma_wait3A_127 = tpu.memref_slice %arg6[%dma_wait3A_125, %dma_wait3A_126] : memref<328x128xf32, #tpu.memory_space<vmem>> -> memref<328x128xf32, #tpu.memory_space<vmem>>
        %dma_wait3A_128 = arith.constant 0 : i32
        %dma_wait3A_129 = tpu.memref_slice %arg5[%mul3A_3, %dma_wait3A_128] : memref<10000x128xf32, #tpu.memory_space<hbm>> -> memref<328x128xf32, #tpu.memory_space<hbm>>
        %dma_wait3A_130 = arith.constant 0 : i32
        %dma_wait3A_131 = tpu.memref_slice %arg5[%mul3A_3, %dma_wait3A_130] : memref<10000x128xf32, #tpu.memory_space<hbm>> -> memref<328x128xf32, #tpu.memory_space<hbm>>
        %dma_wait3A_132 = arith.constant 0 : i32
        %dma_wait3A_133 = arith.constant 0 : i32
        %dma_wait3A_134 = tpu.memref_slice %arg6[%dma_wait3A_132, %dma_wait3A_133] : memref<328x128xf32, #tpu.memory_space<vmem>> -> memref<328x128xf32, #tpu.memory_space<vmem>>
        tpu.wait_dma2 semaphore(%run_scoped3A : memref<!tpu.dma_semaphore, #tpu.memory_space<semaphore_mem>>) src(%dma_wait3A_134 : memref<328x128xf32, #tpu.memory_space<vmem>>) dst(%dma_wait3A_131 : memref<328x128xf32, #tpu.memory_space<hbm>>)
        tpu.yield
      }) : () -> ()
    } else {
    }
    return
  }
}

module attributes {stable_mosaic.version = 14 : i64} {
  func.func @_prep_body(%arg0: i32, %arg1: memref<2000x144xf32, #tpu.memory_space<vmem>>, %arg2: memref<2000x1xf32, #tpu.memory_space<vmem>>, %arg3: memref<96x64xf32, #tpu.memory_space<vmem>>, %arg4: memref<96x64xf32, #tpu.memory_space<vmem>>, %arg5: memref<64x64xf32, #tpu.memory_space<vmem>>, %arg6: memref<64x64xf32, #tpu.memory_space<vmem>>, %arg7: memref<2000x256xf32, #tpu.memory_space<vmem>>, %arg8: memref<2000x256xf32, #tpu.memory_space<vmem>>) attributes {dimension_semantics = [#tpu.dimension_semantics<arbitrary>], iteration_bounds = array<i64: 5>, scalar_prefetch = 0 : i64, scratch_operands = 0 : i64, tpu.core_type = #tpu.core_type<tc>, window_params = [{transform_indices = @transform_0, window_bounds = array<i64: 2000, 144>}, {transform_indices = @transform_1, window_bounds = array<i64: 2000, 1>}, {pipeline_mode = #tpu.pipeline_mode<synchronous>, transform_indices = @transform_2, window_bounds = array<i64: 96, 64>}, {pipeline_mode = #tpu.pipeline_mode<synchronous>, transform_indices = @transform_3, window_bounds = array<i64: 96, 64>}, {pipeline_mode = #tpu.pipeline_mode<synchronous>, transform_indices = @transform_4, window_bounds = array<i64: 64, 64>}, {pipeline_mode = #tpu.pipeline_mode<synchronous>, transform_indices = @transform_5, window_bounds = array<i64: 64, 64>}, {transform_indices = @transform_6, window_bounds = array<i64: 2000, 256>}, {transform_indices = @transform_7, window_bounds = array<i64: 2000, 256>}]} {
    %get3A = arith.constant 0 : index
    %get3A_0 = arith.constant 0 : index
    %get3A_1 = vector.load %arg2[%get3A, %get3A_0] : memref<2000x1xf32, #tpu.memory_space<vmem>>, vector<2000x1xf32>
    %iota3A = tpu.iota {dimensions = array<i32: 1>} : vector<2000x96xi32>
    %convert_element_type3A = arith.sitofp %iota3A : vector<2000x96xi32> to vector<2000x96xf32>
    %eq3A = vector.broadcast %get3A_1 : vector<2000x1xf32> to vector<2000x96xf32>
    %eq3A_2 = arith.cmpf oeq, %convert_element_type3A, %eq3A : vector<2000x96xf32>
    %convert_element_type3A_3 = arith.extui %eq3A_2 : vector<2000x96xi1> to vector<2000x96xi32>
    %convert_element_type3A_4 = arith.sitofp %convert_element_type3A_3 : vector<2000x96xi32> to vector<2000x96xf32>
    %get3A_5 = arith.constant 0 : index
    %get3A_6 = arith.constant 0 : index
    %get3A_7 = vector.load %arg3[%get3A_5, %get3A_6] : memref<96x64xf32, #tpu.memory_space<vmem>>, vector<96x64xf32>
    %dot_general3A = arith.constant dense<0.000000e+00> : vector<2000x64xf32>
    %dot_general3A_8 = tpu.matmul %convert_element_type3A_4, %get3A_7, %dot_general3A {dimension_numbers = #tpu.dot_dimension_numbers<[1], [0], [0], [1], [0, 0, 1, 1], [], []>, transpose_lhs_hint = false} : vector<2000x96xf32>, vector<96x64xf32>, vector<2000x64xf32> -> vector<2000x64xf32>
    %get3A_9 = arith.constant 0 : index
    %get3A_10 = arith.constant 0 : index
    %get3A_11 = vector.load %arg5[%get3A_9, %get3A_10] : memref<64x64xf32, #tpu.memory_space<vmem>>, vector<64x64xf32>
    %dot_general3A_12 = arith.constant dense<0.000000e+00> : vector<2000x64xf32>
    %dot_general3A_13 = tpu.matmul %dot_general3A_8, %get3A_11, %dot_general3A_12 {dimension_numbers = #tpu.dot_dimension_numbers<[1], [0], [0], [1], [0, 0, 1, 1], [], []>, transpose_lhs_hint = false} : vector<2000x64xf32>, vector<64x64xf32>, vector<2000x64xf32> -> vector<2000x64xf32>
    %get3A_14 = arith.constant 0 : index
    %get3A_15 = arith.constant 0 : index
    %get3A_16 = vector.load %arg4[%get3A_14, %get3A_15] : memref<96x64xf32, #tpu.memory_space<vmem>>, vector<96x64xf32>
    %dot_general3A_17 = arith.constant dense<0.000000e+00> : vector<2000x64xf32>
    %dot_general3A_18 = tpu.matmul %convert_element_type3A_4, %get3A_16, %dot_general3A_17 {dimension_numbers = #tpu.dot_dimension_numbers<[1], [0], [0], [1], [0, 0, 1, 1], [], []>, transpose_lhs_hint = false} : vector<2000x96xf32>, vector<96x64xf32>, vector<2000x64xf32> -> vector<2000x64xf32>
    %get3A_19 = arith.constant 0 : index
    %get3A_20 = arith.constant 0 : index
    %get3A_21 = vector.load %arg6[%get3A_19, %get3A_20] : memref<64x64xf32, #tpu.memory_space<vmem>>, vector<64x64xf32>
    %dot_general3A_22 = arith.constant dense<0.000000e+00> : vector<2000x64xf32>
    %dot_general3A_23 = tpu.matmul %dot_general3A_18, %get3A_21, %dot_general3A_22 {dimension_numbers = #tpu.dot_dimension_numbers<[1], [0], [0], [1], [0, 0, 1, 1], [], []>, transpose_lhs_hint = false} : vector<2000x64xf32>, vector<64x64xf32>, vector<2000x64xf32> -> vector<2000x64xf32>
    %get3A_24 = arith.constant 0 : index
    %get3A_25 = arith.constant 0 : index
    %get3A_26 = vector.load %arg1[%get3A_24, %get3A_25] : memref<2000x144xf32, #tpu.memory_space<vmem>>, vector<2000x144xf32>
    %broadcast_in_dim3A = arith.constant 0.000000e+00 : f32
    %broadcast_in_dim3A_27 = vector.broadcast %broadcast_in_dim3A : f32 to vector<2000x48xf32>
    %concatenate3A = tpu.concatenate %get3A_26, %dot_general3A_13, %broadcast_in_dim3A_27 in 1 : vector<2000x144xf32>, vector<2000x64xf32>, vector<2000x48xf32> -> vector<2000x256xf32>
    %swap3A = arith.constant 0 : index
    %swap3A_28 = arith.constant 0 : index
    %swap3A_29 = vector.load %arg7[%swap3A, %swap3A_28] : memref<2000x256xf32, #tpu.memory_space<vmem>>, vector<2000x256xf32>
    tpu.vector_store %arg7[%swap3A, %swap3A_28], %concatenate3A {strides = array<i32>} : memref<2000x256xf32, #tpu.memory_space<vmem>>, vector<2000x256xf32>,
    %concatenate3A_30 = tpu.concatenate %get3A_26, %dot_general3A_23, %broadcast_in_dim3A_27 in 1 : vector<2000x144xf32>, vector<2000x64xf32>, vector<2000x48xf32> -> vector<2000x256xf32>
    %swap3A_31 = arith.constant 0 : index
    %swap3A_32 = arith.constant 0 : index
    %swap3A_33 = vector.load %arg8[%swap3A_31, %swap3A_32] : memref<2000x256xf32, #tpu.memory_space<vmem>>, vector<2000x256xf32>
    tpu.vector_store %arg8[%swap3A_31, %swap3A_32], %concatenate3A_30 {strides = array<i32>} : memref<2000x256xf32, #tpu.memory_space<vmem>>, vector<2000x256xf32>,
    return
  }
  func.func @transform_0(%arg0: i32) -> (i32, i32) {
    %c0_i32 = arith.constant 0 : i32
    %c0_i32_0 = arith.constant 0 : i32
    return %arg0, %c0_i32 : i32, i32
  }
  func.func @transform_1(%arg0: i32) -> (i32, i32) {
    %c0_i32 = arith.constant 0 : i32
    %c0_i32_0 = arith.constant 0 : i32
    return %arg0, %c0_i32 : i32, i32
  }
  func.func @transform_2(%arg0: i32) -> (i32, i32) {
    %c0_i32 = arith.constant 0 : i32
    %c0_i32_0 = arith.constant 0 : i32
    %c0_i32_1 = arith.constant 0 : i32
    return %c0_i32, %c0_i32_0 : i32, i32
  }
  func.func @transform_3(%arg0: i32) -> (i32, i32) {
    %c0_i32 = arith.constant 0 : i32
    %c0_i32_0 = arith.constant 0 : i32
    %c0_i32_1 = arith.constant 0 : i32
    return %c0_i32, %c0_i32_0 : i32, i32
  }
  func.func @transform_4(%arg0: i32) -> (i32, i32) {
    %c0_i32 = arith.constant 0 : i32
    %c0_i32_0 = arith.constant 0 : i32
    %c0_i32_1 = arith.constant 0 : i32
    return %c0_i32, %c0_i32_0 : i32, i32
  }
  func.func @transform_5(%arg0: i32) -> (i32, i32) {
    %c0_i32 = arith.constant 0 : i32
    %c0_i32_0 = arith.constant 0 : i32
    %c0_i32_1 = arith.constant 0 : i32
    return %c0_i32, %c0_i32_0 : i32, i32
  }
  func.func @transform_6(%arg0: i32) -> (i32, i32) {
    %c0_i32 = arith.constant 0 : i32
    %c0_i32_0 = arith.constant 0 : i32
    return %arg0, %c0_i32 : i32, i32
  }
  func.func @transform_7(%arg0: i32) -> (i32, i32) {
    %c0_i32 = arith.constant 0 : i32
    %c0_i32_0 = arith.constant 0 : i32
    return %arg0, %c0_i32 : i32, i32
  }
}

module attributes {stable_mosaic.version = 14 : i64} {
  func.func @_edge_body(%arg0: i32, %arg1: memref<2000x256xf32, #tpu.memory_space<vmem>>, %arg2: memref<2000x256xf32, #tpu.memory_space<vmem>>, %arg3: memref<2000x64xf32, #tpu.memory_space<vmem>>, %arg4: memref<64x64xf32, #tpu.memory_space<vmem>>, %arg5: memref<1x64xf32, #tpu.memory_space<vmem>>, %arg6: memref<64x64xf32, #tpu.memory_space<vmem>>, %arg7: memref<1x64xf32, #tpu.memory_space<vmem>>, %arg8: memref<64x16xf32, #tpu.memory_space<vmem>>, %arg9: memref<1x16xf32, #tpu.memory_space<vmem>>, %arg10: memref<144x384xf32, #tpu.memory_space<vmem>>, %arg11: memref<144x384xf32, #tpu.memory_space<vmem>>, %arg12: memref<16x144xf32, #tpu.memory_space<vmem>>, %arg13: memref<32x256xf32, #tpu.memory_space<vmem>>, %arg14: memref<288x288xf32, #tpu.memory_space<vmem>>, %arg15: memref<1x16xf32, #tpu.memory_space<vmem>>, %arg16: memref<1x16xf32, #tpu.memory_space<vmem>>, %arg17: memref<8x16xf32, #tpu.memory_space<vmem>>, %arg18: memref<8x288xf32, #tpu.memory_space<vmem>>, %arg19: memref<2000x256xf32, #tpu.memory_space<vmem>>, %arg20: memref<2000x128xf32, #tpu.memory_space<vmem>>) attributes {dimension_semantics = [#tpu.dimension_semantics<arbitrary>], iteration_bounds = array<i64: 80>, scalar_prefetch = 0 : i64, scratch_operands = 0 : i64, tpu.core_type = #tpu.core_type<tc>, window_params = [{transform_indices = @transform_0, window_bounds = array<i64: 2000, 256>}, {transform_indices = @transform_1, window_bounds = array<i64: 2000, 256>}, {transform_indices = @transform_2, window_bounds = array<i64: 2000, 64>}, {pipeline_mode = #tpu.pipeline_mode<synchronous>, transform_indices = @transform_3, window_bounds = array<i64: 64, 64>}, {pipeline_mode = #tpu.pipeline_mode<synchronous>, transform_indices = @transform_4, window_bounds = array<i64: 1, 64>}, {pipeline_mode = #tpu.pipeline_mode<synchronous>, transform_indices = @transform_5, window_bounds = array<i64: 64, 64>}, {pipeline_mode = #tpu.pipeline_mode<synchronous>, transform_indices = @transform_6, window_bounds = array<i64: 1, 64>}, {pipeline_mode = #tpu.pipeline_mode<synchronous>, transform_indices = @transform_7, window_bounds = array<i64: 64, 16>}, {pipeline_mode = #tpu.pipeline_mode<synchronous>, transform_indices = @transform_8, window_bounds = array<i64: 1, 16>}, {pipeline_mode = #tpu.pipeline_mode<synchronous>, transform_indices = @transform_9, window_bounds = array<i64: 144, 384>}, {pipeline_mode = #tpu.pipeline_mode<synchronous>, transform_indices = @transform_10, window_bounds = array<i64: 144, 384>}, {pipeline_mode = #tpu.pipeline_mode<synchronous>, transform_indices = @transform_11, window_bounds = array<i64: 16, 144>}, {pipeline_mode = #tpu.pipeline_mode<synchronous>, transform_indices = @transform_12, window_bounds = array<i64: 32, 256>}, {pipeline_mode = #tpu.pipeline_mode<synchronous>, transform_indices = @transform_13, window_bounds = array<i64: 288, 288>}, {pipeline_mode = #tpu.pipeline_mode<synchronous>, transform_indices = @transform_14, window_bounds = array<i64: 1, 16>}, {pipeline_mode = #tpu.pipeline_mode<synchronous>, transform_indices = @transform_15, window_bounds = array<i64: 1, 16>}, {pipeline_mode = #tpu.pipeline_mode<synchronous>, transform_indices = @transform_16, window_bounds = array<i64: 8, 16>}, {pipeline_mode = #tpu.pipeline_mode<synchronous>, transform_indices = @transform_17, window_bounds = array<i64: 8, 288>}, {transform_indices = @transform_18, window_bounds = array<i64: 2000, 256>}, {transform_indices = @transform_19, window_bounds = array<i64: 2000, 128>}]} {
    %get3A = arith.constant 0 : index
    %get3A_0 = arith.constant 0 : index
    %get3A_1 = vector.load %arg1[%get3A, %get3A_0] : memref<2000x256xf32, #tpu.memory_space<vmem>>, vector<2000x256xf32>
    %get3A_2 = arith.constant 0 : index
    %get3A_3 = arith.constant 0 : index
    %get3A_4 = vector.load %arg2[%get3A_2, %get3A_3] : memref<2000x256xf32, #tpu.memory_space<vmem>>, vector<2000x256xf32>
    %get3A_5 = arith.constant 0 : index
    %get3A_6 = arith.constant 0 : index
    %get3A_7 = vector.load %arg3[%get3A_5, %get3A_6] : memref<2000x64xf32, #tpu.memory_space<vmem>>, vector<2000x64xf32>
    %get3A_8 = arith.constant 0 : index
    %get3A_9 = arith.constant 0 : index
    %get3A_10 = vector.load %arg4[%get3A_8, %get3A_9] : memref<64x64xf32, #tpu.memory_space<vmem>>, vector<64x64xf32>
    %dot_general3A = arith.constant dense<0.000000e+00> : vector<2000x64xf32>
    %dot_general3A_11 = tpu.matmul %get3A_7, %get3A_10, %dot_general3A {dimension_numbers = #tpu.dot_dimension_numbers<[1], [0], [0], [1], [0, 0, 1, 1], [], []>, transpose_lhs_hint = false} : vector<2000x64xf32>, vector<64x64xf32>, vector<2000x64xf32> -> vector<2000x64xf32>
    %slice3A = vector.extract_strided_slice %get3A_1 {offsets = [0, 144], sizes = [2000, 64], strides = [1, 1]} : vector<2000x256xf32> to vector<2000x64xf32>
    %add3A = arith.addf %dot_general3A_11, %slice3A : vector<2000x64xf32>
    %slice3A_12 = vector.extract_strided_slice %get3A_4 {offsets = [0, 144], sizes = [2000, 64], strides = [1, 1]} : vector<2000x256xf32> to vector<2000x64xf32>
    %add3A_13 = arith.addf %add3A, %slice3A_12 : vector<2000x64xf32>
    %get3A_14 = arith.constant 0 : index
    %get3A_15 = arith.constant 0 : index
    %get3A_16 = vector.load %arg5[%get3A_14, %get3A_15] : memref<1x64xf32, #tpu.memory_space<vmem>>, vector<1x64xf32>
    %add3A_17 = vector.broadcast %get3A_16 : vector<1x64xf32> to vector<2000x64xf32>
    %add3A_18 = arith.addf %add3A_13, %add3A_17 : vector<2000x64xf32>
    %logistic3A = arith.negf %add3A_18 : vector<2000x64xf32>
    %logistic3A_19 = math.exp %logistic3A : vector<2000x64xf32>
    %logistic3A_20 = arith.constant 1.000000e+00 : f32
    %logistic3A_21 = vector.broadcast %logistic3A_20 : f32 to vector<2000x64xf32>
    %logistic3A_22 = arith.addf %logistic3A_21, %logistic3A_19 : vector<2000x64xf32>
    %logistic3A_23 = arith.divf %logistic3A_21, %logistic3A_22 : vector<2000x64xf32>
    %mul3A = arith.mulf %add3A_18, %logistic3A_23 : vector<2000x64xf32>
    %get3A_24 = arith.constant 0 : index
    %get3A_25 = arith.constant 0 : index
    %get3A_26 = vector.load %arg6[%get3A_24, %get3A_25] : memref<64x64xf32, #tpu.memory_space<vmem>>, vector<64x64xf32>
    %dot_general3A_27 = arith.constant dense<0.000000e+00> : vector<2000x64xf32>
    %dot_general3A_28 = tpu.matmul %mul3A, %get3A_26, %dot_general3A_27 {dimension_numbers = #tpu.dot_dimension_numbers<[1], [0], [0], [1], [0, 0, 1, 1], [], []>, transpose_lhs_hint = false} : vector<2000x64xf32>, vector<64x64xf32>, vector<2000x64xf32> -> vector<2000x64xf32>
    %get3A_29 = arith.constant 0 : index
    %get3A_30 = arith.constant 0 : index
    %get3A_31 = vector.load %arg7[%get3A_29, %get3A_30] : memref<1x64xf32, #tpu.memory_space<vmem>>, vector<1x64xf32>
    %add3A_32 = vector.broadcast %get3A_31 : vector<1x64xf32> to vector<2000x64xf32>
    %add3A_33 = arith.addf %dot_general3A_28, %add3A_32 : vector<2000x64xf32>
    %logistic3A_34 = arith.negf %add3A_33 : vector<2000x64xf32>
    %logistic3A_35 = math.exp %logistic3A_34 : vector<2000x64xf32>
    %logistic3A_36 = arith.constant 1.000000e+00 : f32
    %logistic3A_37 = vector.broadcast %logistic3A_36 : f32 to vector<2000x64xf32>
    %logistic3A_38 = arith.addf %logistic3A_37, %logistic3A_35 : vector<2000x64xf32>
    %logistic3A_39 = arith.divf %logistic3A_37, %logistic3A_38 : vector<2000x64xf32>
    %mul3A_40 = arith.mulf %add3A_33, %logistic3A_39 : vector<2000x64xf32>
    %get3A_41 = arith.constant 0 : index
    %get3A_42 = arith.constant 0 : index
    %get3A_43 = vector.load %arg8[%get3A_41, %get3A_42] : memref<64x16xf32, #tpu.memory_space<vmem>>, vector<64x16xf32>
    %dot_general3A_44 = arith.constant dense<0.000000e+00> : vector<2000x16xf32>
    %dot_general3A_45 = tpu.matmul %mul3A_40, %get3A_43, %dot_general3A_44 {dimension_numbers = #tpu.dot_dimension_numbers<[1], [0], [0], [1], [0, 0, 1, 1], [], []>, transpose_lhs_hint = false} : vector<2000x64xf32>, vector<64x16xf32>, vector<2000x16xf32> -> vector<2000x16xf32>
    %get3A_46 = arith.constant 0 : index
    %get3A_47 = arith.constant 0 : index
    %get3A_48 = vector.load %arg9[%get3A_46, %get3A_47] : memref<1x16xf32, #tpu.memory_space<vmem>>, vector<1x16xf32>
    %add3A_49 = vector.broadcast %get3A_48 : vector<1x16xf32> to vector<2000x16xf32>
    %add3A_50 = arith.addf %dot_general3A_45, %add3A_49 : vector<2000x16xf32>
    %get3A_51 = arith.constant 0 : index
    %get3A_52 = arith.constant 0 : index
    %get3A_53 = vector.load %arg12[%get3A_51, %get3A_52] : memref<16x144xf32, #tpu.memory_space<vmem>>, vector<16x144xf32>
    %dot_general3A_54 = arith.constant dense<0.000000e+00> : vector<2000x144xf32>
    %dot_general3A_55 = tpu.matmul %add3A_50, %get3A_53, %dot_general3A_54 {dimension_numbers = #tpu.dot_dimension_numbers<[1], [0], [0], [1], [0, 0, 1, 1], [], []>, transpose_lhs_hint = false} : vector<2000x16xf32>, vector<16x144xf32>, vector<2000x144xf32> -> vector<2000x144xf32>
    %slice3A_56 = vector.extract_strided_slice %get3A_1 {offsets = [0, 0], sizes = [2000, 144], strides = [1, 1]} : vector<2000x256xf32> to vector<2000x144xf32>
    %mul3A_57 = arith.mulf %slice3A_56, %dot_general3A_55 : vector<2000x144xf32>
    %slice3A_58 = vector.extract_strided_slice %get3A_4 {offsets = [0, 0], sizes = [2000, 144], strides = [1, 1]} : vector<2000x256xf32> to vector<2000x144xf32>
    %mul3A_59 = arith.mulf %slice3A_58, %dot_general3A_55 : vector<2000x144xf32>
    %get3A_60 = arith.constant 0 : index
    %get3A_61 = arith.constant 0 : index
    %get3A_62 = vector.load %arg10[%get3A_60, %get3A_61] : memref<144x384xf32, #tpu.memory_space<vmem>>, vector<144x384xf32>
    %dot_general3A_63 = arith.constant dense<0.000000e+00> : vector<2000x384xf32>
    %dot_general3A_64 = tpu.matmul %mul3A_57, %get3A_62, %dot_general3A_63 {dimension_numbers = #tpu.dot_dimension_numbers<[1], [0], [0], [1], [0, 0, 1, 1], [], []>, transpose_lhs_hint = false} : vector<2000x144xf32>, vector<144x384xf32>, vector<2000x384xf32> -> vector<2000x384xf32>
    %get3A_65 = arith.constant 0 : index
    %get3A_66 = arith.constant 0 : index
    %get3A_67 = vector.load %arg11[%get3A_65, %get3A_66] : memref<144x384xf32, #tpu.memory_space<vmem>>, vector<144x384xf32>
    %dot_general3A_68 = arith.constant dense<0.000000e+00> : vector<2000x384xf32>
    %dot_general3A_69 = tpu.matmul %mul3A_59, %get3A_67, %dot_general3A_68 {dimension_numbers = #tpu.dot_dimension_numbers<[1], [0], [0], [1], [0, 0, 1, 1], [], []>, transpose_lhs_hint = false} : vector<2000x144xf32>, vector<144x384xf32>, vector<2000x384xf32> -> vector<2000x384xf32>
    %add3A_70 = arith.addf %dot_general3A_64, %dot_general3A_69 : vector<2000x384xf32>
    %slice3A_71 = vector.extract_strided_slice %add3A_70 {offsets = [0, 0], sizes = [2000, 32], strides = [1, 1]} : vector<2000x384xf32> to vector<2000x32xf32>
    %slice3A_72 = vector.extract_strided_slice %add3A_70 {offsets = [0, 288], sizes = [2000, 64], strides = [1, 1]} : vector<2000x384xf32> to vector<2000x64xf32>
    %slice3A_73 = vector.extract_strided_slice %add3A_70 {offsets = [0, 352], sizes = [2000, 32], strides = [1, 1]} : vector<2000x384xf32> to vector<2000x32xf32>
    %logistic3A_74 = arith.negf %slice3A_71 : vector<2000x32xf32>
    %logistic3A_75 = math.exp %logistic3A_74 : vector<2000x32xf32>
    %logistic3A_76 = arith.constant 1.000000e+00 : f32
    %logistic3A_77 = vector.broadcast %logistic3A_76 : f32 to vector<2000x32xf32>
    %logistic3A_78 = arith.addf %logistic3A_77, %logistic3A_75 : vector<2000x32xf32>
    %logistic3A_79 = arith.divf %logistic3A_77, %logistic3A_78 : vector<2000x32xf32>
    %logistic3A_80 = arith.negf %slice3A_73 : vector<2000x32xf32>
    %logistic3A_81 = math.exp %logistic3A_80 : vector<2000x32xf32>
    %logistic3A_82 = arith.constant 1.000000e+00 : f32
    %logistic3A_83 = vector.broadcast %logistic3A_82 : f32 to vector<2000x32xf32>
    %logistic3A_84 = arith.addf %logistic3A_83, %logistic3A_81 : vector<2000x32xf32>
    %logistic3A_85 = arith.divf %logistic3A_83, %logistic3A_84 : vector<2000x32xf32>
    %get3A_86 = arith.constant 0 : index
    %get3A_87 = arith.constant 0 : index
    %get3A_88 = vector.load %arg13[%get3A_86, %get3A_87] : memref<32x256xf32, #tpu.memory_space<vmem>>, vector<32x256xf32>
    %dot_general3A_89 = arith.constant dense<0.000000e+00> : vector<2000x256xf32>
    %dot_general3A_90 = tpu.matmul %logistic3A_85, %get3A_88, %dot_general3A_89 {dimension_numbers = #tpu.dot_dimension_numbers<[1], [0], [0], [1], [0, 0, 1, 1], [], []>, transpose_lhs_hint = false} : vector<2000x32xf32>, vector<32x256xf32>, vector<2000x256xf32> -> vector<2000x256xf32>
    %concatenate3A = tpu.concatenate %logistic3A_79, %dot_general3A_90 in 1 : vector<2000x32xf32>, vector<2000x256xf32> -> vector<2000x288xf32>
    %slice3A_91 = vector.extract_strided_slice %add3A_70 {offsets = [0, 0], sizes = [2000, 288], strides = [1, 1]} : vector<2000x384xf32> to vector<2000x288xf32>
    %mul3A_92 = arith.mulf %slice3A_91, %concatenate3A : vector<2000x288xf32>
    %get3A_93 = arith.constant 0 : index
    %get3A_94 = arith.constant 0 : index
    %get3A_95 = vector.load %arg14[%get3A_93, %get3A_94] : memref<288x288xf32, #tpu.memory_space<vmem>>, vector<288x288xf32>
    %dot_general3A_96 = arith.constant dense<0.000000e+00> : vector<2000x288xf32>
    %dot_general3A_97 = tpu.matmul %mul3A_92, %get3A_95, %dot_general3A_96 {dimension_numbers = #tpu.dot_dimension_numbers<[1], [0], [0], [1], [0, 0, 1, 1], [], []>, transpose_lhs_hint = false} : vector<2000x288xf32>, vector<288x288xf32>, vector<2000x288xf32> -> vector<2000x288xf32>
    %get3A_98 = arith.constant 0 : index
    %get3A_99 = arith.constant 0 : index
    %get3A_100 = vector.load %arg15[%get3A_98, %get3A_99] : memref<1x16xf32, #tpu.memory_space<vmem>>, vector<1x16xf32>
    %get3A_101 = arith.constant 0 : index
    %get3A_102 = arith.constant 0 : index
    %get3A_103 = vector.load %arg16[%get3A_101, %get3A_102] : memref<1x16xf32, #tpu.memory_space<vmem>>, vector<1x16xf32>
    %slice3A_104 = vector.extract_strided_slice %slice3A_72 {offsets = [0, 0], sizes = [2000, 16], strides = [1, 1]} : vector<2000x64xf32> to vector<2000x16xf32>
    %reduce_sum3A = arith.constant dense<0.000000e+00> : vector<2000xf32>
    %reduce_sum3A_105 = vector.multi_reduction <add>, %slice3A_104, %reduce_sum3A [1] : vector<2000x16xf32> to vector<2000xf32>
    %broadcast_in_dim3A = vector.shape_cast %reduce_sum3A_105 : vector<2000xf32> to vector<2000x1xf32>
    %div3A = arith.constant 1.600000e+01 : f32
    %div3A_106 = vector.broadcast %div3A : f32 to vector<2000x1xf32>
    %div3A_107 = arith.divf %broadcast_in_dim3A, %div3A_106 : vector<2000x1xf32>
    %sub3A = vector.broadcast %div3A_107 : vector<2000x1xf32> to vector<2000x16xf32>
    %sub3A_108 = arith.subf %slice3A_104, %sub3A : vector<2000x16xf32>
    %integer_pow3A = arith.mulf %sub3A_108, %sub3A_108 : vector<2000x16xf32>
    %reduce_sum3A_109 = arith.constant dense<0.000000e+00> : vector<2000xf32>
    %reduce_sum3A_110 = vector.multi_reduction <add>, %integer_pow3A, %reduce_sum3A_109 [1] : vector<2000x16xf32> to vector<2000xf32>
    %broadcast_in_dim3A_111 = vector.shape_cast %reduce_sum3A_110 : vector<2000xf32> to vector<2000x1xf32>
    %div3A_112 = arith.constant 1.600000e+01 : f32
    %div3A_113 = vector.broadcast %div3A_112 : f32 to vector<2000x1xf32>
    %div3A_114 = arith.divf %broadcast_in_dim3A_111, %div3A_113 : vector<2000x1xf32>
    %sub3A_115 = vector.broadcast %div3A_107 : vector<2000x1xf32> to vector<2000x16xf32>
    %sub3A_116 = arith.subf %slice3A_104, %sub3A_115 : vector<2000x16xf32>
    %add3A_117 = arith.constant 9.99999974E-6 : f32
    %add3A_118 = vector.broadcast %add3A_117 : f32 to vector<2000x1xf32>
    %add3A_119 = arith.addf %div3A_114, %add3A_118 : vector<2000x1xf32>
    %rsqrt3A = math.rsqrt %add3A_119 : vector<2000x1xf32>
    %mul3A_120 = vector.broadcast %rsqrt3A : vector<2000x1xf32> to vector<2000x16xf32>
    %mul3A_121 = arith.mulf %sub3A_116, %mul3A_120 : vector<2000x16xf32>
    %mul3A_122 = vector.broadcast %get3A_100 : vector<1x16xf32> to vector<2000x16xf32>
    %mul3A_123 = arith.mulf %mul3A_121, %mul3A_122 : vector<2000x16xf32>
    %add3A_124 = vector.broadcast %get3A_103 : vector<1x16xf32> to vector<2000x16xf32>
    %add3A_125 = arith.addf %mul3A_123, %add3A_124 : vector<2000x16xf32>
    %mul3A_126 = arith.constant 2.000000e-01 : f32
    %mul3A_127 = vector.broadcast %mul3A_126 : f32 to vector<2000x16xf32>
    %mul3A_128 = arith.mulf %mul3A_127, %add3A_125 : vector<2000x16xf32>
    %mul3A_129 = arith.constant 8.000000e-01 : f32
    %mul3A_130 = vector.broadcast %mul3A_129 : f32 to vector<2000x16xf32>
    %mul3A_131 = arith.mulf %mul3A_130, %add3A_125 : vector<2000x16xf32>
    %logistic3A_132 = arith.negf %add3A_125 : vector<2000x16xf32>
    %logistic3A_133 = math.exp %logistic3A_132 : vector<2000x16xf32>
    %logistic3A_134 = arith.constant 1.000000e+00 : f32
    %logistic3A_135 = vector.broadcast %logistic3A_134 : f32 to vector<2000x16xf32>
    %logistic3A_136 = arith.addf %logistic3A_135, %logistic3A_133 : vector<2000x16xf32>
    %logistic3A_137 = arith.divf %logistic3A_135, %logistic3A_136 : vector<2000x16xf32>
    %mul3A_138 = arith.mulf %mul3A_131, %logistic3A_137 : vector<2000x16xf32>
    %add3A_139 = arith.addf %mul3A_128, %mul3A_138 : vector<2000x16xf32>
    %get3A_140 = arith.constant 0 : index
    %get3A_141 = arith.constant 0 : index
    %get3A_142 = vector.load %arg17[%get3A_140, %get3A_141] : memref<8x16xf32, #tpu.memory_space<vmem>>, vector<1x16xf32>
    %mul3A_143 = vector.broadcast %get3A_142 : vector<1x16xf32> to vector<2000x16xf32>
    %mul3A_144 = arith.mulf %add3A_139, %mul3A_143 : vector<2000x16xf32>
    %reduce_sum3A_145 = arith.constant dense<0.000000e+00> : vector<2000xf32>
    %reduce_sum3A_146 = vector.multi_reduction <add>, %mul3A_144, %reduce_sum3A_145 [1] : vector<2000x16xf32> to vector<2000xf32>
    %broadcast_in_dim3A_147 = vector.shape_cast %reduce_sum3A_146 : vector<2000xf32> to vector<2000x1xf32>
    %slice3A_148 = vector.extract_strided_slice %slice3A_72 {offsets = [0, 16], sizes = [2000, 16], strides = [1, 1]} : vector<2000x64xf32> to vector<2000x16xf32>
    %reduce_sum3A_149 = arith.constant dense<0.000000e+00> : vector<2000xf32>
    %reduce_sum3A_150 = vector.multi_reduction <add>, %slice3A_148, %reduce_sum3A_149 [1] : vector<2000x16xf32> to vector<2000xf32>
    %broadcast_in_dim3A_151 = vector.shape_cast %reduce_sum3A_150 : vector<2000xf32> to vector<2000x1xf32>
    %div3A_152 = arith.constant 1.600000e+01 : f32
    %div3A_153 = vector.broadcast %div3A_152 : f32 to vector<2000x1xf32>
    %div3A_154 = arith.divf %broadcast_in_dim3A_151, %div3A_153 : vector<2000x1xf32>
    %sub3A_155 = vector.broadcast %div3A_154 : vector<2000x1xf32> to vector<2000x16xf32>
    %sub3A_156 = arith.subf %slice3A_148, %sub3A_155 : vector<2000x16xf32>
    %integer_pow3A_157 = arith.mulf %sub3A_156, %sub3A_156 : vector<2000x16xf32>
    %reduce_sum3A_158 = arith.constant dense<0.000000e+00> : vector<2000xf32>
    %reduce_sum3A_159 = vector.multi_reduction <add>, %integer_pow3A_157, %reduce_sum3A_158 [1] : vector<2000x16xf32> to vector<2000xf32>
    %broadcast_in_dim3A_160 = vector.shape_cast %reduce_sum3A_159 : vector<2000xf32> to vector<2000x1xf32>
    %div3A_161 = arith.constant 1.600000e+01 : f32
    %div3A_162 = vector.broadcast %div3A_161 : f32 to vector<2000x1xf32>
    %div3A_163 = arith.divf %broadcast_in_dim3A_160, %div3A_162 : vector<2000x1xf32>
    %sub3A_164 = vector.broadcast %div3A_154 : vector<2000x1xf32> to vector<2000x16xf32>
    %sub3A_165 = arith.subf %slice3A_148, %sub3A_164 : vector<2000x16xf32>
    %add3A_166 = arith.constant 9.99999974E-6 : f32
    %add3A_167 = vector.broadcast %add3A_166 : f32 to vector<2000x1xf32>
    %add3A_168 = arith.addf %div3A_163, %add3A_167 : vector<2000x1xf32>
    %rsqrt3A_169 = math.rsqrt %add3A_168 : vector<2000x1xf32>
    %mul3A_170 = vector.broadcast %rsqrt3A_169 : vector<2000x1xf32> to vector<2000x16xf32>
    %mul3A_171 = arith.mulf %sub3A_165, %mul3A_170 : vector<2000x16xf32>
    %mul3A_172 = vector.broadcast %get3A_100 : vector<1x16xf32> to vector<2000x16xf32>
    %mul3A_173 = arith.mulf %mul3A_171, %mul3A_172 : vector<2000x16xf32>
    %add3A_174 = vector.broadcast %get3A_103 : vector<1x16xf32> to vector<2000x16xf32>
    %add3A_175 = arith.addf %mul3A_173, %add3A_174 : vector<2000x16xf32>
    %mul3A_176 = arith.constant 2.000000e-01 : f32
    %mul3A_177 = vector.broadcast %mul3A_176 : f32 to vector<2000x16xf32>
    %mul3A_178 = arith.mulf %mul3A_177, %add3A_175 : vector<2000x16xf32>
    %mul3A_179 = arith.constant 8.000000e-01 : f32
    %mul3A_180 = vector.broadcast %mul3A_179 : f32 to vector<2000x16xf32>
    %mul3A_181 = arith.mulf %mul3A_180, %add3A_175 : vector<2000x16xf32>
    %logistic3A_182 = arith.negf %add3A_175 : vector<2000x16xf32>
    %logistic3A_183 = math.exp %logistic3A_182 : vector<2000x16xf32>
    %logistic3A_184 = arith.constant 1.000000e+00 : f32
    %logistic3A_185 = vector.broadcast %logistic3A_184 : f32 to vector<2000x16xf32>
    %logistic3A_186 = arith.addf %logistic3A_185, %logistic3A_183 : vector<2000x16xf32>
    %logistic3A_187 = arith.divf %logistic3A_185, %logistic3A_186 : vector<2000x16xf32>
    %mul3A_188 = arith.mulf %mul3A_181, %logistic3A_187 : vector<2000x16xf32>
    %add3A_189 = arith.addf %mul3A_178, %mul3A_188 : vector<2000x16xf32>
    %get3A_190 = arith.constant 1 : index
    %get3A_191 = arith.constant 0 : index
    %get3A_192 = vector.load %arg17[%get3A_190, %get3A_191] : memref<8x16xf32, #tpu.memory_space<vmem>>, vector<1x16xf32>
    %mul3A_193 = vector.broadcast %get3A_192 : vector<1x16xf32> to vector<2000x16xf32>
    %mul3A_194 = arith.mulf %add3A_189, %mul3A_193 : vector<2000x16xf32>
    %reduce_sum3A_195 = arith.constant dense<0.000000e+00> : vector<2000xf32>
    %reduce_sum3A_196 = vector.multi_reduction <add>, %mul3A_194, %reduce_sum3A_195 [1] : vector<2000x16xf32> to vector<2000xf32>
    %broadcast_in_dim3A_197 = vector.shape_cast %reduce_sum3A_196 : vector<2000xf32> to vector<2000x1xf32>
    %slice3A_198 = vector.extract_strided_slice %slice3A_72 {offsets = [0, 32], sizes = [2000, 16], strides = [1, 1]} : vector<2000x64xf32> to vector<2000x16xf32>
    %reduce_sum3A_199 = arith.constant dense<0.000000e+00> : vector<2000xf32>
    %reduce_sum3A_200 = vector.multi_reduction <add>, %slice3A_198, %reduce_sum3A_199 [1] : vector<2000x16xf32> to vector<2000xf32>
    %broadcast_in_dim3A_201 = vector.shape_cast %reduce_sum3A_200 : vector<2000xf32> to vector<2000x1xf32>
    %div3A_202 = arith.constant 1.600000e+01 : f32
    %div3A_203 = vector.broadcast %div3A_202 : f32 to vector<2000x1xf32>
    %div3A_204 = arith.divf %broadcast_in_dim3A_201, %div3A_203 : vector<2000x1xf32>
    %sub3A_205 = vector.broadcast %div3A_204 : vector<2000x1xf32> to vector<2000x16xf32>
    %sub3A_206 = arith.subf %slice3A_198, %sub3A_205 : vector<2000x16xf32>
    %integer_pow3A_207 = arith.mulf %sub3A_206, %sub3A_206 : vector<2000x16xf32>
    %reduce_sum3A_208 = arith.constant dense<0.000000e+00> : vector<2000xf32>
    %reduce_sum3A_209 = vector.multi_reduction <add>, %integer_pow3A_207, %reduce_sum3A_208 [1] : vector<2000x16xf32> to vector<2000xf32>
    %broadcast_in_dim3A_210 = vector.shape_cast %reduce_sum3A_209 : vector<2000xf32> to vector<2000x1xf32>
    %div3A_211 = arith.constant 1.600000e+01 : f32
    %div3A_212 = vector.broadcast %div3A_211 : f32 to vector<2000x1xf32>
    %div3A_213 = arith.divf %broadcast_in_dim3A_210, %div3A_212 : vector<2000x1xf32>
    %sub3A_214 = vector.broadcast %div3A_204 : vector<2000x1xf32> to vector<2000x16xf32>
    %sub3A_215 = arith.subf %slice3A_198, %sub3A_214 : vector<2000x16xf32>
    %add3A_216 = arith.constant 9.99999974E-6 : f32
    %add3A_217 = vector.broadcast %add3A_216 : f32 to vector<2000x1xf32>
    %add3A_218 = arith.addf %div3A_213, %add3A_217 : vector<2000x1xf32>
    %rsqrt3A_219 = math.rsqrt %add3A_218 : vector<2000x1xf32>
    %mul3A_220 = vector.broadcast %rsqrt3A_219 : vector<2000x1xf32> to vector<2000x16xf32>
    %mul3A_221 = arith.mulf %sub3A_215, %mul3A_220 : vector<2000x16xf32>
    %mul3A_222 = vector.broadcast %get3A_100 : vector<1x16xf32> to vector<2000x16xf32>
    %mul3A_223 = arith.mulf %mul3A_221, %mul3A_222 : vector<2000x16xf32>
    %add3A_224 = vector.broadcast %get3A_103 : vector<1x16xf32> to vector<2000x16xf32>
    %add3A_225 = arith.addf %mul3A_223, %add3A_224 : vector<2000x16xf32>
    %mul3A_226 = arith.constant 2.000000e-01 : f32
    %mul3A_227 = vector.broadcast %mul3A_226 : f32 to vector<2000x16xf32>
    %mul3A_228 = arith.mulf %mul3A_227, %add3A_225 : vector<2000x16xf32>
    %mul3A_229 = arith.constant 8.000000e-01 : f32
    %mul3A_230 = vector.broadcast %mul3A_229 : f32 to vector<2000x16xf32>
    %mul3A_231 = arith.mulf %mul3A_230, %add3A_225 : vector<2000x16xf32>
    %logistic3A_232 = arith.negf %add3A_225 : vector<2000x16xf32>
    %logistic3A_233 = math.exp %logistic3A_232 : vector<2000x16xf32>
    %logistic3A_234 = arith.constant 1.000000e+00 : f32
    %logistic3A_235 = vector.broadcast %logistic3A_234 : f32 to vector<2000x16xf32>
    %logistic3A_236 = arith.addf %logistic3A_235, %logistic3A_233 : vector<2000x16xf32>
    %logistic3A_237 = arith.divf %logistic3A_235, %logistic3A_236 : vector<2000x16xf32>
    %mul3A_238 = arith.mulf %mul3A_231, %logistic3A_237 : vector<2000x16xf32>
    %add3A_239 = arith.addf %mul3A_228, %mul3A_238 : vector<2000x16xf32>
    %get3A_240 = arith.constant 2 : index
    %get3A_241 = arith.constant 0 : index
    %get3A_242 = vector.load %arg17[%get3A_240, %get3A_241] : memref<8x16xf32, #tpu.memory_space<vmem>>, vector<1x16xf32>
    %mul3A_243 = vector.broadcast %get3A_242 : vector<1x16xf32> to vector<2000x16xf32>
    %mul3A_244 = arith.mulf %add3A_239, %mul3A_243 : vector<2000x16xf32>
    %reduce_sum3A_245 = arith.constant dense<0.000000e+00> : vector<2000xf32>
    %reduce_sum3A_246 = vector.multi_reduction <add>, %mul3A_244, %reduce_sum3A_245 [1] : vector<2000x16xf32> to vector<2000xf32>
    %broadcast_in_dim3A_247 = vector.shape_cast %reduce_sum3A_246 : vector<2000xf32> to vector<2000x1xf32>
    %slice3A_248 = vector.extract_strided_slice %slice3A_72 {offsets = [0, 48], sizes = [2000, 16], strides = [1, 1]} : vector<2000x64xf32> to vector<2000x16xf32>
    %reduce_sum3A_249 = arith.constant dense<0.000000e+00> : vector<2000xf32>
    %reduce_sum3A_250 = vector.multi_reduction <add>, %slice3A_248, %reduce_sum3A_249 [1] : vector<2000x16xf32> to vector<2000xf32>
    %broadcast_in_dim3A_251 = vector.shape_cast %reduce_sum3A_250 : vector<2000xf32> to vector<2000x1xf32>
    %div3A_252 = arith.constant 1.600000e+01 : f32
    %div3A_253 = vector.broadcast %div3A_252 : f32 to vector<2000x1xf32>
    %div3A_254 = arith.divf %broadcast_in_dim3A_251, %div3A_253 : vector<2000x1xf32>
    %sub3A_255 = vector.broadcast %div3A_254 : vector<2000x1xf32> to vector<2000x16xf32>
    %sub3A_256 = arith.subf %slice3A_248, %sub3A_255 : vector<2000x16xf32>
    %integer_pow3A_257 = arith.mulf %sub3A_256, %sub3A_256 : vector<2000x16xf32>
    %reduce_sum3A_258 = arith.constant dense<0.000000e+00> : vector<2000xf32>
    %reduce_sum3A_259 = vector.multi_reduction <add>, %integer_pow3A_257, %reduce_sum3A_258 [1] : vector<2000x16xf32> to vector<2000xf32>
    %broadcast_in_dim3A_260 = vector.shape_cast %reduce_sum3A_259 : vector<2000xf32> to vector<2000x1xf32>
    %div3A_261 = arith.constant 1.600000e+01 : f32
    %div3A_262 = vector.broadcast %div3A_261 : f32 to vector<2000x1xf32>
    %div3A_263 = arith.divf %broadcast_in_dim3A_260, %div3A_262 : vector<2000x1xf32>
    %sub3A_264 = vector.broadcast %div3A_254 : vector<2000x1xf32> to vector<2000x16xf32>
    %sub3A_265 = arith.subf %slice3A_248, %sub3A_264 : vector<2000x16xf32>
    %add3A_266 = arith.constant 9.99999974E-6 : f32
    %add3A_267 = vector.broadcast %add3A_266 : f32 to vector<2000x1xf32>
    %add3A_268 = arith.addf %div3A_263, %add3A_267 : vector<2000x1xf32>
    %rsqrt3A_269 = math.rsqrt %add3A_268 : vector<2000x1xf32>
    %mul3A_270 = vector.broadcast %rsqrt3A_269 : vector<2000x1xf32> to vector<2000x16xf32>
    %mul3A_271 = arith.mulf %sub3A_265, %mul3A_270 : vector<2000x16xf32>
    %mul3A_272 = vector.broadcast %get3A_100 : vector<1x16xf32> to vector<2000x16xf32>
    %mul3A_273 = arith.mulf %mul3A_271, %mul3A_272 : vector<2000x16xf32>
    %add3A_274 = vector.broadcast %get3A_103 : vector<1x16xf32> to vector<2000x16xf32>
    %add3A_275 = arith.addf %mul3A_273, %add3A_274 : vector<2000x16xf32>
    %mul3A_276 = arith.constant 2.000000e-01 : f32
    %mul3A_277 = vector.broadcast %mul3A_276 : f32 to vector<2000x16xf32>
    %mul3A_278 = arith.mulf %mul3A_277, %add3A_275 : vector<2000x16xf32>
    %mul3A_279 = arith.constant 8.000000e-01 : f32
    %mul3A_280 = vector.broadcast %mul3A_279 : f32 to vector<2000x16xf32>
    %mul3A_281 = arith.mulf %mul3A_280, %add3A_275 : vector<2000x16xf32>
    %logistic3A_282 = arith.negf %add3A_275 : vector<2000x16xf32>
    %logistic3A_283 = math.exp %logistic3A_282 : vector<2000x16xf32>
    %logistic3A_284 = arith.constant 1.000000e+00 : f32
    %logistic3A_285 = vector.broadcast %logistic3A_284 : f32 to vector<2000x16xf32>
    %logistic3A_286 = arith.addf %logistic3A_285, %logistic3A_283 : vector<2000x16xf32>
    %logistic3A_287 = arith.divf %logistic3A_285, %logistic3A_286 : vector<2000x16xf32>
    %mul3A_288 = arith.mulf %mul3A_281, %logistic3A_287 : vector<2000x16xf32>
    %add3A_289 = arith.addf %mul3A_278, %mul3A_288 : vector<2000x16xf32>
    %get3A_290 = arith.constant 3 : index
    %get3A_291 = arith.constant 0 : index
    %get3A_292 = vector.load %arg17[%get3A_290, %get3A_291] : memref<8x16xf32, #tpu.memory_space<vmem>>, vector<1x16xf32>
    %mul3A_293 = vector.broadcast %get3A_292 : vector<1x16xf32> to vector<2000x16xf32>
    %mul3A_294 = arith.mulf %add3A_289, %mul3A_293 : vector<2000x16xf32>
    %reduce_sum3A_295 = arith.constant dense<0.000000e+00> : vector<2000xf32>
    %reduce_sum3A_296 = vector.multi_reduction <add>, %mul3A_294, %reduce_sum3A_295 [1] : vector<2000x16xf32> to vector<2000xf32>
    %broadcast_in_dim3A_297 = vector.shape_cast %reduce_sum3A_296 : vector<2000xf32> to vector<2000x1xf32>
    %concatenate3A_298 = tpu.concatenate %broadcast_in_dim3A_147, %broadcast_in_dim3A_197, %broadcast_in_dim3A_247, %broadcast_in_dim3A_297 in 1 : vector<2000x1xf32>, vector<2000x1xf32>, vector<2000x1xf32>, vector<2000x1xf32> -> vector<2000x4xf32>
    %exp3A = math.exp %concatenate3A_298 : vector<2000x4xf32>
    %broadcast_in_dim3A_299 = arith.constant 0.000000e+00 : f32
    %broadcast_in_dim3A_300 = vector.broadcast %broadcast_in_dim3A_299 : f32 to vector<2000x4xf32>
    %concatenate3A_301 = tpu.concatenate %exp3A, %broadcast_in_dim3A_300 in 1 : vector<2000x4xf32>, vector<2000x4xf32> -> vector<2000x8xf32>
    %get3A_302 = arith.constant 0 : index
    %get3A_303 = arith.constant 0 : index
    %get3A_304 = vector.load %arg18[%get3A_302, %get3A_303] : memref<8x288xf32, #tpu.memory_space<vmem>>, vector<8x288xf32>
    %dot_general3A_305 = arith.constant dense<0.000000e+00> : vector<2000x288xf32>
    %dot_general3A_306 = tpu.matmul %concatenate3A_301, %get3A_304, %dot_general3A_305 {dimension_numbers = #tpu.dot_dimension_numbers<[1], [0], [0], [1], [0, 0, 1, 1], [], []>, transpose_lhs_hint = false} : vector<2000x8xf32>, vector<8x288xf32>, vector<2000x288xf32> -> vector<2000x288xf32>
    %mul3A_307 = arith.mulf %dot_general3A_97, %dot_general3A_306 : vector<2000x288xf32>
    %slice3A_308 = vector.extract_strided_slice %mul3A_307 {offsets = [0, 0], sizes = [2000, 256], strides = [1, 1]} : vector<2000x288xf32> to vector<2000x256xf32>
    %swap3A = arith.constant 0 : index
    %swap3A_309 = arith.constant 0 : index
    %swap3A_310 = vector.load %arg19[%swap3A, %swap3A_309] : memref<2000x256xf32, #tpu.memory_space<vmem>>, vector<2000x256xf32>
    tpu.vector_store %arg19[%swap3A, %swap3A_309], %slice3A_308 {strides = array<i32>} : memref<2000x256xf32, #tpu.memory_space<vmem>>, vector<2000x256xf32>,
    %slice3A_311 = vector.extract_strided_slice %mul3A_307 {offsets = [0, 256], sizes = [2000, 32], strides = [1, 1]} : vector<2000x288xf32> to vector<2000x32xf32>
    %broadcast_in_dim3A_312 = arith.constant 0.000000e+00 : f32
    %broadcast_in_dim3A_313 = vector.broadcast %broadcast_in_dim3A_312 : f32 to vector<2000x92xf32>
    %concatenate3A_314 = tpu.concatenate %slice3A_311, %exp3A, %broadcast_in_dim3A_313 in 1 : vector<2000x32xf32>, vector<2000x4xf32>, vector<2000x92xf32> -> vector<2000x128xf32>
    %swap3A_315 = arith.constant 0 : index
    %swap3A_316 = arith.constant 0 : index
    %swap3A_317 = vector.load %arg20[%swap3A_315, %swap3A_316] : memref<2000x128xf32, #tpu.memory_space<vmem>>, vector<2000x128xf32>
    tpu.vector_store %arg20[%swap3A_315, %swap3A_316], %concatenate3A_314 {strides = array<i32>} : memref<2000x128xf32, #tpu.memory_space<vmem>>, vector<2000x128xf32>,
    return
  }
  func.func @transform_0(%arg0: i32) -> (i32, i32) {
    %c0_i32 = arith.constant 0 : i32
    %c0_i32_0 = arith.constant 0 : i32
    return %arg0, %c0_i32 : i32, i32
  }
  func.func @transform_1(%arg0: i32) -> (i32, i32) {
    %c0_i32 = arith.constant 0 : i32
    %c0_i32_0 = arith.constant 0 : i32
    return %arg0, %c0_i32 : i32, i32
  }
  func.func @transform_2(%arg0: i32) -> (i32, i32) {
    %c0_i32 = arith.constant 0 : i32
    %c0_i32_0 = arith.constant 0 : i32
    return %arg0, %c0_i32 : i32, i32
  }
  func.func @transform_3(%arg0: i32) -> (i32, i32) {
    %c0_i32 = arith.constant 0 : i32
    %c0_i32_0 = arith.constant 0 : i32
    %c0_i32_1 = arith.constant 0 : i32
    return %c0_i32, %c0_i32_0 : i32, i32
  }
  func.func @transform_4(%arg0: i32) -> (i32, i32) {
    %c0_i32 = arith.constant 0 : i32
    %c0_i32_0 = arith.constant 0 : i32
    %c0_i32_1 = arith.constant 0 : i32
    return %c0_i32, %c0_i32_0 : i32, i32
  }
  func.func @transform_5(%arg0: i32) -> (i32, i32) {
    %c0_i32 = arith.constant 0 : i32
    %c0_i32_0 = arith.constant 0 : i32
    %c0_i32_1 = arith.constant 0 : i32
    return %c0_i32, %c0_i32_0 : i32, i32
  }
  func.func @transform_6(%arg0: i32) -> (i32, i32) {
    %c0_i32 = arith.constant 0 : i32
    %c0_i32_0 = arith.constant 0 : i32
    %c0_i32_1 = arith.constant 0 : i32
    return %c0_i32, %c0_i32_0 : i32, i32
  }
  func.func @transform_7(%arg0: i32) -> (i32, i32) {
    %c0_i32 = arith.constant 0 : i32
    %c0_i32_0 = arith.constant 0 : i32
    %c0_i32_1 = arith.constant 0 : i32
    return %c0_i32, %c0_i32_0 : i32, i32
  }
  func.func @transform_8(%arg0: i32) -> (i32, i32) {
    %c0_i32 = arith.constant 0 : i32
    %c0_i32_0 = arith.constant 0 : i32
    %c0_i32_1 = arith.constant 0 : i32
    return %c0_i32, %c0_i32_0 : i32, i32
  }
  func.func @transform_9(%arg0: i32) -> (i32, i32) {
    %c0_i32 = arith.constant 0 : i32
    %c0_i32_0 = arith.constant 0 : i32
    %c0_i32_1 = arith.constant 0 : i32
    return %c0_i32, %c0_i32_0 : i32, i32
  }
  func.func @transform_10(%arg0: i32) -> (i32, i32) {
    %c0_i32 = arith.constant 0 : i32
    %c0_i32_0 = arith.constant 0 : i32
    %c0_i32_1 = arith.constant 0 : i32
    return %c0_i32, %c0_i32_0 : i32, i32
  }
  func.func @transform_11(%arg0: i32) -> (i32, i32) {
    %c0_i32 = arith.constant 0 : i32
    %c0_i32_0 = arith.constant 0 : i32
    %c0_i32_1 = arith.constant 0 : i32
    return %c0_i32, %c0_i32_0 : i32, i32
  }
  func.func @transform_12(%arg0: i32) -> (i32, i32) {
    %c0_i32 = arith.constant 0 : i32
    %c0_i32_0 = arith.constant 0 : i32
    %c0_i32_1 = arith.constant 0 : i32
    return %c0_i32, %c0_i32_0 : i32, i32
  }
  func.func @transform_13(%arg0: i32) -> (i32, i32) {
    %c0_i32 = arith.constant 0 : i32
    %c0_i32_0 = arith.constant 0 : i32
    %c0_i32_1 = arith.constant 0 : i32
    return %c0_i32, %c0_i32_0 : i32, i32
  }
  func.func @transform_14(%arg0: i32) -> (i32, i32) {
    %c0_i32 = arith.constant 0 : i32
    %c0_i32_0 = arith.constant 0 : i32
    %c0_i32_1 = arith.constant 0 : i32
    return %c0_i32, %c0_i32_0 : i32, i32
  }
  func.func @transform_15(%arg0: i32) -> (i32, i32) {
    %c0_i32 = arith.constant 0 : i32
    %c0_i32_0 = arith.constant 0 : i32
    %c0_i32_1 = arith.constant 0 : i32
    return %c0_i32, %c0_i32_0 : i32, i32
  }
  func.func @transform_16(%arg0: i32) -> (i32, i32) {
    %c0_i32 = arith.constant 0 : i32
    %c0_i32_0 = arith.constant 0 : i32
    %c0_i32_1 = arith.constant 0 : i32
    return %c0_i32, %c0_i32_0 : i32, i32
  }
  func.func @transform_17(%arg0: i32) -> (i32, i32) {
    %c0_i32 = arith.constant 0 : i32
    %c0_i32_0 = arith.constant 0 : i32
    %c0_i32_1 = arith.constant 0 : i32
    return %c0_i32, %c0_i32_0 : i32, i32
  }
  func.func @transform_18(%arg0: i32) -> (i32, i32) {
    %c0_i32 = arith.constant 0 : i32
    %c0_i32_0 = arith.constant 0 : i32
    return %arg0, %c0_i32 : i32, i32
  }
  func.func @transform_19(%arg0: i32) -> (i32, i32) {
    %c0_i32 = arith.constant 0 : i32
    %c0_i32_0 = arith.constant 0 : i32
    return %arg0, %c0_i32 : i32, i32
  }
}

module attributes {stable_mosaic.version = 14 : i64} {
  func.func @_final_body(%arg0: i32, %arg1: memref<2000x256xf32, #tpu.memory_space<vmem>>, %arg2: memref<2000x128xf32, #tpu.memory_space<vmem>>, %arg3: memref<288x144xf32, #tpu.memory_space<vmem>>, %arg4: memref<8x288xf32, #tpu.memory_space<vmem>>, %arg5: memref<1x144xf32, #tpu.memory_space<vmem>>, %arg6: memref<2000x144xf32, #tpu.memory_space<vmem>>) attributes {dimension_semantics = [#tpu.dimension_semantics<arbitrary>], iteration_bounds = array<i64: 5>, scalar_prefetch = 0 : i64, scratch_operands = 0 : i64, tpu.core_type = #tpu.core_type<tc>, window_params = [{transform_indices = @transform_0, window_bounds = array<i64: 2000, 256>}, {transform_indices = @transform_1, window_bounds = array<i64: 2000, 128>}, {pipeline_mode = #tpu.pipeline_mode<synchronous>, transform_indices = @transform_2, window_bounds = array<i64: 288, 144>}, {pipeline_mode = #tpu.pipeline_mode<synchronous>, transform_indices = @transform_3, window_bounds = array<i64: 8, 288>}, {pipeline_mode = #tpu.pipeline_mode<synchronous>, transform_indices = @transform_4, window_bounds = array<i64: 1, 144>}, {transform_indices = @transform_5, window_bounds = array<i64: 2000, 144>}]} {
    %get3A = arith.constant 0 : index
    %get3A_0 = arith.constant 0 : index
    %get3A_1 = vector.load %arg1[%get3A, %get3A_0] : memref<2000x256xf32, #tpu.memory_space<vmem>>, vector<2000x256xf32>
    %get3A_2 = arith.constant 0 : index
    %get3A_3 = arith.constant 0 : index
    %get3A_4 = vector.load %arg2[%get3A_2, %get3A_3] : memref<2000x128xf32, #tpu.memory_space<vmem>>, vector<2000x128xf32>
    %slice3A = vector.extract_strided_slice %get3A_4 {offsets = [0, 0], sizes = [2000, 32], strides = [1, 1]} : vector<2000x128xf32> to vector<2000x32xf32>
    %concatenate3A = tpu.concatenate %get3A_1, %slice3A in 1 : vector<2000x256xf32>, vector<2000x32xf32> -> vector<2000x288xf32>
    %slice3A_5 = vector.extract_strided_slice %get3A_4 {offsets = [0, 32], sizes = [2000, 4], strides = [1, 1]} : vector<2000x128xf32> to vector<2000x4xf32>
    %add3A = arith.constant 1.000000e-16 : f32
    %add3A_6 = vector.broadcast %add3A : f32 to vector<2000x4xf32>
    %add3A_7 = arith.addf %slice3A_5, %add3A_6 : vector<2000x4xf32>
    %div3A = arith.constant 1.000000e+00 : f32
    %div3A_8 = vector.broadcast %div3A : f32 to vector<2000x4xf32>
    %div3A_9 = arith.divf %div3A_8, %add3A_7 : vector<2000x4xf32>
    %broadcast_in_dim3A = arith.constant 0.000000e+00 : f32
    %broadcast_in_dim3A_10 = vector.broadcast %broadcast_in_dim3A : f32 to vector<2000x4xf32>
    %concatenate3A_11 = tpu.concatenate %div3A_9, %broadcast_in_dim3A_10 in 1 : vector<2000x4xf32>, vector<2000x4xf32> -> vector<2000x8xf32>
    %get3A_12 = arith.constant 0 : index
    %get3A_13 = arith.constant 0 : index
    %get3A_14 = vector.load %arg4[%get3A_12, %get3A_13] : memref<8x288xf32, #tpu.memory_space<vmem>>, vector<8x288xf32>
    %dot_general3A = arith.constant dense<0.000000e+00> : vector<2000x288xf32>
    %dot_general3A_15 = tpu.matmul %concatenate3A_11, %get3A_14, %dot_general3A {dimension_numbers = #tpu.dot_dimension_numbers<[1], [0], [0], [1], [0, 0, 1, 1], [], []>, transpose_lhs_hint = false} : vector<2000x8xf32>, vector<8x288xf32>, vector<2000x288xf32> -> vector<2000x288xf32>
    %mul3A = arith.mulf %concatenate3A, %dot_general3A_15 : vector<2000x288xf32>
    %get3A_16 = arith.constant 0 : index
    %get3A_17 = arith.constant 0 : index
    %get3A_18 = vector.load %arg3[%get3A_16, %get3A_17] : memref<288x144xf32, #tpu.memory_space<vmem>>, vector<288x144xf32>
    %dot_general3A_19 = arith.constant dense<0.000000e+00> : vector<2000x144xf32>
    %dot_general3A_20 = tpu.matmul %mul3A, %get3A_18, %dot_general3A_19 {dimension_numbers = #tpu.dot_dimension_numbers<[1], [0], [0], [1], [0, 0, 1, 1], [], []>, transpose_lhs_hint = false} : vector<2000x288xf32>, vector<288x144xf32>, vector<2000x144xf32> -> vector<2000x144xf32>
    %get3A_21 = arith.constant 0 : index
    %get3A_22 = arith.constant 0 : index
    %get3A_23 = vector.load %arg5[%get3A_21, %get3A_22] : memref<1x144xf32, #tpu.memory_space<vmem>>, vector<1x144xf32>
    %add3A_24 = vector.broadcast %get3A_23 : vector<1x144xf32> to vector<2000x144xf32>
    %add3A_25 = arith.addf %dot_general3A_20, %add3A_24 : vector<2000x144xf32>
    %swap3A = arith.constant 0 : index
    %swap3A_26 = arith.constant 0 : index
    %swap3A_27 = vector.load %arg6[%swap3A, %swap3A_26] : memref<2000x144xf32, #tpu.memory_space<vmem>>, vector<2000x144xf32>
    tpu.vector_store %arg6[%swap3A, %swap3A_26], %add3A_25 {strides = array<i32>} : memref<2000x144xf32, #tpu.memory_space<vmem>>, vector<2000x144xf32>,
    return
  }
  func.func @transform_0(%arg0: i32) -> (i32, i32) {
    %c0_i32 = arith.constant 0 : i32
    %c0_i32_0 = arith.constant 0 : i32
    return %arg0, %c0_i32 : i32, i32
  }
  func.func @transform_1(%arg0: i32) -> (i32, i32) {
    %c0_i32 = arith.constant 0 : i32
    %c0_i32_0 = arith.constant 0 : i32
    return %arg0, %c0_i32 : i32, i32
  }
  func.func @transform_2(%arg0: i32) -> (i32, i32) {
    %c0_i32 = arith.constant 0 : i32
    %c0_i32_0 = arith.constant 0 : i32
    %c0_i32_1 = arith.constant 0 : i32
    return %c0_i32, %c0_i32_0 : i32, i32
  }
  func.func @transform_3(%arg0: i32) -> (i32, i32) {
    %c0_i32 = arith.constant 0 : i32
    %c0_i32_0 = arith.constant 0 : i32
    %c0_i32_1 = arith.constant 0 : i32
    return %c0_i32, %c0_i32_0 : i32, i32
  }
  func.func @transform_4(%arg0: i32) -> (i32, i32) {
    %c0_i32 = arith.constant 0 : i32
    %c0_i32_0 = arith.constant 0 : i32
    %c0_i32_1 = arith.constant 0 : i32
    return %c0_i32, %c0_i32_0 : i32, i32
  }
  func.func @transform_5(%arg0: i32) -> (i32, i32) {
    %c0_i32 = arith.constant 0 : i32
    %c0_i32_0 = arith.constant 0 : i32
    return %arg0, %c0_i32 : i32, i32
  }
}

</mosaic_0001>

<sc_bundles>
// kernel: kernel.11.cloned.1.call-start
scs
__scs_entry_jumppad:
0x0: {  	(pc) =	sbr.rel $0x88, $3  }
0x1: {  	(tag) =	ssettag $0x0;
	lr =	simm.s32 $0x1  }
0x2: {  	[smem:$0x3F8D] =	sst lr;
	_ =	strace $0xD0000000  }
0x3: {  	_ = 	snop  }
0x4: {  	_ = 	snop  }
0x5: {  	_ = 	snop  }
0x6: {  	_ = 	snop  }
0x7: {  	_ = 	snop  }
__scs_overlays_trampoline_lowered:
0x8: {  	[smem:$0x3F9C] =	sst s0  }
0x9: {  	[smem:$0x3F9D] =	sst s1  }
0xa: {  	[smem:$0x3F9E] =	sst s2  }
0xb: {  	[smem:$0x3F9F] =	sst s3  }
0xc: {  	[smem:$0x3FA0] =	sst s4  }
0xd: {  	[smem:$0x3FA1] =	sst s5  }
0xe: {  	[smem:$0x3FA2] =	sst s6  }
0xf: {  	[smem:$0x3FA3] =	sst s7  }
0x10: {  	[smem:$0x3FA4] =	sst s8  }
0x11: {  	[smem:$0x3FA5] =	sst s9;
	s0 =	simm.s32 @!p0 $0x0  }
0x12: {  	s1 =	sld [smem:$0x3F8B];
	s0 =	simm.s32 @p0 $0x1  }
0x13: {  	[smem:$0x3FA6] =	sst s0;
	s0 =	simm.s32 @!p1 $0x0  }
0x14: {  	s2 =	sld [smem:$0x3F8A];
	s0 =	simm.s32 @p1 $0x1  }
0x15: {  	[smem:$0x3FA7] =	sst s0;
	s0 =	simm.s32 @!p2 $0x0  }
0x16: {  	s3 =	sld [smem:$0x3FDB];
	s0 =	simm.s32 @p2 $0x1  }
0x17: {  	s4 =	simm.s32 $0x1BF5;
	[smem:$0x3FA9] =	sst s0  }
0x18: {  	s0 =	sld [smem:$0x3F8C];
	_ =	swait.ge [sflag:s4], $0x0  }
0x19: {  	s7 =	sld [smem:$0x3F8D]  }
0x1a: {  	s8 =	sadd.s32 $0xFFFFE003, lr  }
0x1b: {  	s9 =	sadd.s32 $0xFFFFFEF7, lr;
	s5 =	simm.s32 $0xFFFFFFFF;
	p2 =	slt.u32 s8, $0xFFFFF086  }
0x1c: {  	p1 =	slt.u32 s9, $0xF7A;
	s5 =	simm.s32 @!p2 $0x0  }
0x1d: {  	s5 =	simm.s32 @p1 $0x1;
	p0 =	seq.s32 s7, s2  }
0x1e: {  	s7 =	smul.u32 @!p0 $0xF7A, s2;
	p2 =	seq.s32 @!p0 s5, $0x0  }
0x1f: {  	s9 =	smul.u32 $0xF7A, s1;
	s8 =	simm.s32 @!p0 $0x1BF5;
	p2 =	por !p2, p0  }
0x20: {  	[sflag:s8] =	ssyncset.s32 @!p0 $0xFFFFF086;
	s6 =	sadd.s32 @!p0 s3, s7;
	s7 =	simm.s32 @!p0 $0x108  }
0x21: {  	s3 =	sadd.s32 s3, s9;
	s6 =	sadd.s32 @!p0 $0x88, s6;
	s7 =	simm.s32 @p2 $0x1082  }
0x22: {  	[simem:s7], [sflag:s8] =	dma.local @!p0 [hbm:s6], $0xF7A  }
0x23: {  	s9 =	sor.u32 $0xD0000000, s2;
	s6 =	simm.s32 $0x108;
	_ =	swait.ge @!p0 [sflag:s8], $0x0  }
0x24: {  	s3 =	sadd.s32 $0x88, s3;
	s6 =	simm.s32 @!p1 $0x1082;
	[sflag:s4] =	ssyncset.s32 $0xFFFFF086  }
0x25: {  	[simem:s6], [sflag:s4] =	dma.local [hbm:s3], $0xF7A  }
0x26: {  	[smem:$0x3F8D] =	sst s1;
	(tag) =	ssettag s2;
	_ =	strace s9  }
0x27: {  	s1 =	sld [smem:$0x3F9D]  }
0x28: {  	s2 =	sld [smem:$0x3F9E]  }
0x29: {  	s4 =	sld [smem:$0x3FA0]  }
0x2a: {  	p0 =	seq.s32 s5, $0x0;
	s5 =	sld [smem:$0x3FA1]  }
0x2b: {  	s6 =	sld [smem:$0x3FA2]  }
0x2c: {  	s7 =	sld [smem:$0x3FA3]  }
0x2d: {  	s3 =	simm.s32 $0x108;
	s8 =	sld [smem:$0x3FA4]  }
0x2e: {  	s3 =	simm.s32 @!p0 $0x1082;
	s9 =	sld [smem:$0x3FA5]  }
0x2f: {  	lr =	sadd.s32 s0, s3;
	s0 =	sld [smem:$0x3F9C]  }
0x30: {  	s3 =	sld [smem:$0x3F9F]  }
0x31: {  	[smem:$0x3FA8] =	sst s10  }
0x32: {  	s10 =	sld [smem:$0x3FA6];
	_ =	sdelay $0x3  }
0x33: {  	p0 =	seq.s32 s10, $0x1;
	s10 =	sld [smem:$0x3FA8];
	_ =	sdelay $0x3  }
0x34: {  	[smem:$0x3FA8] =	sst s10  }
0x35: {  	s10 =	sld [smem:$0x3FA7];
	_ =	sdelay $0x3  }
0x36: {  	p1 =	seq.s32 s10, $0x1;
	s10 =	sld [smem:$0x3FA8];
	_ =	sdelay $0x3  }
0x37: {  	[smem:$0x3FA8] =	sst s10  }
0x38: {  	s10 =	sld [smem:$0x3FA9]  }
0x39: {  	_ = 	snop;
	(pc) =	sbr.ind lr, $3  }
0x3a: {  	_ = 	snop  }
0x3b: {  	_ = 	snop  }
0x3c: {  	p2 =	seq.s32 s10, $0x1;
	s10 =	sld [smem:$0x3FA8]  }
0x3d: {  	_ =	shalt  }
0x3e: {  	_ =	shalt  }
0x3f: {  	_ =	shalt  }
0x40: {  	_ =	shalt  }
0x41: {  	_ =	shalt  }
0x42: {  	_ =	shalt  }
0x43: {  	_ =	shalt  }
0x44: {  	_ =	shalt  }
0x45: {  	_ =	shalt  }
0x46: {  	_ =	shalt  }
0x47: {  	_ =	shalt  }
0x48: {  	_ =	shalt  }
0x49: {  	_ =	shalt  }
0x4a: {  	_ =	shalt  }
0x4b: {  	_ =	shalt  }
0x4c: {  	_ =	shalt  }
0x4d: {  	_ =	shalt  }
0x4e: {  	_ =	shalt  }
0x4f: {  	_ =	shalt  }
0x50: {  	_ =	shalt  }
0x51: {  	_ =	shalt  }
0x52: {  	_ =	shalt  }
0x53: {  	_ =	shalt  }
0x54: {  	_ =	shalt  }
0x55: {  	_ =	shalt  }
0x56: {  	_ =	shalt  }
0x57: {  	_ =	shalt  }
0x58: {  	_ =	shalt  }
0x59: {  	_ =	shalt  }
0x5a: {  	_ =	shalt  }
0x5b: {  	_ =	shalt  }
0x5c: {  	_ =	shalt  }
0x5d: {  	_ =	shalt  }
0x5e: {  	_ =	shalt  }
0x5f: {  	_ =	shalt  }
0x60: {  	_ =	shalt  }
0x61: {  	_ =	shalt  }
0x62: {  	_ =	shalt  }
0x63: {  	_ =	shalt  }
0x64: {  	_ =	shalt  }
0x65: {  	_ =	shalt  }
0x66: {  	_ =	shalt  }
0x67: {  	_ =	shalt  }
0x68: {  	_ =	shalt  }
0x69: {  	_ =	shalt  }
0x6a: {  	_ =	shalt  }
0x6b: {  	_ =	shalt  }
0x6c: {  	_ =	shalt  }
0x6d: {  	_ =	shalt  }
0x6e: {  	_ =	shalt  }
0x6f: {  	_ =	shalt  }
0x70: {  	_ =	shalt  }
0x71: {  	_ =	shalt  }
0x72: {  	_ =	shalt  }
0x73: {  	_ =	shalt  }
0x74: {  	_ =	shalt  }
0x75: {  	_ =	shalt  }
0x76: {  	_ =	shalt  }
0x77: {  	_ =	shalt  }
0x78: {  	_ =	shalt  }
0x79: {  	_ =	shalt  }
0x7a: {  	_ =	shalt  }
0x7b: {  	_ =	shalt  }
0x7c: {  	_ =	shalt  }
0x7d: {  	_ =	shalt  }
0x7e: {  	_ =	shalt  }
0x7f: {  	_ =	shalt  }
0x80: {  	_ =	shalt  }
0x81: {  	_ =	shalt  }
0x82: {  	_ =	shalt  }
0x83: {  	_ =	shalt  }
0x84: {  	_ =	shalt  }
0x85: {  	_ =	shalt  }
0x86: {  	_ =	shalt  }
0x87: {  	_ =	shalt  }
.Lfunc_end0:
.L_simem_size_0:
called_computation.1_lowered:
.L_overlay_start_0:
0x88: {  	s2 =	sld [smem:$0x3FD9]  }
0x89: {  	s3 =	sld [smem:$0x3FFE];
	_ =	sdelay $0x1  }
0x8a: {  	s1 =	srdreg.scid  }
0x8b: {  	s0 =	sand.u32 $0x1, s1  }
0x8c: {  	s17 =	sshll.u32 s0, $0xA;
	s2 =	sadd.s32 s3, s2  }
0x8d: {  	s2 =	sadd.s32 s2, s17  }
0x8e: {  	[smem:$0x3FB4] =	sst s2  }
0x8f: {  	_ = 	snop  }
0x90: {  	(tm) =	ssettm $0x1  }
0x91: {  	s18 =	sld [smem:$0x3FFB];
	_ =	sdelay $0x3  }
0x92: {  	_ =	strace s18  }
0x93: {  	s2 =	sld [smem:$0x3FFC];
	_ =	sdelay $0x3  }
0x94: {  	_ =	strace s2  }
0x95: {  	s2 =	sld [smem:$0x3FFD];
	_ =	sdelay $0x3  }
0x96: {  	_ =	strace s2  }
0x97: {  	_ =	strace $0x8FFFFFFF  }
0x98: {  	s19 =	sld [smem:$0x3FDB];
	_ =	sdelay $0x1  }
0x99: {  	s20 =	simm.s32 $_scs_section_size  }
0x9a: {  	s4 =	simm.s32 $_size__tile_overlayer_lowered;
	s5 =	simm.s32 $_tile_overlayer_lowered  }
0x9b: {  	s6 =	simm.s32 $0x1BFF;
	s21 =	sshll.u32 s5, $0x1;
	s3 =	sadd.s32 s20, s19  }
0x9c: {  	s22 =	simm.s32 $0x0;
	s4 =	sshll.u32 s4, $0x1;
	s5 =	sadd.s32 s21, s3  }
0x9d: {  	[timem:s22], [sflag:s6] =	dma.local [hbm:s5], s4  }
0x9e: {  	_ =	swait.ge [sflag:s6], s4  }
0x9f: {  	s4 =	ssub.s32 $0x0, s4;
	[sflag:s6] =	ssyncset.done $0x0  }
0xa0: {  	[sflag:s6] =	ssyncadd.s32 s4;
	_ =	sdelay $0x1  }
0xa1: {  	s23 =	simm.s32 $0x1B8B  }
0xa2: {  	_ =	swait.ge [sflag:s23], $0x1  }
0xa3: {  	[sflag:s23] =	ssyncset.done $0x0  }
0xa4: {  	[sflag:s23] =	ssyncadd.s32 $0xFFFFFFFF  }
0xa5: {  	s4 =	sld [smem:$0x0]  }
0xa6: {  	s5 =	sand.u32 $0xFFFFFFFE, s1  }
0xa7: {  	p0 =	sne.s32 s1, s5  }
0xa8: {  	s5 =	sshll.u32 @p0 s5, $0xE  }
0xa9: {  	s5 =	sadd.s32 @p0 $0x11B8D, s5;
	s6 =	sshll.u32 @p0 s4, $0x11  }
0xaa: {  	s5 =	sor.u32 @p0 s6, s5  }
0xab: {  	[sflag:s5] =	ssyncadd.remote.s32 @p0 $0x1;
	_ =	sdelay $0x1  }
0xac: {  	s5 =	simm.s32 @p0 $0x1B8D  }
0xad: {  	_ =	swait.eq @p0 [sflag:s5], $0x1  }
0xae: {  	[sflag:s5] =	ssyncadd.s32 @p0 $0xFFFFFFFF  }
0xaf: {  	s6 =	sshll.u32 @!p0 s1, $0xE  }
0xb0: {  	s6 =	sor.u32 @!p0 $0x4000, s6;
	s5 =	simm.s32 @!p0 $0x1B8D  }
0xb1: {  	s4 =	sshll.u32 @!p0 s4, $0x11;
	s6 =	sadd.s32 @!p0 $0x11B8D, s6;
	_ =	swait.eq @!p0 [sflag:s5], $0x1  }
0xb2: {  	s4 =	sor.u32 @!p0 s4, s6;
	[sflag:s5] =	ssyncadd.s32 @!p0 $0xFFFFFFFF  }
0xb3: {  	s25 =	simm.s32 $0x1B8E;
	s24 =	sld [smem:$0x3FFE];
	[sflag:s4] =	ssyncadd.remote.s32 @!p0 $0x1  }
0xb4: {  	s26 =	simm.s32 $execute0_lowered;
	[smem:$0x3FD2] =	sst s25  }
0xb5: {  	s5 =	sshll.u32 s26, $0x1;
	_ =	strace $0x8000004C;
	[dreg:$0x1] =	wrdreg $0xFFFFFFFF  }
0xb6: {  	s28 =	simm.s32 $_size_execute0_lowered;
	s3 =	sadd.s32 s3, s5;
	[dreg:$0x0] =	wrdreg $0x0  }
0xb7: {  	s5 =	sshll.u32 s28, $0x1;
	[dreg:$0x2] =	wrdreg s3  }
0xb8: {  	[dreg:$0x3] =	wrdreg s5  }
0xb9: {  	[dreg:$0x4] =	wrdreg $0xC0  }
0xba: {  	_ =	task [dreg:s22], $0x5FFFF  }
0xbb: {  	[dreg:$0x1] =	wrdreg $0xFFFFFFFF  }
0xbc: {  	[dreg:$0x0] =	wrdreg $0x60  }
0xbd: {  	[dreg:$0x2] =	wrdreg s24  }
0xbe: {  	[dreg:$0x3] =	wrdreg $0x9  }
0xbf: {  	_ =	task.clear_ibuf [dreg:s22], $0x4FFFF;
	_ =	strace $0x9000004C  }
0xc0: {  	s29 =	simm.s32 $0x9;
	_ =	strace $0x8000004E  }
0xc1: {  	_ =	swait.ge [sflag:s29], $0x1  }
0xc2: {  	[sflag:s29] =	ssyncadd.s32 $0xFFFFFFFF  }
0xc3: {  	_ =	strace $0x9000004E  }
0xc4: {  	_ =	sfence  }
0xc5: {  	s30 =	sld [smem:$0x0];
	_ =	sdelay $0x2  }
0xc6: {  	s31 =	sshll.u32 s1, $0xD;
	s1 =	sshrl.u32 s1, $0x2  }
0xc7: {  	s4 =	sand.u32 $0x4000, s31;
	s1 =	sadd.s32 s1, s30  }
0xc8: {  	s0 =	sor.u32 s4, s0;
	s1 =	sshll.u32 s1, $0x11  }
0xc9: {  	s0 =	sor.u32 s1, s0  }
0xca: {  	s0 =	sadd.s32 $0x8F2B, s0  }
0xcb: {  	[sflag:s0] =	ssyncadd.remote.s32 $0x1  }
0xcc: {  	_ =	sfence.sel $0xFFFF  }
0xcd: {  	[dreg:$0x0] =	wrdreg $0xFFFFFFFF;
	(pc) =	sbr.abs _section_cstart, $3  }
0xce: {  	[dreg:$0x1] =	wrdreg $0xFFFFFFFF  }
0xcf: {  	_ =	task.clear_ibuf [dreg:s22], $0x2FFFF;
	_ =	strace $0x9FFFFFFF  }
0xd0: {  	(tm) =	ssettm $0x7FFFFFFF  }
0xd1: {  	_ =	shalt  }
tec
execute0_lowered:
.L_overlay_start_1:
0x0: {  	(tag) =	ssettag $0x1  }
0x1: {  	s0 =	rddreg [dreg:$0x0]  }
0x2: {  	s1 =	srdreg.scid;
	s2 =	stileid.u32  }
0x3: {  	s3 =	simm.s32 $0x0;
	s14 =	simm.s32 $0x15800;
	s15 =	simm.s32 $0x16000  }
0x4: {  	s16 =	simm.s32 $0x16800;
	s17 =	simm.s32 $0x17000;
	s18 =	simm.s32 $0x17800  }
0x5: {  	s19 =	simm.s32 $0x18000;
	s20 =	simm.s32 $0x18800;
	s21 =	simm.s32 $0x19000  }
0x6: {  	s22 =	simm.s32 $0x19800;
	s23 =	simm.s32 $0x1A000;
	s24 =	simm.s32 $0x1A800  }
0x7: {  	s25 =	simm.s32 $0x1B000;
	s28 =	simm.s32 $0x1C000;
	s29 =	simm.s32 $0x80  }
0x8: {  	s30 =	simm.s32 $0x1CE80;
	s31 =	simm.s32 $0x1;
	s8 =	simm.s32 $0x0  }
0x9: {  	s1 =	sand.u32 $0x1, s1;
	s2 =	sshll.u32 s2, $0x1;
	[smem:$0x7FF] =	sst s3  }
0xa: {  	s3 =	sadd.s32 $0xF4B400, s0;
	s4 =	sadd.s32 $0x51E00, s0;
	s7 =	sadd.s32 $0x5200, s0  }
0xb: {  	s2 =	sor.u32 s1, s2;
	_ =	strace $0x8000004D;
	s1 =	ssub.s32 $0x2, s1  }
0xc: {  	[dreg:$0x2] =	wrdreg s7;
	s5 =	smul.u32 $0x2700, s2;
	s6 =	sshrl.u32 s1, $0x1  }
.Ltmp0:
0xd: {  	p0 =	seq.s32 s2, $0x1F;
	s1 =	ssub.s32 s1, s6;
	(pc) =	sbr.rel .LBB2_1-.Ltmp0, $4  }
0xe: {  	s6 =	smul.u32 $0x138, s2;
	s5 =	sadd.s32 s5, s0;
	s0 =	sadd.s32 $0xAB4D00, s0  }
0xf: {  	v2 =	vlaneseq.u32;
	v3 =	vimm.s32 $0x0;
	vm0 =	vmmov $0xffff;
	s2 =	simm.s32 $0x148;
	s26 =	smax.u32 s1, $0x1;
	[dreg:$0x4] =	wrdreg s0  }
0x10: {  	v4 =	vand.u32 $0x7, v2;
	v5 =	vshrl.u32 v2, $0x3;
	v6 =	vor.u32 $0x8, v2;
	s2 =	simm.s32 @!p0 $0x138;
	s5 =	sadd.s32 $0xA69400, s5;
	[dreg:$0x5] =	wrdreg s26  }
0x11: {  	v5 =	vmul.u32 $0x8, v5;
	v0 =	vmov s6;
	v1 =	vmov s2;
	s26 =	simm.s32 $0x1B800;
	s0 =	simm.s32 $0x2;
	[dreg:$0x3] =	wrdreg s5  }
.LBB2_12:
0x12: {  	[tilespmem:s8+$0x0] =	vst.add.f32.msk $0xffff, v7;
	s8 =	rddreg [dreg:$0x6]  }
.LBB2_13:
0x13: {  	s1 =	simm.s32 @p0 $0x0;
	s2 =	rddreg [dreg:$0x4]  }
0x14: {  	[hbm4b:s2+s1] =	stream.linear.scatter @p0 [tilespmem:s1], [sflag:$0x3], $0x14800, $0x38;
	[tilespmem:$0x1D180] =	vst v63  }
0x15: {  	s1 =	simm.s32 @p0 $0x3  }
0x16: {  	_ =	swait.ge @p0 [sflag:s1], $0x14800  }
0x17: {  	[sflag:s1] =	ssyncset.done @p0 $0x0  }
0x18: {  	s2 =	rddreg [dreg:$0x3];
	[sflag:s1] =	ssyncadd.s32 @p0 $0xFFFEB800;
	s1 =	simm.s32 @!p0 $0x0  }
0x19: {  	[hbm4b:s2+s1] =	stream.linear.scatter @!p0 [tilespmem:s1], [sflag:$0x3], $0x13800, $0x38;
	[tilespmem:$0x1D180] =	vst v63  }
0x1a: {  	s1 =	simm.s32 @!p0 $0x3  }
0x1b: {  	_ =	swait.ge @!p0 [sflag:s1], $0x13800  }
0x1c: {  	s8 =	sadd.s32 $0x1, s8;
	s13 =	rddreg [dreg:$0x5]  }
0x1d: {  	p1 =	sne.s32 s8, s13  }
.Ltmp1:
0x1e: {  	_ = 	snop;
	(pc) =	sbr.rel @!p1 .LBB2_14-.Ltmp1, $3  }
0x1f: {  	_ =	sdelay $0x1  }
0x20: {  	[sflag:s1] =	ssyncset.done @!p0 $0x0  }
0x21: {  	[sflag:s1] =	ssyncadd.s32 @!p0 $0xFFFEC800  }
.LBB2_1:
0x22: {  	[dreg:$0x6] =	wrdreg s8  }
0x23: {  	s1 =	simm.s32 $0x0;
	s2 =	rddreg [dreg:$0x2];
	s13 =	simm.s32 $0x3  }
0x24: {  	[tilespmem:s1], [sflag:$0x3] =	stream.linear.gather [hbm4b:s2+s1], $0x14800, $0x38;
	[tilespmem:$0x1D180] =	vst v63  }
0x25: {  	_ =	swait.ge [sflag:s13], $0x14800  }
0x26: {  	[sflag:s13] =	ssyncset.done $0x0  }
0x27: {  	[sflag:s13] =	ssyncadd.s32 $0xFFFEB800  }
0x28: {  	[tilespmem:$0x1CE80] =	vst v3  }
0x29: {  	[tilespmem:$0x1CE90] =	vst v3  }
0x2a: {  	[tilespmem:$0x1CEA0] =	vst v3  }
0x2b: {  	[tilespmem:$0x1CEB0] =	vst v3  }
0x2c: {  	[tilespmem:$0x1CEC0] =	vst v3  }
0x2d: {  	[tilespmem:$0x1CED0] =	vst v3  }
0x2e: {  	[tilespmem:$0x1CEE0] =	vst v3  }
0x2f: {  	[tilespmem:$0x1CEF0] =	vst v3  }
0x30: {  	[tilespmem:$0x1CF00] =	vst v3  }
0x31: {  	[tilespmem:$0x1CF10] =	vst v3  }
0x32: {  	[tilespmem:$0x1CF20] =	vst v3  }
0x33: {  	[tilespmem:$0x1CF30] =	vst v3  }
0x34: {  	[tilespmem:$0x1CF40] =	vst v3  }
.Ltmp2:
0x35: {  	[tilespmem:$0x1CF50] =	vst v3;
	(pc) =	sbr.rel .LBB2_2-.Ltmp2, $4  }
0x36: {  	[tilespmem:$0x1CF60] =	vst v3  }
0x37: {  	[tilespmem:$0x1CF70] =	vst v3  }
0x38: {  	[tilespmem:$0x1CF80] =	vst v3  }
0x39: {  	s5 =	simm.s32 $0x0;
	s2 =	simm.s32 $0x0;
	[tilespmem:$0x1CF90] =	vst v3  }
.LBB2_8:
0x3a: {  	s5 =	sadd.s32 $0x1, s5  }
0x3b: {  	p1 =	sne.s32 s5, $0x64  }
.Ltmp3:
0x3c: {  	_ = 	snop;
	(pc) =	sbr.rel @!p1 .LBB2_9-.Ltmp3, $1  }
0x3d: {  	_ =	sdelay $0x3  }
.LBB2_2:
0x3e: {  	s7 =	smul.u32 $0x640, s5;
	_ =	sdelay $0x1  }
0x3f: {  	s8 =	simm.s32 $0x0;
	s9 =	simm.s32 $0x1C800;
	s1 =	sshrl.u32 s7, $0x3  }
.Ltmp4:
0x40: {  	s13 =	simm.s32 $0x3;
	s1 =	sadd.s32 s4, s1;
	(pc) =	sbr.rel .LBB2_3-.Ltmp4, $4  }
0x41: {  	[tilespmem:s9], [sflag:$0x3] =	stream.linear.gather [hbm4b:s1+s8], $0x640, $0x38;
	[tilespmem:$0x1D180] =	vst v63  }
0x42: {  	_ =	swait.ge [sflag:s13], $0x640  }
0x43: {  	[sflag:s13] =	ssyncset.done $0x0  }
0x44: {  	[sflag:s13] =	ssyncadd.s32 $0xFFFFF9C0  }
.LBB2_6:
0x45: {  	[tilespmem:s10+$0x0] =	vst.add.f32.msk $0xffff, v7  }
0x46: {  	v7 =	vld [tilespmem:$0x1CF00]  }
0x47: {  	v8 =	vld [tilespmem:$0x1CF10]  }
0x48: {  	v9 =	vld [tilespmem:$0x1CF20]  }
0x49: {  	v10 =	vld [tilespmem:$0x1CF30];
	_ =	sdelay $0x1  }
0x4a: {  	[tilespmem:$0x1CE80] =	vst v7  }
0x4b: {  	[tilespmem:$0x1CE90] =	vst v8  }
0x4c: {  	[tilespmem:$0x1CEA0] =	vst v9  }
0x4d: {  	[tilespmem:$0x1CEB0] =	vst v10  }
.LBB2_7:
0x4e: {  	s8 =	sadd.s32 $0x1, s8  }
0x4f: {  	p2 =	sne.s32 s8, $0x19  }
.Ltmp5:
0x50: {  	_ = 	snop;
	(pc) =	sbr.rel @!p2 .LBB2_8-.Ltmp5, $3  }
0x51: {  	_ =	sdelay $0x1  }
0x52: {  	p1 =	sgt.s32 s2, $0x7F;
	s1 =	sadd.s32 $0xFFFFFF80, s2  }
0x53: {  	s2 =	smov.u32 @p1 s1  }
.LBB2_3:
0x54: {  	s1 =	sshll.u32 s8, $0x6  }
0x55: {  	v7 =	vld [tilespmem:s1+$0x1C800];
	_ =	sdelay $0x4  }
0x56: {  	s9 =	sadd.s32 s7, s1;
	v7 =	vsub.s32 v7, v0  }
0x57: {  	vm1 =	vlt.u32 v7, v1;
	v7 =	vor.u32 s9, v2  }
0x58: {  	[tilespmem:s2+$0x1CE80] =	vst.msk vm1, v7;
	v7 =	vmpcnt.ones.xlane vm1  }
0x59: {  	v8 =	vld [tilespmem:s1+$0x1C810]  }
0x5a: {  	(v2sf) =	vpush v7, $0x0;
	_ =	sdelay $0x3  }
0x5b: {  	v7 =	vsub.s32 v8, v0  }
0x5c: {  	vm1 =	vlt.u32 v7, v1  }
0x5d: {  	v7 =	vmpcnt.ones.xlane vm1;
	_ =	sdelay $0x1  }
0x5e: {  	(v2sf) =	vpush v7, $0x0;
	_ =	sdelay $0x6  }
0x5f: {  	s11 =	sor.u32 $0x10, s9;
	s10 =	spop (v2sf)  }
0x60: {  	v7 =	vor.u32 s11, v2;
	s10 =	sadd.s32 s2, s10  }
0x61: {  	[tilespmem:s10+$0x1CE80] =	vst.msk vm1, v7  }
0x62: {  	v7 =	vld [tilespmem:s1+$0x1C820];
	_ =	sdelay $0x4  }
0x63: {  	s13 =	sor.u32 $0x20, s9;
	s12 =	spop (v2sf);
	v7 =	vsub.s32 v7, v0  }
0x64: {  	s2 =	sadd.s32 s10, s12;
	vm1 =	vlt.u32 v7, v1;
	v7 =	vor.u32 s13, v2  }
0x65: {  	[tilespmem:s2+$0x1CE80] =	vst.msk vm1, v7  }
0x66: {  	v7 =	vld [tilespmem:s1+$0x1C830];
	_ =	sdelay $0x4  }
0x67: {  	v7 =	vsub.s32 v7, v0  }
0x68: {  	v8 =	vmpcnt.ones.xlane vm1;
	vm1 =	vlt.u32 v7, v1  }
0x69: {  	v7 =	vmpcnt.ones.xlane vm1  }
0x6a: {  	(v2sf) =	vpush v8, $0x0  }
0x6b: {  	(v2sf) =	vpush v7, $0x0;
	_ =	sdelay $0xd  }
0x6c: {  	s12 =	spop (v2sf)  }
0x6d: {  	s1 =	sadd.s32 s2, s12;
	s13 =	spop (v2sf)  }
0x6e: {  	s2 =	sadd.s32 s1, s13  }
0x6f: {  	p1 =	slt.s32 s2, $0x80  }
.Ltmp6:
0x70: {  	_ = 	snop;
	(pc) =	sbr.rel @p1 .LBB2_7-.Ltmp6, $4  }
0x71: {  	_ = 	snop  }
0x72: {  	s9 =	sor.u32 $0x30, s9  }
0x73: {  	v7 =	vor.u32 s9, v2  }
0x74: {  	[tilespmem:s1+$0x1CE80] =	vst.msk vm1, v7  }
0x75: {  	v7 =	vld [tilespmem:$0x1CE80];
	_ =	sdelay $0x4  }
0x76: {  	v8 =	vshll.u32 v7, $0x1  }
0x77: {  	v7 =	vand.u32 $0x7, v7;
	v8 =	vand.u32 $0xFFFFFFF0, v8  }
0x78: {  	v7 =	vor.u32 v7, v8  }
0x79: {  	v8 =	vperm.xlane v7, v4;
	_ =	sdelay $0x1  }
0x7a: {  	v7 =	vperm.xlane v7, v6;
	v8 =	vadd.s32 v5, v8;
	_ =	sdelay $0x1  }
0x7b: {  	v7 =	vadd.s32 v5, v7;
	_ =	sdelay $0x1  }
0x7c: {  	s9 =	simm.s32 $0x0;
	s1 =	simm.s32 $0x14800  }
0x7d: {  	[tilespmem:s1], [sflag:$0x1] =	stream.indirect_vreg.gather [hbm4b:s3+s9], $0x80, v8, vm0, $0xb8;
	[tilespmem:$0x1D180] =	vst v63  }
0x7e: {  	s12 =	simm.s32 $0x15000  }
0x7f: {  	[tilespmem:s12], [sflag:$0x1] =	stream.indirect_vreg.gather [hbm4b:s3+s9], $0x80, v7, vm0, $0xb8;
	[tilespmem:$0x1D180] =	vst v63  }
0x80: {  	v7 =	vld [tilespmem:$0x1CE90];
	_ =	sdelay $0x4  }
0x81: {  	v8 =	vshll.u32 v7, $0x1  }
0x82: {  	v7 =	vand.u32 $0x7, v7;
	v8 =	vand.u32 $0xFFFFFFF0, v8  }
0x83: {  	v7 =	vor.u32 v7, v8  }
0x84: {  	v8 =	vperm.xlane v7, v4;
	_ =	sdelay $0x1  }
0x85: {  	v7 =	vperm.xlane v7, v6;
	v8 =	vadd.s32 v5, v8;
	_ =	sdelay $0x1  }
0x86: {  	v7 =	vadd.s32 v5, v7;
	_ =	sdelay $0x2  }
0x87: {  	[tilespmem:s14], [sflag:$0x1] =	stream.indirect_vreg.gather [hbm4b:s3+s9], $0x80, v8, vm0, $0xb8;
	[tilespmem:$0x1D180] =	vst v63  }
0x88: {  	_ = 	snop  }
0x89: {  	[tilespmem:s15], [sflag:$0x1] =	stream.indirect_vreg.gather [hbm4b:s3+s9], $0x80, v7, vm0, $0xb8;
	[tilespmem:$0x1D180] =	vst v63  }
0x8a: {  	v7 =	vld [tilespmem:$0x1CEA0];
	_ =	sdelay $0x4  }
0x8b: {  	v8 =	vshll.u32 v7, $0x1  }
0x8c: {  	v7 =	vand.u32 $0x7, v7;
	v8 =	vand.u32 $0xFFFFFFF0, v8  }
0x8d: {  	v7 =	vor.u32 v7, v8  }
0x8e: {  	v8 =	vperm.xlane v7, v4;
	_ =	sdelay $0x1  }
0x8f: {  	v7 =	vperm.xlane v7, v6;
	v8 =	vadd.s32 v5, v8;
	_ =	sdelay $0x1  }
0x90: {  	v7 =	vadd.s32 v5, v7;
	_ =	sdelay $0x2  }
0x91: {  	[tilespmem:s16], [sflag:$0x1] =	stream.indirect_vreg.gather [hbm4b:s3+s9], $0x80, v8, vm0, $0xb8;
	[tilespmem:$0x1D180] =	vst v63  }
0x92: {  	_ = 	snop  }
0x93: {  	[tilespmem:s17], [sflag:$0x1] =	stream.indirect_vreg.gather [hbm4b:s3+s9], $0x80, v7, vm0, $0xb8;
	[tilespmem:$0x1D180] =	vst v63  }
0x94: {  	v7 =	vld [tilespmem:$0x1CEB0];
	_ =	sdelay $0x4  }
0x95: {  	v8 =	vshll.u32 v7, $0x1  }
0x96: {  	v7 =	vand.u32 $0x7, v7;
	v8 =	vand.u32 $0xFFFFFFF0, v8  }
0x97: {  	v7 =	vor.u32 v7, v8  }
0x98: {  	v8 =	vperm.xlane v7, v4;
	_ =	sdelay $0x1  }
0x99: {  	v7 =	vperm.xlane v7, v6;
	v8 =	vadd.s32 v5, v8;
	_ =	sdelay $0x1  }
0x9a: {  	v7 =	vadd.s32 v5, v7;
	_ =	sdelay $0x2  }
0x9b: {  	[tilespmem:s18], [sflag:$0x1] =	stream.indirect_vreg.gather [hbm4b:s3+s9], $0x80, v8, vm0, $0xb8;
	[tilespmem:$0x1D180] =	vst v63  }
0x9c: {  	_ = 	snop  }
0x9d: {  	[tilespmem:s19], [sflag:$0x1] =	stream.indirect_vreg.gather [hbm4b:s3+s9], $0x80, v7, vm0, $0xb8;
	[tilespmem:$0x1D180] =	vst v63  }
0x9e: {  	v7 =	vld [tilespmem:$0x1CEC0];
	_ =	sdelay $0x4  }
0x9f: {  	v8 =	vshll.u32 v7, $0x1  }
0xa0: {  	v7 =	vand.u32 $0x7, v7;
	v8 =	vand.u32 $0xFFFFFFF0, v8  }
0xa1: {  	v7 =	vor.u32 v7, v8  }
0xa2: {  	v8 =	vperm.xlane v7, v4;
	_ =	sdelay $0x1  }
0xa3: {  	v7 =	vperm.xlane v7, v6;
	v8 =	vadd.s32 v5, v8;
	_ =	sdelay $0x1  }
0xa4: {  	v7 =	vadd.s32 v5, v7;
	_ =	sdelay $0x2  }
0xa5: {  	[tilespmem:s20], [sflag:$0x1] =	stream.indirect_vreg.gather [hbm4b:s3+s9], $0x80, v8, vm0, $0xb8;
	[tilespmem:$0x1D180] =	vst v63  }
0xa6: {  	_ = 	snop  }
0xa7: {  	[tilespmem:s21], [sflag:$0x1] =	stream.indirect_vreg.gather [hbm4b:s3+s9], $0x80, v7, vm0, $0xb8;
	[tilespmem:$0x1D180] =	vst v63  }
0xa8: {  	v7 =	vld [tilespmem:$0x1CED0];
	_ =	sdelay $0x4  }
0xa9: {  	v8 =	vshll.u32 v7, $0x1  }
0xaa: {  	v7 =	vand.u32 $0x7, v7;
	v8 =	vand.u32 $0xFFFFFFF0, v8  }
0xab: {  	v7 =	vor.u32 v7, v8  }
0xac: {  	v8 =	vperm.xlane v7, v4;
	_ =	sdelay $0x1  }
0xad: {  	v7 =	vperm.xlane v7, v6;
	v8 =	vadd.s32 v5, v8;
	_ =	sdelay $0x1  }
0xae: {  	v7 =	vadd.s32 v5, v7;
	_ =	sdelay $0x2  }
0xaf: {  	[tilespmem:s22], [sflag:$0x1] =	stream.indirect_vreg.gather [hbm4b:s3+s9], $0x80, v8, vm0, $0xb8;
	[tilespmem:$0x1D180] =	vst v63  }
0xb0: {  	_ = 	snop  }
0xb1: {  	[tilespmem:s23], [sflag:$0x1] =	stream.indirect_vreg.gather [hbm4b:s3+s9], $0x80, v7, vm0, $0xb8;
	[tilespmem:$0x1D180] =	vst v63  }
0xb2: {  	v7 =	vld [tilespmem:$0x1CEE0];
	_ =	sdelay $0x4  }
0xb3: {  	v8 =	vshll.u32 v7, $0x1  }
0xb4: {  	v7 =	vand.u32 $0x7, v7;
	v8 =	vand.u32 $0xFFFFFFF0, v8  }
0xb5: {  	v7 =	vor.u32 v7, v8  }
0xb6: {  	v8 =	vperm.xlane v7, v4;
	_ =	sdelay $0x1  }
0xb7: {  	v7 =	vperm.xlane v7, v6;
	v8 =	vadd.s32 v5, v8;
	_ =	sdelay $0x1  }
0xb8: {  	v7 =	vadd.s32 v5, v7;
	_ =	sdelay $0x2  }
0xb9: {  	[tilespmem:s24], [sflag:$0x1] =	stream.indirect_vreg.gather [hbm4b:s3+s9], $0x80, v8, vm0, $0xb8;
	[tilespmem:$0x1D180] =	vst v63  }
0xba: {  	_ = 	snop  }
0xbb: {  	[tilespmem:s25], [sflag:$0x1] =	stream.indirect_vreg.gather [hbm4b:s3+s9], $0x80, v7, vm0, $0xb8;
	[tilespmem:$0x1D180] =	vst v63  }
0xbc: {  	v7 =	vld [tilespmem:$0x1CEF0];
	_ =	sdelay $0x4  }
0xbd: {  	v8 =	vshll.u32 v7, $0x1  }
0xbe: {  	v7 =	vand.u32 $0x7, v7;
	v8 =	vand.u32 $0xFFFFFFF0, v8  }
0xbf: {  	v7 =	vor.u32 v7, v8  }
0xc0: {  	v8 =	vperm.xlane v7, v4;
	_ =	sdelay $0x1  }
0xc1: {  	v7 =	vperm.xlane v7, v6;
	v8 =	vadd.s32 v5, v8;
	_ =	sdelay $0x1  }
0xc2: {  	v7 =	vadd.s32 v5, v7;
	_ =	sdelay $0x2  }
0xc3: {  	[tilespmem:s26], [sflag:$0x1] =	stream.indirect_vreg.gather [hbm4b:s3+s9], $0x80, v8, vm0, $0xb8;
	[tilespmem:$0x1D180] =	vst v63  }
0xc4: {  	_ = 	snop  }
0xc5: {  	[tilespmem:s28], [sflag:$0x1] =	stream.indirect_vreg.gather [hbm4b:s3+s9], $0x80, v7, vm0, $0xb8;
	[tilespmem:$0x1D180] =	vst v63  }
0xc6: {  	s1 =	simm.s32 $0x1D000  }
0xc7: {  	[tilespmem:s1], [sflag:$0x2] =	stream.indirect.gather [hbm4b:s4+s29], $0x1, s30, s29, $0xb8;
	[tilespmem:$0x1D180] =	vst v63  }
0xc8: {  	_ =	swait.ge [sflag:s31], $0x8000  }
0xc9: {  	[sflag:s31] =	ssyncset.done $0x0  }
0xca: {  	[sflag:s31] =	ssyncadd.s32 $0xFFFF8000  }
0xcb: {  	_ =	swait.ge [sflag:s0], $0x80  }
0xcc: {  	[sflag:s0] =	ssyncset.done $0x0  }
0xcd: {  	[sflag:s0] =	ssyncadd.s32 $0xFFFFFF80  }
0xce: {  	v7 =	vld [tilespmem:s1+$0x0];
	_ =	sdelay $0x4  }
0xcf: {  	(v2sf) =	vpush v7, $0x0;
	_ =	sdelay $0xc  }
0xd0: {  	s10 =	sand.u32 $0x7800, s9;
	s11 =	sand.u32 $0x380, s9  }
0xd1: {  	s10 =	sor.u32 s11, s10  }
0xd2: {  	v7 =	vld [tilespmem:s10+$0x14800];
	s13 =	spop (v2sf)  }
0xd3: {  	s12 =	ssub.s32 s13, s6  }
0xd4: {  	s11 =	sshll.u32 s13, $0x7;
	s12 =	sshll.u32 s12, $0x8  }
0xd5: {  	s11 =	sand.u32 $0x380, s11;
	s12 =	sand.u32 $0xFFFFF800, s12  }
0xd6: {  	s12 =	sor.u32 s11, s12  }
0xd7: {  	s10 =	sadd.s32 $0x14800, s10;
	[tilespmem:s12+$0x0] =	vst.add.f32.msk $0xffff, v7  }
0xd8: {  	v7 =	vld [tilespmem:s10+$0x10];
	_ =	sdelay $0x3  }
0xd9: {  	s11 =	sor.u32 $0x10, s12  }
0xda: {  	[tilespmem:s11+$0x0] =	vst.add.f32.msk $0xffff, v7  }
0xdb: {  	v7 =	vld [tilespmem:s10+$0x20];
	_ =	sdelay $0x3  }
0xdc: {  	s13 =	sor.u32 $0x20, s12  }
0xdd: {  	[tilespmem:s13+$0x0] =	vst.add.f32.msk $0xffff, v7  }
0xde: {  	v7 =	vld [tilespmem:s10+$0x30];
	_ =	sdelay $0x3  }
0xdf: {  	s13 =	sor.u32 $0x30, s12  }
0xe0: {  	[tilespmem:s13+$0x0] =	vst.add.f32.msk $0xffff, v7  }
0xe1: {  	v7 =	vld [tilespmem:s10+$0x40];
	_ =	sdelay $0x3  }
0xe2: {  	s13 =	sor.u32 $0x40, s12  }
0xe3: {  	[tilespmem:s13+$0x0] =	vst.add.f32.msk $0xffff, v7  }
0xe4: {  	v7 =	vld [tilespmem:s10+$0x50];
	_ =	sdelay $0x3  }
0xe5: {  	s13 =	sor.u32 $0x50, s12  }
0xe6: {  	[tilespmem:s13+$0x0] =	vst.add.f32.msk $0xffff, v7  }
0xe7: {  	v7 =	vld [tilespmem:s10+$0x60];
	_ =	sdelay $0x3  }
0xe8: {  	s13 =	sor.u32 $0x60, s12  }
0xe9: {  	[tilespmem:s13+$0x0] =	vst.add.f32.msk $0xffff, v7  }
0xea: {  	v7 =	vld [tilespmem:s10+$0x70];
	_ =	sdelay $0x3  }
0xeb: {  	s13 =	sor.u32 $0x70, s12  }
0xec: {  	[tilespmem:s13+$0x0] =	vst.add.f32.msk $0xffff, v7  }
0xed: {  	v7 =	vld [tilespmem:s10+$0x400];
	_ =	sdelay $0x3  }
0xee: {  	s13 =	sor.u32 $0x400, s12  }
0xef: {  	[tilespmem:s13+$0x0] =	vst.add.f32.msk $0xffff, v7  }
0xf0: {  	v7 =	vld [tilespmem:s10+$0x410];
	_ =	sdelay $0x3  }
0xf1: {  	s13 =	sor.u32 $0x410, s12  }
0xf2: {  	[tilespmem:s13+$0x0] =	vst.add.f32.msk $0xffff, v7  }
0xf3: {  	v7 =	vld [tilespmem:s10+$0x420];
	_ =	sdelay $0x3  }
0xf4: {  	s13 =	sor.u32 $0x420, s12  }
0xf5: {  	[tilespmem:s13+$0x0] =	vst.add.f32.msk $0xffff, v7  }
0xf6: {  	v7 =	vld [tilespmem:s10+$0x430];
	_ =	sdelay $0x3  }
0xf7: {  	s13 =	sor.u32 $0x430, s12  }
0xf8: {  	[tilespmem:s13+$0x0] =	vst.add.f32.msk $0xffff, v7  }
0xf9: {  	v7 =	vld [tilespmem:s10+$0x440];
	_ =	sdelay $0x3  }
0xfa: {  	s13 =	sor.u32 $0x440, s12  }
0xfb: {  	[tilespmem:s13+$0x0] =	vst.add.f32.msk $0xffff, v7  }
0xfc: {  	v7 =	vld [tilespmem:s10+$0x450];
	_ =	sdelay $0x3  }
0xfd: {  	s13 =	sor.u32 $0x450, s12  }
0xfe: {  	[tilespmem:s13+$0x0] =	vst.add.f32.msk $0xffff, v7  }
0xff: {  	v7 =	vld [tilespmem:s10+$0x460];
	_ =	sdelay $0x3  }
0x100: {  	s13 =	sor.u32 $0x460, s12  }
0x101: {  	[tilespmem:s13+$0x0] =	vst.add.f32.msk $0xffff, v7  }
0x102: {  	v7 =	vld [tilespmem:s10+$0x470];
	_ =	sdelay $0x3  }
0x103: {  	s11 =	simm.s32 $0x100;
	s10 =	sor.u32 $0x470, s12  }
.LBB2_5:
0x104: {  	p1 =	sne.s32 s11, $0x7F00;
	[tilespmem:s10+$0x0] =	vst.add.f32.msk $0xffff, v7;
	s9 =	sadd.s32 $0x80, s9;
	s1 =	sadd.s32 $0x1, s1  }
0x105: {  	s10 =	smov.u32 s11;
	s11 =	sadd.s32 $0x100, s11;
	v7 =	vld [tilespmem:s1+$0x0];
	_ =	sdelay $0x4  }
0x106: {  	(v2sf) =	vpush v7, $0x0;
	_ =	sdelay $0xc  }
0x107: {  	s10 =	sand.u32 $0x7800, s10;
	s12 =	sand.u32 $0x380, s9  }
0x108: {  	s12 =	sor.u32 s12, s10  }
0x109: {  	v7 =	vld [tilespmem:s12+$0x14800];
	s10 =	spop (v2sf)  }
0x10a: {  	s13 =	ssub.s32 s10, s6;
	s10 =	sshll.u32 s10, $0x7  }
0x10b: {  	s13 =	sshll.u32 s13, $0x8  }
0x10c: {  	s10 =	sand.u32 $0x380, s10;
	s13 =	sand.u32 $0xFFFFF800, s13  }
0x10d: {  	s10 =	sor.u32 s10, s13  }
0x10e: {  	s12 =	sadd.s32 $0x14800, s12;
	[tilespmem:s10+$0x0] =	vst.add.f32.msk $0xffff, v7  }
0x10f: {  	v7 =	vld [tilespmem:s12+$0x10];
	_ =	sdelay $0x3  }
0x110: {  	s13 =	sor.u32 $0x10, s10  }
0x111: {  	[tilespmem:s13+$0x0] =	vst.add.f32.msk $0xffff, v7  }
0x112: {  	v7 =	vld [tilespmem:s12+$0x20];
	_ =	sdelay $0x3  }
0x113: {  	s13 =	sor.u32 $0x20, s10  }
0x114: {  	[tilespmem:s13+$0x0] =	vst.add.f32.msk $0xffff, v7  }
0x115: {  	v7 =	vld [tilespmem:s12+$0x30];
	_ =	sdelay $0x3  }
0x116: {  	s13 =	sor.u32 $0x30, s10  }
0x117: {  	[tilespmem:s13+$0x0] =	vst.add.f32.msk $0xffff, v7  }
0x118: {  	v7 =	vld [tilespmem:s12+$0x40];
	_ =	sdelay $0x3  }
0x119: {  	s13 =	sor.u32 $0x40, s10  }
0x11a: {  	[tilespmem:s13+$0x0] =	vst.add.f32.msk $0xffff, v7  }
0x11b: {  	v7 =	vld [tilespmem:s12+$0x50];
	_ =	sdelay $0x3  }
0x11c: {  	s13 =	sor.u32 $0x50, s10  }
0x11d: {  	[tilespmem:s13+$0x0] =	vst.add.f32.msk $0xffff, v7  }
0x11e: {  	v7 =	vld [tilespmem:s12+$0x60];
	_ =	sdelay $0x3  }
0x11f: {  	s13 =	sor.u32 $0x60, s10  }
0x120: {  	[tilespmem:s13+$0x0] =	vst.add.f32.msk $0xffff, v7  }
0x121: {  	v7 =	vld [tilespmem:s12+$0x70];
	_ =	sdelay $0x3  }
0x122: {  	s13 =	sor.u32 $0x70, s10  }
0x123: {  	[tilespmem:s13+$0x0] =	vst.add.f32.msk $0xffff, v7  }
0x124: {  	v7 =	vld [tilespmem:s12+$0x400];
	_ =	sdelay $0x3  }
0x125: {  	s13 =	sor.u32 $0x400, s10  }
0x126: {  	[tilespmem:s13+$0x0] =	vst.add.f32.msk $0xffff, v7  }
0x127: {  	v7 =	vld [tilespmem:s12+$0x410];
	_ =	sdelay $0x3  }
0x128: {  	s13 =	sor.u32 $0x410, s10  }
0x129: {  	[tilespmem:s13+$0x0] =	vst.add.f32.msk $0xffff, v7  }
0x12a: {  	v7 =	vld [tilespmem:s12+$0x420];
	_ =	sdelay $0x3  }
0x12b: {  	s13 =	sor.u32 $0x420, s10  }
0x12c: {  	[tilespmem:s13+$0x0] =	vst.add.f32.msk $0xffff, v7  }
0x12d: {  	v7 =	vld [tilespmem:s12+$0x430];
	_ =	sdelay $0x3  }
0x12e: {  	s13 =	sor.u32 $0x430, s10  }
0x12f: {  	[tilespmem:s13+$0x0] =	vst.add.f32.msk $0xffff, v7  }
0x130: {  	v7 =	vld [tilespmem:s12+$0x440];
	_ =	sdelay $0x3  }
0x131: {  	s13 =	sor.u32 $0x440, s10  }
0x132: {  	[tilespmem:s13+$0x0] =	vst.add.f32.msk $0xffff, v7  }
0x133: {  	v7 =	vld [tilespmem:s12+$0x450];
	_ =	sdelay $0x3  }
0x134: {  	s13 =	sor.u32 $0x450, s10  }
0x135: {  	[tilespmem:s13+$0x0] =	vst.add.f32.msk $0xffff, v7  }
0x136: {  	v7 =	vld [tilespmem:s12+$0x460];
	_ =	sdelay $0x3  }
0x137: {  	s13 =	sor.u32 $0x460, s10  }
0x138: {  	[tilespmem:s13+$0x0] =	vst.add.f32.msk $0xffff, v7  }
.Ltmp7:
0x139: {  	v7 =	vld [tilespmem:s12+$0x470];
	(pc) =	sbr.rel @p1 .LBB2_5-.Ltmp7, $2  }
0x13a: {  	_ =	sdelay $0x2  }
0x13b: {  	s10 =	sor.u32 $0x470, s10  }
.Ltmp8:
0x13c: {  	_ = 	snop;
	(pc) =	sbr.rel .LBB2_6-.Ltmp8, $1  }
0x13d: {  	_ =	sdelay $0x3  }
.LBB2_9:
0x13e: {  	v7 =	vld [tilespmem:$0x1CE80];
	_ =	sdelay $0x4  }
0x13f: {  	v8 =	vshll.u32 v7, $0x1  }
0x140: {  	v7 =	vand.u32 $0x7, v7;
	v8 =	vand.u32 $0xFFFFFFF0, v8  }
0x141: {  	v7 =	vor.u32 v7, v8  }
0x142: {  	v8 =	vperm.xlane v7, v4;
	_ =	sdelay $0x1  }
0x143: {  	v7 =	vperm.xlane v7, v6;
	v8 =	vadd.s32 v5, v8;
	_ =	sdelay $0x1  }
0x144: {  	v7 =	vadd.s32 v5, v7;
	_ =	sdelay $0x1  }
0x145: {  	s5 =	simm.s32 $0x0;
	s1 =	simm.s32 $0x14800  }
0x146: {  	[tilespmem:s1], [sflag:$0x1] =	stream.indirect_vreg.gather [hbm4b:s3+s5], $0x80, v8, vm0, $0xb8;
	[tilespmem:$0x1D180] =	vst v63  }
0x147: {  	s13 =	simm.s32 $0x15000  }
0x148: {  	[tilespmem:s13], [sflag:$0x1] =	stream.indirect_vreg.gather [hbm4b:s3+s5], $0x80, v7, vm0, $0xb8;
	[tilespmem:$0x1D180] =	vst v63  }
0x149: {  	v7 =	vld [tilespmem:$0x1CE90];
	_ =	sdelay $0x4  }
0x14a: {  	v8 =	vshll.u32 v7, $0x1  }
0x14b: {  	v7 =	vand.u32 $0x7, v7;
	v8 =	vand.u32 $0xFFFFFFF0, v8  }
0x14c: {  	v7 =	vor.u32 v7, v8  }
0x14d: {  	v8 =	vperm.xlane v7, v4;
	_ =	sdelay $0x1  }
0x14e: {  	v7 =	vperm.xlane v7, v6;
	v8 =	vadd.s32 v5, v8;
	_ =	sdelay $0x1  }
0x14f: {  	v7 =	vadd.s32 v5, v7;
	_ =	sdelay $0x2  }
0x150: {  	[tilespmem:s14], [sflag:$0x1] =	stream.indirect_vreg.gather [hbm4b:s3+s5], $0x80, v8, vm0, $0xb8;
	[tilespmem:$0x1D180] =	vst v63  }
0x151: {  	_ = 	snop  }
0x152: {  	[tilespmem:s15], [sflag:$0x1] =	stream.indirect_vreg.gather [hbm4b:s3+s5], $0x80, v7, vm0, $0xb8;
	[tilespmem:$0x1D180] =	vst v63  }
0x153: {  	v7 =	vld [tilespmem:$0x1CEA0];
	_ =	sdelay $0x4  }
0x154: {  	v8 =	vshll.u32 v7, $0x1  }
0x155: {  	v7 =	vand.u32 $0x7, v7;
	v8 =	vand.u32 $0xFFFFFFF0, v8  }
0x156: {  	v7 =	vor.u32 v7, v8  }
0x157: {  	v8 =	vperm.xlane v7, v4;
	_ =	sdelay $0x1  }
0x158: {  	v7 =	vperm.xlane v7, v6;
	v8 =	vadd.s32 v5, v8;
	_ =	sdelay $0x1  }
0x159: {  	v7 =	vadd.s32 v5, v7;
	_ =	sdelay $0x2  }
0x15a: {  	[tilespmem:s16], [sflag:$0x1] =	stream.indirect_vreg.gather [hbm4b:s3+s5], $0x80, v8, vm0, $0xb8;
	[tilespmem:$0x1D180] =	vst v63  }
0x15b: {  	_ = 	snop  }
0x15c: {  	[tilespmem:s17], [sflag:$0x1] =	stream.indirect_vreg.gather [hbm4b:s3+s5], $0x80, v7, vm0, $0xb8;
	[tilespmem:$0x1D180] =	vst v63  }
0x15d: {  	v7 =	vld [tilespmem:$0x1CEB0];
	_ =	sdelay $0x4  }
0x15e: {  	v8 =	vshll.u32 v7, $0x1  }
0x15f: {  	v7 =	vand.u32 $0x7, v7;
	v8 =	vand.u32 $0xFFFFFFF0, v8  }
0x160: {  	v7 =	vor.u32 v7, v8  }
0x161: {  	v8 =	vperm.xlane v7, v4;
	_ =	sdelay $0x1  }
0x162: {  	v7 =	vperm.xlane v7, v6;
	v8 =	vadd.s32 v5, v8;
	_ =	sdelay $0x1  }
0x163: {  	v7 =	vadd.s32 v5, v7;
	_ =	sdelay $0x2  }
0x164: {  	[tilespmem:s18], [sflag:$0x1] =	stream.indirect_vreg.gather [hbm4b:s3+s5], $0x80, v8, vm0, $0xb8;
	[tilespmem:$0x1D180] =	vst v63  }
0x165: {  	_ = 	snop  }
0x166: {  	[tilespmem:s19], [sflag:$0x1] =	stream.indirect_vreg.gather [hbm4b:s3+s5], $0x80, v7, vm0, $0xb8;
	[tilespmem:$0x1D180] =	vst v63  }
0x167: {  	v7 =	vld [tilespmem:$0x1CEC0];
	_ =	sdelay $0x4  }
0x168: {  	v8 =	vshll.u32 v7, $0x1  }
0x169: {  	v7 =	vand.u32 $0x7, v7;
	v8 =	vand.u32 $0xFFFFFFF0, v8  }
0x16a: {  	v7 =	vor.u32 v7, v8  }
0x16b: {  	v8 =	vperm.xlane v7, v4;
	_ =	sdelay $0x1  }
0x16c: {  	v7 =	vperm.xlane v7, v6;
	v8 =	vadd.s32 v5, v8;
	_ =	sdelay $0x1  }
0x16d: {  	v7 =	vadd.s32 v5, v7;
	_ =	sdelay $0x2  }
0x16e: {  	[tilespmem:s20], [sflag:$0x1] =	stream.indirect_vreg.gather [hbm4b:s3+s5], $0x80, v8, vm0, $0xb8;
	[tilespmem:$0x1D180] =	vst v63  }
0x16f: {  	_ = 	snop  }
0x170: {  	[tilespmem:s21], [sflag:$0x1] =	stream.indirect_vreg.gather [hbm4b:s3+s5], $0x80, v7, vm0, $0xb8;
	[tilespmem:$0x1D180] =	vst v63  }
0x171: {  	v7 =	vld [tilespmem:$0x1CED0];
	_ =	sdelay $0x4  }
0x172: {  	v8 =	vshll.u32 v7, $0x1  }
0x173: {  	v7 =	vand.u32 $0x7, v7;
	v8 =	vand.u32 $0xFFFFFFF0, v8  }
0x174: {  	v7 =	vor.u32 v7, v8  }
0x175: {  	v8 =	vperm.xlane v7, v4;
	_ =	sdelay $0x1  }
0x176: {  	v7 =	vperm.xlane v7, v6;
	v8 =	vadd.s32 v5, v8;
	_ =	sdelay $0x1  }
0x177: {  	v7 =	vadd.s32 v5, v7;
	_ =	sdelay $0x2  }
0x178: {  	[tilespmem:s22], [sflag:$0x1] =	stream.indirect_vreg.gather [hbm4b:s3+s5], $0x80, v8, vm0, $0xb8;
	[tilespmem:$0x1D180] =	vst v63  }
0x179: {  	_ = 	snop  }
0x17a: {  	[tilespmem:s23], [sflag:$0x1] =	stream.indirect_vreg.gather [hbm4b:s3+s5], $0x80, v7, vm0, $0xb8;
	[tilespmem:$0x1D180] =	vst v63  }
0x17b: {  	v7 =	vld [tilespmem:$0x1CEE0];
	_ =	sdelay $0x4  }
0x17c: {  	v8 =	vshll.u32 v7, $0x1  }
0x17d: {  	v7 =	vand.u32 $0x7, v7;
	v8 =	vand.u32 $0xFFFFFFF0, v8  }
0x17e: {  	v7 =	vor.u32 v7, v8  }
0x17f: {  	v8 =	vperm.xlane v7, v4;
	_ =	sdelay $0x1  }
0x180: {  	v7 =	vperm.xlane v7, v6;
	v8 =	vadd.s32 v5, v8;
	_ =	sdelay $0x1  }
0x181: {  	v7 =	vadd.s32 v5, v7;
	_ =	sdelay $0x2  }
0x182: {  	[tilespmem:s24], [sflag:$0x1] =	stream.indirect_vreg.gather [hbm4b:s3+s5], $0x80, v8, vm0, $0xb8;
	[tilespmem:$0x1D180] =	vst v63  }
0x183: {  	_ = 	snop  }
0x184: {  	[tilespmem:s25], [sflag:$0x1] =	stream.indirect_vreg.gather [hbm4b:s3+s5], $0x80, v7, vm0, $0xb8;
	[tilespmem:$0x1D180] =	vst v63  }
0x185: {  	v7 =	vld [tilespmem:$0x1CEF0];
	_ =	sdelay $0x4  }
0x186: {  	v8 =	vshll.u32 v7, $0x1  }
0x187: {  	v7 =	vand.u32 $0x7, v7;
	v8 =	vand.u32 $0xFFFFFFF0, v8  }
0x188: {  	v7 =	vor.u32 v7, v8  }
0x189: {  	v8 =	vperm.xlane v7, v4;
	_ =	sdelay $0x1  }
0x18a: {  	v7 =	vperm.xlane v7, v6;
	v8 =	vadd.s32 v5, v8;
	_ =	sdelay $0x1  }
0x18b: {  	v7 =	vadd.s32 v5, v7;
	_ =	sdelay $0x2  }
0x18c: {  	[tilespmem:s26], [sflag:$0x1] =	stream.indirect_vreg.gather [hbm4b:s3+s5], $0x80, v8, vm0, $0xb8;
	[tilespmem:$0x1D180] =	vst v63  }
0x18d: {  	_ = 	snop  }
0x18e: {  	[tilespmem:s28], [sflag:$0x1] =	stream.indirect_vreg.gather [hbm4b:s3+s5], $0x80, v7, vm0, $0xb8;
	[tilespmem:$0x1D180] =	vst v63  }
0x18f: {  	s7 =	simm.s32 $0x1D000  }
0x190: {  	[tilespmem:s7], [sflag:$0x2] =	stream.indirect.gather [hbm4b:s4+s29], $0x1, s30, s29, $0xb8;
	[tilespmem:$0x1D180] =	vst v63  }
0x191: {  	p1 =	slt.s32 s2, $0x1;
	_ =	swait.ge [sflag:s31], $0x8000  }
.Ltmp9:
0x192: {  	[sflag:s31] =	ssyncset.done $0x0;
	(pc) =	sbr.rel @p1 .LBB2_13-.Ltmp9, $4  }
0x193: {  	[sflag:s31] =	ssyncadd.s32 $0xFFFF8000  }
0x194: {  	_ =	swait.ge [sflag:s0], $0x80  }
0x195: {  	[sflag:s0] =	ssyncset.done $0x0  }
0x196: {  	s8 =	rddreg [dreg:$0x6];
	[sflag:s0] =	ssyncadd.s32 $0xFFFFFF80  }
0x197: {  	v7 =	vld [tilespmem:s7+$0x0];
	_ =	sdelay $0x4  }
0x198: {  	(v2sf) =	vpush v7, $0x0;
	_ =	sdelay $0xc  }
0x199: {  	s1 =	sand.u32 $0xFFFFF800, s5;
	s8 =	sand.u32 $0x380, s5  }
0x19a: {  	s1 =	sor.u32 s8, s1  }
0x19b: {  	v7 =	vld [tilespmem:s1+$0x14800];
	s11 =	spop (v2sf)  }
0x19c: {  	s9 =	ssub.s32 s11, s6  }
0x19d: {  	s8 =	sshll.u32 s11, $0x7;
	s9 =	sshll.u32 s9, $0x8  }
0x19e: {  	s8 =	sand.u32 $0x380, s8;
	s9 =	sand.u32 $0xFFFFF800, s9  }
0x19f: {  	s8 =	sor.u32 s8, s9  }
0x1a0: {  	s9 =	sadd.s32 $0x14800, s1;
	[tilespmem:s8+$0x0] =	vst.add.f32.msk $0xffff, v7  }
0x1a1: {  	v7 =	vld [tilespmem:s9+$0x10];
	_ =	sdelay $0x3  }
0x1a2: {  	s12 =	sor.u32 $0x10, s8  }
0x1a3: {  	[tilespmem:s12+$0x0] =	vst.add.f32.msk $0xffff, v7  }
0x1a4: {  	v7 =	vld [tilespmem:s9+$0x20];
	_ =	sdelay $0x3  }
0x1a5: {  	s13 =	sor.u32 $0x20, s8  }
0x1a6: {  	[tilespmem:s13+$0x0] =	vst.add.f32.msk $0xffff, v7  }
0x1a7: {  	v7 =	vld [tilespmem:s9+$0x30];
	_ =	sdelay $0x3  }
0x1a8: {  	s10 =	sor.u32 $0x30, s8  }
0x1a9: {  	[tilespmem:s10+$0x0] =	vst.add.f32.msk $0xffff, v7  }
0x1aa: {  	v7 =	vld [tilespmem:s9+$0x40];
	_ =	sdelay $0x3  }
0x1ab: {  	s11 =	sor.u32 $0x40, s8  }
0x1ac: {  	[tilespmem:s11+$0x0] =	vst.add.f32.msk $0xffff, v7  }
0x1ad: {  	v7 =	vld [tilespmem:s9+$0x50];
	_ =	sdelay $0x3  }
0x1ae: {  	s12 =	sor.u32 $0x50, s8  }
0x1af: {  	[tilespmem:s12+$0x0] =	vst.add.f32.msk $0xffff, v7  }
0x1b0: {  	v7 =	vld [tilespmem:s9+$0x60];
	_ =	sdelay $0x3  }
0x1b1: {  	s13 =	sor.u32 $0x60, s8  }
0x1b2: {  	[tilespmem:s13+$0x0] =	vst.add.f32.msk $0xffff, v7  }
0x1b3: {  	v7 =	vld [tilespmem:s9+$0x70];
	_ =	sdelay $0x3  }
0x1b4: {  	s10 =	sor.u32 $0x70, s8  }
0x1b5: {  	[tilespmem:s10+$0x0] =	vst.add.f32.msk $0xffff, v7  }
0x1b6: {  	v7 =	vld [tilespmem:s9+$0x400];
	_ =	sdelay $0x3  }
0x1b7: {  	s11 =	sor.u32 $0x400, s8  }
0x1b8: {  	[tilespmem:s11+$0x0] =	vst.add.f32.msk $0xffff, v7  }
0x1b9: {  	v7 =	vld [tilespmem:s9+$0x410];
	_ =	sdelay $0x3  }
0x1ba: {  	s12 =	sor.u32 $0x410, s8  }
0x1bb: {  	[tilespmem:s12+$0x0] =	vst.add.f32.msk $0xffff, v7  }
0x1bc: {  	v7 =	vld [tilespmem:s9+$0x420];
	_ =	sdelay $0x3  }
0x1bd: {  	s13 =	sor.u32 $0x420, s8  }
0x1be: {  	[tilespmem:s13+$0x0] =	vst.add.f32.msk $0xffff, v7  }
0x1bf: {  	v7 =	vld [tilespmem:s9+$0x430];
	_ =	sdelay $0x3  }
0x1c0: {  	s10 =	sor.u32 $0x430, s8  }
0x1c1: {  	[tilespmem:s10+$0x0] =	vst.add.f32.msk $0xffff, v7  }
0x1c2: {  	v7 =	vld [tilespmem:s9+$0x440];
	_ =	sdelay $0x3  }
0x1c3: {  	s11 =	sor.u32 $0x440, s8  }
0x1c4: {  	[tilespmem:s11+$0x0] =	vst.add.f32.msk $0xffff, v7  }
0x1c5: {  	v7 =	vld [tilespmem:s9+$0x450];
	_ =	sdelay $0x3  }
0x1c6: {  	s12 =	sor.u32 $0x450, s8  }
0x1c7: {  	[tilespmem:s12+$0x0] =	vst.add.f32.msk $0xffff, v7  }
0x1c8: {  	v7 =	vld [tilespmem:s9+$0x460];
	_ =	sdelay $0x3  }
0x1c9: {  	s13 =	sor.u32 $0x460, s8  }
0x1ca: {  	p1 =	sne.s32 s2, $0x1;
	[tilespmem:s13+$0x0] =	vst.add.f32.msk $0xffff, v7  }
.Ltmp10:
0x1cb: {  	v7 =	vld [tilespmem:s9+$0x470];
	(pc) =	sbr.rel @!p1 .LBB2_12-.Ltmp10, $2  }
0x1cc: {  	_ =	sdelay $0x2  }
0x1cd: {  	s1 =	sadd.s32 $0xFFFFFFFF, s2;
	s2 =	simm.s32 $0x0;
	s8 =	sor.u32 $0x470, s8  }
.LBB2_11:
0x1ce: {  	[tilespmem:s8+$0x0] =	vst.add.f32.msk $0xffff, v7;
	s5 =	sadd.s32 $0x80, s5;
	s2 =	sadd.s32 $0x100, s2;
	s7 =	sadd.s32 $0x1, s7  }
0x1cf: {  	p1 =	sne.s32 s1, $0x1;
	s1 =	sadd.s32 $0xFFFFFFFF, s1;
	v7 =	vld [tilespmem:s7+$0x0];
	_ =	sdelay $0x4  }
0x1d0: {  	(v2sf) =	vpush v7, $0x0;
	_ =	sdelay $0xc  }
0x1d1: {  	s8 =	sand.u32 $0xFFFFF800, s2;
	s9 =	sand.u32 $0x380, s5  }
0x1d2: {  	s9 =	sor.u32 s9, s8  }
0x1d3: {  	v7 =	vld [tilespmem:s9+$0x14800];
	s8 =	spop (v2sf)  }
0x1d4: {  	s10 =	ssub.s32 s8, s6;
	s8 =	sshll.u32 s8, $0x7  }
0x1d5: {  	s10 =	sshll.u32 s10, $0x8  }
0x1d6: {  	s8 =	sand.u32 $0x380, s8;
	s10 =	sand.u32 $0xFFFFF800, s10  }
0x1d7: {  	s8 =	sor.u32 s8, s10  }
0x1d8: {  	s9 =	sadd.s32 $0x14800, s9;
	[tilespmem:s8+$0x0] =	vst.add.f32.msk $0xffff, v7  }
0x1d9: {  	v7 =	vld [tilespmem:s9+$0x10];
	_ =	sdelay $0x3  }
0x1da: {  	s10 =	sor.u32 $0x10, s8  }
0x1db: {  	[tilespmem:s10+$0x0] =	vst.add.f32.msk $0xffff, v7  }
0x1dc: {  	v7 =	vld [tilespmem:s9+$0x20];
	_ =	sdelay $0x3  }
0x1dd: {  	s10 =	sor.u32 $0x20, s8  }
0x1de: {  	[tilespmem:s10+$0x0] =	vst.add.f32.msk $0xffff, v7  }
0x1df: {  	v7 =	vld [tilespmem:s9+$0x30];
	_ =	sdelay $0x3  }
0x1e0: {  	s10 =	sor.u32 $0x30, s8  }
0x1e1: {  	[tilespmem:s10+$0x0] =	vst.add.f32.msk $0xffff, v7  }
0x1e2: {  	v7 =	vld [tilespmem:s9+$0x40];
	_ =	sdelay $0x3  }
0x1e3: {  	s10 =	sor.u32 $0x40, s8  }
0x1e4: {  	[tilespmem:s10+$0x0] =	vst.add.f32.msk $0xffff, v7  }
0x1e5: {  	v7 =	vld [tilespmem:s9+$0x50];
	_ =	sdelay $0x3  }
0x1e6: {  	s10 =	sor.u32 $0x50, s8  }
0x1e7: {  	[tilespmem:s10+$0x0] =	vst.add.f32.msk $0xffff, v7  }
0x1e8: {  	v7 =	vld [tilespmem:s9+$0x60];
	_ =	sdelay $0x3  }
0x1e9: {  	s10 =	sor.u32 $0x60, s8  }
0x1ea: {  	[tilespmem:s10+$0x0] =	vst.add.f32.msk $0xffff, v7  }
0x1eb: {  	v7 =	vld [tilespmem:s9+$0x70];
	_ =	sdelay $0x3  }
0x1ec: {  	s10 =	sor.u32 $0x70, s8  }
0x1ed: {  	[tilespmem:s10+$0x0] =	vst.add.f32.msk $0xffff, v7  }
0x1ee: {  	v7 =	vld [tilespmem:s9+$0x400];
	_ =	sdelay $0x3  }
0x1ef: {  	s10 =	sor.u32 $0x400, s8  }
0x1f0: {  	[tilespmem:s10+$0x0] =	vst.add.f32.msk $0xffff, v7  }
0x1f1: {  	v7 =	vld [tilespmem:s9+$0x410];
	_ =	sdelay $0x3  }
0x1f2: {  	s10 =	sor.u32 $0x410, s8  }
0x1f3: {  	[tilespmem:s10+$0x0] =	vst.add.f32.msk $0xffff, v7  }
0x1f4: {  	v7 =	vld [tilespmem:s9+$0x420];
	_ =	sdelay $0x3  }
0x1f5: {  	s10 =	sor.u32 $0x420, s8  }
0x1f6: {  	[tilespmem:s10+$0x0] =	vst.add.f32.msk $0xffff, v7  }
0x1f7: {  	v7 =	vld [tilespmem:s9+$0x430];
	_ =	sdelay $0x3  }
0x1f8: {  	s10 =	sor.u32 $0x430, s8  }
0x1f9: {  	[tilespmem:s10+$0x0] =	vst.add.f32.msk $0xffff, v7  }
0x1fa: {  	v7 =	vld [tilespmem:s9+$0x440];
	_ =	sdelay $0x3  }
0x1fb: {  	s10 =	sor.u32 $0x440, s8  }
0x1fc: {  	[tilespmem:s10+$0x0] =	vst.add.f32.msk $0xffff, v7  }
0x1fd: {  	v7 =	vld [tilespmem:s9+$0x450];
	_ =	sdelay $0x3  }
0x1fe: {  	s10 =	sor.u32 $0x450, s8  }
0x1ff: {  	[tilespmem:s10+$0x0] =	vst.add.f32.msk $0xffff, v7  }
0x200: {  	v7 =	vld [tilespmem:s9+$0x460];
	_ =	sdelay $0x3  }
0x201: {  	s10 =	sor.u32 $0x460, s8  }
0x202: {  	[tilespmem:s10+$0x0] =	vst.add.f32.msk $0xffff, v7  }
.Ltmp11:
0x203: {  	v7 =	vld [tilespmem:s9+$0x470];
	(pc) =	sbr.rel @p1 .LBB2_11-.Ltmp11, $2  }
0x204: {  	_ =	sdelay $0x2  }
0x205: {  	s8 =	sor.u32 $0x470, s8  }
.Ltmp12:
0x206: {  	_ = 	snop;
	(pc) =	sbr.rel .LBB2_12-.Ltmp12, $1  }
0x207: {  	_ =	sdelay $0x3  }
.LBB2_14:
0x208: {  	_ =	sfence.sel $0x180000  }
0x209: {  	[bflag:$0x0] =	sbarrier.arrive $0xFFFF  }
0x20a: {  	_ =	strace $0x9000004D  }
0x20b: {  	s0 =	stileid.u32;
	[bflag:$0x2] =	sbarrier.arrive $0xFFFF  }
0x20c: {  	p0 =	sne.s32 s0, $0x0;
	s0 =	rddreg [dreg:$0x1]  }
0x20d: {  	s0 =	sadd.s32 @!p0 $0x100000, s0  }
0x20e: {  	[sflag:s0] =	ssyncadd.tile.s32 @!p0 $0x1;
	_ =	shalt  }
.Lfunc_end2:
_tile_overlayer_lowered:
.L_overlay_start_2:
0x20f: {  	(tag) =	ssettag $0x2  }
0x210: {  	s0 =	rddreg [dreg:$0x0];
	s2 =	stileid.u32  }
0x211: {  	s1 =	rddreg [dreg:$0x1];
	p0 =	sne.s32 s2, $0x0  }
0x212: {  	s3 =	rddreg [dreg:$0x2];
	[bflag:$0x3] =	sbarrier.arrive $0xFFFF;
	s2 =	simm.s32 @!p0 $0x1C03  }
0x213: {  	[timem:s3], [sflag:s2] =	dma.local @!p0 [hbm:s0], s1  }
0x214: {  	s0 =	simm.s32 @!p0 $0x3  }
0x215: {  	_ =	swait.ge @!p0 [sflag:s0], s1  }
0x216: {  	s1 =	ssub.s32 @!p0 $0x0, s1;
	[sflag:s0] =	ssyncset.done @!p0 $0x0  }
0x217: {  	[sflag:s0] =	ssyncadd.s32 @!p0 s1  }
0x218: {  	[bflag:$0x3] =	sbarrier.arrive $0xFFFF  }
0x219: {  	_ =	shalt  }

// kernel: kernel.14.cloned.1.call-start
scs
__scs_entry_jumppad:
0x0: {  	(pc) =	sbr.rel $0x88, $3  }
0x1: {  	(tag) =	ssettag $0x0;
	lr =	simm.s32 $0x1  }
0x2: {  	[smem:$0x3F8D] =	sst lr;
	_ =	strace $0xD0000000  }
0x3: {  	_ = 	snop  }
0x4: {  	_ = 	snop  }
0x5: {  	_ = 	snop  }
0x6: {  	_ = 	snop  }
0x7: {  	_ = 	snop  }
__scs_overlays_trampoline_lowered:
0x8: {  	[smem:$0x3F9C] =	sst s0  }
0x9: {  	[smem:$0x3F9D] =	sst s1  }
0xa: {  	[smem:$0x3F9E] =	sst s2  }
0xb: {  	[smem:$0x3F9F] =	sst s3  }
0xc: {  	[smem:$0x3FA0] =	sst s4  }
0xd: {  	[smem:$0x3FA1] =	sst s5  }
0xe: {  	[smem:$0x3FA2] =	sst s6  }
0xf: {  	[smem:$0x3FA3] =	sst s7  }
0x10: {  	[smem:$0x3FA4] =	sst s8  }
0x11: {  	[smem:$0x3FA5] =	sst s9;
	s0 =	simm.s32 @!p0 $0x0  }
0x12: {  	s1 =	sld [smem:$0x3F8B];
	s0 =	simm.s32 @p0 $0x1  }
0x13: {  	[smem:$0x3FA6] =	sst s0;
	s0 =	simm.s32 @!p1 $0x0  }
0x14: {  	s2 =	sld [smem:$0x3F8A];
	s0 =	simm.s32 @p1 $0x1  }
0x15: {  	[smem:$0x3FA7] =	sst s0;
	s0 =	simm.s32 @!p2 $0x0  }
0x16: {  	s3 =	sld [smem:$0x3FDB];
	s0 =	simm.s32 @p2 $0x1  }
0x17: {  	s4 =	simm.s32 $0x1BF5;
	[smem:$0x3FA9] =	sst s0  }
0x18: {  	s0 =	sld [smem:$0x3F8C];
	_ =	swait.ge [sflag:s4], $0x0  }
0x19: {  	s7 =	sld [smem:$0x3F8D]  }
0x1a: {  	s8 =	sadd.s32 $0xFFFFE003, lr  }
0x1b: {  	s9 =	sadd.s32 $0xFFFFFEF7, lr;
	s5 =	simm.s32 $0xFFFFFFFF;
	p2 =	slt.u32 s8, $0xFFFFF086  }
0x1c: {  	p1 =	slt.u32 s9, $0xF7A;
	s5 =	simm.s32 @!p2 $0x0  }
0x1d: {  	s5 =	simm.s32 @p1 $0x1;
	p0 =	seq.s32 s7, s2  }
0x1e: {  	s7 =	smul.u32 @!p0 $0xF7A, s2;
	p2 =	seq.s32 @!p0 s5, $0x0  }
0x1f: {  	s9 =	smul.u32 $0xF7A, s1;
	s8 =	simm.s32 @!p0 $0x1BF5;
	p2 =	por !p2, p0  }
0x20: {  	[sflag:s8] =	ssyncset.s32 @!p0 $0xFFFFF086;
	s6 =	sadd.s32 @!p0 s3, s7;
	s7 =	simm.s32 @!p0 $0x108  }
0x21: {  	s3 =	sadd.s32 s3, s9;
	s6 =	sadd.s32 @!p0 $0x88, s6;
	s7 =	simm.s32 @p2 $0x1082  }
0x22: {  	[simem:s7], [sflag:s8] =	dma.local @!p0 [hbm:s6], $0xF7A  }
0x23: {  	s9 =	sor.u32 $0xD0000000, s2;
	s6 =	simm.s32 $0x108;
	_ =	swait.ge @!p0 [sflag:s8], $0x0  }
0x24: {  	s3 =	sadd.s32 $0x88, s3;
	s6 =	simm.s32 @!p1 $0x1082;
	[sflag:s4] =	ssyncset.s32 $0xFFFFF086  }
0x25: {  	[simem:s6], [sflag:s4] =	dma.local [hbm:s3], $0xF7A  }
0x26: {  	[smem:$0x3F8D] =	sst s1;
	(tag) =	ssettag s2;
	_ =	strace s9  }
0x27: {  	s1 =	sld [smem:$0x3F9D]  }
0x28: {  	s2 =	sld [smem:$0x3F9E]  }
0x29: {  	s4 =	sld [smem:$0x3FA0]  }
0x2a: {  	p0 =	seq.s32 s5, $0x0;
	s5 =	sld [smem:$0x3FA1]  }
0x2b: {  	s6 =	sld [smem:$0x3FA2]  }
0x2c: {  	s7 =	sld [smem:$0x3FA3]  }
0x2d: {  	s3 =	simm.s32 $0x108;
	s8 =	sld [smem:$0x3FA4]  }
0x2e: {  	s3 =	simm.s32 @!p0 $0x1082;
	s9 =	sld [smem:$0x3FA5]  }
0x2f: {  	lr =	sadd.s32 s0, s3;
	s0 =	sld [smem:$0x3F9C]  }
0x30: {  	s3 =	sld [smem:$0x3F9F]  }
0x31: {  	[smem:$0x3FA8] =	sst s10  }
0x32: {  	s10 =	sld [smem:$0x3FA6];
	_ =	sdelay $0x3  }
0x33: {  	p0 =	seq.s32 s10, $0x1;
	s10 =	sld [smem:$0x3FA8];
	_ =	sdelay $0x3  }
0x34: {  	[smem:$0x3FA8] =	sst s10  }
0x35: {  	s10 =	sld [smem:$0x3FA7];
	_ =	sdelay $0x3  }
0x36: {  	p1 =	seq.s32 s10, $0x1;
	s10 =	sld [smem:$0x3FA8];
	_ =	sdelay $0x3  }
0x37: {  	[smem:$0x3FA8] =	sst s10  }
0x38: {  	s10 =	sld [smem:$0x3FA9]  }
0x39: {  	_ = 	snop;
	(pc) =	sbr.ind lr, $3  }
0x3a: {  	_ = 	snop  }
0x3b: {  	_ = 	snop  }
0x3c: {  	p2 =	seq.s32 s10, $0x1;
	s10 =	sld [smem:$0x3FA8]  }
0x3d: {  	_ =	shalt  }
0x3e: {  	_ =	shalt  }
0x3f: {  	_ =	shalt  }
0x40: {  	_ =	shalt  }
0x41: {  	_ =	shalt  }
0x42: {  	_ =	shalt  }
0x43: {  	_ =	shalt  }
0x44: {  	_ =	shalt  }
0x45: {  	_ =	shalt  }
0x46: {  	_ =	shalt  }
0x47: {  	_ =	shalt  }
0x48: {  	_ =	shalt  }
0x49: {  	_ =	shalt  }
0x4a: {  	_ =	shalt  }
0x4b: {  	_ =	shalt  }
0x4c: {  	_ =	shalt  }
0x4d: {  	_ =	shalt  }
0x4e: {  	_ =	shalt  }
0x4f: {  	_ =	shalt  }
0x50: {  	_ =	shalt  }
0x51: {  	_ =	shalt  }
0x52: {  	_ =	shalt  }
0x53: {  	_ =	shalt  }
0x54: {  	_ =	shalt  }
0x55: {  	_ =	shalt  }
0x56: {  	_ =	shalt  }
0x57: {  	_ =	shalt  }
0x58: {  	_ =	shalt  }
0x59: {  	_ =	shalt  }
0x5a: {  	_ =	shalt  }
0x5b: {  	_ =	shalt  }
0x5c: {  	_ =	shalt  }
0x5d: {  	_ =	shalt  }
0x5e: {  	_ =	shalt  }
0x5f: {  	_ =	shalt  }
0x60: {  	_ =	shalt  }
0x61: {  	_ =	shalt  }
0x62: {  	_ =	shalt  }
0x63: {  	_ =	shalt  }
0x64: {  	_ =	shalt  }
0x65: {  	_ =	shalt  }
0x66: {  	_ =	shalt  }
0x67: {  	_ =	shalt  }
0x68: {  	_ =	shalt  }
0x69: {  	_ =	shalt  }
0x6a: {  	_ =	shalt  }
0x6b: {  	_ =	shalt  }
0x6c: {  	_ =	shalt  }
0x6d: {  	_ =	shalt  }
0x6e: {  	_ =	shalt  }
0x6f: {  	_ =	shalt  }
0x70: {  	_ =	shalt  }
0x71: {  	_ =	shalt  }
0x72: {  	_ =	shalt  }
0x73: {  	_ =	shalt  }
0x74: {  	_ =	shalt  }
0x75: {  	_ =	shalt  }
0x76: {  	_ =	shalt  }
0x77: {  	_ =	shalt  }
0x78: {  	_ =	shalt  }
0x79: {  	_ =	shalt  }
0x7a: {  	_ =	shalt  }
0x7b: {  	_ =	shalt  }
0x7c: {  	_ =	shalt  }
0x7d: {  	_ =	shalt  }
0x7e: {  	_ =	shalt  }
0x7f: {  	_ =	shalt  }
0x80: {  	_ =	shalt  }
0x81: {  	_ =	shalt  }
0x82: {  	_ =	shalt  }
0x83: {  	_ =	shalt  }
0x84: {  	_ =	shalt  }
0x85: {  	_ =	shalt  }
0x86: {  	_ =	shalt  }
0x87: {  	_ =	shalt  }
.Lfunc_end0:
.L_simem_size_0:
called_computation.2_lowered:
.L_overlay_start_0:
0x88: {  	s2 =	sld [smem:$0x3FD9]  }
0x89: {  	s3 =	sld [smem:$0x3FFE];
	_ =	sdelay $0x1  }
0x8a: {  	s1 =	srdreg.scid  }
0x8b: {  	s0 =	sand.u32 $0x1, s1  }
0x8c: {  	s17 =	sshll.u32 s0, $0xA;
	s2 =	sadd.s32 s3, s2  }
0x8d: {  	s2 =	sadd.s32 s2, s17  }
0x8e: {  	[smem:$0x3FB4] =	sst s2  }
0x8f: {  	_ = 	snop  }
0x90: {  	s2 =	sld [smem:$0x3FD0];
	(tm) =	ssettm $0x1  }
0x91: {  	s18 =	sld [smem:$0x3FFB];
	_ =	sdelay $0x3  }
0x92: {  	_ =	strace s18  }
0x93: {  	s3 =	sld [smem:$0x3FFC];
	_ =	sdelay $0x3  }
0x94: {  	_ =	strace s3  }
0x95: {  	s3 =	sld [smem:$0x3FFD];
	_ =	sdelay $0x3  }
0x96: {  	_ =	strace s3  }
0x97: {  	_ =	strace $0x8FFFFFFF  }
0x98: {  	s19 =	sld [smem:$0x3FDB];
	_ =	sdelay $0x1  }
0x99: {  	s4 =	simm.s32 $_scs_section_size  }
0x9a: {  	s5 =	simm.s32 $_size__tile_overlayer_lowered;
	s6 =	simm.s32 $_tile_overlayer_lowered  }
0x9b: {  	s22 =	simm.s32 $0x1BFF;
	s21 =	sshll.u32 s6, $0x1;
	s3 =	sadd.s32 s4, s19  }
0x9c: {  	s7 =	simm.s32 $0x0;
	s20 =	sshll.u32 s5, $0x1;
	s5 =	sadd.s32 s21, s3  }
0x9d: {  	[timem:s7], [sflag:s22] =	dma.local [hbm:s5], s20  }
0x9e: {  	_ =	swait.ge [sflag:s22], s20  }
0x9f: {  	s4 =	ssub.s32 $0x0, s20;
	[sflag:s22] =	ssyncset.done $0x0  }
0xa0: {  	[sflag:s22] =	ssyncadd.s32 s4;
	_ =	sdelay $0x1  }
0xa1: {  	s23 =	simm.s32 $0x1B8B  }
0xa2: {  	_ =	swait.ge [sflag:s23], $0x1  }
0xa3: {  	[sflag:s23] =	ssyncset.done $0x0  }
0xa4: {  	s25 =	simm.s32 $0x1B8E;
	s24 =	sld [smem:$0x3FFE];
	[sflag:s23] =	ssyncadd.s32 $0xFFFFFFFF  }
0xa5: {  	s26 =	simm.s32 $execute0_lowered;
	[smem:$0x3FD2] =	sst s25  }
0xa6: {  	s5 =	sshll.u32 s26, $0x1;
	_ =	strace $0x80000049;
	[dreg:$0x1] =	wrdreg $0xFFFFFFFF  }
0xa7: {  	s28 =	simm.s32 $_size_execute0_lowered;
	s3 =	sadd.s32 s3, s5;
	[dreg:$0x0] =	wrdreg $0x0  }
0xa8: {  	s5 =	sshll.u32 s28, $0x1;
	[dreg:$0x2] =	wrdreg s3  }
0xa9: {  	[dreg:$0x3] =	wrdreg s5  }
0xaa: {  	[dreg:$0x4] =	wrdreg $0xC0  }
0xab: {  	_ =	task [dreg:s7], $0x5FFFF  }
0xac: {  	[dreg:$0x1] =	wrdreg $0xFFFFFFFF  }
0xad: {  	[dreg:$0x0] =	wrdreg $0x60  }
0xae: {  	[dreg:$0x2] =	wrdreg s24  }
0xaf: {  	[dreg:$0x3] =	wrdreg s2  }
0xb0: {  	[dreg:$0x4] =	wrdreg $0xA  }
0xb1: {  	_ =	task.clear_ibuf [dreg:s7], $0x5FFFF;
	_ =	strace $0x90000049  }
0xb2: {  	s29 =	simm.s32 $0xA;
	_ =	strace $0x8000004B  }
0xb3: {  	_ =	swait.ge [sflag:s29], $0x1  }
0xb4: {  	[sflag:s29] =	ssyncadd.s32 $0xFFFFFFFF  }
0xb5: {  	_ =	strace $0x9000004B  }
0xb6: {  	_ =	sfence  }
0xb7: {  	s30 =	sld [smem:$0x0];
	_ =	sdelay $0x2  }
0xb8: {  	s31 =	sshll.u32 s1, $0xD;
	s1 =	sshrl.u32 s1, $0x2  }
0xb9: {  	s3 =	sand.u32 $0x4000, s31;
	s1 =	sadd.s32 s1, s30  }
0xba: {  	s0 =	sor.u32 s3, s0;
	s1 =	sshll.u32 s1, $0x11  }
0xbb: {  	s0 =	sor.u32 s1, s0  }
0xbc: {  	s0 =	sadd.s32 $0x8F2B, s0  }
0xbd: {  	[sflag:s0] =	ssyncadd.remote.s32 $0x1  }
0xbe: {  	_ =	sfence.sel $0xFFFF  }
0xbf: {  	[dreg:$0x0] =	wrdreg $0xFFFFFFFF;
	(pc) =	sbr.abs _section_cstart, $3  }
0xc0: {  	[dreg:$0x1] =	wrdreg $0xFFFFFFFF  }
0xc1: {  	_ =	task.clear_ibuf [dreg:s7], $0x2FFFF;
	_ =	strace $0x9FFFFFFF  }
0xc2: {  	(tm) =	ssettm $0x7FFFFFFF  }
0xc3: {  	_ =	shalt  }
tec
execute0_lowered:
.L_overlay_start_1:
0x0: {  	(tag) =	ssettag $0x1  }
0x1: {  	s5 =	rddreg [dreg:$0x0]  }
0x2: {  	s8 =	rddreg [dreg:$0x1];
	s1 =	simm.s32 $0x0;
	s4 =	srdreg.scid  }
0x3: {  	s2 =	stileid.u32;
	s16 =	simm.s32 $0x148;
	s11 =	simm.s32 $0xE400  }
0x4: {  	s12 =	simm.s32 $0x80;
	s13 =	simm.s32 $0xEA80;
	s14 =	simm.s32 $0xA400  }
0x5: {  	s15 =	simm.s32 $0xEC00;
	s17 =	simm.s32 $0x2;
	s18 =	simm.s32 $0x0  }
0x6: {  	[smem:$0x7FF] =	sst s1;
	s3 =	sadd.s32 $0xCDA400, s5;
	s6 =	sand.u32 $0x1, s4  }
0x7: {  	s4 =	sadd.s32 $0x51E00, s5;
	s9 =	sshll.u32 s2, $0x1;
	s5 =	sadd.s32 $0x3C00, s5  }
.Ltmp0:
0x8: {  	s7 =	ssub.s32 $0x2, s6;
	s6 =	sor.u32 s6, s9;
	(pc) =	sbr.rel .LBB2_1-.Ltmp0, $4  }
0x9: {  	_ =	strace $0x8000004A;
	s10 =	sshrl.u32 s7, $0x1;
	s9 =	smul.u32 $0x1380, s6  }
0xa: {  	p0 =	seq.s32 s6, $0x1F;
	s6 =	smul.u32 $0x138, s6;
	s10 =	ssub.s32 s7, s10  }
0xb: {  	v2 =	vimm.s32 $0x0;
	s16 =	simm.s32 @!p0 $0x138;
	s7 =	sadd.s32 s8, s9;
	s8 =	sadd.s32 $0x25C80, s8  }
0xc: {  	v3 =	vlaneseq.u32;
	s9 =	smax.u32 s10, $0x1;
	s10 =	simm.s32 $0x3;
	v0 =	vmov s6;
	v1 =	vmov s16;
	s16 =	simm.s32 $0x1  }
.LBB2_12:
0xd: {  	(v2sf) =	vpush v4, $0x0;
	_ =	sdelay $0xd  }
0xe: {  	v4 =	vld [tilespmem:s19+$0xFFFFFFC0]  }
0xf: {  	s0 =	spop (v2sf)  }
0x10: {  	s0 =	ssub.s32 s0, s6  }
0x11: {  	s0 =	sshll.u32 s0, $0x9  }
0x12: {  	s0 =	sshra.s32 s0, $0x2  }
0x13: {  	[tilespmem:s0+$0x0] =	vst.add.f32.msk $0xffff, v4  }
0x14: {  	v4 =	vld [tilespmem:s19+$0xFFFFFFD0];
	_ =	sdelay $0x3  }
0x15: {  	s20 =	sor.u32 $0x10, s0  }
0x16: {  	[tilespmem:s20+$0x0] =	vst.add.f32.msk $0xffff, v4  }
0x17: {  	v4 =	vld [tilespmem:s19+$0xFFFFFFE0];
	_ =	sdelay $0x3  }
0x18: {  	s26 =	sor.u32 $0x20, s0  }
0x19: {  	[tilespmem:s26+$0x0] =	vst.add.f32.msk $0xffff, v4  }
0x1a: {  	v4 =	vld [tilespmem:s19+$0xFFFFFFF0];
	_ =	sdelay $0x3  }
0x1b: {  	s28 =	sor.u32 $0x30, s0  }
0x1c: {  	[tilespmem:s28+$0x0] =	vst.add.f32.msk $0xffff, v4  }
0x1d: {  	v4 =	vld [tilespmem:s19+$0x0];
	_ =	sdelay $0x3  }
0x1e: {  	s29 =	sor.u32 $0x40, s0  }
0x1f: {  	[tilespmem:s29+$0x0] =	vst.add.f32.msk $0xffff, v4  }
0x20: {  	v4 =	vld [tilespmem:s19+$0x10];
	_ =	sdelay $0x3  }
0x21: {  	s30 =	sor.u32 $0x50, s0  }
0x22: {  	[tilespmem:s30+$0x0] =	vst.add.f32.msk $0xffff, v4  }
0x23: {  	v4 =	vld [tilespmem:s19+$0x20];
	_ =	sdelay $0x3  }
0x24: {  	s31 =	sor.u32 $0x60, s0  }
0x25: {  	[tilespmem:s31+$0x0] =	vst.add.f32.msk $0xffff, v4  }
0x26: {  	v4 =	vld [tilespmem:s19+$0x30];
	_ =	sdelay $0x3  }
0x27: {  	s0 =	sor.u32 $0x70, s0  }
0x28: {  	[tilespmem:s0+$0x0] =	vst.add.f32.msk $0xffff, v4  }
.LBB2_13:
0x29: {  	s0 =	simm.s32 @p0 $0x0  }
0x2a: {  	[hbm4b:s8+s0] =	stream.linear.scatter @p0 [tilespmem:s0], [sflag:$0x3], $0xA400, $0x38;
	[tilespmem:$0xED80] =	vst v63  }
0x2b: {  	s0 =	simm.s32 @p0 $0x3  }
0x2c: {  	_ =	swait.ge @p0 [sflag:s0], $0xA400  }
0x2d: {  	s18 =	sadd.s32 $0x1, s18;
	[sflag:s0] =	ssyncset.done @p0 $0x0  }
0x2e: {  	p1 =	sne.s32 s18, s9;
	[sflag:s0] =	ssyncadd.s32 @p0 $0xFFFF5C00;
	s0 =	simm.s32 @!p0 $0x0  }
0x2f: {  	[hbm4b:s7+s0] =	stream.linear.scatter @!p0 [tilespmem:s0], [sflag:$0x3], $0x9C00, $0x38;
	[tilespmem:$0xED80] =	vst v63  }
.Ltmp1:
0x30: {  	_ = 	snop;
	(pc) =	sbr.rel @!p1 .LBB2_14-.Ltmp1, $4  }
0x31: {  	s0 =	simm.s32 @!p0 $0x3  }
0x32: {  	_ =	swait.ge @!p0 [sflag:s0], $0x9C00  }
0x33: {  	[sflag:s0] =	ssyncset.done @!p0 $0x0  }
0x34: {  	[sflag:s0] =	ssyncadd.s32 @!p0 $0xFFFF6400  }
.LBB2_1:
0x35: {  	[tilespmem:s1], [sflag:$0x3] =	stream.linear.gather [hbm4b:s5+s1], $0xA400, $0x38;
	[tilespmem:$0xED80] =	vst v63  }
0x36: {  	_ =	swait.ge [sflag:s10], $0xA400  }
0x37: {  	[sflag:s10] =	ssyncset.done $0x0  }
0x38: {  	[sflag:s10] =	ssyncadd.s32 $0xFFFF5C00  }
0x39: {  	[tilespmem:$0xEA80] =	vst v2  }
0x3a: {  	[tilespmem:$0xEA90] =	vst v2  }
0x3b: {  	[tilespmem:$0xEAA0] =	vst v2  }
0x3c: {  	[tilespmem:$0xEAB0] =	vst v2  }
0x3d: {  	[tilespmem:$0xEAC0] =	vst v2  }
0x3e: {  	[tilespmem:$0xEAD0] =	vst v2  }
0x3f: {  	[tilespmem:$0xEAE0] =	vst v2  }
0x40: {  	[tilespmem:$0xEAF0] =	vst v2  }
0x41: {  	[tilespmem:$0xEB00] =	vst v2  }
0x42: {  	[tilespmem:$0xEB10] =	vst v2  }
0x43: {  	[tilespmem:$0xEB20] =	vst v2  }
0x44: {  	[tilespmem:$0xEB30] =	vst v2  }
0x45: {  	[tilespmem:$0xEB40] =	vst v2  }
.Ltmp2:
0x46: {  	[tilespmem:$0xEB50] =	vst v2;
	(pc) =	sbr.rel .LBB2_2-.Ltmp2, $4  }
0x47: {  	[tilespmem:$0xEB60] =	vst v2  }
0x48: {  	[tilespmem:$0xEB70] =	vst v2  }
0x49: {  	[tilespmem:$0xEB80] =	vst v2  }
0x4a: {  	s20 =	simm.s32 $0x0;
	s19 =	simm.s32 $0x0;
	[tilespmem:$0xEB90] =	vst v2  }
.LBB2_8:
0x4b: {  	s19 =	sadd.s32 $0x1, s19  }
0x4c: {  	p1 =	sne.s32 s19, $0x64  }
.Ltmp3:
0x4d: {  	_ = 	snop;
	(pc) =	sbr.rel @!p1 .LBB2_9-.Ltmp3, $1  }
0x4e: {  	_ =	sdelay $0x3  }
.LBB2_2:
0x4f: {  	s21 =	smul.u32 $0x640, s19;
	_ =	sdelay $0x1  }
0x50: {  	s22 =	sshrl.u32 s21, $0x3  }
.Ltmp4:
0x51: {  	s23 =	sadd.s32 s4, s22;
	s22 =	simm.s32 $0x0;
	(pc) =	sbr.rel .LBB2_3-.Ltmp4, $4  }
0x52: {  	[tilespmem:s11], [sflag:$0x3] =	stream.linear.gather [hbm4b:s23+s22], $0x640, $0x38;
	[tilespmem:$0xED80] =	vst v63  }
0x53: {  	_ =	swait.ge [sflag:s10], $0x640  }
0x54: {  	[sflag:s10] =	ssyncset.done $0x0  }
0x55: {  	[sflag:s10] =	ssyncadd.s32 $0xFFFFF9C0  }
.LBB2_6:
0x56: {  	v4 =	vld [tilespmem:s25+$0xEC00];
	_ =	sdelay $0x4  }
0x57: {  	(v2sf) =	vpush v4, $0x0;
	_ =	sdelay $0xc  }
0x58: {  	s0 =	sadd.s32 $0x80, s23  }
0x59: {  	v4 =	vld [tilespmem:s0+$0xFFFFFFC0]  }
0x5a: {  	s24 =	spop (v2sf)  }
0x5b: {  	s23 =	ssub.s32 s24, s6  }
0x5c: {  	s23 =	sshll.u32 s23, $0x9  }
0x5d: {  	s23 =	sshra.s32 s23, $0x2  }
0x5e: {  	[tilespmem:s23+$0x0] =	vst.add.f32.msk $0xffff, v4  }
0x5f: {  	v4 =	vld [tilespmem:s0+$0xFFFFFFD0];
	_ =	sdelay $0x3  }
0x60: {  	s24 =	sor.u32 $0x10, s23  }
0x61: {  	[tilespmem:s24+$0x0] =	vst.add.f32.msk $0xffff, v4  }
0x62: {  	v4 =	vld [tilespmem:s0+$0xFFFFFFE0];
	_ =	sdelay $0x3  }
0x63: {  	s25 =	sor.u32 $0x20, s23  }
0x64: {  	[tilespmem:s25+$0x0] =	vst.add.f32.msk $0xffff, v4  }
0x65: {  	v4 =	vld [tilespmem:s0+$0xFFFFFFF0];
	_ =	sdelay $0x3  }
0x66: {  	s26 =	sor.u32 $0x30, s23  }
0x67: {  	[tilespmem:s26+$0x0] =	vst.add.f32.msk $0xffff, v4  }
0x68: {  	v4 =	vld [tilespmem:s0+$0x0];
	_ =	sdelay $0x3  }
0x69: {  	s28 =	sor.u32 $0x40, s23  }
0x6a: {  	[tilespmem:s28+$0x0] =	vst.add.f32.msk $0xffff, v4  }
0x6b: {  	v4 =	vld [tilespmem:s0+$0x10];
	_ =	sdelay $0x3  }
0x6c: {  	s29 =	sor.u32 $0x50, s23  }
0x6d: {  	[tilespmem:s29+$0x0] =	vst.add.f32.msk $0xffff, v4  }
0x6e: {  	v4 =	vld [tilespmem:s0+$0x20];
	_ =	sdelay $0x3  }
0x6f: {  	s30 =	sor.u32 $0x60, s23  }
0x70: {  	[tilespmem:s30+$0x0] =	vst.add.f32.msk $0xffff, v4  }
0x71: {  	v4 =	vld [tilespmem:s0+$0x30];
	_ =	sdelay $0x3  }
0x72: {  	s31 =	sor.u32 $0x70, s23  }
0x73: {  	[tilespmem:s31+$0x0] =	vst.add.f32.msk $0xffff, v4  }
0x74: {  	v4 =	vld [tilespmem:$0xEB00]  }
0x75: {  	v5 =	vld [tilespmem:$0xEB10]  }
0x76: {  	v6 =	vld [tilespmem:$0xEB20]  }
0x77: {  	v7 =	vld [tilespmem:$0xEB30];
	_ =	sdelay $0x1  }
0x78: {  	[tilespmem:$0xEA80] =	vst v4  }
0x79: {  	[tilespmem:$0xEA90] =	vst v5  }
0x7a: {  	[tilespmem:$0xEAA0] =	vst v6  }
0x7b: {  	[tilespmem:$0xEAB0] =	vst v7  }
.LBB2_7:
0x7c: {  	s22 =	sadd.s32 $0x1, s22  }
0x7d: {  	p2 =	sne.s32 s22, $0x19  }
.Ltmp5:
0x7e: {  	_ = 	snop;
	(pc) =	sbr.rel @!p2 .LBB2_8-.Ltmp5, $3  }
0x7f: {  	_ =	sdelay $0x1  }
0x80: {  	p1 =	sgt.s32 s20, $0x7F;
	s0 =	sadd.s32 $0xFFFFFF80, s20  }
0x81: {  	s20 =	smov.u32 @p1 s0  }
.LBB2_3:
0x82: {  	s23 =	sshll.u32 s22, $0x6  }
0x83: {  	v4 =	vld [tilespmem:s23+$0xE400];
	_ =	sdelay $0x4  }
0x84: {  	s24 =	sadd.s32 s21, s23;
	v4 =	vsub.s32 v4, v0  }
0x85: {  	vm0 =	vlt.u32 v4, v1;
	v4 =	vor.u32 s24, v3  }
0x86: {  	[tilespmem:s20+$0xEA80] =	vst.msk vm0, v4;
	v4 =	vmpcnt.ones.xlane vm0  }
0x87: {  	v5 =	vld [tilespmem:s23+$0xE410]  }
0x88: {  	(v2sf) =	vpush v4, $0x0;
	_ =	sdelay $0x3  }
0x89: {  	v4 =	vsub.s32 v5, v0  }
0x8a: {  	vm13 =	vlt.u32 v4, v1  }
0x8b: {  	v4 =	vmpcnt.ones.xlane vm13;
	_ =	sdelay $0x1  }
0x8c: {  	(v2sf) =	vpush v4, $0x0;
	_ =	sdelay $0x6  }
0x8d: {  	s26 =	sor.u32 $0x10, s24;
	s25 =	spop (v2sf)  }
0x8e: {  	v4 =	vor.u32 s26, v3;
	s25 =	sadd.s32 s20, s25  }
0x8f: {  	[tilespmem:s25+$0xEA80] =	vst.msk vm13, v4  }
0x90: {  	v4 =	vld [tilespmem:s23+$0xE420];
	_ =	sdelay $0x4  }
0x91: {  	s29 =	sor.u32 $0x20, s24;
	s28 =	spop (v2sf);
	v4 =	vsub.s32 v4, v0  }
0x92: {  	s20 =	sadd.s32 s25, s28;
	vm14 =	vlt.u32 v4, v1;
	v4 =	vor.u32 s29, v3  }
0x93: {  	[tilespmem:s20+$0xEA80] =	vst.msk vm14, v4  }
0x94: {  	v4 =	vld [tilespmem:s23+$0xE430];
	_ =	sdelay $0x4  }
0x95: {  	v4 =	vsub.s32 v4, v0  }
0x96: {  	v5 =	vmpcnt.ones.xlane vm14;
	vm15 =	vlt.u32 v4, v1  }
0x97: {  	v4 =	vmpcnt.ones.xlane vm15  }
0x98: {  	(v2sf) =	vpush v5, $0x0  }
0x99: {  	(v2sf) =	vpush v4, $0x0;
	_ =	sdelay $0xd  }
0x9a: {  	s30 =	spop (v2sf)  }
0x9b: {  	s23 =	sadd.s32 s20, s30;
	s31 =	spop (v2sf)  }
0x9c: {  	s20 =	sadd.s32 s23, s31  }
0x9d: {  	p1 =	slt.s32 s20, $0x80  }
.Ltmp6:
0x9e: {  	_ = 	snop;
	(pc) =	sbr.rel @p1 .LBB2_7-.Ltmp6, $4  }
0x9f: {  	_ = 	snop  }
0xa0: {  	s24 =	sor.u32 $0x30, s24  }
0xa1: {  	v4 =	vor.u32 s24, v3  }
0xa2: {  	[tilespmem:s23+$0xEA80] =	vst.msk vm15, v4  }
0xa3: {  	[tilespmem:s14], [sflag:$0x1] =	stream.indirect.gather [hbm4b:s3+s12], $0x80, s13, s12, $0xb8;
	[tilespmem:$0xED80] =	vst v63  }
0xa4: {  	_ = 	snop  }
0xa5: {  	[tilespmem:s15], [sflag:$0x2] =	stream.indirect.gather [hbm4b:s4+s12], $0x1, s13, s12, $0xb8;
	[tilespmem:$0xED80] =	vst v63  }
0xa6: {  	_ =	swait.ge [sflag:s16], $0x4000  }
0xa7: {  	[sflag:s16] =	ssyncset.done $0x0  }
0xa8: {  	[sflag:s16] =	ssyncadd.s32 $0xFFFFC000  }
0xa9: {  	_ =	swait.ge [sflag:s17], $0x80  }
0xaa: {  	[sflag:s17] =	ssyncset.done $0x0  }
0xab: {  	s23 =	simm.s32 $0x0;
	[sflag:s17] =	ssyncadd.s32 $0xFFFFFF80  }
0xac: {  	v4 =	vld [tilespmem:s23+$0xEC00];
	_ =	sdelay $0x4  }
0xad: {  	(v2sf) =	vpush v4, $0x0;
	_ =	sdelay $0xc  }
0xae: {  	s23 =	simm.s32 $0xA440  }
0xaf: {  	v4 =	vld [tilespmem:s23+$0xFFFFFFC0]  }
0xb0: {  	s24 =	spop (v2sf)  }
0xb1: {  	s24 =	ssub.s32 s24, s6  }
0xb2: {  	s24 =	sshll.u32 s24, $0x9  }
0xb3: {  	s24 =	sshra.s32 s24, $0x2  }
0xb4: {  	[tilespmem:s24+$0x0] =	vst.add.f32.msk $0xffff, v4  }
0xb5: {  	v4 =	vld [tilespmem:s23+$0xFFFFFFD0];
	_ =	sdelay $0x3  }
0xb6: {  	s25 =	sor.u32 $0x10, s24  }
0xb7: {  	[tilespmem:s25+$0x0] =	vst.add.f32.msk $0xffff, v4  }
0xb8: {  	v4 =	vld [tilespmem:s23+$0xFFFFFFE0];
	_ =	sdelay $0x3  }
0xb9: {  	s26 =	sor.u32 $0x20, s24  }
0xba: {  	[tilespmem:s26+$0x0] =	vst.add.f32.msk $0xffff, v4  }
0xbb: {  	v4 =	vld [tilespmem:s23+$0xFFFFFFF0];
	_ =	sdelay $0x3  }
0xbc: {  	s28 =	sor.u32 $0x30, s24  }
0xbd: {  	[tilespmem:s28+$0x0] =	vst.add.f32.msk $0xffff, v4  }
0xbe: {  	v4 =	vld [tilespmem:s23+$0x0];
	_ =	sdelay $0x3  }
0xbf: {  	s29 =	sor.u32 $0x40, s24  }
0xc0: {  	[tilespmem:s29+$0x0] =	vst.add.f32.msk $0xffff, v4  }
0xc1: {  	v4 =	vld [tilespmem:s23+$0x10];
	_ =	sdelay $0x3  }
0xc2: {  	s30 =	sor.u32 $0x50, s24  }
0xc3: {  	[tilespmem:s30+$0x0] =	vst.add.f32.msk $0xffff, v4  }
0xc4: {  	v4 =	vld [tilespmem:s23+$0x20];
	_ =	sdelay $0x3  }
0xc5: {  	s31 =	sor.u32 $0x60, s24  }
0xc6: {  	[tilespmem:s31+$0x0] =	vst.add.f32.msk $0xffff, v4  }
0xc7: {  	v4 =	vld [tilespmem:s23+$0x30];
	_ =	sdelay $0x3  }
0xc8: {  	s26 =	sor.u32 $0x70, s24  }
0xc9: {  	s25 =	simm.s32 $0x1;
	s24 =	simm.s32 $0x8;
	[tilespmem:s26+$0x0] =	vst.add.f32.msk $0xffff, v4  }
.LBB2_5:
0xca: {  	p1 =	sne.s32 s24, $0x1FC;
	v4 =	vld [tilespmem:s25+$0xEC00];
	s23 =	sadd.s32 $0x80, s23  }
0xcb: {  	v5 =	vld [tilespmem:s23+$0xFFFFFFC0];
	_ =	sdelay $0x3  }
0xcc: {  	(v2sf) =	vpush v4, $0x0;
	_ =	sdelay $0xe  }
0xcd: {  	s25 =	spop (v2sf)  }
0xce: {  	s25 =	ssub.s32 s25, s6  }
0xcf: {  	s25 =	sshll.u32 s25, $0x9  }
0xd0: {  	s25 =	sshra.s32 s25, $0x2  }
0xd1: {  	[tilespmem:s25+$0x0] =	vst.add.f32.msk $0xffff, v5;
	s26 =	sor.u32 $0x10, s25;
	s28 =	sor.u32 $0x20, s25;
	s29 =	sor.u32 $0x30, s25  }
0xd2: {  	s30 =	sor.u32 $0x40, s25;
	s31 =	sor.u32 $0x50, s25;
	s0 =	sor.u32 $0x60, s25;
	v4 =	vld [tilespmem:s23+$0xFFFFFFD0]  }
0xd3: {  	_ =	sdelay $0x3  }
0xd4: {  	[tilespmem:s26+$0x0] =	vst.add.f32.msk $0xffff, v4  }
0xd5: {  	v4 =	vld [tilespmem:s23+$0xFFFFFFE0];
	_ =	sdelay $0x4  }
0xd6: {  	[tilespmem:s28+$0x0] =	vst.add.f32.msk $0xffff, v4  }
0xd7: {  	v4 =	vld [tilespmem:s23+$0xFFFFFFF0];
	_ =	sdelay $0x4  }
0xd8: {  	[tilespmem:s29+$0x0] =	vst.add.f32.msk $0xffff, v4  }
0xd9: {  	v4 =	vld [tilespmem:s23+$0x0];
	_ =	sdelay $0x4  }
0xda: {  	[tilespmem:s30+$0x0] =	vst.add.f32.msk $0xffff, v4  }
0xdb: {  	v4 =	vld [tilespmem:s23+$0x10];
	_ =	sdelay $0x4  }
0xdc: {  	[tilespmem:s31+$0x0] =	vst.add.f32.msk $0xffff, v4  }
0xdd: {  	v4 =	vld [tilespmem:s23+$0x20];
	_ =	sdelay $0x4  }
0xde: {  	[tilespmem:s0+$0x0] =	vst.add.f32.msk $0xffff, v4  }
0xdf: {  	v4 =	vld [tilespmem:s23+$0x30]  }
.Ltmp7:
0xe0: {  	(pc) =	sbr.rel @p1 .LBB2_5-.Ltmp7, $3  }
0xe1: {  	_ =	sdelay $0x1  }
0xe2: {  	s0 =	sor.u32 $0x70, s25  }
0xe3: {  	s25 =	sshra.s32 s24, $0x2;
	s24 =	sadd.s32 $0x4, s24;
	[tilespmem:s0+$0x0] =	vst.add.f32.msk $0xffff, v4  }
.Ltmp8:
0xe4: {  	_ = 	snop;
	(pc) =	sbr.rel .LBB2_6-.Ltmp8, $1  }
0xe5: {  	_ =	sdelay $0x3  }
.LBB2_9:
0xe6: {  	[tilespmem:s14], [sflag:$0x1] =	stream.indirect.gather [hbm4b:s3+s12], $0x80, s13, s12, $0xb8;
	[tilespmem:$0xED80] =	vst v63  }
0xe7: {  	s21 =	simm.s32 $0xEC00  }
0xe8: {  	[tilespmem:s21], [sflag:$0x2] =	stream.indirect.gather [hbm4b:s4+s12], $0x1, s13, s12, $0xb8;
	[tilespmem:$0xED80] =	vst v63  }
0xe9: {  	p1 =	slt.s32 s20, $0x1;
	_ =	swait.ge [sflag:s16], $0x4000  }
.Ltmp9:
0xea: {  	[sflag:s16] =	ssyncset.done $0x0;
	(pc) =	sbr.rel @p1 .LBB2_13-.Ltmp9, $4  }
0xeb: {  	[sflag:s16] =	ssyncadd.s32 $0xFFFFC000  }
0xec: {  	_ =	swait.ge [sflag:s17], $0x80  }
0xed: {  	[sflag:s17] =	ssyncset.done $0x0  }
0xee: {  	s19 =	simm.s32 $0xA440;
	[sflag:s17] =	ssyncadd.s32 $0xFFFFFF80  }
0xef: {  	p1 =	sne.s32 s20, $0x1  }
.Ltmp10:
0xf0: {  	v4 =	vld [tilespmem:s21+$0x0];
	(pc) =	sbr.rel @!p1 .LBB2_12-.Ltmp10, $2  }
0xf1: {  	_ =	sdelay $0x2  }
0xf2: {  	s20 =	sadd.s32 $0xFFFFFFFF, s20  }
.LBB2_11:
0xf3: {  	p1 =	sne.s32 s20, $0x1;
	v5 =	vld [tilespmem:s19+$0xFFFFFFC0];
	_ =	sdelay $0x3  }
0xf4: {  	(v2sf) =	vpush v4, $0x0;
	_ =	sdelay $0xe  }
0xf5: {  	s0 =	spop (v2sf)  }
0xf6: {  	s0 =	ssub.s32 s0, s6  }
0xf7: {  	s0 =	sshll.u32 s0, $0x9  }
0xf8: {  	s22 =	sshra.s32 s0, $0x2  }
0xf9: {  	[tilespmem:s22+$0x0] =	vst.add.f32.msk $0xffff, v5;
	s0 =	sor.u32 $0x10, s22;
	s23 =	sor.u32 $0x20, s22;
	s24 =	sor.u32 $0x30, s22  }
0xfa: {  	s25 =	sor.u32 $0x40, s22;
	s26 =	sor.u32 $0x50, s22;
	s28 =	sor.u32 $0x60, s22;
	v4 =	vld [tilespmem:s19+$0xFFFFFFD0]  }
0xfb: {  	_ =	sdelay $0x3  }
0xfc: {  	[tilespmem:s0+$0x0] =	vst.add.f32.msk $0xffff, v4  }
0xfd: {  	v4 =	vld [tilespmem:s19+$0xFFFFFFE0];
	_ =	sdelay $0x4  }
0xfe: {  	[tilespmem:s23+$0x0] =	vst.add.f32.msk $0xffff, v4  }
0xff: {  	v4 =	vld [tilespmem:s19+$0xFFFFFFF0];
	_ =	sdelay $0x4  }
0x100: {  	[tilespmem:s24+$0x0] =	vst.add.f32.msk $0xffff, v4  }
0x101: {  	v4 =	vld [tilespmem:s19+$0x0];
	_ =	sdelay $0x4  }
0x102: {  	[tilespmem:s25+$0x0] =	vst.add.f32.msk $0xffff, v4  }
0x103: {  	v4 =	vld [tilespmem:s19+$0x10];
	_ =	sdelay $0x4  }
0x104: {  	[tilespmem:s26+$0x0] =	vst.add.f32.msk $0xffff, v4  }
0x105: {  	v4 =	vld [tilespmem:s19+$0x20];
	_ =	sdelay $0x4  }
0x106: {  	[tilespmem:s28+$0x0] =	vst.add.f32.msk $0xffff, v4  }
0x107: {  	v4 =	vld [tilespmem:s19+$0x30];
	_ =	sdelay $0x1  }
.Ltmp11:
0x108: {  	(pc) =	sbr.rel @p1 .LBB2_11-.Ltmp11, $4  }
0x109: {  	_ = 	snop  }
0x10a: {  	s0 =	sor.u32 $0x70, s22  }
0x10b: {  	s21 =	sadd.s32 $0x1, s21;
	[tilespmem:s0+$0x0] =	vst.add.f32.msk $0xffff, v4  }
0x10c: {  	s20 =	sadd.s32 $0xFFFFFFFF, s20;
	s19 =	sadd.s32 $0x80, s19;
	v4 =	vld [tilespmem:s21+$0x0]  }
.Ltmp12:
0x10d: {  	_ = 	snop;
	(pc) =	sbr.rel .LBB2_12-.Ltmp12, $1  }
0x10e: {  	_ =	sdelay $0x3  }
.LBB2_14:
0x10f: {  	_ =	sfence.sel $0x180000  }
0x110: {  	[bflag:$0x0] =	sbarrier.arrive $0xFFFF  }
0x111: {  	_ =	strace $0x9000004A  }
0x112: {  	[bflag:$0x2] =	sbarrier.arrive $0xFFFF  }
0x113: {  	p0 =	sne.s32 s2, $0x0;
	s0 =	rddreg [dreg:$0x2]  }
0x114: {  	s0 =	sadd.s32 @!p0 $0x100000, s0  }
0x115: {  	[sflag:s0] =	ssyncadd.tile.s32 @!p0 $0x1;
	_ =	shalt  }
.Lfunc_end2:
_tile_overlayer_lowered:
.L_overlay_start_2:
0x116: {  	(tag) =	ssettag $0x2  }
0x117: {  	s0 =	rddreg [dreg:$0x0];
	s2 =	stileid.u32  }
0x118: {  	s1 =	rddreg [dreg:$0x1];
	p0 =	sne.s32 s2, $0x0  }
0x119: {  	s3 =	rddreg [dreg:$0x2];
	[bflag:$0x3] =	sbarrier.arrive $0xFFFF;
	s2 =	simm.s32 @!p0 $0x1C03  }
0x11a: {  	[timem:s3], [sflag:s2] =	dma.local @!p0 [hbm:s0], s1  }
0x11b: {  	s0 =	simm.s32 @!p0 $0x3  }
0x11c: {  	_ =	swait.ge @!p0 [sflag:s0], s1  }
0x11d: {  	s1 =	ssub.s32 @!p0 $0x0, s1;
	[sflag:s0] =	ssyncset.done @!p0 $0x0  }
0x11e: {  	[sflag:s0] =	ssyncadd.s32 @!p0 s1  }
0x11f: {  	[bflag:$0x3] =	sbarrier.arrive $0xFFFF  }
0x120: {  	_ =	shalt  }

// kernel: kernel.8.cloned.1.call-start
scs
__scs_entry_jumppad:
0x0: {  	(pc) =	sbr.rel $0x88, $3  }
0x1: {  	(tag) =	ssettag $0x0;
	lr =	simm.s32 $0x1  }
0x2: {  	[smem:$0x3F8D] =	sst lr;
	_ =	strace $0xD0000000  }
0x3: {  	_ = 	snop  }
0x4: {  	_ = 	snop  }
0x5: {  	_ = 	snop  }
0x6: {  	_ = 	snop  }
0x7: {  	_ = 	snop  }
__scs_overlays_trampoline_lowered:
0x8: {  	[smem:$0x3F9C] =	sst s0  }
0x9: {  	[smem:$0x3F9D] =	sst s1  }
0xa: {  	[smem:$0x3F9E] =	sst s2  }
0xb: {  	[smem:$0x3F9F] =	sst s3  }
0xc: {  	[smem:$0x3FA0] =	sst s4  }
0xd: {  	[smem:$0x3FA1] =	sst s5  }
0xe: {  	[smem:$0x3FA2] =	sst s6  }
0xf: {  	[smem:$0x3FA3] =	sst s7  }
0x10: {  	[smem:$0x3FA4] =	sst s8  }
0x11: {  	[smem:$0x3FA5] =	sst s9;
	s0 =	simm.s32 @!p0 $0x0  }
0x12: {  	s1 =	sld [smem:$0x3F8B];
	s0 =	simm.s32 @p0 $0x1  }
0x13: {  	[smem:$0x3FA6] =	sst s0;
	s0 =	simm.s32 @!p1 $0x0  }
0x14: {  	s2 =	sld [smem:$0x3F8A];
	s0 =	simm.s32 @p1 $0x1  }
0x15: {  	[smem:$0x3FA7] =	sst s0;
	s0 =	simm.s32 @!p2 $0x0  }
0x16: {  	s3 =	sld [smem:$0x3FDB];
	s0 =	simm.s32 @p2 $0x1  }
0x17: {  	s4 =	simm.s32 $0x1BF5;
	[smem:$0x3FA9] =	sst s0  }
0x18: {  	s0 =	sld [smem:$0x3F8C];
	_ =	swait.ge [sflag:s4], $0x0  }
0x19: {  	s7 =	sld [smem:$0x3F8D]  }
0x1a: {  	s8 =	sadd.s32 $0xFFFFE003, lr  }
0x1b: {  	s9 =	sadd.s32 $0xFFFFFEF7, lr;
	s5 =	simm.s32 $0xFFFFFFFF;
	p2 =	slt.u32 s8, $0xFFFFF086  }
0x1c: {  	p1 =	slt.u32 s9, $0xF7A;
	s5 =	simm.s32 @!p2 $0x0  }
0x1d: {  	s5 =	simm.s32 @p1 $0x1;
	p0 =	seq.s32 s7, s2  }
0x1e: {  	s7 =	smul.u32 @!p0 $0xF7A, s2;
	p2 =	seq.s32 @!p0 s5, $0x0  }
0x1f: {  	s9 =	smul.u32 $0xF7A, s1;
	s8 =	simm.s32 @!p0 $0x1BF5;
	p2 =	por !p2, p0  }
0x20: {  	[sflag:s8] =	ssyncset.s32 @!p0 $0xFFFFF086;
	s6 =	sadd.s32 @!p0 s3, s7;
	s7 =	simm.s32 @!p0 $0x108  }
0x21: {  	s3 =	sadd.s32 s3, s9;
	s6 =	sadd.s32 @!p0 $0x88, s6;
	s7 =	simm.s32 @p2 $0x1082  }
0x22: {  	[simem:s7], [sflag:s8] =	dma.local @!p0 [hbm:s6], $0xF7A  }
0x23: {  	s9 =	sor.u32 $0xD0000000, s2;
	s6 =	simm.s32 $0x108;
	_ =	swait.ge @!p0 [sflag:s8], $0x0  }
0x24: {  	s3 =	sadd.s32 $0x88, s3;
	s6 =	simm.s32 @!p1 $0x1082;
	[sflag:s4] =	ssyncset.s32 $0xFFFFF086  }
0x25: {  	[simem:s6], [sflag:s4] =	dma.local [hbm:s3], $0xF7A  }
0x26: {  	[smem:$0x3F8D] =	sst s1;
	(tag) =	ssettag s2;
	_ =	strace s9  }
0x27: {  	s1 =	sld [smem:$0x3F9D]  }
0x28: {  	s2 =	sld [smem:$0x3F9E]  }
0x29: {  	s4 =	sld [smem:$0x3FA0]  }
0x2a: {  	p0 =	seq.s32 s5, $0x0;
	s5 =	sld [smem:$0x3FA1]  }
0x2b: {  	s6 =	sld [smem:$0x3FA2]  }
0x2c: {  	s7 =	sld [smem:$0x3FA3]  }
0x2d: {  	s3 =	simm.s32 $0x108;
	s8 =	sld [smem:$0x3FA4]  }
0x2e: {  	s3 =	simm.s32 @!p0 $0x1082;
	s9 =	sld [smem:$0x3FA5]  }
0x2f: {  	lr =	sadd.s32 s0, s3;
	s0 =	sld [smem:$0x3F9C]  }
0x30: {  	s3 =	sld [smem:$0x3F9F]  }
0x31: {  	[smem:$0x3FA8] =	sst s10  }
0x32: {  	s10 =	sld [smem:$0x3FA6];
	_ =	sdelay $0x3  }
0x33: {  	p0 =	seq.s32 s10, $0x1;
	s10 =	sld [smem:$0x3FA8];
	_ =	sdelay $0x3  }
0x34: {  	[smem:$0x3FA8] =	sst s10  }
0x35: {  	s10 =	sld [smem:$0x3FA7];
	_ =	sdelay $0x3  }
0x36: {  	p1 =	seq.s32 s10, $0x1;
	s10 =	sld [smem:$0x3FA8];
	_ =	sdelay $0x3  }
0x37: {  	[smem:$0x3FA8] =	sst s10  }
0x38: {  	s10 =	sld [smem:$0x3FA9]  }
0x39: {  	_ = 	snop;
	(pc) =	sbr.ind lr, $3  }
0x3a: {  	_ = 	snop  }
0x3b: {  	_ = 	snop  }
0x3c: {  	p2 =	seq.s32 s10, $0x1;
	s10 =	sld [smem:$0x3FA8]  }
0x3d: {  	_ =	shalt  }
0x3e: {  	_ =	shalt  }
0x3f: {  	_ =	shalt  }
0x40: {  	_ =	shalt  }
0x41: {  	_ =	shalt  }
0x42: {  	_ =	shalt  }
0x43: {  	_ =	shalt  }
0x44: {  	_ =	shalt  }
0x45: {  	_ =	shalt  }
0x46: {  	_ =	shalt  }
0x47: {  	_ =	shalt  }
0x48: {  	_ =	shalt  }
0x49: {  	_ =	shalt  }
0x4a: {  	_ =	shalt  }
0x4b: {  	_ =	shalt  }
0x4c: {  	_ =	shalt  }
0x4d: {  	_ =	shalt  }
0x4e: {  	_ =	shalt  }
0x4f: {  	_ =	shalt  }
0x50: {  	_ =	shalt  }
0x51: {  	_ =	shalt  }
0x52: {  	_ =	shalt  }
0x53: {  	_ =	shalt  }
0x54: {  	_ =	shalt  }
0x55: {  	_ =	shalt  }
0x56: {  	_ =	shalt  }
0x57: {  	_ =	shalt  }
0x58: {  	_ =	shalt  }
0x59: {  	_ =	shalt  }
0x5a: {  	_ =	shalt  }
0x5b: {  	_ =	shalt  }
0x5c: {  	_ =	shalt  }
0x5d: {  	_ =	shalt  }
0x5e: {  	_ =	shalt  }
0x5f: {  	_ =	shalt  }
0x60: {  	_ =	shalt  }
0x61: {  	_ =	shalt  }
0x62: {  	_ =	shalt  }
0x63: {  	_ =	shalt  }
0x64: {  	_ =	shalt  }
0x65: {  	_ =	shalt  }
0x66: {  	_ =	shalt  }
0x67: {  	_ =	shalt  }
0x68: {  	_ =	shalt  }
0x69: {  	_ =	shalt  }
0x6a: {  	_ =	shalt  }
0x6b: {  	_ =	shalt  }
0x6c: {  	_ =	shalt  }
0x6d: {  	_ =	shalt  }
0x6e: {  	_ =	shalt  }
0x6f: {  	_ =	shalt  }
0x70: {  	_ =	shalt  }
0x71: {  	_ =	shalt  }
0x72: {  	_ =	shalt  }
0x73: {  	_ =	shalt  }
0x74: {  	_ =	shalt  }
0x75: {  	_ =	shalt  }
0x76: {  	_ =	shalt  }
0x77: {  	_ =	shalt  }
0x78: {  	_ =	shalt  }
0x79: {  	_ =	shalt  }
0x7a: {  	_ =	shalt  }
0x7b: {  	_ =	shalt  }
0x7c: {  	_ =	shalt  }
0x7d: {  	_ =	shalt  }
0x7e: {  	_ =	shalt  }
0x7f: {  	_ =	shalt  }
0x80: {  	_ =	shalt  }
0x81: {  	_ =	shalt  }
0x82: {  	_ =	shalt  }
0x83: {  	_ =	shalt  }
0x84: {  	_ =	shalt  }
0x85: {  	_ =	shalt  }
0x86: {  	_ =	shalt  }
0x87: {  	_ =	shalt  }
.Lfunc_end0:
.L_simem_size_0:
called_computation_lowered:
.L_overlay_start_0:
0x88: {  	s2 =	sld [smem:$0x3FD9]  }
0x89: {  	s3 =	sld [smem:$0x3FFE];
	_ =	sdelay $0x1  }
0x8a: {  	s1 =	srdreg.scid  }
0x8b: {  	s0 =	sand.u32 $0x1, s1  }
0x8c: {  	s17 =	sshll.u32 s0, $0xA;
	s2 =	sadd.s32 s3, s2  }
0x8d: {  	s2 =	sadd.s32 s2, s17  }
0x8e: {  	[smem:$0x3FB4] =	sst s2  }
0x8f: {  	_ = 	snop  }
0x90: {  	s2 =	sld [smem:$0x3FD0];
	(tm) =	ssettm $0x1  }
0x91: {  	s18 =	sld [smem:$0x3FFB];
	_ =	sdelay $0x3  }
0x92: {  	_ =	strace s18  }
0x93: {  	s3 =	sld [smem:$0x3FFC];
	_ =	sdelay $0x3  }
0x94: {  	_ =	strace s3  }
0x95: {  	s3 =	sld [smem:$0x3FFD];
	_ =	sdelay $0x3  }
0x96: {  	_ =	strace s3  }
0x97: {  	_ =	strace $0x8FFFFFFF  }
0x98: {  	s19 =	sld [smem:$0x3FDB];
	_ =	sdelay $0x1  }
0x99: {  	s4 =	simm.s32 $_scs_section_size  }
0x9a: {  	s5 =	simm.s32 $_size__tile_overlayer_lowered;
	s6 =	simm.s32 $_tile_overlayer_lowered  }
0x9b: {  	s22 =	simm.s32 $0x1BFF;
	s21 =	sshll.u32 s6, $0x1;
	s3 =	sadd.s32 s4, s19  }
0x9c: {  	s7 =	simm.s32 $0x0;
	s20 =	sshll.u32 s5, $0x1;
	s5 =	sadd.s32 s21, s3  }
0x9d: {  	[timem:s7], [sflag:s22] =	dma.local [hbm:s5], s20  }
0x9e: {  	_ =	swait.ge [sflag:s22], s20  }
0x9f: {  	s4 =	ssub.s32 $0x0, s20;
	[sflag:s22] =	ssyncset.done $0x0  }
0xa0: {  	[sflag:s22] =	ssyncadd.s32 s4;
	_ =	sdelay $0x1  }
0xa1: {  	s23 =	simm.s32 $0x1B8B  }
0xa2: {  	_ =	swait.ge [sflag:s23], $0x1  }
0xa3: {  	[sflag:s23] =	ssyncset.done $0x0  }
0xa4: {  	s25 =	simm.s32 $0x1B8E;
	s24 =	sld [smem:$0x3FFE];
	[sflag:s23] =	ssyncadd.s32 $0xFFFFFFFF  }
0xa5: {  	s26 =	simm.s32 $execute0_lowered;
	[smem:$0x3FD2] =	sst s25  }
0xa6: {  	s5 =	sshll.u32 s26, $0x1;
	_ =	strace $0x80000046;
	[dreg:$0x1] =	wrdreg $0xFFFFFFFF  }
0xa7: {  	s28 =	simm.s32 $_size_execute0_lowered;
	s3 =	sadd.s32 s3, s5;
	[dreg:$0x0] =	wrdreg $0x0  }
0xa8: {  	s5 =	sshll.u32 s28, $0x1;
	[dreg:$0x2] =	wrdreg s3  }
0xa9: {  	[dreg:$0x3] =	wrdreg s5  }
0xaa: {  	[dreg:$0x4] =	wrdreg $0xC0  }
0xab: {  	_ =	task [dreg:s7], $0x5FFFF  }
0xac: {  	[dreg:$0x1] =	wrdreg $0xFFFFFFFF  }
0xad: {  	[dreg:$0x0] =	wrdreg $0x60  }
0xae: {  	[dreg:$0x2] =	wrdreg s24  }
0xaf: {  	[dreg:$0x3] =	wrdreg s2  }
0xb0: {  	[dreg:$0x4] =	wrdreg $0x9  }
0xb1: {  	_ =	task.clear_ibuf [dreg:s7], $0x5FFFF;
	_ =	strace $0x90000046  }
0xb2: {  	s29 =	simm.s32 $0x9;
	_ =	strace $0x80000048  }
0xb3: {  	_ =	swait.ge [sflag:s29], $0x1  }
0xb4: {  	[sflag:s29] =	ssyncadd.s32 $0xFFFFFFFF  }
0xb5: {  	_ =	strace $0x90000048  }
0xb6: {  	_ =	sfence  }
0xb7: {  	s30 =	sld [smem:$0x0];
	_ =	sdelay $0x2  }
0xb8: {  	s31 =	sshll.u32 s1, $0xD;
	s1 =	sshrl.u32 s1, $0x2  }
0xb9: {  	s3 =	sand.u32 $0x4000, s31;
	s1 =	sadd.s32 s1, s30  }
0xba: {  	s0 =	sor.u32 s3, s0;
	s1 =	sshll.u32 s1, $0x11  }
0xbb: {  	s0 =	sor.u32 s1, s0  }
0xbc: {  	s0 =	sadd.s32 $0x8F2B, s0  }
0xbd: {  	[sflag:s0] =	ssyncadd.remote.s32 $0x1  }
0xbe: {  	_ =	sfence.sel $0xFFFF  }
0xbf: {  	[dreg:$0x0] =	wrdreg $0xFFFFFFFF;
	(pc) =	sbr.abs _section_cstart, $3  }
0xc0: {  	[dreg:$0x1] =	wrdreg $0xFFFFFFFF  }
0xc1: {  	_ =	task.clear_ibuf [dreg:s7], $0x2FFFF;
	_ =	strace $0x9FFFFFFF  }
0xc2: {  	(tm) =	ssettm $0x7FFFFFFF  }
0xc3: {  	_ =	shalt  }
tec
execute0_lowered:
.L_overlay_start_1:
0x0: {  	(tag) =	ssettag $0x1  }
0x1: {  	s0 =	rddreg [dreg:$0x0]  }
0x2: {  	s23 =	rddreg [dreg:$0x1];
	s3 =	simm.s32 $0x0;
	s1 =	srdreg.scid  }
0x3: {  	s11 =	stileid.u32;
	s13 =	simm.s32 $0x4;
	s15 =	simm.s32 $0x200  }
0x4: {  	s28 =	simm.s32 $0x2A00;
	s29 =	simm.s32 $0x3200;
	s17 =	simm.s32 $0x8200  }
0x5: {  	s16 =	simm.s32 $0x9200;
	s30 =	simm.s32 $0x9A00;
	s31 =	simm.s32 $0xA200  }
0x6: {  	s14 =	simm.s32 $0x1;
	s18 =	simm.s32 $0x2;
	s19 =	simm.s32 $0x3  }
0x7: {  	[smem:$0x7FF] =	sst s3;
	s4 =	sadd.s32 $0x3C00, s0;
	s1 =	sand.u32 $0x1, s1  }
0x8: {  	s2 =	sshll.u32 s11, $0x1;
	s5 =	sadd.s32 $0x56E00, s0;
	s20 =	smul.u32 $0x4E200, s11  }
0x9: {  	s6 =	sadd.s32 $0x51E00, s0;
	s7 =	sadd.s32 $0xA5000, s0;
	s11 =	smul.u32 $0x2710, s11  }
0xa: {  	s0 =	sadd.s32 $0x587000, s0;
	_ =	strace $0x80000047;
	s21 =	smul.u32 $0x27100, s1  }
0xb: {  	s2 =	sor.u32 s1, s2;
	s8 =	ssub.s32 $0x2, s1;
	s1 =	smul.u32 $0x1388, s1  }
0xc: {  	[dreg:$0xb] =	wrdreg s6;
	s9 =	smul.u32 $0x1388, s2;
	s10 =	sshrl.u32 s8, $0x1  }
0xd: {  	s2 =	smul.u32 $0x27100, s2;
	s8 =	ssub.s32 s8, s10;
	s10 =	sadd.s32 s20, s0  }
0xe: {  	s26 =	sadd.s32 s1, s11;
	s11 =	simm.s32 $0x6A00;
	s1 =	simm.s32 $0x7A00  }
0xf: {  	s9 =	sshrl.u32 s9, $0x3;
	s22 =	sadd.s32 s7, s2;
	s7 =	sadd.s32 s20, s7  }
0x10: {  	s0 =	sadd.s32 s0, s2;
	s24 =	sadd.s32 s21, s10;
	[dreg:$0x7] =	wrdreg s22  }
0x11: {  	s25 =	smax.u32 s8, $0x1;
	s2 =	simm.s32 $0x4200;
	[dreg:$0x8] =	wrdreg s0  }
0x12: {  	s8 =	simm.s32 $0x5200;
	s10 =	simm.s32 $0x6200;
	[dreg:$0x9] =	wrdreg s25  }
0x13: {  	s20 =	simm.s32 $0x0;
	s12 =	sadd.s32 s23, s9;
	[dreg:$0x4] =	wrdreg s24  }
0x14: {  	s9 =	sadd.s32 s6, s9;
	s7 =	sadd.s32 s21, s7;
	[dreg:$0xc] =	wrdreg s20  }
0x15: {  	s0 =	sadd.s32 $0xC8, s26;
	s24 =	simm.s32 $0x100;
	[dreg:$0x5] =	wrdreg s12  }
0x16: {  	s21 =	simm.s32 $0xA00;
	s22 =	simm.s32 $0x1200;
	[dreg:$0x6] =	wrdreg s9  }
0x17: {  	v2 =	vlaneseq.u32;
	s25 =	simm.s32 $0x1A00;
	s26 =	simm.s32 $0x2200;
	[dreg:$0x3] =	wrdreg s7  }
0x18: {  	vm0 =	vmmov $0xffff;
	v1 =	vshrl.u32 v2, $0x3;
	s6 =	simm.s32 $0x8A00;
	[dreg:$0xa] =	wrdreg s0;
	s0 =	simm.s32 $0x3A00  }
0x19: {  	v0 =	vand.u32 $0x7, v2;
	v2 =	vor.u32 $0x8, v2;
	v1 =	vmul.u32 $0x8, v1;
	s7 =	simm.s32 $0x4A00;
	s9 =	simm.s32 $0x5A00;
	s12 =	simm.s32 $0x7200  }
.LBB2_1:
0x1a: {  	s20 =	rddreg [dreg:$0x5]  }
0x1b: {  	[tilespmem:s3], [sflag:$0x4] =	stream.linear.gather [hbm4b:s20+s3], $0xC8, $0x38;
	[tilespmem:$0x19200] =	vst v63  }
0x1c: {  	_ =	swait.ge [sflag:s13], $0xC8  }
0x1d: {  	[sflag:s13] =	ssyncset.done $0x0  }
0x1e: {  	s20 =	rddreg [dreg:$0x6];
	[sflag:s13] =	ssyncadd.s32 $0xFFFFFF38  }
0x1f: {  	[tilespmem:s24], [sflag:$0x4] =	stream.linear.gather [hbm4b:s20+s3], $0xC8, $0x38;
	[tilespmem:$0x19200] =	vst v63  }
0x20: {  	_ =	swait.ge [sflag:s13], $0xC8  }
0x21: {  	[sflag:s13] =	ssyncset.done $0x0  }
0x22: {  	[sflag:s13] =	ssyncadd.s32 $0xFFFFFF38  }
0x23: {  	v3 =	vld [tilespmem:$0x0];
	_ =	sdelay $0x4  }
0x24: {  	v4 =	vshll.u32 v3, $0x1  }
0x25: {  	v3 =	vand.u32 $0x7, v3;
	v4 =	vand.u32 $0xFFFFFFF0, v4  }
0x26: {  	v3 =	vor.u32 v3, v4  }
0x27: {  	v4 =	vperm.xlane v3, v0;
	_ =	sdelay $0x1  }
0x28: {  	v3 =	vperm.xlane v3, v2;
	v4 =	vadd.s32 v1, v4;
	_ =	sdelay $0x1  }
0x29: {  	v3 =	vadd.s32 v1, v3;
	_ =	sdelay $0x2  }
0x2a: {  	[tilespmem:s15], [sflag:$0x1] =	stream.indirect_vreg.gather [hbm4b:s4+s3], $0x80, v4, vm0, $0xb8;
	[tilespmem:$0x19200] =	vst v63  }
0x2b: {  	_ = 	snop  }
0x2c: {  	[tilespmem:s21], [sflag:$0x1] =	stream.indirect_vreg.gather [hbm4b:s4+s3], $0x80, v3, vm0, $0xb8;
	[tilespmem:$0x19200] =	vst v63  }
0x2d: {  	v3 =	vld [tilespmem:$0x10];
	_ =	sdelay $0x4  }
0x2e: {  	v39 =	vshll.u32 v3, $0x1  }
0x2f: {  	v3 =	vand.u32 $0x7, v3;
	v4 =	vand.u32 $0xFFFFFFF0, v39  }
0x30: {  	v3 =	vor.u32 v3, v4  }
0x31: {  	v4 =	vperm.xlane v3, v0;
	_ =	sdelay $0x1  }
0x32: {  	v3 =	vperm.xlane v3, v2;
	v4 =	vadd.s32 v1, v4;
	_ =	sdelay $0x1  }
0x33: {  	v3 =	vadd.s32 v1, v3;
	_ =	sdelay $0x2  }
0x34: {  	[tilespmem:s22], [sflag:$0x1] =	stream.indirect_vreg.gather [hbm4b:s4+s3], $0x80, v4, vm0, $0xb8;
	[tilespmem:$0x19200] =	vst v63  }
0x35: {  	_ = 	snop  }
0x36: {  	[tilespmem:s25], [sflag:$0x1] =	stream.indirect_vreg.gather [hbm4b:s4+s3], $0x80, v3, vm0, $0xb8;
	[tilespmem:$0x19200] =	vst v63  }
0x37: {  	v3 =	vld [tilespmem:$0x20];
	_ =	sdelay $0x4  }
0x38: {  	v40 =	vshll.u32 v3, $0x1  }
0x39: {  	v3 =	vand.u32 $0x7, v3;
	v4 =	vand.u32 $0xFFFFFFF0, v40  }
0x3a: {  	v3 =	vor.u32 v3, v4  }
0x3b: {  	v4 =	vperm.xlane v3, v0;
	_ =	sdelay $0x1  }
0x3c: {  	v3 =	vperm.xlane v3, v2;
	v4 =	vadd.s32 v1, v4;
	_ =	sdelay $0x1  }
0x3d: {  	v3 =	vadd.s32 v1, v3;
	_ =	sdelay $0x2  }
0x3e: {  	[tilespmem:s26], [sflag:$0x1] =	stream.indirect_vreg.gather [hbm4b:s4+s3], $0x80, v4, vm0, $0xb8;
	[tilespmem:$0x19200] =	vst v63  }
0x3f: {  	_ = 	snop  }
0x40: {  	[tilespmem:s28], [sflag:$0x1] =	stream.indirect_vreg.gather [hbm4b:s4+s3], $0x80, v3, vm0, $0xb8;
	[tilespmem:$0x19200] =	vst v63  }
0x41: {  	v3 =	vld [tilespmem:$0x30];
	_ =	sdelay $0x4  }
0x42: {  	v41 =	vshll.u32 v3, $0x1  }
0x43: {  	v3 =	vand.u32 $0x7, v3;
	v4 =	vand.u32 $0xFFFFFFF0, v41  }
0x44: {  	v3 =	vor.u32 v3, v4  }
0x45: {  	v4 =	vperm.xlane v3, v0;
	_ =	sdelay $0x1  }
0x46: {  	v3 =	vperm.xlane v3, v2;
	v4 =	vadd.s32 v1, v4;
	_ =	sdelay $0x1  }
0x47: {  	v3 =	vadd.s32 v1, v3;
	_ =	sdelay $0x2  }
0x48: {  	[tilespmem:s29], [sflag:$0x1] =	stream.indirect_vreg.gather [hbm4b:s4+s3], $0x80, v4, vm0, $0xb8;
	[tilespmem:$0x19200] =	vst v63  }
0x49: {  	_ = 	snop  }
0x4a: {  	[tilespmem:s0], [sflag:$0x1] =	stream.indirect_vreg.gather [hbm4b:s4+s3], $0x80, v3, vm0, $0xb8;
	[tilespmem:$0x19200] =	vst v63  }
0x4b: {  	v3 =	vld [tilespmem:$0x40];
	_ =	sdelay $0x4  }
0x4c: {  	v42 =	vshll.u32 v3, $0x1  }
0x4d: {  	v3 =	vand.u32 $0x7, v3;
	v4 =	vand.u32 $0xFFFFFFF0, v42  }
0x4e: {  	v3 =	vor.u32 v3, v4  }
0x4f: {  	v4 =	vperm.xlane v3, v0;
	_ =	sdelay $0x1  }
0x50: {  	v3 =	vperm.xlane v3, v2;
	v4 =	vadd.s32 v1, v4;
	_ =	sdelay $0x1  }
0x51: {  	v3 =	vadd.s32 v1, v3;
	_ =	sdelay $0x2  }
0x52: {  	[tilespmem:s2], [sflag:$0x1] =	stream.indirect_vreg.gather [hbm4b:s4+s3], $0x80, v4, vm0, $0xb8;
	[tilespmem:$0x19200] =	vst v63  }
0x53: {  	_ = 	snop  }
0x54: {  	[tilespmem:s7], [sflag:$0x1] =	stream.indirect_vreg.gather [hbm4b:s4+s3], $0x80, v3, vm0, $0xb8;
	[tilespmem:$0x19200] =	vst v63  }
0x55: {  	v3 =	vld [tilespmem:$0x50];
	_ =	sdelay $0x4  }
0x56: {  	v43 =	vshll.u32 v3, $0x1  }
0x57: {  	v3 =	vand.u32 $0x7, v3;
	v4 =	vand.u32 $0xFFFFFFF0, v43  }
0x58: {  	v3 =	vor.u32 v3, v4  }
0x59: {  	v4 =	vperm.xlane v3, v0;
	_ =	sdelay $0x1  }
0x5a: {  	v3 =	vperm.xlane v3, v2;
	v4 =	vadd.s32 v1, v4;
	_ =	sdelay $0x1  }
0x5b: {  	v3 =	vadd.s32 v1, v3;
	_ =	sdelay $0x2  }
0x5c: {  	[tilespmem:s8], [sflag:$0x1] =	stream.indirect_vreg.gather [hbm4b:s4+s3], $0x80, v4, vm0, $0xb8;
	[tilespmem:$0x19200] =	vst v63  }
0x5d: {  	_ = 	snop  }
0x5e: {  	[tilespmem:s9], [sflag:$0x1] =	stream.indirect_vreg.gather [hbm4b:s4+s3], $0x80, v3, vm0, $0xb8;
	[tilespmem:$0x19200] =	vst v63  }
0x5f: {  	v3 =	vld [tilespmem:$0x60];
	_ =	sdelay $0x4  }
0x60: {  	v44 =	vshll.u32 v3, $0x1  }
0x61: {  	v3 =	vand.u32 $0x7, v3;
	v4 =	vand.u32 $0xFFFFFFF0, v44  }
0x62: {  	v3 =	vor.u32 v3, v4  }
0x63: {  	v4 =	vperm.xlane v3, v0;
	_ =	sdelay $0x1  }
0x64: {  	v3 =	vperm.xlane v3, v2;
	v4 =	vadd.s32 v1, v4;
	_ =	sdelay $0x1  }
0x65: {  	v3 =	vadd.s32 v1, v3;
	_ =	sdelay $0x2  }
0x66: {  	[tilespmem:s10], [sflag:$0x1] =	stream.indirect_vreg.gather [hbm4b:s4+s3], $0x80, v4, vm0, $0xb8;
	[tilespmem:$0x19200] =	vst v63  }
0x67: {  	_ = 	snop  }
0x68: {  	[tilespmem:s11], [sflag:$0x1] =	stream.indirect_vreg.gather [hbm4b:s4+s3], $0x80, v3, vm0, $0xb8;
	[tilespmem:$0x19200] =	vst v63  }
0x69: {  	v3 =	vld [tilespmem:$0x70];
	_ =	sdelay $0x4  }
0x6a: {  	v45 =	vshll.u32 v3, $0x1  }
0x6b: {  	v3 =	vand.u32 $0x7, v3;
	v4 =	vand.u32 $0xFFFFFFF0, v45  }
0x6c: {  	v3 =	vor.u32 v3, v4  }
0x6d: {  	v4 =	vperm.xlane v3, v0;
	_ =	sdelay $0x1  }
0x6e: {  	v3 =	vperm.xlane v3, v2;
	v4 =	vadd.s32 v1, v4;
	_ =	sdelay $0x1  }
0x6f: {  	v3 =	vadd.s32 v1, v3;
	_ =	sdelay $0x2  }
0x70: {  	[tilespmem:s12], [sflag:$0x1] =	stream.indirect_vreg.gather [hbm4b:s4+s3], $0x80, v4, vm0, $0xb8;
	[tilespmem:$0x19200] =	vst v63  }
0x71: {  	_ = 	snop  }
0x72: {  	[tilespmem:s1], [sflag:$0x1] =	stream.indirect_vreg.gather [hbm4b:s4+s3], $0x80, v3, vm0, $0xb8;
	[tilespmem:$0x19200] =	vst v63  }
0x73: {  	v3 =	vld [tilespmem:$0x80];
	_ =	sdelay $0x4  }
0x74: {  	v46 =	vshll.u32 v3, $0x1  }
0x75: {  	v3 =	vand.u32 $0x7, v3;
	v4 =	vand.u32 $0xFFFFFFF0, v46  }
0x76: {  	v3 =	vor.u32 v3, v4  }
0x77: {  	v4 =	vperm.xlane v3, v0;
	_ =	sdelay $0x1  }
0x78: {  	v3 =	vperm.xlane v3, v2;
	v4 =	vadd.s32 v1, v4;
	_ =	sdelay $0x1  }
0x79: {  	v3 =	vadd.s32 v1, v3;
	_ =	sdelay $0x2  }
0x7a: {  	[tilespmem:s17], [sflag:$0x1] =	stream.indirect_vreg.gather [hbm4b:s4+s3], $0x80, v4, vm0, $0xb8;
	[tilespmem:$0x19200] =	vst v63  }
0x7b: {  	_ = 	snop  }
0x7c: {  	[tilespmem:s6], [sflag:$0x1] =	stream.indirect_vreg.gather [hbm4b:s4+s3], $0x80, v3, vm0, $0xb8;
	[tilespmem:$0x19200] =	vst v63  }
0x7d: {  	v3 =	vld [tilespmem:$0x90];
	_ =	sdelay $0x4  }
0x7e: {  	v47 =	vshll.u32 v3, $0x1  }
0x7f: {  	v3 =	vand.u32 $0x7, v3;
	v4 =	vand.u32 $0xFFFFFFF0, v47  }
0x80: {  	v3 =	vor.u32 v3, v4  }
0x81: {  	v4 =	vperm.xlane v3, v0;
	_ =	sdelay $0x1  }
0x82: {  	v3 =	vperm.xlane v3, v2;
	v4 =	vadd.s32 v1, v4;
	_ =	sdelay $0x1  }
0x83: {  	v3 =	vadd.s32 v1, v3;
	_ =	sdelay $0x2  }
0x84: {  	[tilespmem:s16], [sflag:$0x1] =	stream.indirect_vreg.gather [hbm4b:s4+s3], $0x80, v4, vm0, $0xb8;
	[tilespmem:$0x19200] =	vst v63  }
0x85: {  	_ = 	snop  }
0x86: {  	[tilespmem:s30], [sflag:$0x1] =	stream.indirect_vreg.gather [hbm4b:s4+s3], $0x80, v3, vm0, $0xb8;
	[tilespmem:$0x19200] =	vst v63  }
0x87: {  	v3 =	vld [tilespmem:$0xA0];
	_ =	sdelay $0x4  }
0x88: {  	v48 =	vshll.u32 v3, $0x1  }
0x89: {  	v3 =	vand.u32 $0x7, v3;
	v4 =	vand.u32 $0xFFFFFFF0, v48  }
0x8a: {  	v3 =	vor.u32 v3, v4  }
0x8b: {  	v4 =	vperm.xlane v3, v0;
	_ =	sdelay $0x1  }
0x8c: {  	v3 =	vperm.xlane v3, v2;
	v4 =	vadd.s32 v1, v4;
	_ =	sdelay $0x1  }
0x8d: {  	v3 =	vadd.s32 v1, v3;
	_ =	sdelay $0x2  }
0x8e: {  	[tilespmem:s31], [sflag:$0x1] =	stream.indirect_vreg.gather [hbm4b:s4+s3], $0x80, v4, vm0, $0xb8;
	[tilespmem:$0x19200] =	vst v63  }
0x8f: {  	s9 =	simm.s32 $0xAA00  }
0x90: {  	[tilespmem:s9], [sflag:$0x1] =	stream.indirect_vreg.gather [hbm4b:s4+s3], $0x80, v3, vm0, $0xb8;
	[tilespmem:$0x19200] =	vst v63  }
0x91: {  	v3 =	vld [tilespmem:$0xB0];
	_ =	sdelay $0x4  }
0x92: {  	v49 =	vshll.u32 v3, $0x1  }
0x93: {  	v3 =	vand.u32 $0x7, v3;
	v4 =	vand.u32 $0xFFFFFFF0, v49  }
0x94: {  	v3 =	vor.u32 v3, v4  }
0x95: {  	v4 =	vperm.xlane v3, v0;
	_ =	sdelay $0x1  }
0x96: {  	v3 =	vperm.xlane v3, v2;
	v4 =	vadd.s32 v1, v4;
	_ =	sdelay $0x1  }
0x97: {  	v3 =	vadd.s32 v1, v3;
	_ =	sdelay $0x1  }
0x98: {  	s10 =	simm.s32 $0xB200  }
0x99: {  	[tilespmem:s10], [sflag:$0x1] =	stream.indirect_vreg.gather [hbm4b:s4+s3], $0x80, v4, vm0, $0xb8;
	[tilespmem:$0x19200] =	vst v63  }
0x9a: {  	s11 =	simm.s32 $0xBA00  }
0x9b: {  	[tilespmem:s11], [sflag:$0x1] =	stream.indirect_vreg.gather [hbm4b:s4+s3], $0x80, v3, vm0, $0xb8;
	[tilespmem:$0x19200] =	vst v63  }
0x9c: {  	v3 =	vld.msk [tilespmem:$0xC0], $0xff;
	_ =	sdelay $0x4  }
0x9d: {  	v50 =	vshll.u32 v3, $0x1  }
0x9e: {  	v3 =	vand.u32 $0x7, v3;
	v4 =	vand.u32 $0xFFFFFFF0, v50  }
0x9f: {  	v3 =	vor.u32 v3, v4  }
0xa0: {  	v3 =	vperm.xlane v3, v0;
	_ =	sdelay $0x1  }
0xa1: {  	v3 =	vadd.s32 v1, v3;
	_ =	sdelay $0x3  }
0xa2: {  	s12 =	simm.s32 $0xC200  }
0xa3: {  	[tilespmem:s12], [sflag:$0x1] =	stream.indirect_vreg.gather [hbm4b:s4+s3], $0x80, v3, vm0, $0xb8;
	[tilespmem:$0x19200] =	vst v63  }
0xa4: {  	_ =	swait.ge [sflag:s14], $0xC800  }
0xa5: {  	[sflag:s14] =	ssyncset.done $0x0  }
0xa6: {  	[sflag:s14] =	ssyncadd.s32 $0xFFFF3800  }
0xa7: {  	v3 =	vld [tilespmem:$0x100];
	_ =	sdelay $0x4  }
0xa8: {  	v51 =	vshll.u32 v3, $0x1  }
0xa9: {  	v3 =	vand.u32 $0x7, v3;
	v4 =	vand.u32 $0xFFFFFFF0, v51  }
0xaa: {  	v3 =	vor.u32 v3, v4  }
0xab: {  	v4 =	vperm.xlane v3, v0;
	_ =	sdelay $0x1  }
0xac: {  	v3 =	vperm.xlane v3, v2;
	v4 =	vadd.s32 v1, v4;
	_ =	sdelay $0x1  }
0xad: {  	v3 =	vadd.s32 v1, v3;
	_ =	sdelay $0x1  }
0xae: {  	s30 =	simm.s32 $0xCA00  }
0xaf: {  	[tilespmem:s30], [sflag:$0x1] =	stream.indirect_vreg.gather [hbm4b:s5+s3], $0x80, v4, vm0, $0xb8;
	[tilespmem:$0x19200] =	vst v63  }
0xb0: {  	s16 =	simm.s32 $0xD200  }
0xb1: {  	[tilespmem:s16], [sflag:$0x1] =	stream.indirect_vreg.gather [hbm4b:s5+s3], $0x80, v3, vm0, $0xb8;
	[tilespmem:$0x19200] =	vst v63  }
0xb2: {  	v3 =	vld [tilespmem:$0x110];
	_ =	sdelay $0x4  }
0xb3: {  	v52 =	vshll.u32 v3, $0x1  }
0xb4: {  	v3 =	vand.u32 $0x7, v3;
	v4 =	vand.u32 $0xFFFFFFF0, v52  }
0xb5: {  	v3 =	vor.u32 v3, v4  }
0xb6: {  	v4 =	vperm.xlane v3, v0;
	_ =	sdelay $0x1  }
0xb7: {  	v3 =	vperm.xlane v3, v2;
	v4 =	vadd.s32 v1, v4;
	_ =	sdelay $0x1  }
0xb8: {  	v3 =	vadd.s32 v1, v3;
	_ =	sdelay $0x1  }
0xb9: {  	s17 =	simm.s32 $0xDA00  }
0xba: {  	[tilespmem:s17], [sflag:$0x1] =	stream.indirect_vreg.gather [hbm4b:s5+s3], $0x80, v4, vm0, $0xb8;
	[tilespmem:$0x19200] =	vst v63  }
0xbb: {  	s20 =	simm.s32 $0xE200  }
0xbc: {  	[tilespmem:s20], [sflag:$0x1] =	stream.indirect_vreg.gather [hbm4b:s5+s3], $0x80, v3, vm0, $0xb8;
	[tilespmem:$0x19200] =	vst v63  }
0xbd: {  	v3 =	vld [tilespmem:$0x120];
	_ =	sdelay $0x4  }
0xbe: {  	v53 =	vshll.u32 v3, $0x1  }
0xbf: {  	v3 =	vand.u32 $0x7, v3;
	v4 =	vand.u32 $0xFFFFFFF0, v53  }
0xc0: {  	v3 =	vor.u32 v3, v4  }
0xc1: {  	v4 =	vperm.xlane v3, v0;
	_ =	sdelay $0x1  }
0xc2: {  	v3 =	vperm.xlane v3, v2;
	v4 =	vadd.s32 v1, v4;
	_ =	sdelay $0x1  }
0xc3: {  	v3 =	vadd.s32 v1, v3;
	_ =	sdelay $0x1  }
0xc4: {  	s21 =	simm.s32 $0xEA00  }
0xc5: {  	[tilespmem:s21], [sflag:$0x1] =	stream.indirect_vreg.gather [hbm4b:s5+s3], $0x80, v4, vm0, $0xb8;
	[tilespmem:$0x19200] =	vst v63  }
0xc6: {  	s22 =	simm.s32 $0xF200  }
0xc7: {  	[tilespmem:s22], [sflag:$0x1] =	stream.indirect_vreg.gather [hbm4b:s5+s3], $0x80, v3, vm0, $0xb8;
	[tilespmem:$0x19200] =	vst v63  }
0xc8: {  	v3 =	vld [tilespmem:$0x130];
	_ =	sdelay $0x4  }
0xc9: {  	v54 =	vshll.u32 v3, $0x1  }
0xca: {  	v3 =	vand.u32 $0x7, v3;
	v4 =	vand.u32 $0xFFFFFFF0, v54  }
0xcb: {  	v3 =	vor.u32 v3, v4  }
0xcc: {  	v4 =	vperm.xlane v3, v0;
	_ =	sdelay $0x1  }
0xcd: {  	v3 =	vperm.xlane v3, v2;
	v4 =	vadd.s32 v1, v4;
	_ =	sdelay $0x1  }
0xce: {  	v3 =	vadd.s32 v1, v3;
	_ =	sdelay $0x1  }
0xcf: {  	s24 =	simm.s32 $0xFA00  }
0xd0: {  	[tilespmem:s24], [sflag:$0x1] =	stream.indirect_vreg.gather [hbm4b:s5+s3], $0x80, v4, vm0, $0xb8;
	[tilespmem:$0x19200] =	vst v63  }
0xd1: {  	s25 =	simm.s32 $0x10200  }
0xd2: {  	[tilespmem:s25], [sflag:$0x1] =	stream.indirect_vreg.gather [hbm4b:s5+s3], $0x80, v3, vm0, $0xb8;
	[tilespmem:$0x19200] =	vst v63  }
0xd3: {  	v3 =	vld [tilespmem:$0x140];
	_ =	sdelay $0x4  }
0xd4: {  	v55 =	vshll.u32 v3, $0x1  }
0xd5: {  	v3 =	vand.u32 $0x7, v3;
	v4 =	vand.u32 $0xFFFFFFF0, v55  }
0xd6: {  	v3 =	vor.u32 v3, v4  }
0xd7: {  	v4 =	vperm.xlane v3, v0;
	_ =	sdelay $0x1  }
0xd8: {  	v3 =	vperm.xlane v3, v2;
	v4 =	vadd.s32 v1, v4;
	_ =	sdelay $0x1  }
0xd9: {  	v3 =	vadd.s32 v1, v3;
	_ =	sdelay $0x1  }
0xda: {  	s26 =	simm.s32 $0x10A00  }
0xdb: {  	[tilespmem:s26], [sflag:$0x1] =	stream.indirect_vreg.gather [hbm4b:s5+s3], $0x80, v4, vm0, $0xb8;
	[tilespmem:$0x19200] =	vst v63  }
0xdc: {  	s1 =	simm.s32 $0x11200  }
0xdd: {  	[tilespmem:s1], [sflag:$0x1] =	stream.indirect_vreg.gather [hbm4b:s5+s3], $0x80, v3, vm0, $0xb8;
	[tilespmem:$0x19200] =	vst v63  }
0xde: {  	v3 =	vld [tilespmem:$0x150];
	_ =	sdelay $0x4  }
0xdf: {  	v56 =	vshll.u32 v3, $0x1  }
0xe0: {  	v3 =	vand.u32 $0x7, v3;
	v4 =	vand.u32 $0xFFFFFFF0, v56  }
0xe1: {  	v3 =	vor.u32 v3, v4  }
0xe2: {  	v4 =	vperm.xlane v3, v0;
	_ =	sdelay $0x1  }
0xe3: {  	v3 =	vperm.xlane v3, v2;
	v4 =	vadd.s32 v1, v4;
	_ =	sdelay $0x1  }
0xe4: {  	v3 =	vadd.s32 v1, v3;
	_ =	sdelay $0x1  }
0xe5: {  	s2 =	simm.s32 $0x11A00  }
0xe6: {  	[tilespmem:s2], [sflag:$0x1] =	stream.indirect_vreg.gather [hbm4b:s5+s3], $0x80, v4, vm0, $0xb8;
	[tilespmem:$0x19200] =	vst v63  }
0xe7: {  	s6 =	simm.s32 $0x12200  }
0xe8: {  	[tilespmem:s6], [sflag:$0x1] =	stream.indirect_vreg.gather [hbm4b:s5+s3], $0x80, v3, vm0, $0xb8;
	[tilespmem:$0x19200] =	vst v63  }
0xe9: {  	v3 =	vld [tilespmem:$0x160];
	_ =	sdelay $0x4  }
0xea: {  	v57 =	vshll.u32 v3, $0x1  }
0xeb: {  	v3 =	vand.u32 $0x7, v3;
	v4 =	vand.u32 $0xFFFFFFF0, v57  }
0xec: {  	v3 =	vor.u32 v3, v4  }
0xed: {  	v4 =	vperm.xlane v3, v0;
	_ =	sdelay $0x1  }
0xee: {  	v3 =	vperm.xlane v3, v2;
	v4 =	vadd.s32 v1, v4;
	_ =	sdelay $0x1  }
0xef: {  	v3 =	vadd.s32 v1, v3;
	_ =	sdelay $0x1  }
0xf0: {  	s7 =	simm.s32 $0x12A00  }
0xf1: {  	[tilespmem:s7], [sflag:$0x1] =	stream.indirect_vreg.gather [hbm4b:s5+s3], $0x80, v4, vm0, $0xb8;
	[tilespmem:$0x19200] =	vst v63  }
0xf2: {  	s8 =	simm.s32 $0x13200  }
0xf3: {  	[tilespmem:s8], [sflag:$0x1] =	stream.indirect_vreg.gather [hbm4b:s5+s3], $0x80, v3, vm0, $0xb8;
	[tilespmem:$0x19200] =	vst v63  }
0xf4: {  	v3 =	vld [tilespmem:$0x170];
	_ =	sdelay $0x4  }
0xf5: {  	v58 =	vshll.u32 v3, $0x1  }
0xf6: {  	v3 =	vand.u32 $0x7, v3;
	v4 =	vand.u32 $0xFFFFFFF0, v58  }
0xf7: {  	v3 =	vor.u32 v3, v4  }
0xf8: {  	v4 =	vperm.xlane v3, v0;
	_ =	sdelay $0x1  }
0xf9: {  	v3 =	vperm.xlane v3, v2;
	v4 =	vadd.s32 v1, v4;
	_ =	sdelay $0x1  }
0xfa: {  	v3 =	vadd.s32 v1, v3;
	_ =	sdelay $0x1  }
0xfb: {  	s9 =	simm.s32 $0x13A00  }
0xfc: {  	[tilespmem:s9], [sflag:$0x1] =	stream.indirect_vreg.gather [hbm4b:s5+s3], $0x80, v4, vm0, $0xb8;
	[tilespmem:$0x19200] =	vst v63  }
0xfd: {  	s10 =	simm.s32 $0x14200  }
0xfe: {  	[tilespmem:s10], [sflag:$0x1] =	stream.indirect_vreg.gather [hbm4b:s5+s3], $0x80, v3, vm0, $0xb8;
	[tilespmem:$0x19200] =	vst v63  }
0xff: {  	v3 =	vld [tilespmem:$0x180];
	_ =	sdelay $0x4  }
0x100: {  	v59 =	vshll.u32 v3, $0x1  }
0x101: {  	v3 =	vand.u32 $0x7, v3;
	v4 =	vand.u32 $0xFFFFFFF0, v59  }
0x102: {  	v3 =	vor.u32 v3, v4  }
0x103: {  	v4 =	vperm.xlane v3, v0;
	_ =	sdelay $0x1  }
0x104: {  	v3 =	vperm.xlane v3, v2;
	v4 =	vadd.s32 v1, v4;
	_ =	sdelay $0x1  }
0x105: {  	v3 =	vadd.s32 v1, v3;
	_ =	sdelay $0x1  }
0x106: {  	s11 =	simm.s32 $0x14A00  }
0x107: {  	[tilespmem:s11], [sflag:$0x1] =	stream.indirect_vreg.gather [hbm4b:s5+s3], $0x80, v4, vm0, $0xb8;
	[tilespmem:$0x19200] =	vst v63  }
0x108: {  	s12 =	simm.s32 $0x15200  }
0x109: {  	[tilespmem:s12], [sflag:$0x1] =	stream.indirect_vreg.gather [hbm4b:s5+s3], $0x80, v3, vm0, $0xb8;
	[tilespmem:$0x19200] =	vst v63  }
0x10a: {  	v3 =	vld [tilespmem:$0x190];
	_ =	sdelay $0x4  }
0x10b: {  	v60 =	vshll.u32 v3, $0x1  }
0x10c: {  	v3 =	vand.u32 $0x7, v3;
	v4 =	vand.u32 $0xFFFFFFF0, v60  }
0x10d: {  	v3 =	vor.u32 v3, v4  }
0x10e: {  	v4 =	vperm.xlane v3, v0;
	_ =	sdelay $0x1  }
0x10f: {  	v3 =	vperm.xlane v3, v2;
	v4 =	vadd.s32 v1, v4;
	_ =	sdelay $0x1  }
0x110: {  	v3 =	vadd.s32 v1, v3;
	_ =	sdelay $0x1  }
0x111: {  	s16 =	simm.s32 $0x15A00  }
0x112: {  	[tilespmem:s16], [sflag:$0x1] =	stream.indirect_vreg.gather [hbm4b:s5+s3], $0x80, v4, vm0, $0xb8;
	[tilespmem:$0x19200] =	vst v63  }
0x113: {  	s17 =	simm.s32 $0x16200  }
0x114: {  	[tilespmem:s17], [sflag:$0x1] =	stream.indirect_vreg.gather [hbm4b:s5+s3], $0x80, v3, vm0, $0xb8;
	[tilespmem:$0x19200] =	vst v63  }
0x115: {  	v3 =	vld [tilespmem:$0x1A0];
	_ =	sdelay $0x4  }
0x116: {  	v61 =	vshll.u32 v3, $0x1  }
0x117: {  	v3 =	vand.u32 $0x7, v3;
	v4 =	vand.u32 $0xFFFFFFF0, v61  }
0x118: {  	v3 =	vor.u32 v3, v4  }
0x119: {  	v4 =	vperm.xlane v3, v0;
	_ =	sdelay $0x1  }
0x11a: {  	v3 =	vperm.xlane v3, v2;
	v4 =	vadd.s32 v1, v4;
	_ =	sdelay $0x1  }
0x11b: {  	v3 =	vadd.s32 v1, v3;
	_ =	sdelay $0x1  }
0x11c: {  	s20 =	simm.s32 $0x16A00  }
0x11d: {  	[tilespmem:s20], [sflag:$0x1] =	stream.indirect_vreg.gather [hbm4b:s5+s3], $0x80, v4, vm0, $0xb8;
	[tilespmem:$0x19200] =	vst v63  }
0x11e: {  	s21 =	simm.s32 $0x17200  }
0x11f: {  	[tilespmem:s21], [sflag:$0x1] =	stream.indirect_vreg.gather [hbm4b:s5+s3], $0x80, v3, vm0, $0xb8;
	[tilespmem:$0x19200] =	vst v63  }
0x120: {  	v3 =	vld [tilespmem:$0x1B0];
	_ =	sdelay $0x4  }
0x121: {  	v62 =	vshll.u32 v3, $0x1  }
0x122: {  	v3 =	vand.u32 $0x7, v3;
	v4 =	vand.u32 $0xFFFFFFF0, v62  }
0x123: {  	v3 =	vor.u32 v3, v4  }
0x124: {  	v4 =	vperm.xlane v3, v0;
	_ =	sdelay $0x1  }
0x125: {  	v3 =	vperm.xlane v3, v2;
	v4 =	vadd.s32 v1, v4;
	_ =	sdelay $0x1  }
0x126: {  	v3 =	vadd.s32 v1, v3;
	_ =	sdelay $0x1  }
0x127: {  	s22 =	simm.s32 $0x17A00  }
0x128: {  	[tilespmem:s22], [sflag:$0x1] =	stream.indirect_vreg.gather [hbm4b:s5+s3], $0x80, v4, vm0, $0xb8;
	[tilespmem:$0x19200] =	vst v63  }
0x129: {  	s24 =	simm.s32 $0x18200  }
0x12a: {  	[tilespmem:s24], [sflag:$0x1] =	stream.indirect_vreg.gather [hbm4b:s5+s3], $0x80, v3, vm0, $0xb8;
	[tilespmem:$0x19200] =	vst v63  }
0x12b: {  	v3 =	vld.msk [tilespmem:$0x1C0], $0xff;
	_ =	sdelay $0x4  }
0x12c: {  	v63 =	vshll.u32 v3, $0x1  }
0x12d: {  	v3 =	vand.u32 $0x7, v3;
	v4 =	vand.u32 $0xFFFFFFF0, v63  }
0x12e: {  	v3 =	vor.u32 v3, v4  }
0x12f: {  	v3 =	vperm.xlane v3, v0;
	_ =	sdelay $0x1  }
0x130: {  	v3 =	vadd.s32 v1, v3  }
0x131: {  	s28 =	simm.s32 $0x9A00  }
0x132: {  	s29 =	simm.s32 $0x2200;
	s0 =	simm.s32 $0x9200;
	s31 =	simm.s32 $0x3200  }
0x133: {  	s1 =	simm.s32 $0x7A00;
	s2 =	simm.s32 $0x18A00;
	s6 =	simm.s32 $0x8A00  }
0x134: {  	s7 =	simm.s32 $0x4A00;
	s8 =	simm.s32 $0x5200;
	s9 =	simm.s32 $0x5A00  }
0x135: {  	[tilespmem:s2], [sflag:$0x1] =	stream.indirect_vreg.gather [hbm4b:s5+s3], $0x80, v3, vm0, $0xb8;
	[tilespmem:$0x19200] =	vst v63  }
0x136: {  	s10 =	simm.s32 $0x6200;
	s11 =	simm.s32 $0x6A00;
	_ =	swait.ge [sflag:s14], $0xC800  }
0x137: {  	s12 =	simm.s32 $0x7200;
	[sflag:s14] =	ssyncset.done $0x0;
	s25 =	rddreg [dreg:$0x7]  }
0x138: {  	s16 =	simm.s32 $0x200;
	s26 =	rddreg [dreg:$0x8];
	[sflag:s14] =	ssyncadd.s32 $0xFFFF3800  }
0x139: {  	[hbm4b:s25+s3] =	stream.linear.scatter [tilespmem:s15], [sflag:$0x2], $0xC800, $0x38;
	[tilespmem:$0x19200] =	vst v63  }
0x13a: {  	s17 =	simm.s32 $0x8200;
	s20 =	simm.s32 $0x1900;
	s21 =	rddreg [dreg:$0xa]  }
0x13b: {  	[hbm4b:s26+s3] =	stream.linear.scatter [tilespmem:s30], [sflag:$0x3], $0xC800, $0x38;
	[tilespmem:$0x19200] =	vst v63  }
0x13c: {  	s25 =	simm.s32 $0xA200;
	s15 =	rddreg [dreg:$0xb];
	s26 =	simm.s32 $0x1200  }
.LBB2_2:
0x13d: {  	_ =	swait.ge [sflag:s18], $0xC800  }
0x13e: {  	s22 =	sshrl.u32 s21, $0x3;
	[sflag:s18] =	ssyncset.done $0x0  }
0x13f: {  	s24 =	smov.u32 s23;
	s23 =	sadd.s32 s23, s22;
	[sflag:s18] =	ssyncadd.s32 $0xFFFF3800  }
0x140: {  	[tilespmem:s3], [sflag:$0x4] =	stream.linear.gather [hbm4b:s23+s3], $0xC8, $0x38;
	[tilespmem:$0x19200] =	vst v63  }
0x141: {  	_ =	swait.ge [sflag:s13], $0xC8  }
0x142: {  	[sflag:s13] =	ssyncset.done $0x0  }
0x143: {  	[sflag:s13] =	ssyncadd.s32 $0xFFFFFF38  }
0x144: {  	v3 =	vld [tilespmem:$0x0];
	_ =	sdelay $0x4  }
0x145: {  	v4 =	vshll.u32 v3, $0x1  }
0x146: {  	v3 =	vand.u32 $0x7, v3;
	v4 =	vand.u32 $0xFFFFFFF0, v4  }
0x147: {  	v3 =	vor.u32 v3, v4  }
0x148: {  	v4 =	vperm.xlane v3, v0;
	_ =	sdelay $0x1  }
0x149: {  	v3 =	vperm.xlane v3, v2;
	v4 =	vadd.s32 v1, v4;
	_ =	sdelay $0x1  }
0x14a: {  	v3 =	vadd.s32 v1, v3;
	_ =	sdelay $0x2  }
0x14b: {  	[tilespmem:s16], [sflag:$0x1] =	stream.indirect_vreg.gather [hbm4b:s4+s3], $0x80, v4, vm0, $0xb8;
	[tilespmem:$0x19200] =	vst v63  }
0x14c: {  	s23 =	simm.s32 $0xA00  }
0x14d: {  	[tilespmem:s23], [sflag:$0x1] =	stream.indirect_vreg.gather [hbm4b:s4+s3], $0x80, v3, vm0, $0xb8;
	[tilespmem:$0x19200] =	vst v63  }
0x14e: {  	v3 =	vld [tilespmem:$0x10];
	_ =	sdelay $0x4  }
0x14f: {  	v39 =	vshll.u32 v3, $0x1  }
0x150: {  	v3 =	vand.u32 $0x7, v3;
	v4 =	vand.u32 $0xFFFFFFF0, v39  }
0x151: {  	v3 =	vor.u32 v3, v4  }
0x152: {  	v4 =	vperm.xlane v3, v0;
	_ =	sdelay $0x1  }
0x153: {  	v3 =	vperm.xlane v3, v2;
	v4 =	vadd.s32 v1, v4;
	_ =	sdelay $0x1  }
0x154: {  	v3 =	vadd.s32 v1, v3;
	_ =	sdelay $0x2  }
0x155: {  	[tilespmem:s26], [sflag:$0x1] =	stream.indirect_vreg.gather [hbm4b:s4+s3], $0x80, v4, vm0, $0xb8;
	[tilespmem:$0x19200] =	vst v63  }
0x156: {  	s23 =	simm.s32 $0x1A00  }
0x157: {  	[tilespmem:s23], [sflag:$0x1] =	stream.indirect_vreg.gather [hbm4b:s4+s3], $0x80, v3, vm0, $0xb8;
	[tilespmem:$0x19200] =	vst v63  }
0x158: {  	v3 =	vld [tilespmem:$0x20];
	_ =	sdelay $0x4  }
0x159: {  	v40 =	vshll.u32 v3, $0x1  }
0x15a: {  	v3 =	vand.u32 $0x7, v3;
	v4 =	vand.u32 $0xFFFFFFF0, v40  }
0x15b: {  	v3 =	vor.u32 v3, v4  }
0x15c: {  	v4 =	vperm.xlane v3, v0;
	_ =	sdelay $0x1  }
0x15d: {  	v3 =	vperm.xlane v3, v2;
	v4 =	vadd.s32 v1, v4;
	_ =	sdelay $0x1  }
0x15e: {  	v3 =	vadd.s32 v1, v3;
	_ =	sdelay $0x2  }
0x15f: {  	[tilespmem:s29], [sflag:$0x1] =	stream.indirect_vreg.gather [hbm4b:s4+s3], $0x80, v4, vm0, $0xb8;
	[tilespmem:$0x19200] =	vst v63  }
0x160: {  	s23 =	simm.s32 $0x2A00  }
0x161: {  	[tilespmem:s23], [sflag:$0x1] =	stream.indirect_vreg.gather [hbm4b:s4+s3], $0x80, v3, vm0, $0xb8;
	[tilespmem:$0x19200] =	vst v63  }
0x162: {  	v3 =	vld [tilespmem:$0x30];
	_ =	sdelay $0x4  }
0x163: {  	v41 =	vshll.u32 v3, $0x1  }
0x164: {  	v3 =	vand.u32 $0x7, v3;
	v4 =	vand.u32 $0xFFFFFFF0, v41  }
0x165: {  	v3 =	vor.u32 v3, v4  }
0x166: {  	v4 =	vperm.xlane v3, v0;
	_ =	sdelay $0x1  }
0x167: {  	v3 =	vperm.xlane v3, v2;
	v4 =	vadd.s32 v1, v4;
	_ =	sdelay $0x1  }
0x168: {  	v3 =	vadd.s32 v1, v3;
	_ =	sdelay $0x2  }
0x169: {  	[tilespmem:s31], [sflag:$0x1] =	stream.indirect_vreg.gather [hbm4b:s4+s3], $0x80, v4, vm0, $0xb8;
	[tilespmem:$0x19200] =	vst v63  }
0x16a: {  	s23 =	simm.s32 $0x3A00  }
0x16b: {  	[tilespmem:s23], [sflag:$0x1] =	stream.indirect_vreg.gather [hbm4b:s4+s3], $0x80, v3, vm0, $0xb8;
	[tilespmem:$0x19200] =	vst v63  }
0x16c: {  	v3 =	vld [tilespmem:$0x40];
	_ =	sdelay $0x4  }
0x16d: {  	v42 =	vshll.u32 v3, $0x1  }
0x16e: {  	v3 =	vand.u32 $0x7, v3;
	v4 =	vand.u32 $0xFFFFFFF0, v42  }
0x16f: {  	v3 =	vor.u32 v3, v4  }
0x170: {  	v4 =	vperm.xlane v3, v0;
	_ =	sdelay $0x1  }
0x171: {  	v3 =	vperm.xlane v3, v2;
	v4 =	vadd.s32 v1, v4;
	_ =	sdelay $0x1  }
0x172: {  	v3 =	vadd.s32 v1, v3;
	_ =	sdelay $0x1  }
0x173: {  	s23 =	simm.s32 $0x4200  }
0x174: {  	[tilespmem:s23], [sflag:$0x1] =	stream.indirect_vreg.gather [hbm4b:s4+s3], $0x80, v4, vm0, $0xb8;
	[tilespmem:$0x19200] =	vst v63  }
0x175: {  	_ = 	snop  }
0x176: {  	[tilespmem:s7], [sflag:$0x1] =	stream.indirect_vreg.gather [hbm4b:s4+s3], $0x80, v3, vm0, $0xb8;
	[tilespmem:$0x19200] =	vst v63  }
0x177: {  	v3 =	vld [tilespmem:$0x50];
	_ =	sdelay $0x4  }
0x178: {  	v43 =	vshll.u32 v3, $0x1  }
0x179: {  	v3 =	vand.u32 $0x7, v3;
	v4 =	vand.u32 $0xFFFFFFF0, v43  }
0x17a: {  	v3 =	vor.u32 v3, v4  }
0x17b: {  	v4 =	vperm.xlane v3, v0;
	_ =	sdelay $0x1  }
0x17c: {  	v3 =	vperm.xlane v3, v2;
	v4 =	vadd.s32 v1, v4;
	_ =	sdelay $0x1  }
0x17d: {  	v3 =	vadd.s32 v1, v3;
	_ =	sdelay $0x2  }
0x17e: {  	[tilespmem:s8], [sflag:$0x1] =	stream.indirect_vreg.gather [hbm4b:s4+s3], $0x80, v4, vm0, $0xb8;
	[tilespmem:$0x19200] =	vst v63  }
0x17f: {  	_ = 	snop  }
0x180: {  	[tilespmem:s9], [sflag:$0x1] =	stream.indirect_vreg.gather [hbm4b:s4+s3], $0x80, v3, vm0, $0xb8;
	[tilespmem:$0x19200] =	vst v63  }
0x181: {  	v3 =	vld [tilespmem:$0x60];
	_ =	sdelay $0x4  }
0x182: {  	v44 =	vshll.u32 v3, $0x1  }
0x183: {  	v3 =	vand.u32 $0x7, v3;
	v4 =	vand.u32 $0xFFFFFFF0, v44  }
0x184: {  	v3 =	vor.u32 v3, v4  }
0x185: {  	v4 =	vperm.xlane v3, v0;
	_ =	sdelay $0x1  }
0x186: {  	v3 =	vperm.xlane v3, v2;
	v4 =	vadd.s32 v1, v4;
	_ =	sdelay $0x1  }
0x187: {  	v3 =	vadd.s32 v1, v3;
	_ =	sdelay $0x2  }
0x188: {  	[tilespmem:s10], [sflag:$0x1] =	stream.indirect_vreg.gather [hbm4b:s4+s3], $0x80, v4, vm0, $0xb8;
	[tilespmem:$0x19200] =	vst v63  }
0x189: {  	_ = 	snop  }
0x18a: {  	[tilespmem:s11], [sflag:$0x1] =	stream.indirect_vreg.gather [hbm4b:s4+s3], $0x80, v3, vm0, $0xb8;
	[tilespmem:$0x19200] =	vst v63  }
0x18b: {  	v3 =	vld [tilespmem:$0x70];
	_ =	sdelay $0x4  }
0x18c: {  	v45 =	vshll.u32 v3, $0x1  }
0x18d: {  	v3 =	vand.u32 $0x7, v3;
	v4 =	vand.u32 $0xFFFFFFF0, v45  }
0x18e: {  	v3 =	vor.u32 v3, v4  }
0x18f: {  	v4 =	vperm.xlane v3, v0;
	_ =	sdelay $0x1  }
0x190: {  	v3 =	vperm.xlane v3, v2;
	v4 =	vadd.s32 v1, v4;
	_ =	sdelay $0x1  }
0x191: {  	v3 =	vadd.s32 v1, v3;
	_ =	sdelay $0x2  }
0x192: {  	[tilespmem:s12], [sflag:$0x1] =	stream.indirect_vreg.gather [hbm4b:s4+s3], $0x80, v4, vm0, $0xb8;
	[tilespmem:$0x19200] =	vst v63  }
0x193: {  	_ = 	snop  }
0x194: {  	[tilespmem:s1], [sflag:$0x1] =	stream.indirect_vreg.gather [hbm4b:s4+s3], $0x80, v3, vm0, $0xb8;
	[tilespmem:$0x19200] =	vst v63  }
0x195: {  	v3 =	vld [tilespmem:$0x80];
	_ =	sdelay $0x4  }
0x196: {  	v46 =	vshll.u32 v3, $0x1  }
0x197: {  	v3 =	vand.u32 $0x7, v3;
	v4 =	vand.u32 $0xFFFFFFF0, v46  }
0x198: {  	v3 =	vor.u32 v3, v4  }
0x199: {  	v4 =	vperm.xlane v3, v0;
	_ =	sdelay $0x1  }
0x19a: {  	v3 =	vperm.xlane v3, v2;
	v4 =	vadd.s32 v1, v4;
	_ =	sdelay $0x1  }
0x19b: {  	v3 =	vadd.s32 v1, v3;
	_ =	sdelay $0x2  }
0x19c: {  	[tilespmem:s17], [sflag:$0x1] =	stream.indirect_vreg.gather [hbm4b:s4+s3], $0x80, v4, vm0, $0xb8;
	[tilespmem:$0x19200] =	vst v63  }
0x19d: {  	_ = 	snop  }
0x19e: {  	[tilespmem:s6], [sflag:$0x1] =	stream.indirect_vreg.gather [hbm4b:s4+s3], $0x80, v3, vm0, $0xb8;
	[tilespmem:$0x19200] =	vst v63  }
0x19f: {  	v3 =	vld [tilespmem:$0x90];
	_ =	sdelay $0x4  }
0x1a0: {  	v47 =	vshll.u32 v3, $0x1  }
0x1a1: {  	v3 =	vand.u32 $0x7, v3;
	v4 =	vand.u32 $0xFFFFFFF0, v47  }
0x1a2: {  	v3 =	vor.u32 v3, v4  }
0x1a3: {  	v4 =	vperm.xlane v3, v0;
	_ =	sdelay $0x1  }
0x1a4: {  	v3 =	vperm.xlane v3, v2;
	v4 =	vadd.s32 v1, v4;
	_ =	sdelay $0x1  }
0x1a5: {  	v3 =	vadd.s32 v1, v3;
	_ =	sdelay $0x2  }
0x1a6: {  	[tilespmem:s0], [sflag:$0x1] =	stream.indirect_vreg.gather [hbm4b:s4+s3], $0x80, v4, vm0, $0xb8;
	[tilespmem:$0x19200] =	vst v63  }
0x1a7: {  	_ = 	snop  }
0x1a8: {  	[tilespmem:s28], [sflag:$0x1] =	stream.indirect_vreg.gather [hbm4b:s4+s3], $0x80, v3, vm0, $0xb8;
	[tilespmem:$0x19200] =	vst v63  }
0x1a9: {  	v3 =	vld [tilespmem:$0xA0];
	_ =	sdelay $0x4  }
0x1aa: {  	v48 =	vshll.u32 v3, $0x1  }
0x1ab: {  	v3 =	vand.u32 $0x7, v3;
	v4 =	vand.u32 $0xFFFFFFF0, v48  }
0x1ac: {  	v3 =	vor.u32 v3, v4  }
0x1ad: {  	v4 =	vperm.xlane v3, v0;
	_ =	sdelay $0x1  }
0x1ae: {  	v3 =	vperm.xlane v3, v2;
	v4 =	vadd.s32 v1, v4;
	_ =	sdelay $0x1  }
0x1af: {  	v3 =	vadd.s32 v1, v3;
	_ =	sdelay $0x2  }
0x1b0: {  	[tilespmem:s25], [sflag:$0x1] =	stream.indirect_vreg.gather [hbm4b:s4+s3], $0x80, v4, vm0, $0xb8;
	[tilespmem:$0x19200] =	vst v63  }
0x1b1: {  	s23 =	simm.s32 $0xAA00  }
0x1b2: {  	[tilespmem:s23], [sflag:$0x1] =	stream.indirect_vreg.gather [hbm4b:s4+s3], $0x80, v3, vm0, $0xb8;
	[tilespmem:$0x19200] =	vst v63  }
0x1b3: {  	v3 =	vld [tilespmem:$0xB0];
	_ =	sdelay $0x4  }
0x1b4: {  	v49 =	vshll.u32 v3, $0x1  }
0x1b5: {  	v3 =	vand.u32 $0x7, v3;
	v4 =	vand.u32 $0xFFFFFFF0, v49  }
0x1b6: {  	v3 =	vor.u32 v3, v4  }
0x1b7: {  	v4 =	vperm.xlane v3, v0;
	_ =	sdelay $0x1  }
0x1b8: {  	v3 =	vperm.xlane v3, v2;
	v4 =	vadd.s32 v1, v4;
	_ =	sdelay $0x1  }
0x1b9: {  	v3 =	vadd.s32 v1, v3;
	_ =	sdelay $0x1  }
0x1ba: {  	s23 =	simm.s32 $0xB200  }
0x1bb: {  	[tilespmem:s23], [sflag:$0x1] =	stream.indirect_vreg.gather [hbm4b:s4+s3], $0x80, v4, vm0, $0xb8;
	[tilespmem:$0x19200] =	vst v63  }
0x1bc: {  	s23 =	simm.s32 $0xBA00  }
0x1bd: {  	[tilespmem:s23], [sflag:$0x1] =	stream.indirect_vreg.gather [hbm4b:s4+s3], $0x80, v3, vm0, $0xb8;
	[tilespmem:$0x19200] =	vst v63  }
0x1be: {  	v3 =	vld.msk [tilespmem:$0xC0], $0xff;
	_ =	sdelay $0x4  }
0x1bf: {  	v50 =	vshll.u32 v3, $0x1  }
0x1c0: {  	v3 =	vand.u32 $0x7, v3;
	v4 =	vand.u32 $0xFFFFFFF0, v50  }
0x1c1: {  	v3 =	vor.u32 v3, v4  }
0x1c2: {  	v3 =	vperm.xlane v3, v0;
	_ =	sdelay $0x1  }
0x1c3: {  	v3 =	vadd.s32 v1, v3;
	_ =	sdelay $0x3  }
0x1c4: {  	s23 =	simm.s32 $0xC200  }
0x1c5: {  	[tilespmem:s23], [sflag:$0x1] =	stream.indirect_vreg.gather [hbm4b:s4+s3], $0x80, v3, vm0, $0xb8;
	[tilespmem:$0x19200] =	vst v63  }
0x1c6: {  	_ =	swait.ge [sflag:s14], $0xC800  }
0x1c7: {  	s23 =	rddreg [dreg:$0x3];
	[sflag:s14] =	ssyncset.done $0x0  }
0x1c8: {  	[sflag:s14] =	ssyncadd.s32 $0xFFFF3800;
	s23 =	sadd.s32 s20, s23  }
0x1c9: {  	[hbm4b:s23+s3] =	stream.linear.scatter [tilespmem:s16], [sflag:$0x2], $0xC800, $0x38;
	[tilespmem:$0x19200] =	vst v63  }
0x1ca: {  	_ =	swait.ge [sflag:s19], $0xC800  }
0x1cb: {  	s22 =	sadd.s32 s15, s22;
	[sflag:s19] =	ssyncset.done $0x0  }
0x1cc: {  	s23 =	smov.u32 s24;
	s24 =	simm.s32 $0x100;
	[sflag:s19] =	ssyncadd.s32 $0xFFFF3800  }
0x1cd: {  	[tilespmem:s24], [sflag:$0x4] =	stream.linear.gather [hbm4b:s22+s3], $0xC8, $0x38;
	[tilespmem:$0x19200] =	vst v63  }
0x1ce: {  	_ =	swait.ge [sflag:s13], $0xC8  }
0x1cf: {  	[sflag:s13] =	ssyncset.done $0x0  }
0x1d0: {  	[sflag:s13] =	ssyncadd.s32 $0xFFFFFF38  }
0x1d1: {  	v3 =	vld [tilespmem:$0x100];
	_ =	sdelay $0x4  }
0x1d2: {  	v51 =	vshll.u32 v3, $0x1  }
0x1d3: {  	v3 =	vand.u32 $0x7, v3;
	v4 =	vand.u32 $0xFFFFFFF0, v51  }
0x1d4: {  	v3 =	vor.u32 v3, v4  }
0x1d5: {  	v4 =	vperm.xlane v3, v0;
	_ =	sdelay $0x1  }
0x1d6: {  	v3 =	vperm.xlane v3, v2;
	v4 =	vadd.s32 v1, v4;
	_ =	sdelay $0x1  }
0x1d7: {  	v3 =	vadd.s32 v1, v3;
	_ =	sdelay $0x2  }
0x1d8: {  	[tilespmem:s30], [sflag:$0x1] =	stream.indirect_vreg.gather [hbm4b:s5+s3], $0x80, v4, vm0, $0xb8;
	[tilespmem:$0x19200] =	vst v63  }
0x1d9: {  	s22 =	simm.s32 $0xD200  }
0x1da: {  	[tilespmem:s22], [sflag:$0x1] =	stream.indirect_vreg.gather [hbm4b:s5+s3], $0x80, v3, vm0, $0xb8;
	[tilespmem:$0x19200] =	vst v63  }
0x1db: {  	v3 =	vld [tilespmem:$0x110];
	_ =	sdelay $0x4  }
0x1dc: {  	v52 =	vshll.u32 v3, $0x1  }
0x1dd: {  	v3 =	vand.u32 $0x7, v3;
	v4 =	vand.u32 $0xFFFFFFF0, v52  }
0x1de: {  	v3 =	vor.u32 v3, v4  }
0x1df: {  	v4 =	vperm.xlane v3, v0;
	_ =	sdelay $0x1  }
0x1e0: {  	v3 =	vperm.xlane v3, v2;
	v4 =	vadd.s32 v1, v4;
	_ =	sdelay $0x1  }
0x1e1: {  	v3 =	vadd.s32 v1, v3;
	_ =	sdelay $0x1  }
0x1e2: {  	s22 =	simm.s32 $0xDA00  }
0x1e3: {  	[tilespmem:s22], [sflag:$0x1] =	stream.indirect_vreg.gather [hbm4b:s5+s3], $0x80, v4, vm0, $0xb8;
	[tilespmem:$0x19200] =	vst v63  }
0x1e4: {  	s22 =	simm.s32 $0xE200  }
0x1e5: {  	[tilespmem:s22], [sflag:$0x1] =	stream.indirect_vreg.gather [hbm4b:s5+s3], $0x80, v3, vm0, $0xb8;
	[tilespmem:$0x19200] =	vst v63  }
0x1e6: {  	v3 =	vld [tilespmem:$0x120];
	_ =	sdelay $0x4  }
0x1e7: {  	v53 =	vshll.u32 v3, $0x1  }
0x1e8: {  	v3 =	vand.u32 $0x7, v3;
	v4 =	vand.u32 $0xFFFFFFF0, v53  }
0x1e9: {  	v3 =	vor.u32 v3, v4  }
0x1ea: {  	v4 =	vperm.xlane v3, v0;
	_ =	sdelay $0x1  }
0x1eb: {  	v3 =	vperm.xlane v3, v2;
	v4 =	vadd.s32 v1, v4;
	_ =	sdelay $0x1  }
0x1ec: {  	v3 =	vadd.s32 v1, v3;
	_ =	sdelay $0x1  }
0x1ed: {  	s22 =	simm.s32 $0xEA00  }
0x1ee: {  	[tilespmem:s22], [sflag:$0x1] =	stream.indirect_vreg.gather [hbm4b:s5+s3], $0x80, v4, vm0, $0xb8;
	[tilespmem:$0x19200] =	vst v63  }
0x1ef: {  	s22 =	simm.s32 $0xF200  }
0x1f0: {  	[tilespmem:s22], [sflag:$0x1] =	stream.indirect_vreg.gather [hbm4b:s5+s3], $0x80, v3, vm0, $0xb8;
	[tilespmem:$0x19200] =	vst v63  }
0x1f1: {  	v3 =	vld [tilespmem:$0x130];
	_ =	sdelay $0x4  }
0x1f2: {  	v54 =	vshll.u32 v3, $0x1  }
0x1f3: {  	v3 =	vand.u32 $0x7, v3;
	v4 =	vand.u32 $0xFFFFFFF0, v54  }
0x1f4: {  	v3 =	vor.u32 v3, v4  }
0x1f5: {  	v4 =	vperm.xlane v3, v0;
	_ =	sdelay $0x1  }
0x1f6: {  	v3 =	vperm.xlane v3, v2;
	v4 =	vadd.s32 v1, v4;
	_ =	sdelay $0x1  }
0x1f7: {  	v3 =	vadd.s32 v1, v3;
	_ =	sdelay $0x1  }
0x1f8: {  	s22 =	simm.s32 $0xFA00  }
0x1f9: {  	[tilespmem:s22], [sflag:$0x1] =	stream.indirect_vreg.gather [hbm4b:s5+s3], $0x80, v4, vm0, $0xb8;
	[tilespmem:$0x19200] =	vst v63  }
0x1fa: {  	s22 =	simm.s32 $0x10200  }
0x1fb: {  	[tilespmem:s22], [sflag:$0x1] =	stream.indirect_vreg.gather [hbm4b:s5+s3], $0x80, v3, vm0, $0xb8;
	[tilespmem:$0x19200] =	vst v63  }
0x1fc: {  	v3 =	vld [tilespmem:$0x140];
	_ =	sdelay $0x4  }
0x1fd: {  	v55 =	vshll.u32 v3, $0x1  }
0x1fe: {  	v3 =	vand.u32 $0x7, v3;
	v4 =	vand.u32 $0xFFFFFFF0, v55  }
0x1ff: {  	v3 =	vor.u32 v3, v4  }
0x200: {  	v4 =	vperm.xlane v3, v0;
	_ =	sdelay $0x1  }
0x201: {  	v3 =	vperm.xlane v3, v2;
	v4 =	vadd.s32 v1, v4;
	_ =	sdelay $0x1  }
0x202: {  	v3 =	vadd.s32 v1, v3;
	_ =	sdelay $0x1  }
0x203: {  	s22 =	simm.s32 $0x10A00  }
0x204: {  	[tilespmem:s22], [sflag:$0x1] =	stream.indirect_vreg.gather [hbm4b:s5+s3], $0x80, v4, vm0, $0xb8;
	[tilespmem:$0x19200] =	vst v63  }
0x205: {  	s22 =	simm.s32 $0x11200  }
0x206: {  	[tilespmem:s22], [sflag:$0x1] =	stream.indirect_vreg.gather [hbm4b:s5+s3], $0x80, v3, vm0, $0xb8;
	[tilespmem:$0x19200] =	vst v63  }
0x207: {  	v3 =	vld [tilespmem:$0x150];
	_ =	sdelay $0x4  }
0x208: {  	v56 =	vshll.u32 v3, $0x1  }
0x209: {  	v3 =	vand.u32 $0x7, v3;
	v4 =	vand.u32 $0xFFFFFFF0, v56  }
0x20a: {  	v3 =	vor.u32 v3, v4  }
0x20b: {  	v4 =	vperm.xlane v3, v0;
	_ =	sdelay $0x1  }
0x20c: {  	v3 =	vperm.xlane v3, v2;
	v4 =	vadd.s32 v1, v4;
	_ =	sdelay $0x1  }
0x20d: {  	v3 =	vadd.s32 v1, v3;
	_ =	sdelay $0x1  }
0x20e: {  	s22 =	simm.s32 $0x11A00  }
0x20f: {  	[tilespmem:s22], [sflag:$0x1] =	stream.indirect_vreg.gather [hbm4b:s5+s3], $0x80, v4, vm0, $0xb8;
	[tilespmem:$0x19200] =	vst v63  }
0x210: {  	s22 =	simm.s32 $0x12200  }
0x211: {  	[tilespmem:s22], [sflag:$0x1] =	stream.indirect_vreg.gather [hbm4b:s5+s3], $0x80, v3, vm0, $0xb8;
	[tilespmem:$0x19200] =	vst v63  }
0x212: {  	v3 =	vld [tilespmem:$0x160];
	_ =	sdelay $0x4  }
0x213: {  	v57 =	vshll.u32 v3, $0x1  }
0x214: {  	v3 =	vand.u32 $0x7, v3;
	v4 =	vand.u32 $0xFFFFFFF0, v57  }
0x215: {  	v3 =	vor.u32 v3, v4  }
0x216: {  	v4 =	vperm.xlane v3, v0;
	_ =	sdelay $0x1  }
0x217: {  	v3 =	vperm.xlane v3, v2;
	v4 =	vadd.s32 v1, v4;
	_ =	sdelay $0x1  }
0x218: {  	v3 =	vadd.s32 v1, v3;
	_ =	sdelay $0x1  }
0x219: {  	s22 =	simm.s32 $0x12A00  }
0x21a: {  	[tilespmem:s22], [sflag:$0x1] =	stream.indirect_vreg.gather [hbm4b:s5+s3], $0x80, v4, vm0, $0xb8;
	[tilespmem:$0x19200] =	vst v63  }
0x21b: {  	s22 =	simm.s32 $0x13200  }
0x21c: {  	[tilespmem:s22], [sflag:$0x1] =	stream.indirect_vreg.gather [hbm4b:s5+s3], $0x80, v3, vm0, $0xb8;
	[tilespmem:$0x19200] =	vst v63  }
0x21d: {  	v3 =	vld [tilespmem:$0x170];
	_ =	sdelay $0x4  }
0x21e: {  	v58 =	vshll.u32 v3, $0x1  }
0x21f: {  	v3 =	vand.u32 $0x7, v3;
	v4 =	vand.u32 $0xFFFFFFF0, v58  }
0x220: {  	v3 =	vor.u32 v3, v4  }
0x221: {  	v4 =	vperm.xlane v3, v0;
	_ =	sdelay $0x1  }
0x222: {  	v3 =	vperm.xlane v3, v2;
	v4 =	vadd.s32 v1, v4;
	_ =	sdelay $0x1  }
0x223: {  	v3 =	vadd.s32 v1, v3;
	_ =	sdelay $0x1  }
0x224: {  	s22 =	simm.s32 $0x13A00  }
0x225: {  	[tilespmem:s22], [sflag:$0x1] =	stream.indirect_vreg.gather [hbm4b:s5+s3], $0x80, v4, vm0, $0xb8;
	[tilespmem:$0x19200] =	vst v63  }
0x226: {  	s22 =	simm.s32 $0x14200  }
0x227: {  	[tilespmem:s22], [sflag:$0x1] =	stream.indirect_vreg.gather [hbm4b:s5+s3], $0x80, v3, vm0, $0xb8;
	[tilespmem:$0x19200] =	vst v63  }
0x228: {  	v3 =	vld [tilespmem:$0x180];
	_ =	sdelay $0x4  }
0x229: {  	v59 =	vshll.u32 v3, $0x1  }
0x22a: {  	v3 =	vand.u32 $0x7, v3;
	v4 =	vand.u32 $0xFFFFFFF0, v59  }
0x22b: {  	v3 =	vor.u32 v3, v4  }
0x22c: {  	v4 =	vperm.xlane v3, v0;
	_ =	sdelay $0x1  }
0x22d: {  	v3 =	vperm.xlane v3, v2;
	v4 =	vadd.s32 v1, v4;
	_ =	sdelay $0x1  }
0x22e: {  	v3 =	vadd.s32 v1, v3;
	_ =	sdelay $0x1  }
0x22f: {  	s22 =	simm.s32 $0x14A00  }
0x230: {  	[tilespmem:s22], [sflag:$0x1] =	stream.indirect_vreg.gather [hbm4b:s5+s3], $0x80, v4, vm0, $0xb8;
	[tilespmem:$0x19200] =	vst v63  }
0x231: {  	s22 =	simm.s32 $0x15200  }
0x232: {  	[tilespmem:s22], [sflag:$0x1] =	stream.indirect_vreg.gather [hbm4b:s5+s3], $0x80, v3, vm0, $0xb8;
	[tilespmem:$0x19200] =	vst v63  }
0x233: {  	v3 =	vld [tilespmem:$0x190];
	_ =	sdelay $0x4  }
0x234: {  	v60 =	vshll.u32 v3, $0x1  }
0x235: {  	v3 =	vand.u32 $0x7, v3;
	v4 =	vand.u32 $0xFFFFFFF0, v60  }
0x236: {  	v3 =	vor.u32 v3, v4  }
0x237: {  	v4 =	vperm.xlane v3, v0;
	_ =	sdelay $0x1  }
0x238: {  	v3 =	vperm.xlane v3, v2;
	v4 =	vadd.s32 v1, v4;
	_ =	sdelay $0x1  }
0x239: {  	v3 =	vadd.s32 v1, v3;
	_ =	sdelay $0x1  }
0x23a: {  	s22 =	simm.s32 $0x15A00  }
0x23b: {  	[tilespmem:s22], [sflag:$0x1] =	stream.indirect_vreg.gather [hbm4b:s5+s3], $0x80, v4, vm0, $0xb8;
	[tilespmem:$0x19200] =	vst v63  }
0x23c: {  	s22 =	simm.s32 $0x16200  }
0x23d: {  	[tilespmem:s22], [sflag:$0x1] =	stream.indirect_vreg.gather [hbm4b:s5+s3], $0x80, v3, vm0, $0xb8;
	[tilespmem:$0x19200] =	vst v63  }
0x23e: {  	v3 =	vld [tilespmem:$0x1A0];
	_ =	sdelay $0x4  }
0x23f: {  	v61 =	vshll.u32 v3, $0x1  }
0x240: {  	v3 =	vand.u32 $0x7, v3;
	v4 =	vand.u32 $0xFFFFFFF0, v61  }
0x241: {  	v3 =	vor.u32 v3, v4  }
0x242: {  	v4 =	vperm.xlane v3, v0;
	_ =	sdelay $0x1  }
0x243: {  	v3 =	vperm.xlane v3, v2;
	v4 =	vadd.s32 v1, v4;
	_ =	sdelay $0x1  }
0x244: {  	v3 =	vadd.s32 v1, v3;
	_ =	sdelay $0x1  }
0x245: {  	s22 =	simm.s32 $0x16A00  }
0x246: {  	[tilespmem:s22], [sflag:$0x1] =	stream.indirect_vreg.gather [hbm4b:s5+s3], $0x80, v4, vm0, $0xb8;
	[tilespmem:$0x19200] =	vst v63  }
0x247: {  	s22 =	simm.s32 $0x17200  }
0x248: {  	[tilespmem:s22], [sflag:$0x1] =	stream.indirect_vreg.gather [hbm4b:s5+s3], $0x80, v3, vm0, $0xb8;
	[tilespmem:$0x19200] =	vst v63  }
0x249: {  	v3 =	vld [tilespmem:$0x1B0];
	_ =	sdelay $0x4  }
0x24a: {  	v62 =	vshll.u32 v3, $0x1  }
0x24b: {  	v3 =	vand.u32 $0x7, v3;
	v4 =	vand.u32 $0xFFFFFFF0, v62  }
0x24c: {  	v3 =	vor.u32 v3, v4  }
0x24d: {  	v4 =	vperm.xlane v3, v0;
	_ =	sdelay $0x1  }
0x24e: {  	v3 =	vperm.xlane v3, v2;
	v4 =	vadd.s32 v1, v4;
	_ =	sdelay $0x1  }
0x24f: {  	v3 =	vadd.s32 v1, v3;
	_ =	sdelay $0x1  }
0x250: {  	s22 =	simm.s32 $0x17A00  }
0x251: {  	[tilespmem:s22], [sflag:$0x1] =	stream.indirect_vreg.gather [hbm4b:s5+s3], $0x80, v4, vm0, $0xb8;
	[tilespmem:$0x19200] =	vst v63  }
0x252: {  	s22 =	simm.s32 $0x18200  }
0x253: {  	[tilespmem:s22], [sflag:$0x1] =	stream.indirect_vreg.gather [hbm4b:s5+s3], $0x80, v3, vm0, $0xb8;
	[tilespmem:$0x19200] =	vst v63  }
0x254: {  	v3 =	vld.msk [tilespmem:$0x1C0], $0xff;
	_ =	sdelay $0x4  }
0x255: {  	v63 =	vshll.u32 v3, $0x1  }
0x256: {  	v3 =	vand.u32 $0x7, v3;
	v4 =	vand.u32 $0xFFFFFFF0, v63  }
0x257: {  	v3 =	vor.u32 v3, v4  }
0x258: {  	v3 =	vperm.xlane v3, v0;
	_ =	sdelay $0x1  }
0x259: {  	v3 =	vadd.s32 v1, v3;
	_ =	sdelay $0x3  }
0x25a: {  	p0 =	sne.s32 s20, $0x25800  }
0x25b: {  	[tilespmem:s2], [sflag:$0x1] =	stream.indirect_vreg.gather [hbm4b:s5+s3], $0x80, v3, vm0, $0xb8;
	[tilespmem:$0x19200] =	vst v63  }
.Ltmp0:
0x25c: {  	_ = 	snop;
	(pc) =	sbr.rel @p0 .LBB2_2-.Ltmp0, $4  }
0x25d: {  	_ =	swait.ge [sflag:s14], $0xC800  }
0x25e: {  	s21 =	sadd.s32 $0xC8, s21;
	s22 =	rddreg [dreg:$0x4];
	[sflag:s14] =	ssyncset.done $0x0  }
0x25f: {  	[sflag:s14] =	ssyncadd.s32 $0xFFFF3800;
	s22 =	sadd.s32 s20, s22;
	s20 =	sadd.s32 $0x1900, s20  }
0x260: {  	[hbm4b:s22+s3] =	stream.linear.scatter [tilespmem:s30], [sflag:$0x3], $0xC800, $0x38;
	[tilespmem:$0x19200] =	vst v63  }
0x261: {  	_ =	swait.ge [sflag:s18], $0xC800  }
0x262: {  	s21 =	simm.s32 $0xA00;
	[sflag:s18] =	ssyncset.done $0x0  }
0x263: {  	s22 =	simm.s32 $0x1200;
	s25 =	simm.s32 $0x1A00;
	[sflag:s18] =	ssyncadd.s32 $0xFFFF3800  }
0x264: {  	s26 =	simm.s32 $0x2200;
	s28 =	simm.s32 $0x2A00;
	_ =	swait.ge [sflag:s19], $0xC800  }
0x265: {  	s29 =	simm.s32 $0x3200;
	s2 =	simm.s32 $0x4200;
	s0 =	rddreg [dreg:$0xc]  }
0x266: {  	s7 =	simm.s32 $0x4A00;
	s20 =	rddreg [dreg:$0x9];
	s0 =	sadd.s32 $0x1, s0  }
0x267: {  	s8 =	simm.s32 $0x5200;
	s9 =	simm.s32 $0x5A00;
	p0 =	sne.s32 s0, s20  }
.Ltmp1:
0x268: {  	s10 =	simm.s32 $0x6200;
	s11 =	simm.s32 $0x6A00;
	(pc) =	sbr.rel @p0 .LBB2_1-.Ltmp1, $4  }
0x269: {  	s12 =	simm.s32 $0x7200;
	s1 =	simm.s32 $0x7A00;
	s17 =	simm.s32 $0x8200  }
0x26a: {  	s6 =	simm.s32 $0x8A00;
	s15 =	simm.s32 $0x200;
	s16 =	simm.s32 $0x9200  }
0x26b: {  	s30 =	simm.s32 $0x9A00;
	s31 =	simm.s32 $0xA200;
	[sflag:s19] =	ssyncset.done $0x0  }
0x26c: {  	[sflag:s19] =	ssyncadd.s32 $0xFFFF3800;
	[dreg:$0xc] =	wrdreg s0;
	s0 =	simm.s32 $0x3A00  }
0x26d: {  	_ =	sfence.sel $0x180000  }
0x26e: {  	[bflag:$0x0] =	sbarrier.arrive $0xFFFF  }
0x26f: {  	_ =	strace $0x90000047  }
0x270: {  	s0 =	stileid.u32;
	[bflag:$0x2] =	sbarrier.arrive $0xFFFF  }
0x271: {  	p0 =	sne.s32 s0, $0x0;
	s0 =	rddreg [dreg:$0x2]  }
0x272: {  	s0 =	sadd.s32 @!p0 $0x100000, s0  }
0x273: {  	[sflag:s0] =	ssyncadd.tile.s32 @!p0 $0x1;
	_ =	shalt  }
.Lfunc_end2:
_tile_overlayer_lowered:
.L_overlay_start_2:
0x274: {  	(tag) =	ssettag $0x2  }
0x275: {  	s0 =	rddreg [dreg:$0x0];
	s2 =	stileid.u32  }
0x276: {  	s1 =	rddreg [dreg:$0x1];
	p0 =	sne.s32 s2, $0x0  }
0x277: {  	s3 =	rddreg [dreg:$0x2];
	[bflag:$0x3] =	sbarrier.arrive $0xFFFF;
	s2 =	simm.s32 @!p0 $0x1C04  }
0x278: {  	[timem:s3], [sflag:s2] =	dma.local @!p0 [hbm:s0], s1  }
0x279: {  	s0 =	simm.s32 @!p0 $0x4  }
0x27a: {  	_ =	swait.ge @!p0 [sflag:s0], s1  }
0x27b: {  	s1 =	ssub.s32 @!p0 $0x0, s1;
	[sflag:s0] =	ssyncset.done @!p0 $0x0  }
0x27c: {  	[sflag:s0] =	ssyncadd.s32 @!p0 s1  }
0x27d: {  	[bflag:$0x3] =	sbarrier.arrive $0xFFFF  }
0x27e: {  	_ =	shalt  }

</sc_bundles>
